<compile_context>
chip_gen: v7x
topology: tpu7x:2x2x1
jax: 0.10.2.dev20260603
libtpu: 0.0.44.dev20260713+nightly
codegen_flags: <defaults>
</compile_context>

<pallas_src>
import functools

import jax
import jax.numpy as jnp
from jax import lax
from jax.experimental import pallas as pl
from jax.experimental.pallas import tpu as pltpu
from jax.experimental.pallas import tpu_sc as plsc

NC = 2
NS = 16
NW = NC * NS
K = 128
NB = 4


def _mesh():
  return plsc.VectorSubcoreMesh(
      core_axis_name="c", subcore_axis_name="s",
      num_cores=NC, num_subcores=NS)


def _make_deg_kernel(e_pad, n_acc):
  epw = e_pad // NW
  chunks = epw // K
  rpt = n_acc // NS

  @functools.partial(
      pl.kernel,
      out_type=jax.ShapeDtypeStruct((NC, n_acc), jnp.float32),
      mesh=_mesh(),
      scratch_types=[
          pltpu.VMEM_SHARED((n_acc,), jnp.float32),
          pltpu.VMEM((K,), jnp.float32),
          pltpu.VMEM((K,), jnp.float32),
          [pltpu.VMEM((K,), jnp.int32) for _ in range(2 * NB)],
          [pltpu.SemaphoreType.DMA for _ in range(2 * NB)],
          [pltpu.SemaphoreType.DMA for _ in range(NB)],
      ],
  )
  def deg_kernel(dst_h, deg_out, deg_sh, zrow, ones, didx, isems, sems):
    c = lax.axis_index("c")
    s = lax.axis_index("s")
    for j in range(K // 16):
      zrow[pl.ds(j * 16, 16)] = jnp.zeros((16,), jnp.float32)
      ones[pl.ds(j * 16, 16)] = jnp.ones((16,), jnp.float32)
    ebase = (c * NS + s) * epw
    for m in range(NB):
      pltpu.async_copy(dst_h.at[pl.ds(ebase + m * K, K)], didx[m],
                       isems[m])
    def zloop(r, carry):
      pltpu.sync_copy(zrow, deg_sh.at[pl.ds(s * rpt + r * K, K)])
      return carry
    lax.fori_loop(0, rpt // K, zloop, 0)
    plsc.subcore_barrier()
    def eloop(j, carry):
      for mm in range(2 * NB):
        k = 2 * NB * j + mm
        mi = mm
        ms = mm % NB
        mi4 = (mm + NB) % (2 * NB)
        @pl.when(k >= NB)
        def _drain():
          pltpu.make_async_copy(ones, deg_sh.at[didx[(mm - NB) % (2 * NB)]],
                                sems[ms]).wait()
        @pl.when(k + NB < chunks)
        def _refill():
          pltpu.async_copy(dst_h.at[pl.ds(ebase + (k + NB) * K, K)],
                           didx[mi4], isems[mi4])
        pltpu.make_async_copy(dst_h.at[pl.ds(ebase + k * K, K)], didx[mi],
                              isems[mi]).wait()
        pltpu.async_copy(ones, deg_sh.at[didx[mi]], sems[ms], add=True)
      return carry
    lax.fori_loop(0, chunks // (2 * NB), eloop, 0)
    for mm in range(NB):
      m_last = (chunks - NB + mm) % (2 * NB)
      pltpu.make_async_copy(ones, deg_sh.at[didx[m_last]],
                            sems[m_last % NB]).wait()
    plsc.subcore_barrier()
    pltpu.sync_copy(deg_sh.at[pl.ds(s * rpt, rpt)],
                    deg_out.at[c, pl.ds(s * rpt, rpt)])

  return deg_kernel


def _make_agg_kernel(e_pad, n_acc, ch):
  epw = e_pad // NW
  chunks = epw // K
  rpt = n_acc // NS

  @functools.partial(
      pl.kernel,
      out_type=jax.ShapeDtypeStruct((NC, n_acc, ch), jnp.float32),
      mesh=_mesh(),
      scratch_types=[
          pltpu.VMEM_SHARED((n_acc, ch), jnp.float32),
          pltpu.VMEM((16, ch), jnp.float32),
          [pltpu.VMEM((K,), jnp.int32) for _ in range(2 * NB)],
          [pltpu.VMEM((K,), jnp.int32) for _ in range(2 * NB)],
          [pltpu.VMEM((K, ch), jnp.float32) for _ in range(2)],
          [pltpu.SemaphoreType.DMA for _ in range(2 * NB)],
          [pltpu.SemaphoreType.DMA for _ in range(2 * NB)],
          [pltpu.SemaphoreType.DMA for _ in range(2)],
          [pltpu.SemaphoreType.DMA for _ in range(2)],
          pltpu.SemaphoreType.DMA,
      ],
  )
  def agg_kernel(src_h, dst_h, xs_h, acc_out, acc_sh, zbuf,
                 sidx, didx, rows, isems_s, isems_d, gsems, ssems, zsem):
    c = lax.axis_index("c")
    s = lax.axis_index("s")
    for i in range(16):
      for j in range(ch // 16):
        zbuf[i, pl.ds(j * 16, 16)] = jnp.zeros((16,), jnp.float32)
    ebase = (c * NS + s) * epw
    for m in range(NB):
      pltpu.async_copy(src_h.at[pl.ds(ebase + m * K, K)], sidx[m],
                       isems_s[m])
      pltpu.async_copy(dst_h.at[pl.ds(ebase + m * K, K)], didx[m],
                       isems_d[m])
    def zloop(r, carry):
      pltpu.async_copy(zbuf, acc_sh.at[pl.ds(s * rpt + r * 16, 16)], zsem)
      return carry
    lax.fori_loop(0, rpt // 16, zloop, 0)
    def zdrain(r, carry):
      pltpu.make_async_copy(zbuf, acc_sh.at[pl.ds(s * rpt + r * 16, 16)],
                            zsem).wait()
      return carry
    lax.fori_loop(0, rpt // 16, zdrain, 0)
    plsc.subcore_barrier()
    pltpu.make_async_copy(src_h.at[pl.ds(ebase, K)], sidx[0],
                          isems_s[0]).wait()
    pltpu.async_copy(xs_h.at[sidx[0]], rows[0], gsems[0])
    def mloop(j, carry):
      for mm in range(2 * NB):
        k = 2 * NB * j + mm
        mr = mm % 2
        mr1 = (mm + 1) % 2
        mi = mm
        mi4 = (mm + NB) % (2 * NB)
        mi1 = (mm + 1) % (2 * NB)
        mim1 = (mm - 1) % (2 * NB)
        @pl.when(k >= 1)
        def _drain():
          pltpu.make_async_copy(rows[mr1], acc_sh.at[didx[mim1]],
                                ssems[mr1]).wait()
        @pl.when(k + NB < chunks)
        def _refill():
          pltpu.async_copy(src_h.at[pl.ds(ebase + (k + NB) * K, K)],
                           sidx[mi4], isems_s[mi4])
          pltpu.async_copy(dst_h.at[pl.ds(ebase + (k + NB) * K, K)],
                           didx[mi4], isems_d[mi4])
        @pl.when(k + 1 < chunks)
        def _prefetch():
          pltpu.make_async_copy(src_h.at[pl.ds(ebase + (k + 1) * K, K)],
                                sidx[mi1], isems_s[mi1]).wait()
          pltpu.async_copy(xs_h.at[sidx[mi1]], rows[mr1], gsems[mr1])
        pltpu.make_async_copy(xs_h.at[sidx[mi]], rows[mr],
                              gsems[mr]).wait()
        pltpu.make_async_copy(dst_h.at[pl.ds(ebase + k * K, K)], didx[mi],
                              isems_d[mi]).wait()
        pltpu.async_copy(rows[mr], acc_sh.at[didx[mi]], ssems[mr],
                         add=True)
      return carry
    lax.fori_loop(0, chunks // (2 * NB), mloop, 0)
    kk = chunks - 1
    pltpu.make_async_copy(rows[kk % 2], acc_sh.at[didx[kk % (2 * NB)]],
                          ssems[kk % 2]).wait()
    plsc.subcore_barrier()
    def dloop(r, carry):
      rb = s * rpt + r * K
      pltpu.async_copy(acc_sh.at[pl.ds(rb, K)], acc_out.at[c, pl.ds(rb, K)],
                       zsem)
      return carry
    lax.fori_loop(0, rpt // K, dloop, 0)
    def ddrain(r, carry):
      rb = s * rpt + r * K
      pltpu.make_async_copy(acc_sh.at[pl.ds(rb, K)],
                            acc_out.at[c, pl.ds(rb, K)], zsem).wait()
      return carry
    lax.fori_loop(0, rpt // K, ddrain, 0)

  return agg_kernel


def _tca_body(n, x_ref, deg_ref, xs_ref, dis_ref):
  deg = deg_ref[0] + deg_ref[1] + 1.0
  dis = lax.rsqrt(deg[:n])
  xs_ref[...] = x_ref[...] * dis[:, None]
  dis_ref[...] = dis[:, None]


def _tcb_body(n, acc_ref, xs_ref, dis_ref, w_ref, b_ref, out_ref):
  a = (acc_ref[0, :n] + acc_ref[1, :n] + xs_ref[:n]) * dis_ref[...]
  out = lax.dot_general(a, w_ref[...],
                        dimension_numbers=(((1,), (1,)), ((), ())),
                        preferred_element_type=jnp.float32)
  out_ref[...] = jnp.maximum(out + b_ref[...], 0.0)


@jax.jit
def kernel(x, edge_index, W, b):
  n, in_ch = x.shape
  out_ch = W.shape[0]
  e = edge_index.shape[1]

  unit = NW * NB * K
  e_pad = ((e + unit - 1) // unit) * unit
  n_acc = ((n + NS * K - 1) // (NS * K)) * (NS * K)
  npad = e_pad - e
  src = edge_index[0].astype(jnp.int32)
  dst = edge_index[1].astype(jnp.int32)
  if npad:
    fill = jnp.arange(npad, dtype=jnp.int32)
    src = jnp.concatenate([src, fill % n])
    dst = jnp.concatenate([dst, n + fill % (n_acc - n)])

  deg_pair = _make_deg_kernel(e_pad, n_acc)(dst)

  xs, dis = pl.pallas_call(
      functools.partial(_tca_body, n),
      out_shape=[
          jax.ShapeDtypeStruct((n, in_ch), jnp.float32),
          jax.ShapeDtypeStruct((n, 1), jnp.float32),
      ],
  )(x, deg_pair)

  acc_pair = _make_agg_kernel(e_pad, n_acc, in_ch)(src, dst, xs)

  out = pl.pallas_call(
      functools.partial(_tcb_body, n),
      out_shape=jax.ShapeDtypeStruct((n, out_ch), jnp.float32),
  )(acc_pair, xs, dis, W, b.reshape(1, out_ch))
  return out

# --- scband reference (transcript-rebuilt; emitter-appended) ---
"""Pipeline reference for scband-gcn-block-11630771438271 (READ-ONLY COPY).

The authoritative reference and input builder live on the scoring server;
editing this copy changes nothing except your own understanding.
"""

import jax, jax.numpy as jnp
import numpy as np

N_NODES = 10000
N_EDGES = 320000
IN_CH = 128
OUT_CH = 128


def setup_inputs(seed: int = 0) -> dict:
    key = jax.random.key(seed)
    k1, k2, k3, k4 = jax.random.split(key, 4)
    x = jax.random.normal(k1, (N_NODES, IN_CH), dtype=jnp.float32)
    edge_index = jax.random.randint(k2, (2, N_EDGES), 0, N_NODES, dtype=jnp.int64)
    # GCNConv linear weight (glorot) and bias (zeros-init in PyG, use small random for generality)
    W = jax.random.normal(k3, (OUT_CH, IN_CH), dtype=jnp.float32) * (1.0 / np.sqrt(IN_CH))
    b = jax.random.normal(k4, (OUT_CH,), dtype=jnp.float32) * 0.01
    return {"x": x, "edge_index": edge_index, "W": W, "b": b}


def reference(x, edge_index, W, b):
    # Faithful GCNConv (PyG semantics): add self-loops, symmetric normalization,
    # linear transform, scatter-add aggregation, bias, then ReLU (gcn_block.act).
    N = x.shape[0]
    src = edge_index[0]
    dst = edge_index[1]
    loop = jnp.arange(N, dtype=edge_index.dtype)
    src = jnp.concatenate([src, loop])
    dst = jnp.concatenate([dst, loop])
    # degree over destination nodes (edge_weight = 1)
    deg = jnp.zeros((N,), dtype=x.dtype).at[dst].add(1.0)
    deg_inv_sqrt = jnp.where(deg > 0, 1.0 / jnp.sqrt(deg), 0.0)
    norm = deg_inv_sqrt[src] * deg_inv_sqrt[dst]
    # linear transform first (GCNConv: x = self.lin(x))
    h = x @ W.T
    # message = norm * h[src]; aggregate = scatter-add at dst
    msg = h[src] * norm[:, None]
    out = jax.ops.segment_sum(msg, dst, num_segments=N)
    out = out + b
    return jax.nn.relu(out)

if __name__ == "__main__":
    import jax
    _d = setup_inputs()
    print(jax.jit(kernel)(*tuple(_d.values())))

</pallas_src>

<mosaic_0001>
#map = affine_map<(d0, d1) -> (0)>
#map1 = affine_map<(d0, d1) -> (0, 0)>
module attributes {stable_mosaic.version = 14 : i64} {
  func.func @deg_kernel(%arg0: i32, %arg1: i32, %arg2: memref<327680xi32, #tpu.memory_space<hbm>>, %arg3: memref<2x10240xf32, #tpu.memory_space<hbm>>, %arg4: memref<10240xf32, #tpu.memory_space<vmem_shared>>, %arg5: memref<128xf32, #tpu.memory_space<vmem>>, %arg6: memref<128xf32, #tpu.memory_space<vmem>>, %arg7: memref<128xi32, #tpu.memory_space<vmem>>, %arg8: memref<128xi32, #tpu.memory_space<vmem>>, %arg9: memref<128xi32, #tpu.memory_space<vmem>>, %arg10: memref<128xi32, #tpu.memory_space<vmem>>, %arg11: memref<128xi32, #tpu.memory_space<vmem>>, %arg12: memref<128xi32, #tpu.memory_space<vmem>>, %arg13: memref<128xi32, #tpu.memory_space<vmem>>, %arg14: memref<128xi32, #tpu.memory_space<vmem>>, %arg15: memref<!tpu.dma_semaphore, #tpu.memory_space<semaphore_mem>>, %arg16: memref<!tpu.dma_semaphore, #tpu.memory_space<semaphore_mem>>, %arg17: memref<!tpu.dma_semaphore, #tpu.memory_space<semaphore_mem>>, %arg18: memref<!tpu.dma_semaphore, #tpu.memory_space<semaphore_mem>>, %arg19: memref<!tpu.dma_semaphore, #tpu.memory_space<semaphore_mem>>, %arg20: memref<!tpu.dma_semaphore, #tpu.memory_space<semaphore_mem>>, %arg21: memref<!tpu.dma_semaphore, #tpu.memory_space<semaphore_mem>>, %arg22: memref<!tpu.dma_semaphore, #tpu.memory_space<semaphore_mem>>, %arg23: memref<!tpu.dma_semaphore, #tpu.memory_space<semaphore_mem>>, %arg24: memref<!tpu.dma_semaphore, #tpu.memory_space<semaphore_mem>>, %arg25: memref<!tpu.dma_semaphore, #tpu.memory_space<semaphore_mem>>, %arg26: memref<!tpu.dma_semaphore, #tpu.memory_space<semaphore_mem>>) attributes {dimension_semantics = [#tpu.dimension_semantics<core_parallel>, #tpu.dimension_semantics<subcore_parallel>], iteration_bounds = array<i64: 2, 16>, scalar_prefetch = 0 : i64, scratch_operands = 23 : i64, tpu.core_type = #tpu.core_type<sc_vector_subcore>, window_params = [{transform_indices = #map}, {transform_indices = #map1}]} {
    %broadcast_in_dim3A = arith.constant 0.000000e+00 : f32
    %broadcast_in_dim3A_0 = vector.broadcast %broadcast_in_dim3A : f32 to vector<16xf32>
    %swap3A = arith.constant 0 : index
    %swap3A_1 = tpu.vector_load %arg5[%swap3A] {strides = array<i32>} : memref<128xf32, #tpu.memory_space<vmem>>, vector<16xf32>,
    %swap3A_2 = vector.shape_cast %swap3A_1 : vector<16xf32> to vector<16xf32>
    %swap3A_3 = vector.shape_cast %broadcast_in_dim3A_0 : vector<16xf32> to vector<16xf32>
    tpu.vector_store %arg5[%swap3A], %swap3A_3 {strides = array<i32>} : memref<128xf32, #tpu.memory_space<vmem>>, vector<16xf32>,
    %broadcast_in_dim3A_4 = arith.constant 1.000000e+00 : f32
    %broadcast_in_dim3A_5 = vector.broadcast %broadcast_in_dim3A_4 : f32 to vector<16xf32>
    %swap3A_6 = arith.constant 0 : index
    %swap3A_7 = tpu.vector_load %arg6[%swap3A_6] {strides = array<i32>} : memref<128xf32, #tpu.memory_space<vmem>>, vector<16xf32>,
    %swap3A_8 = vector.shape_cast %swap3A_7 : vector<16xf32> to vector<16xf32>
    %swap3A_9 = vector.shape_cast %broadcast_in_dim3A_5 : vector<16xf32> to vector<16xf32>
    tpu.vector_store %arg6[%swap3A_6], %swap3A_9 {strides = array<i32>} : memref<128xf32, #tpu.memory_space<vmem>>, vector<16xf32>,
    %broadcast_in_dim3A_10 = arith.constant 0.000000e+00 : f32
    %broadcast_in_dim3A_11 = vector.broadcast %broadcast_in_dim3A_10 : f32 to vector<16xf32>
    %swap3A_12 = arith.constant 16 : index
    %swap3A_13 = tpu.vector_load %arg5[%swap3A_12] {strides = array<i32>} : memref<128xf32, #tpu.memory_space<vmem>>, vector<16xf32>,
    %swap3A_14 = vector.shape_cast %swap3A_13 : vector<16xf32> to vector<16xf32>
    %swap3A_15 = vector.shape_cast %broadcast_in_dim3A_11 : vector<16xf32> to vector<16xf32>
    tpu.vector_store %arg5[%swap3A_12], %swap3A_15 {strides = array<i32>} : memref<128xf32, #tpu.memory_space<vmem>>, vector<16xf32>,
    %broadcast_in_dim3A_16 = arith.constant 1.000000e+00 : f32
    %broadcast_in_dim3A_17 = vector.broadcast %broadcast_in_dim3A_16 : f32 to vector<16xf32>
    %swap3A_18 = arith.constant 16 : index
    %swap3A_19 = tpu.vector_load %arg6[%swap3A_18] {strides = array<i32>} : memref<128xf32, #tpu.memory_space<vmem>>, vector<16xf32>,
    %swap3A_20 = vector.shape_cast %swap3A_19 : vector<16xf32> to vector<16xf32>
    %swap3A_21 = vector.shape_cast %broadcast_in_dim3A_17 : vector<16xf32> to vector<16xf32>
    tpu.vector_store %arg6[%swap3A_18], %swap3A_21 {strides = array<i32>} : memref<128xf32, #tpu.memory_space<vmem>>, vector<16xf32>,
    %broadcast_in_dim3A_22 = arith.constant 0.000000e+00 : f32
    %broadcast_in_dim3A_23 = vector.broadcast %broadcast_in_dim3A_22 : f32 to vector<16xf32>
    %swap3A_24 = arith.constant 32 : index
    %swap3A_25 = tpu.vector_load %arg5[%swap3A_24] {strides = array<i32>} : memref<128xf32, #tpu.memory_space<vmem>>, vector<16xf32>,
    %swap3A_26 = vector.shape_cast %swap3A_25 : vector<16xf32> to vector<16xf32>
    %swap3A_27 = vector.shape_cast %broadcast_in_dim3A_23 : vector<16xf32> to vector<16xf32>
    tpu.vector_store %arg5[%swap3A_24], %swap3A_27 {strides = array<i32>} : memref<128xf32, #tpu.memory_space<vmem>>, vector<16xf32>,
    %broadcast_in_dim3A_28 = arith.constant 1.000000e+00 : f32
    %broadcast_in_dim3A_29 = vector.broadcast %broadcast_in_dim3A_28 : f32 to vector<16xf32>
    %swap3A_30 = arith.constant 32 : index
    %swap3A_31 = tpu.vector_load %arg6[%swap3A_30] {strides = array<i32>} : memref<128xf32, #tpu.memory_space<vmem>>, vector<16xf32>,
    %swap3A_32 = vector.shape_cast %swap3A_31 : vector<16xf32> to vector<16xf32>
    %swap3A_33 = vector.shape_cast %broadcast_in_dim3A_29 : vector<16xf32> to vector<16xf32>
    tpu.vector_store %arg6[%swap3A_30], %swap3A_33 {strides = array<i32>} : memref<128xf32, #tpu.memory_space<vmem>>, vector<16xf32>,
    %broadcast_in_dim3A_34 = arith.constant 0.000000e+00 : f32
    %broadcast_in_dim3A_35 = vector.broadcast %broadcast_in_dim3A_34 : f32 to vector<16xf32>
    %swap3A_36 = arith.constant 48 : index
    %swap3A_37 = tpu.vector_load %arg5[%swap3A_36] {strides = array<i32>} : memref<128xf32, #tpu.memory_space<vmem>>, vector<16xf32>,
    %swap3A_38 = vector.shape_cast %swap3A_37 : vector<16xf32> to vector<16xf32>
    %swap3A_39 = vector.shape_cast %broadcast_in_dim3A_35 : vector<16xf32> to vector<16xf32>
    tpu.vector_store %arg5[%swap3A_36], %swap3A_39 {strides = array<i32>} : memref<128xf32, #tpu.memory_space<vmem>>, vector<16xf32>,
    %broadcast_in_dim3A_40 = arith.constant 1.000000e+00 : f32
    %broadcast_in_dim3A_41 = vector.broadcast %broadcast_in_dim3A_40 : f32 to vector<16xf32>
    %swap3A_42 = arith.constant 48 : index
    %swap3A_43 = tpu.vector_load %arg6[%swap3A_42] {strides = array<i32>} : memref<128xf32, #tpu.memory_space<vmem>>, vector<16xf32>,
    %swap3A_44 = vector.shape_cast %swap3A_43 : vector<16xf32> to vector<16xf32>
    %swap3A_45 = vector.shape_cast %broadcast_in_dim3A_41 : vector<16xf32> to vector<16xf32>
    tpu.vector_store %arg6[%swap3A_42], %swap3A_45 {strides = array<i32>} : memref<128xf32, #tpu.memory_space<vmem>>, vector<16xf32>,
    %broadcast_in_dim3A_46 = arith.constant 0.000000e+00 : f32
    %broadcast_in_dim3A_47 = vector.broadcast %broadcast_in_dim3A_46 : f32 to vector<16xf32>
    %swap3A_48 = arith.constant 64 : index
    %swap3A_49 = tpu.vector_load %arg5[%swap3A_48] {strides = array<i32>} : memref<128xf32, #tpu.memory_space<vmem>>, vector<16xf32>,
    %swap3A_50 = vector.shape_cast %swap3A_49 : vector<16xf32> to vector<16xf32>
    %swap3A_51 = vector.shape_cast %broadcast_in_dim3A_47 : vector<16xf32> to vector<16xf32>
    tpu.vector_store %arg5[%swap3A_48], %swap3A_51 {strides = array<i32>} : memref<128xf32, #tpu.memory_space<vmem>>, vector<16xf32>,
    %broadcast_in_dim3A_52 = arith.constant 1.000000e+00 : f32
    %broadcast_in_dim3A_53 = vector.broadcast %broadcast_in_dim3A_52 : f32 to vector<16xf32>
    %swap3A_54 = arith.constant 64 : index
    %swap3A_55 = tpu.vector_load %arg6[%swap3A_54] {strides = array<i32>} : memref<128xf32, #tpu.memory_space<vmem>>, vector<16xf32>,
    %swap3A_56 = vector.shape_cast %swap3A_55 : vector<16xf32> to vector<16xf32>
    %swap3A_57 = vector.shape_cast %broadcast_in_dim3A_53 : vector<16xf32> to vector<16xf32>
    tpu.vector_store %arg6[%swap3A_54], %swap3A_57 {strides = array<i32>} : memref<128xf32, #tpu.memory_space<vmem>>, vector<16xf32>,
    %broadcast_in_dim3A_58 = arith.constant 0.000000e+00 : f32
    %broadcast_in_dim3A_59 = vector.broadcast %broadcast_in_dim3A_58 : f32 to vector<16xf32>
    %swap3A_60 = arith.constant 80 : index
    %swap3A_61 = tpu.vector_load %arg5[%swap3A_60] {strides = array<i32>} : memref<128xf32, #tpu.memory_space<vmem>>, vector<16xf32>,
    %swap3A_62 = vector.shape_cast %swap3A_61 : vector<16xf32> to vector<16xf32>
    %swap3A_63 = vector.shape_cast %broadcast_in_dim3A_59 : vector<16xf32> to vector<16xf32>
    tpu.vector_store %arg5[%swap3A_60], %swap3A_63 {strides = array<i32>} : memref<128xf32, #tpu.memory_space<vmem>>, vector<16xf32>,
    %broadcast_in_dim3A_64 = arith.constant 1.000000e+00 : f32
    %broadcast_in_dim3A_65 = vector.broadcast %broadcast_in_dim3A_64 : f32 to vector<16xf32>
    %swap3A_66 = arith.constant 80 : index
    %swap3A_67 = tpu.vector_load %arg6[%swap3A_66] {strides = array<i32>} : memref<128xf32, #tpu.memory_space<vmem>>, vector<16xf32>,
    %swap3A_68 = vector.shape_cast %swap3A_67 : vector<16xf32> to vector<16xf32>
    %swap3A_69 = vector.shape_cast %broadcast_in_dim3A_65 : vector<16xf32> to vector<16xf32>
    tpu.vector_store %arg6[%swap3A_66], %swap3A_69 {strides = array<i32>} : memref<128xf32, #tpu.memory_space<vmem>>, vector<16xf32>,
    %broadcast_in_dim3A_70 = arith.constant 0.000000e+00 : f32
    %broadcast_in_dim3A_71 = vector.broadcast %broadcast_in_dim3A_70 : f32 to vector<16xf32>
    %swap3A_72 = arith.constant 96 : index
    %swap3A_73 = tpu.vector_load %arg5[%swap3A_72] {strides = array<i32>} : memref<128xf32, #tpu.memory_space<vmem>>, vector<16xf32>,
    %swap3A_74 = vector.shape_cast %swap3A_73 : vector<16xf32> to vector<16xf32>
    %swap3A_75 = vector.shape_cast %broadcast_in_dim3A_71 : vector<16xf32> to vector<16xf32>
    tpu.vector_store %arg5[%swap3A_72], %swap3A_75 {strides = array<i32>} : memref<128xf32, #tpu.memory_space<vmem>>, vector<16xf32>,
    %broadcast_in_dim3A_76 = arith.constant 1.000000e+00 : f32
    %broadcast_in_dim3A_77 = vector.broadcast %broadcast_in_dim3A_76 : f32 to vector<16xf32>
    %swap3A_78 = arith.constant 96 : index
    %swap3A_79 = tpu.vector_load %arg6[%swap3A_78] {strides = array<i32>} : memref<128xf32, #tpu.memory_space<vmem>>, vector<16xf32>,
    %swap3A_80 = vector.shape_cast %swap3A_79 : vector<16xf32> to vector<16xf32>
    %swap3A_81 = vector.shape_cast %broadcast_in_dim3A_77 : vector<16xf32> to vector<16xf32>
    tpu.vector_store %arg6[%swap3A_78], %swap3A_81 {strides = array<i32>} : memref<128xf32, #tpu.memory_space<vmem>>, vector<16xf32>,
    %broadcast_in_dim3A_82 = arith.constant 0.000000e+00 : f32
    %broadcast_in_dim3A_83 = vector.broadcast %broadcast_in_dim3A_82 : f32 to vector<16xf32>
    %swap3A_84 = arith.constant 112 : index
    %swap3A_85 = tpu.vector_load %arg5[%swap3A_84] {strides = array<i32>} : memref<128xf32, #tpu.memory_space<vmem>>, vector<16xf32>,
    %swap3A_86 = vector.shape_cast %swap3A_85 : vector<16xf32> to vector<16xf32>
    %swap3A_87 = vector.shape_cast %broadcast_in_dim3A_83 : vector<16xf32> to vector<16xf32>
    tpu.vector_store %arg5[%swap3A_84], %swap3A_87 {strides = array<i32>} : memref<128xf32, #tpu.memory_space<vmem>>, vector<16xf32>,
    %broadcast_in_dim3A_88 = arith.constant 1.000000e+00 : f32
    %broadcast_in_dim3A_89 = vector.broadcast %broadcast_in_dim3A_88 : f32 to vector<16xf32>
    %swap3A_90 = arith.constant 112 : index
    %swap3A_91 = tpu.vector_load %arg6[%swap3A_90] {strides = array<i32>} : memref<128xf32, #tpu.memory_space<vmem>>, vector<16xf32>,
    %swap3A_92 = vector.shape_cast %swap3A_91 : vector<16xf32> to vector<16xf32>
    %swap3A_93 = vector.shape_cast %broadcast_in_dim3A_89 : vector<16xf32> to vector<16xf32>
    tpu.vector_store %arg6[%swap3A_90], %swap3A_93 {strides = array<i32>} : memref<128xf32, #tpu.memory_space<vmem>>, vector<16xf32>,
    %mul3A = arith.constant 16 : i32
    %mul3A_94 = arith.muli %arg0, %mul3A : i32
    %add3A = arith.addi %mul3A_94, %arg1 : i32
    %mul3A_95 = arith.constant 10240 : i32
    %mul3A_96 = arith.muli %add3A, %mul3A_95 : i32
    %add3A_97 = arith.constant 0 : i32
    %add3A_98 = arith.addi %mul3A_96, %add3A_97 : i32
    %dma_start3A = tpu.memref_slice %arg2[%add3A_98] : memref<327680xi32, #tpu.memory_space<hbm>> -> memref<128xi32, #tpu.memory_space<hbm>>
    %dma_start3A_99 = tpu.memref_slice %arg2[%add3A_98] : memref<327680xi32, #tpu.memory_space<hbm>> -> memref<128xi32, #tpu.memory_space<hbm>>
    tpu.enqueue_dma source(%dma_start3A_99 : memref<128xi32, #tpu.memory_space<hbm>>) target(%arg7 : memref<128xi32, #tpu.memory_space<vmem>>) target_semaphore(%arg15 : memref<!tpu.dma_semaphore, #tpu.memory_space<semaphore_mem>>)
    %add3A_100 = arith.constant 128 : i32
    %add3A_101 = arith.addi %mul3A_96, %add3A_100 : i32
    %dma_start3A_102 = tpu.memref_slice %arg2[%add3A_101] : memref<327680xi32, #tpu.memory_space<hbm>> -> memref<128xi32, #tpu.memory_space<hbm>>
    %dma_start3A_103 = tpu.memref_slice %arg2[%add3A_101] : memref<327680xi32, #tpu.memory_space<hbm>> -> memref<128xi32, #tpu.memory_space<hbm>>
    tpu.enqueue_dma source(%dma_start3A_103 : memref<128xi32, #tpu.memory_space<hbm>>) target(%arg8 : memref<128xi32, #tpu.memory_space<vmem>>) target_semaphore(%arg16 : memref<!tpu.dma_semaphore, #tpu.memory_space<semaphore_mem>>)
    %add3A_104 = arith.constant 256 : i32
    %add3A_105 = arith.addi %mul3A_96, %add3A_104 : i32
    %dma_start3A_106 = tpu.memref_slice %arg2[%add3A_105] : memref<327680xi32, #tpu.memory_space<hbm>> -> memref<128xi32, #tpu.memory_space<hbm>>
    %dma_start3A_107 = tpu.memref_slice %arg2[%add3A_105] : memref<327680xi32, #tpu.memory_space<hbm>> -> memref<128xi32, #tpu.memory_space<hbm>>
    tpu.enqueue_dma source(%dma_start3A_107 : memref<128xi32, #tpu.memory_space<hbm>>) target(%arg9 : memref<128xi32, #tpu.memory_space<vmem>>) target_semaphore(%arg17 : memref<!tpu.dma_semaphore, #tpu.memory_space<semaphore_mem>>)
    %add3A_108 = arith.constant 384 : i32
    %add3A_109 = arith.addi %mul3A_96, %add3A_108 : i32
    %dma_start3A_110 = tpu.memref_slice %arg2[%add3A_109] : memref<327680xi32, #tpu.memory_space<hbm>> -> memref<128xi32, #tpu.memory_space<hbm>>
    %dma_start3A_111 = tpu.memref_slice %arg2[%add3A_109] : memref<327680xi32, #tpu.memory_space<hbm>> -> memref<128xi32, #tpu.memory_space<hbm>>
    tpu.enqueue_dma source(%dma_start3A_111 : memref<128xi32, #tpu.memory_space<hbm>>) target(%arg10 : memref<128xi32, #tpu.memory_space<vmem>>) target_semaphore(%arg18 : memref<!tpu.dma_semaphore, #tpu.memory_space<semaphore_mem>>)
    %scan3A = arith.constant 0 : i32
    %scan3A_112 = arith.constant 0 : i32
    %scan3A_113 = arith.constant 5 : i32
    %scan3A_114 = arith.addi %scan3A_112, %scan3A_113 : i32
    %scan3A_115 = arith.constant 1 : i32
    scf.for %scan3A_135 = %scan3A_112 to %scan3A_114 step %scan3A_115  : i32 {
      %mul3A_136 = arith.constant 640 : i32
      %mul3A_137 = arith.muli %arg1, %mul3A_136 : i32
      %mul3A_138 = arith.constant 128 : i32
      %mul3A_139 = arith.muli %scan3A_135, %mul3A_138 : i32
      %add3A_140 = arith.addi %mul3A_137, %mul3A_139 : i32
      "tpu.region"() ({
        %run_scoped3A = tpu.sem_alloc : memref<!tpu.dma_semaphore, #tpu.memory_space<semaphore_mem>>
        %dma_start3A_141 = tpu.memref_slice %arg4[%add3A_140] : memref<10240xf32, #tpu.memory_space<vmem_shared>> -> memref<128xf32, #tpu.memory_space<vmem_shared>>
        %dma_start3A_142 = tpu.memref_slice %arg4[%add3A_140] : memref<10240xf32, #tpu.memory_space<vmem_shared>> -> memref<128xf32, #tpu.memory_space<vmem_shared>>
        tpu.enqueue_dma source(%arg5 : memref<128xf32, #tpu.memory_space<vmem>>) target(%dma_start3A_142 : memref<128xf32, #tpu.memory_space<vmem_shared>>) target_semaphore(%run_scoped3A : memref<!tpu.dma_semaphore, #tpu.memory_space<semaphore_mem>>)
        %dma_wait3A_143 = tpu.memref_slice %arg4[%add3A_140] : memref<10240xf32, #tpu.memory_space<vmem_shared>> -> memref<128xf32, #tpu.memory_space<vmem_shared>>
        %dma_wait3A_144 = tpu.memref_slice %arg4[%add3A_140] : memref<10240xf32, #tpu.memory_space<vmem_shared>> -> memref<128xf32, #tpu.memory_space<vmem_shared>>
        tpu.wait_dma2 semaphore(%run_scoped3A : memref<!tpu.dma_semaphore, #tpu.memory_space<semaphore_mem>>) src(%arg5 : memref<128xf32, #tpu.memory_space<vmem>>) dst(%dma_wait3A_144 : memref<128xf32, #tpu.memory_space<vmem_shared>>)
        tpu.yield
      }) : () -> ()
    }
    %scan3A_116 = arith.constant 5 : i32
    %barrier3A = arith.constant 0 : index
    tpu.barrier barrier_id(%barrier3A)
    %scan3A_117 = arith.constant 0 : i32
    %scan3A_118 = arith.constant 0 : i32
    %scan3A_119 = arith.constant 10 : i32
    %scan3A_120 = arith.addi %scan3A_118, %scan3A_119 : i32
    %scan3A_121 = arith.constant 1 : i32
    scf.for %scan3A_135 = %scan3A_118 to %scan3A_120 step %scan3A_121  : i32 {
      %mul3A_136 = arith.constant 8 : i32
      %mul3A_137 = arith.muli %mul3A_136, %scan3A_135 : i32
      %add3A_138 = arith.constant 0 : i32
      %add3A_139 = arith.addi %mul3A_137, %add3A_138 : i32
      %ge3A = arith.constant 4 : i32
      %ge3A_140 = arith.cmpi sge, %add3A_139, %ge3A : i32
      %convert_element_type3A = arith.extui %ge3A_140 : i1 to i32
      %cond3A = arith.constant 0 : i32
      %cond3A_141 = arith.cmpi ne, %convert_element_type3A, %cond3A : i32
      scf.if %cond3A_141 {
        %dma_wait3A_316 = arith.constant 0 : i32
        %dma_wait3A_317 = tpu.memref_slice %arg4[%dma_wait3A_316] : memref<10240xf32, #tpu.memory_space<vmem_shared>> -> memref<10240xf32, #tpu.memory_space<vmem_shared>>
        tpu.wait_indirect_dma semaphore(%arg23 : memref<!tpu.dma_semaphore, #tpu.memory_space<semaphore_mem>>) src(%arg6 : memref<128xf32, #tpu.memory_space<vmem>>) dst(%dma_wait3A_317 : memref<10240xf32, #tpu.memory_space<vmem_shared>>)
      } else {
      }
      %add3A_142 = arith.constant 4 : i32
      %add3A_143 = arith.addi %add3A_139, %add3A_142 : i32
      %lt3A = arith.constant 80 : i32
      %lt3A_144 = arith.cmpi slt, %add3A_143, %lt3A : i32
      %convert_element_type3A_145 = arith.extui %lt3A_144 : i1 to i32
      %cond3A_146 = arith.constant 0 : i32
      %cond3A_147 = arith.cmpi ne, %convert_element_type3A_145, %cond3A_146 : i32
      scf.if %cond3A_147 {
        %add3A_316 = arith.constant 4 : i32
        %add3A_317 = arith.addi %add3A_139, %add3A_316 : i32
        %mul3A_318 = arith.constant 128 : i32
        %mul3A_319 = arith.muli %add3A_317, %mul3A_318 : i32
        %add3A_320 = arith.addi %mul3A_96, %mul3A_319 : i32
        %dma_start3A_321 = tpu.memref_slice %arg2[%add3A_320] : memref<327680xi32, #tpu.memory_space<hbm>> -> memref<128xi32, #tpu.memory_space<hbm>>
        %dma_start3A_322 = tpu.memref_slice %arg2[%add3A_320] : memref<327680xi32, #tpu.memory_space<hbm>> -> memref<128xi32, #tpu.memory_space<hbm>>
        tpu.enqueue_dma source(%dma_start3A_322 : memref<128xi32, #tpu.memory_space<hbm>>) target(%arg11 : memref<128xi32, #tpu.memory_space<vmem>>) target_semaphore(%arg19 : memref<!tpu.dma_semaphore, #tpu.memory_space<semaphore_mem>>)
      } else {
      }
      %mul3A_148 = arith.constant 128 : i32
      %mul3A_149 = arith.muli %add3A_139, %mul3A_148 : i32
      %add3A_150 = arith.addi %mul3A_96, %mul3A_149 : i32
      %dma_wait3A_151 = tpu.memref_slice %arg2[%add3A_150] : memref<327680xi32, #tpu.memory_space<hbm>> -> memref<128xi32, #tpu.memory_space<hbm>>
      %dma_wait3A_152 = tpu.memref_slice %arg2[%add3A_150] : memref<327680xi32, #tpu.memory_space<hbm>> -> memref<128xi32, #tpu.memory_space<hbm>>
      tpu.wait_dma2 semaphore(%arg15 : memref<!tpu.dma_semaphore, #tpu.memory_space<semaphore_mem>>) src(%dma_wait3A_152 : memref<128xi32, #tpu.memory_space<hbm>>) dst(%arg7 : memref<128xi32, #tpu.memory_space<vmem>>)
      %dma_start3A_153 = arith.constant 0 : i32
      %dma_start3A_154 = tpu.memref_slice %arg4[%dma_start3A_153] : memref<10240xf32, #tpu.memory_space<vmem_shared>> -> memref<10240xf32, #tpu.memory_space<vmem_shared>>
      tpu.enqueue_indirect_dma source(%arg6 : memref<128xf32, #tpu.memory_space<vmem>>) target(%dma_start3A_154 : memref<10240xf32, #tpu.memory_space<vmem_shared>>) offsets(%arg7 : memref<128xi32, #tpu.memory_space<vmem>>) semaphore(%arg23 : memref<!tpu.dma_semaphore, #tpu.memory_space<semaphore_mem>>) {add = true}
      %mul3A_155 = arith.constant 8 : i32
      %mul3A_156 = arith.muli %mul3A_155, %scan3A_135 : i32
      %add3A_157 = arith.constant 1 : i32
      %add3A_158 = arith.addi %mul3A_156, %add3A_157 : i32
      %ge3A_159 = arith.constant 4 : i32
      %ge3A_160 = arith.cmpi sge, %add3A_158, %ge3A_159 : i32
      %convert_element_type3A_161 = arith.extui %ge3A_160 : i1 to i32
      %cond3A_162 = arith.constant 0 : i32
      %cond3A_163 = arith.cmpi ne, %convert_element_type3A_161, %cond3A_162 : i32
      scf.if %cond3A_163 {
        %dma_wait3A_316 = arith.constant 0 : i32
        %dma_wait3A_317 = tpu.memref_slice %arg4[%dma_wait3A_316] : memref<10240xf32, #tpu.memory_space<vmem_shared>> -> memref<10240xf32, #tpu.memory_space<vmem_shared>>
        tpu.wait_indirect_dma semaphore(%arg24 : memref<!tpu.dma_semaphore, #tpu.memory_space<semaphore_mem>>) src(%arg6 : memref<128xf32, #tpu.memory_space<vmem>>) dst(%dma_wait3A_317 : memref<10240xf32, #tpu.memory_space<vmem_shared>>)
      } else {
      }
      %add3A_164 = arith.constant 4 : i32
      %add3A_165 = arith.addi %add3A_158, %add3A_164 : i32
      %lt3A_166 = arith.constant 80 : i32
      %lt3A_167 = arith.cmpi slt, %add3A_165, %lt3A_166 : i32
      %convert_element_type3A_168 = arith.extui %lt3A_167 : i1 to i32
      %cond3A_169 = arith.constant 0 : i32
      %cond3A_170 = arith.cmpi ne, %convert_element_type3A_168, %cond3A_169 : i32
      scf.if %cond3A_170 {
        %add3A_316 = arith.constant 4 : i32
        %add3A_317 = arith.addi %add3A_158, %add3A_316 : i32
        %mul3A_318 = arith.constant 128 : i32
        %mul3A_319 = arith.muli %add3A_317, %mul3A_318 : i32
        %add3A_320 = arith.addi %mul3A_96, %mul3A_319 : i32
        %dma_start3A_321 = tpu.memref_slice %arg2[%add3A_320] : memref<327680xi32, #tpu.memory_space<hbm>> -> memref<128xi32, #tpu.memory_space<hbm>>
        %dma_start3A_322 = tpu.memref_slice %arg2[%add3A_320] : memref<327680xi32, #tpu.memory_space<hbm>> -> memref<128xi32, #tpu.memory_space<hbm>>
        tpu.enqueue_dma source(%dma_start3A_322 : memref<128xi32, #tpu.memory_space<hbm>>) target(%arg12 : memref<128xi32, #tpu.memory_space<vmem>>) target_semaphore(%arg20 : memref<!tpu.dma_semaphore, #tpu.memory_space<semaphore_mem>>)
      } else {
      }
      %mul3A_171 = arith.constant 128 : i32
      %mul3A_172 = arith.muli %add3A_158, %mul3A_171 : i32
      %add3A_173 = arith.addi %mul3A_96, %mul3A_172 : i32
      %dma_wait3A_174 = tpu.memref_slice %arg2[%add3A_173] : memref<327680xi32, #tpu.memory_space<hbm>> -> memref<128xi32, #tpu.memory_space<hbm>>
      %dma_wait3A_175 = tpu.memref_slice %arg2[%add3A_173] : memref<327680xi32, #tpu.memory_space<hbm>> -> memref<128xi32, #tpu.memory_space<hbm>>
      tpu.wait_dma2 semaphore(%arg16 : memref<!tpu.dma_semaphore, #tpu.memory_space<semaphore_mem>>) src(%dma_wait3A_175 : memref<128xi32, #tpu.memory_space<hbm>>) dst(%arg8 : memref<128xi32, #tpu.memory_space<vmem>>)
      %dma_start3A_176 = arith.constant 0 : i32
      %dma_start3A_177 = tpu.memref_slice %arg4[%dma_start3A_176] : memref<10240xf32, #tpu.memory_space<vmem_shared>> -> memref<10240xf32, #tpu.memory_space<vmem_shared>>
      tpu.enqueue_indirect_dma source(%arg6 : memref<128xf32, #tpu.memory_space<vmem>>) target(%dma_start3A_177 : memref<10240xf32, #tpu.memory_space<vmem_shared>>) offsets(%arg8 : memref<128xi32, #tpu.memory_space<vmem>>) semaphore(%arg24 : memref<!tpu.dma_semaphore, #tpu.memory_space<semaphore_mem>>) {add = true}
      %mul3A_178 = arith.constant 8 : i32
      %mul3A_179 = arith.muli %mul3A_178, %scan3A_135 : i32
      %add3A_180 = arith.constant 2 : i32
      %add3A_181 = arith.addi %mul3A_179, %add3A_180 : i32
      %ge3A_182 = arith.constant 4 : i32
      %ge3A_183 = arith.cmpi sge, %add3A_181, %ge3A_182 : i32
      %convert_element_type3A_184 = arith.extui %ge3A_183 : i1 to i32
      %cond3A_185 = arith.constant 0 : i32
      %cond3A_186 = arith.cmpi ne, %convert_element_type3A_184, %cond3A_185 : i32
      scf.if %cond3A_186 {
        %dma_wait3A_316 = arith.constant 0 : i32
        %dma_wait3A_317 = tpu.memref_slice %arg4[%dma_wait3A_316] : memref<10240xf32, #tpu.memory_space<vmem_shared>> -> memref<10240xf32, #tpu.memory_space<vmem_shared>>
        tpu.wait_indirect_dma semaphore(%arg25 : memref<!tpu.dma_semaphore, #tpu.memory_space<semaphore_mem>>) src(%arg6 : memref<128xf32, #tpu.memory_space<vmem>>) dst(%dma_wait3A_317 : memref<10240xf32, #tpu.memory_space<vmem_shared>>)
      } else {
      }
      %add3A_187 = arith.constant 4 : i32
      %add3A_188 = arith.addi %add3A_181, %add3A_187 : i32
      %lt3A_189 = arith.constant 80 : i32
      %lt3A_190 = arith.cmpi slt, %add3A_188, %lt3A_189 : i32
      %convert_element_type3A_191 = arith.extui %lt3A_190 : i1 to i32
      %cond3A_192 = arith.constant 0 : i32
      %cond3A_193 = arith.cmpi ne, %convert_element_type3A_191, %cond3A_192 : i32
      scf.if %cond3A_193 {
        %add3A_316 = arith.constant 4 : i32
        %add3A_317 = arith.addi %add3A_181, %add3A_316 : i32
        %mul3A_318 = arith.constant 128 : i32
        %mul3A_319 = arith.muli %add3A_317, %mul3A_318 : i32
        %add3A_320 = arith.addi %mul3A_96, %mul3A_319 : i32
        %dma_start3A_321 = tpu.memref_slice %arg2[%add3A_320] : memref<327680xi32, #tpu.memory_space<hbm>> -> memref<128xi32, #tpu.memory_space<hbm>>
        %dma_start3A_322 = tpu.memref_slice %arg2[%add3A_320] : memref<327680xi32, #tpu.memory_space<hbm>> -> memref<128xi32, #tpu.memory_space<hbm>>
        tpu.enqueue_dma source(%dma_start3A_322 : memref<128xi32, #tpu.memory_space<hbm>>) target(%arg13 : memref<128xi32, #tpu.memory_space<vmem>>) target_semaphore(%arg21 : memref<!tpu.dma_semaphore, #tpu.memory_space<semaphore_mem>>)
      } else {
      }
      %mul3A_194 = arith.constant 128 : i32
      %mul3A_195 = arith.muli %add3A_181, %mul3A_194 : i32
      %add3A_196 = arith.addi %mul3A_96, %mul3A_195 : i32
      %dma_wait3A_197 = tpu.memref_slice %arg2[%add3A_196] : memref<327680xi32, #tpu.memory_space<hbm>> -> memref<128xi32, #tpu.memory_space<hbm>>
      %dma_wait3A_198 = tpu.memref_slice %arg2[%add3A_196] : memref<327680xi32, #tpu.memory_space<hbm>> -> memref<128xi32, #tpu.memory_space<hbm>>
      tpu.wait_dma2 semaphore(%arg17 : memref<!tpu.dma_semaphore, #tpu.memory_space<semaphore_mem>>) src(%dma_wait3A_198 : memref<128xi32, #tpu.memory_space<hbm>>) dst(%arg9 : memref<128xi32, #tpu.memory_space<vmem>>)
      %dma_start3A_199 = arith.constant 0 : i32
      %dma_start3A_200 = tpu.memref_slice %arg4[%dma_start3A_199] : memref<10240xf32, #tpu.memory_space<vmem_shared>> -> memref<10240xf32, #tpu.memory_space<vmem_shared>>
      tpu.enqueue_indirect_dma source(%arg6 : memref<128xf32, #tpu.memory_space<vmem>>) target(%dma_start3A_200 : memref<10240xf32, #tpu.memory_space<vmem_shared>>) offsets(%arg9 : memref<128xi32, #tpu.memory_space<vmem>>) semaphore(%arg25 : memref<!tpu.dma_semaphore, #tpu.memory_space<semaphore_mem>>) {add = true}
      %mul3A_201 = arith.constant 8 : i32
      %mul3A_202 = arith.muli %mul3A_201, %scan3A_135 : i32
      %add3A_203 = arith.constant 3 : i32
      %add3A_204 = arith.addi %mul3A_202, %add3A_203 : i32
      %ge3A_205 = arith.constant 4 : i32
      %ge3A_206 = arith.cmpi sge, %add3A_204, %ge3A_205 : i32
      %convert_element_type3A_207 = arith.extui %ge3A_206 : i1 to i32
      %cond3A_208 = arith.constant 0 : i32
      %cond3A_209 = arith.cmpi ne, %convert_element_type3A_207, %cond3A_208 : i32
      scf.if %cond3A_209 {
        %dma_wait3A_316 = arith.constant 0 : i32
        %dma_wait3A_317 = tpu.memref_slice %arg4[%dma_wait3A_316] : memref<10240xf32, #tpu.memory_space<vmem_shared>> -> memref<10240xf32, #tpu.memory_space<vmem_shared>>
        tpu.wait_indirect_dma semaphore(%arg26 : memref<!tpu.dma_semaphore, #tpu.memory_space<semaphore_mem>>) src(%arg6 : memref<128xf32, #tpu.memory_space<vmem>>) dst(%dma_wait3A_317 : memref<10240xf32, #tpu.memory_space<vmem_shared>>)
      } else {
      }
      %add3A_210 = arith.constant 4 : i32
      %add3A_211 = arith.addi %add3A_204, %add3A_210 : i32
      %lt3A_212 = arith.constant 80 : i32
      %lt3A_213 = arith.cmpi slt, %add3A_211, %lt3A_212 : i32
      %convert_element_type3A_214 = arith.extui %lt3A_213 : i1 to i32
      %cond3A_215 = arith.constant 0 : i32
      %cond3A_216 = arith.cmpi ne, %convert_element_type3A_214, %cond3A_215 : i32
      scf.if %cond3A_216 {
        %add3A_316 = arith.constant 4 : i32
        %add3A_317 = arith.addi %add3A_204, %add3A_316 : i32
        %mul3A_318 = arith.constant 128 : i32
        %mul3A_319 = arith.muli %add3A_317, %mul3A_318 : i32
        %add3A_320 = arith.addi %mul3A_96, %mul3A_319 : i32
        %dma_start3A_321 = tpu.memref_slice %arg2[%add3A_320] : memref<327680xi32, #tpu.memory_space<hbm>> -> memref<128xi32, #tpu.memory_space<hbm>>
        %dma_start3A_322 = tpu.memref_slice %arg2[%add3A_320] : memref<327680xi32, #tpu.memory_space<hbm>> -> memref<128xi32, #tpu.memory_space<hbm>>
        tpu.enqueue_dma source(%dma_start3A_322 : memref<128xi32, #tpu.memory_space<hbm>>) target(%arg14 : memref<128xi32, #tpu.memory_space<vmem>>) target_semaphore(%arg22 : memref<!tpu.dma_semaphore, #tpu.memory_space<semaphore_mem>>)
      } else {
      }
      %mul3A_217 = arith.constant 128 : i32
      %mul3A_218 = arith.muli %add3A_204, %mul3A_217 : i32
      %add3A_219 = arith.addi %mul3A_96, %mul3A_218 : i32
      %dma_wait3A_220 = tpu.memref_slice %arg2[%add3A_219] : memref<327680xi32, #tpu.memory_space<hbm>> -> memref<128xi32, #tpu.memory_space<hbm>>
      %dma_wait3A_221 = tpu.memref_slice %arg2[%add3A_219] : memref<327680xi32, #tpu.memory_space<hbm>> -> memref<128xi32, #tpu.memory_space<hbm>>
      tpu.wait_dma2 semaphore(%arg18 : memref<!tpu.dma_semaphore, #tpu.memory_space<semaphore_mem>>) src(%dma_wait3A_221 : memref<128xi32, #tpu.memory_space<hbm>>) dst(%arg10 : memref<128xi32, #tpu.memory_space<vmem>>)
      %dma_start3A_222 = arith.constant 0 : i32
      %dma_start3A_223 = tpu.memref_slice %arg4[%dma_start3A_222] : memref<10240xf32, #tpu.memory_space<vmem_shared>> -> memref<10240xf32, #tpu.memory_space<vmem_shared>>
      tpu.enqueue_indirect_dma source(%arg6 : memref<128xf32, #tpu.memory_space<vmem>>) target(%dma_start3A_223 : memref<10240xf32, #tpu.memory_space<vmem_shared>>) offsets(%arg10 : memref<128xi32, #tpu.memory_space<vmem>>) semaphore(%arg26 : memref<!tpu.dma_semaphore, #tpu.memory_space<semaphore_mem>>) {add = true}
      %mul3A_224 = arith.constant 8 : i32
      %mul3A_225 = arith.muli %mul3A_224, %scan3A_135 : i32
      %add3A_226 = arith.constant 4 : i32
      %add3A_227 = arith.addi %mul3A_225, %add3A_226 : i32
      %ge3A_228 = arith.constant 4 : i32
      %ge3A_229 = arith.cmpi sge, %add3A_227, %ge3A_228 : i32
      %convert_element_type3A_230 = arith.extui %ge3A_229 : i1 to i32
      %cond3A_231 = arith.constant 0 : i32
      %cond3A_232 = arith.cmpi ne, %convert_element_type3A_230, %cond3A_231 : i32
      scf.if %cond3A_232 {
        %dma_wait3A_316 = arith.constant 0 : i32
        %dma_wait3A_317 = tpu.memref_slice %arg4[%dma_wait3A_316] : memref<10240xf32, #tpu.memory_space<vmem_shared>> -> memref<10240xf32, #tpu.memory_space<vmem_shared>>
        tpu.wait_indirect_dma semaphore(%arg23 : memref<!tpu.dma_semaphore, #tpu.memory_space<semaphore_mem>>) src(%arg6 : memref<128xf32, #tpu.memory_space<vmem>>) dst(%dma_wait3A_317 : memref<10240xf32, #tpu.memory_space<vmem_shared>>)
      } else {
      }
      %add3A_233 = arith.constant 4 : i32
      %add3A_234 = arith.addi %add3A_227, %add3A_233 : i32
      %lt3A_235 = arith.constant 80 : i32
      %lt3A_236 = arith.cmpi slt, %add3A_234, %lt3A_235 : i32
      %convert_element_type3A_237 = arith.extui %lt3A_236 : i1 to i32
      %cond3A_238 = arith.constant 0 : i32
      %cond3A_239 = arith.cmpi ne, %convert_element_type3A_237, %cond3A_238 : i32
      scf.if %cond3A_239 {
        %add3A_316 = arith.constant 4 : i32
        %add3A_317 = arith.addi %add3A_227, %add3A_316 : i32
        %mul3A_318 = arith.constant 128 : i32
        %mul3A_319 = arith.muli %add3A_317, %mul3A_318 : i32
        %add3A_320 = arith.addi %mul3A_96, %mul3A_319 : i32
        %dma_start3A_321 = tpu.memref_slice %arg2[%add3A_320] : memref<327680xi32, #tpu.memory_space<hbm>> -> memref<128xi32, #tpu.memory_space<hbm>>
        %dma_start3A_322 = tpu.memref_slice %arg2[%add3A_320] : memref<327680xi32, #tpu.memory_space<hbm>> -> memref<128xi32, #tpu.memory_space<hbm>>
        tpu.enqueue_dma source(%dma_start3A_322 : memref<128xi32, #tpu.memory_space<hbm>>) target(%arg7 : memref<128xi32, #tpu.memory_space<vmem>>) target_semaphore(%arg15 : memref<!tpu.dma_semaphore, #tpu.memory_space<semaphore_mem>>)
      } else {
      }
      %mul3A_240 = arith.constant 128 : i32
      %mul3A_241 = arith.muli %add3A_227, %mul3A_240 : i32
      %add3A_242 = arith.addi %mul3A_96, %mul3A_241 : i32
      %dma_wait3A_243 = tpu.memref_slice %arg2[%add3A_242] : memref<327680xi32, #tpu.memory_space<hbm>> -> memref<128xi32, #tpu.memory_space<hbm>>
      %dma_wait3A_244 = tpu.memref_slice %arg2[%add3A_242] : memref<327680xi32, #tpu.memory_space<hbm>> -> memref<128xi32, #tpu.memory_space<hbm>>
      tpu.wait_dma2 semaphore(%arg19 : memref<!tpu.dma_semaphore, #tpu.memory_space<semaphore_mem>>) src(%dma_wait3A_244 : memref<128xi32, #tpu.memory_space<hbm>>) dst(%arg11 : memref<128xi32, #tpu.memory_space<vmem>>)
      %dma_start3A_245 = arith.constant 0 : i32
      %dma_start3A_246 = tpu.memref_slice %arg4[%dma_start3A_245] : memref<10240xf32, #tpu.memory_space<vmem_shared>> -> memref<10240xf32, #tpu.memory_space<vmem_shared>>
      tpu.enqueue_indirect_dma source(%arg6 : memref<128xf32, #tpu.memory_space<vmem>>) target(%dma_start3A_246 : memref<10240xf32, #tpu.memory_space<vmem_shared>>) offsets(%arg11 : memref<128xi32, #tpu.memory_space<vmem>>) semaphore(%arg23 : memref<!tpu.dma_semaphore, #tpu.memory_space<semaphore_mem>>) {add = true}
      %mul3A_247 = arith.constant 8 : i32
      %mul3A_248 = arith.muli %mul3A_247, %scan3A_135 : i32
      %add3A_249 = arith.constant 5 : i32
      %add3A_250 = arith.addi %mul3A_248, %add3A_249 : i32
      %ge3A_251 = arith.constant 4 : i32
      %ge3A_252 = arith.cmpi sge, %add3A_250, %ge3A_251 : i32
      %convert_element_type3A_253 = arith.extui %ge3A_252 : i1 to i32
      %cond3A_254 = arith.constant 0 : i32
      %cond3A_255 = arith.cmpi ne, %convert_element_type3A_253, %cond3A_254 : i32
      scf.if %cond3A_255 {
        %dma_wait3A_316 = arith.constant 0 : i32
        %dma_wait3A_317 = tpu.memref_slice %arg4[%dma_wait3A_316] : memref<10240xf32, #tpu.memory_space<vmem_shared>> -> memref<10240xf32, #tpu.memory_space<vmem_shared>>
        tpu.wait_indirect_dma semaphore(%arg24 : memref<!tpu.dma_semaphore, #tpu.memory_space<semaphore_mem>>) src(%arg6 : memref<128xf32, #tpu.memory_space<vmem>>) dst(%dma_wait3A_317 : memref<10240xf32, #tpu.memory_space<vmem_shared>>)
      } else {
      }
      %add3A_256 = arith.constant 4 : i32
      %add3A_257 = arith.addi %add3A_250, %add3A_256 : i32
      %lt3A_258 = arith.constant 80 : i32
      %lt3A_259 = arith.cmpi slt, %add3A_257, %lt3A_258 : i32
      %convert_element_type3A_260 = arith.extui %lt3A_259 : i1 to i32
      %cond3A_261 = arith.constant 0 : i32
      %cond3A_262 = arith.cmpi ne, %convert_element_type3A_260, %cond3A_261 : i32
      scf.if %cond3A_262 {
        %add3A_316 = arith.constant 4 : i32
        %add3A_317 = arith.addi %add3A_250, %add3A_316 : i32
        %mul3A_318 = arith.constant 128 : i32
        %mul3A_319 = arith.muli %add3A_317, %mul3A_318 : i32
        %add3A_320 = arith.addi %mul3A_96, %mul3A_319 : i32
        %dma_start3A_321 = tpu.memref_slice %arg2[%add3A_320] : memref<327680xi32, #tpu.memory_space<hbm>> -> memref<128xi32, #tpu.memory_space<hbm>>
        %dma_start3A_322 = tpu.memref_slice %arg2[%add3A_320] : memref<327680xi32, #tpu.memory_space<hbm>> -> memref<128xi32, #tpu.memory_space<hbm>>
        tpu.enqueue_dma source(%dma_start3A_322 : memref<128xi32, #tpu.memory_space<hbm>>) target(%arg8 : memref<128xi32, #tpu.memory_space<vmem>>) target_semaphore(%arg16 : memref<!tpu.dma_semaphore, #tpu.memory_space<semaphore_mem>>)
      } else {
      }
      %mul3A_263 = arith.constant 128 : i32
      %mul3A_264 = arith.muli %add3A_250, %mul3A_263 : i32
      %add3A_265 = arith.addi %mul3A_96, %mul3A_264 : i32
      %dma_wait3A_266 = tpu.memref_slice %arg2[%add3A_265] : memref<327680xi32, #tpu.memory_space<hbm>> -> memref<128xi32, #tpu.memory_space<hbm>>
      %dma_wait3A_267 = tpu.memref_slice %arg2[%add3A_265] : memref<327680xi32, #tpu.memory_space<hbm>> -> memref<128xi32, #tpu.memory_space<hbm>>
      tpu.wait_dma2 semaphore(%arg20 : memref<!tpu.dma_semaphore, #tpu.memory_space<semaphore_mem>>) src(%dma_wait3A_267 : memref<128xi32, #tpu.memory_space<hbm>>) dst(%arg12 : memref<128xi32, #tpu.memory_space<vmem>>)
      %dma_start3A_268 = arith.constant 0 : i32
      %dma_start3A_269 = tpu.memref_slice %arg4[%dma_start3A_268] : memref<10240xf32, #tpu.memory_space<vmem_shared>> -> memref<10240xf32, #tpu.memory_space<vmem_shared>>
      tpu.enqueue_indirect_dma source(%arg6 : memref<128xf32, #tpu.memory_space<vmem>>) target(%dma_start3A_269 : memref<10240xf32, #tpu.memory_space<vmem_shared>>) offsets(%arg12 : memref<128xi32, #tpu.memory_space<vmem>>) semaphore(%arg24 : memref<!tpu.dma_semaphore, #tpu.memory_space<semaphore_mem>>) {add = true}
      %mul3A_270 = arith.constant 8 : i32
      %mul3A_271 = arith.muli %mul3A_270, %scan3A_135 : i32
      %add3A_272 = arith.constant 6 : i32
      %add3A_273 = arith.addi %mul3A_271, %add3A_272 : i32
      %ge3A_274 = arith.constant 4 : i32
      %ge3A_275 = arith.cmpi sge, %add3A_273, %ge3A_274 : i32
      %convert_element_type3A_276 = arith.extui %ge3A_275 : i1 to i32
      %cond3A_277 = arith.constant 0 : i32
      %cond3A_278 = arith.cmpi ne, %convert_element_type3A_276, %cond3A_277 : i32
      scf.if %cond3A_278 {
        %dma_wait3A_316 = arith.constant 0 : i32
        %dma_wait3A_317 = tpu.memref_slice %arg4[%dma_wait3A_316] : memref<10240xf32, #tpu.memory_space<vmem_shared>> -> memref<10240xf32, #tpu.memory_space<vmem_shared>>
        tpu.wait_indirect_dma semaphore(%arg25 : memref<!tpu.dma_semaphore, #tpu.memory_space<semaphore_mem>>) src(%arg6 : memref<128xf32, #tpu.memory_space<vmem>>) dst(%dma_wait3A_317 : memref<10240xf32, #tpu.memory_space<vmem_shared>>)
      } else {
      }
      %add3A_279 = arith.constant 4 : i32
      %add3A_280 = arith.addi %add3A_273, %add3A_279 : i32
      %lt3A_281 = arith.constant 80 : i32
      %lt3A_282 = arith.cmpi slt, %add3A_280, %lt3A_281 : i32
      %convert_element_type3A_283 = arith.extui %lt3A_282 : i1 to i32
      %cond3A_284 = arith.constant 0 : i32
      %cond3A_285 = arith.cmpi ne, %convert_element_type3A_283, %cond3A_284 : i32
      scf.if %cond3A_285 {
        %add3A_316 = arith.constant 4 : i32
        %add3A_317 = arith.addi %add3A_273, %add3A_316 : i32
        %mul3A_318 = arith.constant 128 : i32
        %mul3A_319 = arith.muli %add3A_317, %mul3A_318 : i32
        %add3A_320 = arith.addi %mul3A_96, %mul3A_319 : i32
        %dma_start3A_321 = tpu.memref_slice %arg2[%add3A_320] : memref<327680xi32, #tpu.memory_space<hbm>> -> memref<128xi32, #tpu.memory_space<hbm>>
        %dma_start3A_322 = tpu.memref_slice %arg2[%add3A_320] : memref<327680xi32, #tpu.memory_space<hbm>> -> memref<128xi32, #tpu.memory_space<hbm>>
        tpu.enqueue_dma source(%dma_start3A_322 : memref<128xi32, #tpu.memory_space<hbm>>) target(%arg9 : memref<128xi32, #tpu.memory_space<vmem>>) target_semaphore(%arg17 : memref<!tpu.dma_semaphore, #tpu.memory_space<semaphore_mem>>)
      } else {
      }
      %mul3A_286 = arith.constant 128 : i32
      %mul3A_287 = arith.muli %add3A_273, %mul3A_286 : i32
      %add3A_288 = arith.addi %mul3A_96, %mul3A_287 : i32
      %dma_wait3A_289 = tpu.memref_slice %arg2[%add3A_288] : memref<327680xi32, #tpu.memory_space<hbm>> -> memref<128xi32, #tpu.memory_space<hbm>>
      %dma_wait3A_290 = tpu.memref_slice %arg2[%add3A_288] : memref<327680xi32, #tpu.memory_space<hbm>> -> memref<128xi32, #tpu.memory_space<hbm>>
      tpu.wait_dma2 semaphore(%arg21 : memref<!tpu.dma_semaphore, #tpu.memory_space<semaphore_mem>>) src(%dma_wait3A_290 : memref<128xi32, #tpu.memory_space<hbm>>) dst(%arg13 : memref<128xi32, #tpu.memory_space<vmem>>)
      %dma_start3A_291 = arith.constant 0 : i32
      %dma_start3A_292 = tpu.memref_slice %arg4[%dma_start3A_291] : memref<10240xf32, #tpu.memory_space<vmem_shared>> -> memref<10240xf32, #tpu.memory_space<vmem_shared>>
      tpu.enqueue_indirect_dma source(%arg6 : memref<128xf32, #tpu.memory_space<vmem>>) target(%dma_start3A_292 : memref<10240xf32, #tpu.memory_space<vmem_shared>>) offsets(%arg13 : memref<128xi32, #tpu.memory_space<vmem>>) semaphore(%arg25 : memref<!tpu.dma_semaphore, #tpu.memory_space<semaphore_mem>>) {add = true}
      %mul3A_293 = arith.constant 8 : i32
      %mul3A_294 = arith.muli %mul3A_293, %scan3A_135 : i32
      %add3A_295 = arith.constant 7 : i32
      %add3A_296 = arith.addi %mul3A_294, %add3A_295 : i32
      %ge3A_297 = arith.constant 4 : i32
      %ge3A_298 = arith.cmpi sge, %add3A_296, %ge3A_297 : i32
      %convert_element_type3A_299 = arith.extui %ge3A_298 : i1 to i32
      %cond3A_300 = arith.constant 0 : i32
      %cond3A_301 = arith.cmpi ne, %convert_element_type3A_299, %cond3A_300 : i32
      scf.if %cond3A_301 {
        %dma_wait3A_316 = arith.constant 0 : i32
        %dma_wait3A_317 = tpu.memref_slice %arg4[%dma_wait3A_316] : memref<10240xf32, #tpu.memory_space<vmem_shared>> -> memref<10240xf32, #tpu.memory_space<vmem_shared>>
        tpu.wait_indirect_dma semaphore(%arg26 : memref<!tpu.dma_semaphore, #tpu.memory_space<semaphore_mem>>) src(%arg6 : memref<128xf32, #tpu.memory_space<vmem>>) dst(%dma_wait3A_317 : memref<10240xf32, #tpu.memory_space<vmem_shared>>)
      } else {
      }
      %add3A_302 = arith.constant 4 : i32
      %add3A_303 = arith.addi %add3A_296, %add3A_302 : i32
      %lt3A_304 = arith.constant 80 : i32
      %lt3A_305 = arith.cmpi slt, %add3A_303, %lt3A_304 : i32
      %convert_element_type3A_306 = arith.extui %lt3A_305 : i1 to i32
      %cond3A_307 = arith.constant 0 : i32
      %cond3A_308 = arith.cmpi ne, %convert_element_type3A_306, %cond3A_307 : i32
      scf.if %cond3A_308 {
        %add3A_316 = arith.constant 4 : i32
        %add3A_317 = arith.addi %add3A_296, %add3A_316 : i32
        %mul3A_318 = arith.constant 128 : i32
        %mul3A_319 = arith.muli %add3A_317, %mul3A_318 : i32
        %add3A_320 = arith.addi %mul3A_96, %mul3A_319 : i32
        %dma_start3A_321 = tpu.memref_slice %arg2[%add3A_320] : memref<327680xi32, #tpu.memory_space<hbm>> -> memref<128xi32, #tpu.memory_space<hbm>>
        %dma_start3A_322 = tpu.memref_slice %arg2[%add3A_320] : memref<327680xi32, #tpu.memory_space<hbm>> -> memref<128xi32, #tpu.memory_space<hbm>>
        tpu.enqueue_dma source(%dma_start3A_322 : memref<128xi32, #tpu.memory_space<hbm>>) target(%arg10 : memref<128xi32, #tpu.memory_space<vmem>>) target_semaphore(%arg18 : memref<!tpu.dma_semaphore, #tpu.memory_space<semaphore_mem>>)
      } else {
      }
      %mul3A_309 = arith.constant 128 : i32
      %mul3A_310 = arith.muli %add3A_296, %mul3A_309 : i32
      %add3A_311 = arith.addi %mul3A_96, %mul3A_310 : i32
      %dma_wait3A_312 = tpu.memref_slice %arg2[%add3A_311] : memref<327680xi32, #tpu.memory_space<hbm>> -> memref<128xi32, #tpu.memory_space<hbm>>
      %dma_wait3A_313 = tpu.memref_slice %arg2[%add3A_311] : memref<327680xi32, #tpu.memory_space<hbm>> -> memref<128xi32, #tpu.memory_space<hbm>>
      tpu.wait_dma2 semaphore(%arg22 : memref<!tpu.dma_semaphore, #tpu.memory_space<semaphore_mem>>) src(%dma_wait3A_313 : memref<128xi32, #tpu.memory_space<hbm>>) dst(%arg14 : memref<128xi32, #tpu.memory_space<vmem>>)
      %dma_start3A_314 = arith.constant 0 : i32
      %dma_start3A_315 = tpu.memref_slice %arg4[%dma_start3A_314] : memref<10240xf32, #tpu.memory_space<vmem_shared>> -> memref<10240xf32, #tpu.memory_space<vmem_shared>>
      tpu.enqueue_indirect_dma source(%arg6 : memref<128xf32, #tpu.memory_space<vmem>>) target(%dma_start3A_315 : memref<10240xf32, #tpu.memory_space<vmem_shared>>) offsets(%arg14 : memref<128xi32, #tpu.memory_space<vmem>>) semaphore(%arg26 : memref<!tpu.dma_semaphore, #tpu.memory_space<semaphore_mem>>) {add = true}
    }
    %scan3A_122 = arith.constant 10 : i32
    %dma_wait3A = arith.constant 0 : i32
    %dma_wait3A_123 = tpu.memref_slice %arg4[%dma_wait3A] : memref<10240xf32, #tpu.memory_space<vmem_shared>> -> memref<10240xf32, #tpu.memory_space<vmem_shared>>
    tpu.wait_indirect_dma semaphore(%arg23 : memref<!tpu.dma_semaphore, #tpu.memory_space<semaphore_mem>>) src(%arg6 : memref<128xf32, #tpu.memory_space<vmem>>) dst(%dma_wait3A_123 : memref<10240xf32, #tpu.memory_space<vmem_shared>>)
    %dma_wait3A_124 = arith.constant 0 : i32
    %dma_wait3A_125 = tpu.memref_slice %arg4[%dma_wait3A_124] : memref<10240xf32, #tpu.memory_space<vmem_shared>> -> memref<10240xf32, #tpu.memory_space<vmem_shared>>
    tpu.wait_indirect_dma semaphore(%arg24 : memref<!tpu.dma_semaphore, #tpu.memory_space<semaphore_mem>>) src(%arg6 : memref<128xf32, #tpu.memory_space<vmem>>) dst(%dma_wait3A_125 : memref<10240xf32, #tpu.memory_space<vmem_shared>>)
    %dma_wait3A_126 = arith.constant 0 : i32
    %dma_wait3A_127 = tpu.memref_slice %arg4[%dma_wait3A_126] : memref<10240xf32, #tpu.memory_space<vmem_shared>> -> memref<10240xf32, #tpu.memory_space<vmem_shared>>
    tpu.wait_indirect_dma semaphore(%arg25 : memref<!tpu.dma_semaphore, #tpu.memory_space<semaphore_mem>>) src(%arg6 : memref<128xf32, #tpu.memory_space<vmem>>) dst(%dma_wait3A_127 : memref<10240xf32, #tpu.memory_space<vmem_shared>>)
    %dma_wait3A_128 = arith.constant 0 : i32
    %dma_wait3A_129 = tpu.memref_slice %arg4[%dma_wait3A_128] : memref<10240xf32, #tpu.memory_space<vmem_shared>> -> memref<10240xf32, #tpu.memory_space<vmem_shared>>
    tpu.wait_indirect_dma semaphore(%arg26 : memref<!tpu.dma_semaphore, #tpu.memory_space<semaphore_mem>>) src(%arg6 : memref<128xf32, #tpu.memory_space<vmem>>) dst(%dma_wait3A_129 : memref<10240xf32, #tpu.memory_space<vmem_shared>>)
    %barrier3A_130 = arith.constant 0 : index
    tpu.barrier barrier_id(%barrier3A_130)
    %mul3A_131 = arith.constant 640 : i32
    %mul3A_132 = arith.muli %arg1, %mul3A_131 : i32
    %mul3A_133 = arith.constant 640 : i32
    %mul3A_134 = arith.muli %arg1, %mul3A_133 : i32
    "tpu.region"() ({
      %run_scoped3A = tpu.sem_alloc : memref<!tpu.dma_semaphore, #tpu.memory_space<semaphore_mem>>
      %dma_start3A_135 = tpu.memref_slice %arg3[%arg0, %mul3A_134] : memref<2x10240xf32, #tpu.memory_space<hbm>> -> memref<1x640xf32, #tpu.memory_space<hbm>>
      %dma_start3A_136 = tpu.memref_squeeze %dma_start3A_135 : memref<1x640xf32, #tpu.memory_space<hbm>> -> memref<640xf32, #tpu.memory_space<hbm>>
      %dma_start3A_137 = tpu.memref_slice %arg4[%mul3A_132] : memref<10240xf32, #tpu.memory_space<vmem_shared>> -> memref<640xf32, #tpu.memory_space<vmem_shared>>
      tpu.enqueue_dma source(%dma_start3A_137 : memref<640xf32, #tpu.memory_space<vmem_shared>>) target(%dma_start3A_136 : memref<640xf32, #tpu.memory_space<hbm>>) target_semaphore(%run_scoped3A : memref<!tpu.dma_semaphore, #tpu.memory_space<semaphore_mem>>)
      %dma_wait3A_138 = tpu.memref_slice %arg3[%arg0, %mul3A_134] : memref<2x10240xf32, #tpu.memory_space<hbm>> -> memref<1x640xf32, #tpu.memory_space<hbm>>
      %dma_wait3A_139 = tpu.memref_squeeze %dma_wait3A_138 : memref<1x640xf32, #tpu.memory_space<hbm>> -> memref<640xf32, #tpu.memory_space<hbm>>
      %dma_wait3A_140 = tpu.memref_slice %arg4[%mul3A_132] : memref<10240xf32, #tpu.memory_space<vmem_shared>> -> memref<640xf32, #tpu.memory_space<vmem_shared>>
      tpu.wait_dma2 semaphore(%run_scoped3A : memref<!tpu.dma_semaphore, #tpu.memory_space<semaphore_mem>>) src(%dma_wait3A_140 : memref<640xf32, #tpu.memory_space<vmem_shared>>) dst(%dma_wait3A_139 : memref<640xf32, #tpu.memory_space<hbm>>)
      tpu.yield
    }) : () -> ()
    return
  }
}

#map = affine_map<(d0, d1) -> (0)>
#map1 = affine_map<(d0, d1) -> (0, 0)>
#map2 = affine_map<(d0, d1) -> (0, 0, 0)>
module attributes {stable_mosaic.version = 14 : i64} {
  func.func @agg_kernel(%arg0: i32, %arg1: i32, %arg2: memref<327680xi32, #tpu.memory_space<hbm>>, %arg3: memref<327680xi32, #tpu.memory_space<hbm>>, %arg4: memref<10000x128xf32, #tpu.memory_space<hbm>>, %arg5: memref<2x10240x128xf32, #tpu.memory_space<hbm>>, %arg6: memref<10240x128xf32, #tpu.memory_space<vmem_shared>>, %arg7: memref<16x128xf32, #tpu.memory_space<vmem>>, %arg8: memref<128xi32, #tpu.memory_space<vmem>>, %arg9: memref<128xi32, #tpu.memory_space<vmem>>, %arg10: memref<128xi32, #tpu.memory_space<vmem>>, %arg11: memref<128xi32, #tpu.memory_space<vmem>>, %arg12: memref<128xi32, #tpu.memory_space<vmem>>, %arg13: memref<128xi32, #tpu.memory_space<vmem>>, %arg14: memref<128xi32, #tpu.memory_space<vmem>>, %arg15: memref<128xi32, #tpu.memory_space<vmem>>, %arg16: memref<128xi32, #tpu.memory_space<vmem>>, %arg17: memref<128xi32, #tpu.memory_space<vmem>>, %arg18: memref<128xi32, #tpu.memory_space<vmem>>, %arg19: memref<128xi32, #tpu.memory_space<vmem>>, %arg20: memref<128xi32, #tpu.memory_space<vmem>>, %arg21: memref<128xi32, #tpu.memory_space<vmem>>, %arg22: memref<128xi32, #tpu.memory_space<vmem>>, %arg23: memref<128xi32, #tpu.memory_space<vmem>>, %arg24: memref<128x128xf32, #tpu.memory_space<vmem>>, %arg25: memref<128x128xf32, #tpu.memory_space<vmem>>, %arg26: memref<!tpu.dma_semaphore, #tpu.memory_space<semaphore_mem>>, %arg27: memref<!tpu.dma_semaphore, #tpu.memory_space<semaphore_mem>>, %arg28: memref<!tpu.dma_semaphore, #tpu.memory_space<semaphore_mem>>, %arg29: memref<!tpu.dma_semaphore, #tpu.memory_space<semaphore_mem>>, %arg30: memref<!tpu.dma_semaphore, #tpu.memory_space<semaphore_mem>>, %arg31: memref<!tpu.dma_semaphore, #tpu.memory_space<semaphore_mem>>, %arg32: memref<!tpu.dma_semaphore, #tpu.memory_space<semaphore_mem>>, %arg33: memref<!tpu.dma_semaphore, #tpu.memory_space<semaphore_mem>>, %arg34: memref<!tpu.dma_semaphore, #tpu.memory_space<semaphore_mem>>, %arg35: memref<!tpu.dma_semaphore, #tpu.memory_space<semaphore_mem>>, %arg36: memref<!tpu.dma_semaphore, #tpu.memory_space<semaphore_mem>>, %arg37: memref<!tpu.dma_semaphore, #tpu.memory_space<semaphore_mem>>, %arg38: memref<!tpu.dma_semaphore, #tpu.memory_space<semaphore_mem>>, %arg39: memref<!tpu.dma_semaphore, #tpu.memory_space<semaphore_mem>>, %arg40: memref<!tpu.dma_semaphore, #tpu.memory_space<semaphore_mem>>, %arg41: memref<!tpu.dma_semaphore, #tpu.memory_space<semaphore_mem>>, %arg42: memref<!tpu.dma_semaphore, #tpu.memory_space<semaphore_mem>>, %arg43: memref<!tpu.dma_semaphore, #tpu.memory_space<semaphore_mem>>, %arg44: memref<!tpu.dma_semaphore, #tpu.memory_space<semaphore_mem>>, %arg45: memref<!tpu.dma_semaphore, #tpu.memory_space<semaphore_mem>>, %arg46: memref<!tpu.dma_semaphore, #tpu.memory_space<semaphore_mem>>) attributes {dimension_semantics = [#tpu.dimension_semantics<core_parallel>, #tpu.dimension_semantics<subcore_parallel>], iteration_bounds = array<i64: 2, 16>, scalar_prefetch = 0 : i64, scratch_operands = 41 : i64, tpu.core_type = #tpu.core_type<sc_vector_subcore>, window_params = [{transform_indices = #map}, {transform_indices = #map}, {transform_indices = #map1}, {transform_indices = #map2}]} {
    %broadcast_in_dim3A = arith.constant 0.000000e+00 : f32
    %broadcast_in_dim3A_0 = vector.broadcast %broadcast_in_dim3A : f32 to vector<16xf32>
    %swap3A = arith.constant 0 : i32
    %swap3A_1 = arith.index_cast %swap3A : i32 to index
    %swap3A_2 = arith.constant 0 : index
    %swap3A_3 = tpu.vector_load %arg7[%swap3A_1, %swap3A_2] {strides = array<i32>} : memref<16x128xf32, #tpu.memory_space<vmem>>, vector<1x16xf32>,
    %swap3A_4 = vector.shape_cast %swap3A_3 : vector<1x16xf32> to vector<16xf32>
    %swap3A_5 = vector.shape_cast %broadcast_in_dim3A_0 : vector<16xf32> to vector<1x16xf32>
    tpu.vector_store %arg7[%swap3A_1, %swap3A_2], %swap3A_5 {strides = array<i32>} : memref<16x128xf32, #tpu.memory_space<vmem>>, vector<1x16xf32>,
    %broadcast_in_dim3A_6 = arith.constant 0.000000e+00 : f32
    %broadcast_in_dim3A_7 = vector.broadcast %broadcast_in_dim3A_6 : f32 to vector<16xf32>
    %swap3A_8 = arith.constant 0 : i32
    %swap3A_9 = arith.index_cast %swap3A_8 : i32 to index
    %swap3A_10 = arith.constant 16 : index
    %swap3A_11 = tpu.vector_load %arg7[%swap3A_9, %swap3A_10] {strides = array<i32>} : memref<16x128xf32, #tpu.memory_space<vmem>>, vector<1x16xf32>,
    %swap3A_12 = vector.shape_cast %swap3A_11 : vector<1x16xf32> to vector<16xf32>
    %swap3A_13 = vector.shape_cast %broadcast_in_dim3A_7 : vector<16xf32> to vector<1x16xf32>
    tpu.vector_store %arg7[%swap3A_9, %swap3A_10], %swap3A_13 {strides = array<i32>} : memref<16x128xf32, #tpu.memory_space<vmem>>, vector<1x16xf32>,
    %broadcast_in_dim3A_14 = arith.constant 0.000000e+00 : f32
    %broadcast_in_dim3A_15 = vector.broadcast %broadcast_in_dim3A_14 : f32 to vector<16xf32>
    %swap3A_16 = arith.constant 0 : i32
    %swap3A_17 = arith.index_cast %swap3A_16 : i32 to index
    %swap3A_18 = arith.constant 32 : index
    %swap3A_19 = tpu.vector_load %arg7[%swap3A_17, %swap3A_18] {strides = array<i32>} : memref<16x128xf32, #tpu.memory_space<vmem>>, vector<1x16xf32>,
    %swap3A_20 = vector.shape_cast %swap3A_19 : vector<1x16xf32> to vector<16xf32>
    %swap3A_21 = vector.shape_cast %broadcast_in_dim3A_15 : vector<16xf32> to vector<1x16xf32>
    tpu.vector_store %arg7[%swap3A_17, %swap3A_18], %swap3A_21 {strides = array<i32>} : memref<16x128xf32, #tpu.memory_space<vmem>>, vector<1x16xf32>,
    %broadcast_in_dim3A_22 = arith.constant 0.000000e+00 : f32
    %broadcast_in_dim3A_23 = vector.broadcast %broadcast_in_dim3A_22 : f32 to vector<16xf32>
    %swap3A_24 = arith.constant 0 : i32
    %swap3A_25 = arith.index_cast %swap3A_24 : i32 to index
    %swap3A_26 = arith.constant 48 : index
    %swap3A_27 = tpu.vector_load %arg7[%swap3A_25, %swap3A_26] {strides = array<i32>} : memref<16x128xf32, #tpu.memory_space<vmem>>, vector<1x16xf32>,
    %swap3A_28 = vector.shape_cast %swap3A_27 : vector<1x16xf32> to vector<16xf32>
    %swap3A_29 = vector.shape_cast %broadcast_in_dim3A_23 : vector<16xf32> to vector<1x16xf32>
    tpu.vector_store %arg7[%swap3A_25, %swap3A_26], %swap3A_29 {strides = array<i32>} : memref<16x128xf32, #tpu.memory_space<vmem>>, vector<1x16xf32>,
    %broadcast_in_dim3A_30 = arith.constant 0.000000e+00 : f32
    %broadcast_in_dim3A_31 = vector.broadcast %broadcast_in_dim3A_30 : f32 to vector<16xf32>
    %swap3A_32 = arith.constant 0 : i32
    %swap3A_33 = arith.index_cast %swap3A_32 : i32 to index
    %swap3A_34 = arith.constant 64 : index
    %swap3A_35 = tpu.vector_load %arg7[%swap3A_33, %swap3A_34] {strides = array<i32>} : memref<16x128xf32, #tpu.memory_space<vmem>>, vector<1x16xf32>,
    %swap3A_36 = vector.shape_cast %swap3A_35 : vector<1x16xf32> to vector<16xf32>
    %swap3A_37 = vector.shape_cast %broadcast_in_dim3A_31 : vector<16xf32> to vector<1x16xf32>
    tpu.vector_store %arg7[%swap3A_33, %swap3A_34], %swap3A_37 {strides = array<i32>} : memref<16x128xf32, #tpu.memory_space<vmem>>, vector<1x16xf32>,
    %broadcast_in_dim3A_38 = arith.constant 0.000000e+00 : f32
    %broadcast_in_dim3A_39 = vector.broadcast %broadcast_in_dim3A_38 : f32 to vector<16xf32>
    %swap3A_40 = arith.constant 0 : i32
    %swap3A_41 = arith.index_cast %swap3A_40 : i32 to index
    %swap3A_42 = arith.constant 80 : index
    %swap3A_43 = tpu.vector_load %arg7[%swap3A_41, %swap3A_42] {strides = array<i32>} : memref<16x128xf32, #tpu.memory_space<vmem>>, vector<1x16xf32>,
    %swap3A_44 = vector.shape_cast %swap3A_43 : vector<1x16xf32> to vector<16xf32>
    %swap3A_45 = vector.shape_cast %broadcast_in_dim3A_39 : vector<16xf32> to vector<1x16xf32>
    tpu.vector_store %arg7[%swap3A_41, %swap3A_42], %swap3A_45 {strides = array<i32>} : memref<16x128xf32, #tpu.memory_space<vmem>>, vector<1x16xf32>,
    %broadcast_in_dim3A_46 = arith.constant 0.000000e+00 : f32
    %broadcast_in_dim3A_47 = vector.broadcast %broadcast_in_dim3A_46 : f32 to vector<16xf32>
    %swap3A_48 = arith.constant 0 : i32
    %swap3A_49 = arith.index_cast %swap3A_48 : i32 to index
    %swap3A_50 = arith.constant 96 : index
    %swap3A_51 = tpu.vector_load %arg7[%swap3A_49, %swap3A_50] {strides = array<i32>} : memref<16x128xf32, #tpu.memory_space<vmem>>, vector<1x16xf32>,
    %swap3A_52 = vector.shape_cast %swap3A_51 : vector<1x16xf32> to vector<16xf32>
    %swap3A_53 = vector.shape_cast %broadcast_in_dim3A_47 : vector<16xf32> to vector<1x16xf32>
    tpu.vector_store %arg7[%swap3A_49, %swap3A_50], %swap3A_53 {strides = array<i32>} : memref<16x128xf32, #tpu.memory_space<vmem>>, vector<1x16xf32>,
    %broadcast_in_dim3A_54 = arith.constant 0.000000e+00 : f32
    %broadcast_in_dim3A_55 = vector.broadcast %broadcast_in_dim3A_54 : f32 to vector<16xf32>
    %swap3A_56 = arith.constant 0 : i32
    %swap3A_57 = arith.index_cast %swap3A_56 : i32 to index
    %swap3A_58 = arith.constant 112 : index
    %swap3A_59 = tpu.vector_load %arg7[%swap3A_57, %swap3A_58] {strides = array<i32>} : memref<16x128xf32, #tpu.memory_space<vmem>>, vector<1x16xf32>,
    %swap3A_60 = vector.shape_cast %swap3A_59 : vector<1x16xf32> to vector<16xf32>
    %swap3A_61 = vector.shape_cast %broadcast_in_dim3A_55 : vector<16xf32> to vector<1x16xf32>
    tpu.vector_store %arg7[%swap3A_57, %swap3A_58], %swap3A_61 {strides = array<i32>} : memref<16x128xf32, #tpu.memory_space<vmem>>, vector<1x16xf32>,
    %broadcast_in_dim3A_62 = arith.constant 0.000000e+00 : f32
    %broadcast_in_dim3A_63 = vector.broadcast %broadcast_in_dim3A_62 : f32 to vector<16xf32>
    %swap3A_64 = arith.constant 1 : i32
    %swap3A_65 = arith.index_cast %swap3A_64 : i32 to index
    %swap3A_66 = arith.constant 0 : index
    %swap3A_67 = tpu.vector_load %arg7[%swap3A_65, %swap3A_66] {strides = array<i32>} : memref<16x128xf32, #tpu.memory_space<vmem>>, vector<1x16xf32>,
    %swap3A_68 = vector.shape_cast %swap3A_67 : vector<1x16xf32> to vector<16xf32>
    %swap3A_69 = vector.shape_cast %broadcast_in_dim3A_63 : vector<16xf32> to vector<1x16xf32>
    tpu.vector_store %arg7[%swap3A_65, %swap3A_66], %swap3A_69 {strides = array<i32>} : memref<16x128xf32, #tpu.memory_space<vmem>>, vector<1x16xf32>,
    %broadcast_in_dim3A_70 = arith.constant 0.000000e+00 : f32
    %broadcast_in_dim3A_71 = vector.broadcast %broadcast_in_dim3A_70 : f32 to vector<16xf32>
    %swap3A_72 = arith.constant 1 : i32
    %swap3A_73 = arith.index_cast %swap3A_72 : i32 to index
    %swap3A_74 = arith.constant 16 : index
    %swap3A_75 = tpu.vector_load %arg7[%swap3A_73, %swap3A_74] {strides = array<i32>} : memref<16x128xf32, #tpu.memory_space<vmem>>, vector<1x16xf32>,
    %swap3A_76 = vector.shape_cast %swap3A_75 : vector<1x16xf32> to vector<16xf32>
    %swap3A_77 = vector.shape_cast %broadcast_in_dim3A_71 : vector<16xf32> to vector<1x16xf32>
    tpu.vector_store %arg7[%swap3A_73, %swap3A_74], %swap3A_77 {strides = array<i32>} : memref<16x128xf32, #tpu.memory_space<vmem>>, vector<1x16xf32>,
    %broadcast_in_dim3A_78 = arith.constant 0.000000e+00 : f32
    %broadcast_in_dim3A_79 = vector.broadcast %broadcast_in_dim3A_78 : f32 to vector<16xf32>
    %swap3A_80 = arith.constant 1 : i32
    %swap3A_81 = arith.index_cast %swap3A_80 : i32 to index
    %swap3A_82 = arith.constant 32 : index
    %swap3A_83 = tpu.vector_load %arg7[%swap3A_81, %swap3A_82] {strides = array<i32>} : memref<16x128xf32, #tpu.memory_space<vmem>>, vector<1x16xf32>,
    %swap3A_84 = vector.shape_cast %swap3A_83 : vector<1x16xf32> to vector<16xf32>
    %swap3A_85 = vector.shape_cast %broadcast_in_dim3A_79 : vector<16xf32> to vector<1x16xf32>
    tpu.vector_store %arg7[%swap3A_81, %swap3A_82], %swap3A_85 {strides = array<i32>} : memref<16x128xf32, #tpu.memory_space<vmem>>, vector<1x16xf32>,
    %broadcast_in_dim3A_86 = arith.constant 0.000000e+00 : f32
    %broadcast_in_dim3A_87 = vector.broadcast %broadcast_in_dim3A_86 : f32 to vector<16xf32>
    %swap3A_88 = arith.constant 1 : i32
    %swap3A_89 = arith.index_cast %swap3A_88 : i32 to index
    %swap3A_90 = arith.constant 48 : index
    %swap3A_91 = tpu.vector_load %arg7[%swap3A_89, %swap3A_90] {strides = array<i32>} : memref<16x128xf32, #tpu.memory_space<vmem>>, vector<1x16xf32>,
    %swap3A_92 = vector.shape_cast %swap3A_91 : vector<1x16xf32> to vector<16xf32>
    %swap3A_93 = vector.shape_cast %broadcast_in_dim3A_87 : vector<16xf32> to vector<1x16xf32>
    tpu.vector_store %arg7[%swap3A_89, %swap3A_90], %swap3A_93 {strides = array<i32>} : memref<16x128xf32, #tpu.memory_space<vmem>>, vector<1x16xf32>,
    %broadcast_in_dim3A_94 = arith.constant 0.000000e+00 : f32
    %broadcast_in_dim3A_95 = vector.broadcast %broadcast_in_dim3A_94 : f32 to vector<16xf32>
    %swap3A_96 = arith.constant 1 : i32
    %swap3A_97 = arith.index_cast %swap3A_96 : i32 to index
    %swap3A_98 = arith.constant 64 : index
    %swap3A_99 = tpu.vector_load %arg7[%swap3A_97, %swap3A_98] {strides = array<i32>} : memref<16x128xf32, #tpu.memory_space<vmem>>, vector<1x16xf32>,
    %swap3A_100 = vector.shape_cast %swap3A_99 : vector<1x16xf32> to vector<16xf32>
    %swap3A_101 = vector.shape_cast %broadcast_in_dim3A_95 : vector<16xf32> to vector<1x16xf32>
    tpu.vector_store %arg7[%swap3A_97, %swap3A_98], %swap3A_101 {strides = array<i32>} : memref<16x128xf32, #tpu.memory_space<vmem>>, vector<1x16xf32>,
    %broadcast_in_dim3A_102 = arith.constant 0.000000e+00 : f32
    %broadcast_in_dim3A_103 = vector.broadcast %broadcast_in_dim3A_102 : f32 to vector<16xf32>
    %swap3A_104 = arith.constant 1 : i32
    %swap3A_105 = arith.index_cast %swap3A_104 : i32 to index
    %swap3A_106 = arith.constant 80 : index
    %swap3A_107 = tpu.vector_load %arg7[%swap3A_105, %swap3A_106] {strides = array<i32>} : memref<16x128xf32, #tpu.memory_space<vmem>>, vector<1x16xf32>,
    %swap3A_108 = vector.shape_cast %swap3A_107 : vector<1x16xf32> to vector<16xf32>
    %swap3A_109 = vector.shape_cast %broadcast_in_dim3A_103 : vector<16xf32> to vector<1x16xf32>
    tpu.vector_store %arg7[%swap3A_105, %swap3A_106], %swap3A_109 {strides = array<i32>} : memref<16x128xf32, #tpu.memory_space<vmem>>, vector<1x16xf32>,
    %broadcast_in_dim3A_110 = arith.constant 0.000000e+00 : f32
    %broadcast_in_dim3A_111 = vector.broadcast %broadcast_in_dim3A_110 : f32 to vector<16xf32>
    %swap3A_112 = arith.constant 1 : i32
    %swap3A_113 = arith.index_cast %swap3A_112 : i32 to index
    %swap3A_114 = arith.constant 96 : index
    %swap3A_115 = tpu.vector_load %arg7[%swap3A_113, %swap3A_114] {strides = array<i32>} : memref<16x128xf32, #tpu.memory_space<vmem>>, vector<1x16xf32>,
    %swap3A_116 = vector.shape_cast %swap3A_115 : vector<1x16xf32> to vector<16xf32>
    %swap3A_117 = vector.shape_cast %broadcast_in_dim3A_111 : vector<16xf32> to vector<1x16xf32>
    tpu.vector_store %arg7[%swap3A_113, %swap3A_114], %swap3A_117 {strides = array<i32>} : memref<16x128xf32, #tpu.memory_space<vmem>>, vector<1x16xf32>,
    %broadcast_in_dim3A_118 = arith.constant 0.000000e+00 : f32
    %broadcast_in_dim3A_119 = vector.broadcast %broadcast_in_dim3A_118 : f32 to vector<16xf32>
    %swap3A_120 = arith.constant 1 : i32
    %swap3A_121 = arith.index_cast %swap3A_120 : i32 to index
    %swap3A_122 = arith.constant 112 : index
    %swap3A_123 = tpu.vector_load %arg7[%swap3A_121, %swap3A_122] {strides = array<i32>} : memref<16x128xf32, #tpu.memory_space<vmem>>, vector<1x16xf32>,
    %swap3A_124 = vector.shape_cast %swap3A_123 : vector<1x16xf32> to vector<16xf32>
    %swap3A_125 = vector.shape_cast %broadcast_in_dim3A_119 : vector<16xf32> to vector<1x16xf32>
    tpu.vector_store %arg7[%swap3A_121, %swap3A_122], %swap3A_125 {strides = array<i32>} : memref<16x128xf32, #tpu.memory_space<vmem>>, vector<1x16xf32>,
    %broadcast_in_dim3A_126 = arith.constant 0.000000e+00 : f32
    %broadcast_in_dim3A_127 = vector.broadcast %broadcast_in_dim3A_126 : f32 to vector<16xf32>
    %swap3A_128 = arith.constant 2 : i32
    %swap3A_129 = arith.index_cast %swap3A_128 : i32 to index
    %swap3A_130 = arith.constant 0 : index
    %swap3A_131 = tpu.vector_load %arg7[%swap3A_129, %swap3A_130] {strides = array<i32>} : memref<16x128xf32, #tpu.memory_space<vmem>>, vector<1x16xf32>,
    %swap3A_132 = vector.shape_cast %swap3A_131 : vector<1x16xf32> to vector<16xf32>
    %swap3A_133 = vector.shape_cast %broadcast_in_dim3A_127 : vector<16xf32> to vector<1x16xf32>
    tpu.vector_store %arg7[%swap3A_129, %swap3A_130], %swap3A_133 {strides = array<i32>} : memref<16x128xf32, #tpu.memory_space<vmem>>, vector<1x16xf32>,
    %broadcast_in_dim3A_134 = arith.constant 0.000000e+00 : f32
    %broadcast_in_dim3A_135 = vector.broadcast %broadcast_in_dim3A_134 : f32 to vector<16xf32>
    %swap3A_136 = arith.constant 2 : i32
    %swap3A_137 = arith.index_cast %swap3A_136 : i32 to index
    %swap3A_138 = arith.constant 16 : index
    %swap3A_139 = tpu.vector_load %arg7[%swap3A_137, %swap3A_138] {strides = array<i32>} : memref<16x128xf32, #tpu.memory_space<vmem>>, vector<1x16xf32>,
    %swap3A_140 = vector.shape_cast %swap3A_139 : vector<1x16xf32> to vector<16xf32>
    %swap3A_141 = vector.shape_cast %broadcast_in_dim3A_135 : vector<16xf32> to vector<1x16xf32>
    tpu.vector_store %arg7[%swap3A_137, %swap3A_138], %swap3A_141 {strides = array<i32>} : memref<16x128xf32, #tpu.memory_space<vmem>>, vector<1x16xf32>,
    %broadcast_in_dim3A_142 = arith.constant 0.000000e+00 : f32
    %broadcast_in_dim3A_143 = vector.broadcast %broadcast_in_dim3A_142 : f32 to vector<16xf32>
    %swap3A_144 = arith.constant 2 : i32
    %swap3A_145 = arith.index_cast %swap3A_144 : i32 to index
    %swap3A_146 = arith.constant 32 : index
    %swap3A_147 = tpu.vector_load %arg7[%swap3A_145, %swap3A_146] {strides = array<i32>} : memref<16x128xf32, #tpu.memory_space<vmem>>, vector<1x16xf32>,
    %swap3A_148 = vector.shape_cast %swap3A_147 : vector<1x16xf32> to vector<16xf32>
    %swap3A_149 = vector.shape_cast %broadcast_in_dim3A_143 : vector<16xf32> to vector<1x16xf32>
    tpu.vector_store %arg7[%swap3A_145, %swap3A_146], %swap3A_149 {strides = array<i32>} : memref<16x128xf32, #tpu.memory_space<vmem>>, vector<1x16xf32>,
    %broadcast_in_dim3A_150 = arith.constant 0.000000e+00 : f32
    %broadcast_in_dim3A_151 = vector.broadcast %broadcast_in_dim3A_150 : f32 to vector<16xf32>
    %swap3A_152 = arith.constant 2 : i32
    %swap3A_153 = arith.index_cast %swap3A_152 : i32 to index
    %swap3A_154 = arith.constant 48 : index
    %swap3A_155 = tpu.vector_load %arg7[%swap3A_153, %swap3A_154] {strides = array<i32>} : memref<16x128xf32, #tpu.memory_space<vmem>>, vector<1x16xf32>,
    %swap3A_156 = vector.shape_cast %swap3A_155 : vector<1x16xf32> to vector<16xf32>
    %swap3A_157 = vector.shape_cast %broadcast_in_dim3A_151 : vector<16xf32> to vector<1x16xf32>
    tpu.vector_store %arg7[%swap3A_153, %swap3A_154], %swap3A_157 {strides = array<i32>} : memref<16x128xf32, #tpu.memory_space<vmem>>, vector<1x16xf32>,
    %broadcast_in_dim3A_158 = arith.constant 0.000000e+00 : f32
    %broadcast_in_dim3A_159 = vector.broadcast %broadcast_in_dim3A_158 : f32 to vector<16xf32>
    %swap3A_160 = arith.constant 2 : i32
    %swap3A_161 = arith.index_cast %swap3A_160 : i32 to index
    %swap3A_162 = arith.constant 64 : index
    %swap3A_163 = tpu.vector_load %arg7[%swap3A_161, %swap3A_162] {strides = array<i32>} : memref<16x128xf32, #tpu.memory_space<vmem>>, vector<1x16xf32>,
    %swap3A_164 = vector.shape_cast %swap3A_163 : vector<1x16xf32> to vector<16xf32>
    %swap3A_165 = vector.shape_cast %broadcast_in_dim3A_159 : vector<16xf32> to vector<1x16xf32>
    tpu.vector_store %arg7[%swap3A_161, %swap3A_162], %swap3A_165 {strides = array<i32>} : memref<16x128xf32, #tpu.memory_space<vmem>>, vector<1x16xf32>,
    %broadcast_in_dim3A_166 = arith.constant 0.000000e+00 : f32
    %broadcast_in_dim3A_167 = vector.broadcast %broadcast_in_dim3A_166 : f32 to vector<16xf32>
    %swap3A_168 = arith.constant 2 : i32
    %swap3A_169 = arith.index_cast %swap3A_168 : i32 to index
    %swap3A_170 = arith.constant 80 : index
    %swap3A_171 = tpu.vector_load %arg7[%swap3A_169, %swap3A_170] {strides = array<i32>} : memref<16x128xf32, #tpu.memory_space<vmem>>, vector<1x16xf32>,
    %swap3A_172 = vector.shape_cast %swap3A_171 : vector<1x16xf32> to vector<16xf32>
    %swap3A_173 = vector.shape_cast %broadcast_in_dim3A_167 : vector<16xf32> to vector<1x16xf32>
    tpu.vector_store %arg7[%swap3A_169, %swap3A_170], %swap3A_173 {strides = array<i32>} : memref<16x128xf32, #tpu.memory_space<vmem>>, vector<1x16xf32>,
    %broadcast_in_dim3A_174 = arith.constant 0.000000e+00 : f32
    %broadcast_in_dim3A_175 = vector.broadcast %broadcast_in_dim3A_174 : f32 to vector<16xf32>
    %swap3A_176 = arith.constant 2 : i32
    %swap3A_177 = arith.index_cast %swap3A_176 : i32 to index
    %swap3A_178 = arith.constant 96 : index
    %swap3A_179 = tpu.vector_load %arg7[%swap3A_177, %swap3A_178] {strides = array<i32>} : memref<16x128xf32, #tpu.memory_space<vmem>>, vector<1x16xf32>,
    %swap3A_180 = vector.shape_cast %swap3A_179 : vector<1x16xf32> to vector<16xf32>
    %swap3A_181 = vector.shape_cast %broadcast_in_dim3A_175 : vector<16xf32> to vector<1x16xf32>
    tpu.vector_store %arg7[%swap3A_177, %swap3A_178], %swap3A_181 {strides = array<i32>} : memref<16x128xf32, #tpu.memory_space<vmem>>, vector<1x16xf32>,
    %broadcast_in_dim3A_182 = arith.constant 0.000000e+00 : f32
    %broadcast_in_dim3A_183 = vector.broadcast %broadcast_in_dim3A_182 : f32 to vector<16xf32>
    %swap3A_184 = arith.constant 2 : i32
    %swap3A_185 = arith.index_cast %swap3A_184 : i32 to index
    %swap3A_186 = arith.constant 112 : index
    %swap3A_187 = tpu.vector_load %arg7[%swap3A_185, %swap3A_186] {strides = array<i32>} : memref<16x128xf32, #tpu.memory_space<vmem>>, vector<1x16xf32>,
    %swap3A_188 = vector.shape_cast %swap3A_187 : vector<1x16xf32> to vector<16xf32>
    %swap3A_189 = vector.shape_cast %broadcast_in_dim3A_183 : vector<16xf32> to vector<1x16xf32>
    tpu.vector_store %arg7[%swap3A_185, %swap3A_186], %swap3A_189 {strides = array<i32>} : memref<16x128xf32, #tpu.memory_space<vmem>>, vector<1x16xf32>,
    %broadcast_in_dim3A_190 = arith.constant 0.000000e+00 : f32
    %broadcast_in_dim3A_191 = vector.broadcast %broadcast_in_dim3A_190 : f32 to vector<16xf32>
    %swap3A_192 = arith.constant 3 : i32
    %swap3A_193 = arith.index_cast %swap3A_192 : i32 to index
    %swap3A_194 = arith.constant 0 : index
    %swap3A_195 = tpu.vector_load %arg7[%swap3A_193, %swap3A_194] {strides = array<i32>} : memref<16x128xf32, #tpu.memory_space<vmem>>, vector<1x16xf32>,
    %swap3A_196 = vector.shape_cast %swap3A_195 : vector<1x16xf32> to vector<16xf32>
    %swap3A_197 = vector.shape_cast %broadcast_in_dim3A_191 : vector<16xf32> to vector<1x16xf32>
    tpu.vector_store %arg7[%swap3A_193, %swap3A_194], %swap3A_197 {strides = array<i32>} : memref<16x128xf32, #tpu.memory_space<vmem>>, vector<1x16xf32>,
    %broadcast_in_dim3A_198 = arith.constant 0.000000e+00 : f32
    %broadcast_in_dim3A_199 = vector.broadcast %broadcast_in_dim3A_198 : f32 to vector<16xf32>
    %swap3A_200 = arith.constant 3 : i32
    %swap3A_201 = arith.index_cast %swap3A_200 : i32 to index
    %swap3A_202 = arith.constant 16 : index
    %swap3A_203 = tpu.vector_load %arg7[%swap3A_201, %swap3A_202] {strides = array<i32>} : memref<16x128xf32, #tpu.memory_space<vmem>>, vector<1x16xf32>,
    %swap3A_204 = vector.shape_cast %swap3A_203 : vector<1x16xf32> to vector<16xf32>
    %swap3A_205 = vector.shape_cast %broadcast_in_dim3A_199 : vector<16xf32> to vector<1x16xf32>
    tpu.vector_store %arg7[%swap3A_201, %swap3A_202], %swap3A_205 {strides = array<i32>} : memref<16x128xf32, #tpu.memory_space<vmem>>, vector<1x16xf32>,
    %broadcast_in_dim3A_206 = arith.constant 0.000000e+00 : f32
    %broadcast_in_dim3A_207 = vector.broadcast %broadcast_in_dim3A_206 : f32 to vector<16xf32>
    %swap3A_208 = arith.constant 3 : i32
    %swap3A_209 = arith.index_cast %swap3A_208 : i32 to index
    %swap3A_210 = arith.constant 32 : index
    %swap3A_211 = tpu.vector_load %arg7[%swap3A_209, %swap3A_210] {strides = array<i32>} : memref<16x128xf32, #tpu.memory_space<vmem>>, vector<1x16xf32>,
    %swap3A_212 = vector.shape_cast %swap3A_211 : vector<1x16xf32> to vector<16xf32>
    %swap3A_213 = vector.shape_cast %broadcast_in_dim3A_207 : vector<16xf32> to vector<1x16xf32>
    tpu.vector_store %arg7[%swap3A_209, %swap3A_210], %swap3A_213 {strides = array<i32>} : memref<16x128xf32, #tpu.memory_space<vmem>>, vector<1x16xf32>,
    %broadcast_in_dim3A_214 = arith.constant 0.000000e+00 : f32
    %broadcast_in_dim3A_215 = vector.broadcast %broadcast_in_dim3A_214 : f32 to vector<16xf32>
    %swap3A_216 = arith.constant 3 : i32
    %swap3A_217 = arith.index_cast %swap3A_216 : i32 to index
    %swap3A_218 = arith.constant 48 : index
    %swap3A_219 = tpu.vector_load %arg7[%swap3A_217, %swap3A_218] {strides = array<i32>} : memref<16x128xf32, #tpu.memory_space<vmem>>, vector<1x16xf32>,
    %swap3A_220 = vector.shape_cast %swap3A_219 : vector<1x16xf32> to vector<16xf32>
    %swap3A_221 = vector.shape_cast %broadcast_in_dim3A_215 : vector<16xf32> to vector<1x16xf32>
    tpu.vector_store %arg7[%swap3A_217, %swap3A_218], %swap3A_221 {strides = array<i32>} : memref<16x128xf32, #tpu.memory_space<vmem>>, vector<1x16xf32>,
    %broadcast_in_dim3A_222 = arith.constant 0.000000e+00 : f32
    %broadcast_in_dim3A_223 = vector.broadcast %broadcast_in_dim3A_222 : f32 to vector<16xf32>
    %swap3A_224 = arith.constant 3 : i32
    %swap3A_225 = arith.index_cast %swap3A_224 : i32 to index
    %swap3A_226 = arith.constant 64 : index
    %swap3A_227 = tpu.vector_load %arg7[%swap3A_225, %swap3A_226] {strides = array<i32>} : memref<16x128xf32, #tpu.memory_space<vmem>>, vector<1x16xf32>,
    %swap3A_228 = vector.shape_cast %swap3A_227 : vector<1x16xf32> to vector<16xf32>
    %swap3A_229 = vector.shape_cast %broadcast_in_dim3A_223 : vector<16xf32> to vector<1x16xf32>
    tpu.vector_store %arg7[%swap3A_225, %swap3A_226], %swap3A_229 {strides = array<i32>} : memref<16x128xf32, #tpu.memory_space<vmem>>, vector<1x16xf32>,
    %broadcast_in_dim3A_230 = arith.constant 0.000000e+00 : f32
    %broadcast_in_dim3A_231 = vector.broadcast %broadcast_in_dim3A_230 : f32 to vector<16xf32>
    %swap3A_232 = arith.constant 3 : i32
    %swap3A_233 = arith.index_cast %swap3A_232 : i32 to index
    %swap3A_234 = arith.constant 80 : index
    %swap3A_235 = tpu.vector_load %arg7[%swap3A_233, %swap3A_234] {strides = array<i32>} : memref<16x128xf32, #tpu.memory_space<vmem>>, vector<1x16xf32>,
    %swap3A_236 = vector.shape_cast %swap3A_235 : vector<1x16xf32> to vector<16xf32>
    %swap3A_237 = vector.shape_cast %broadcast_in_dim3A_231 : vector<16xf32> to vector<1x16xf32>
    tpu.vector_store %arg7[%swap3A_233, %swap3A_234], %swap3A_237 {strides = array<i32>} : memref<16x128xf32, #tpu.memory_space<vmem>>, vector<1x16xf32>,
    %broadcast_in_dim3A_238 = arith.constant 0.000000e+00 : f32
    %broadcast_in_dim3A_239 = vector.broadcast %broadcast_in_dim3A_238 : f32 to vector<16xf32>
    %swap3A_240 = arith.constant 3 : i32
    %swap3A_241 = arith.index_cast %swap3A_240 : i32 to index
    %swap3A_242 = arith.constant 96 : index
    %swap3A_243 = tpu.vector_load %arg7[%swap3A_241, %swap3A_242] {strides = array<i32>} : memref<16x128xf32, #tpu.memory_space<vmem>>, vector<1x16xf32>,
    %swap3A_244 = vector.shape_cast %swap3A_243 : vector<1x16xf32> to vector<16xf32>
    %swap3A_245 = vector.shape_cast %broadcast_in_dim3A_239 : vector<16xf32> to vector<1x16xf32>
    tpu.vector_store %arg7[%swap3A_241, %swap3A_242], %swap3A_245 {strides = array<i32>} : memref<16x128xf32, #tpu.memory_space<vmem>>, vector<1x16xf32>,
    %broadcast_in_dim3A_246 = arith.constant 0.000000e+00 : f32
    %broadcast_in_dim3A_247 = vector.broadcast %broadcast_in_dim3A_246 : f32 to vector<16xf32>
    %swap3A_248 = arith.constant 3 : i32
    %swap3A_249 = arith.index_cast %swap3A_248 : i32 to index
    %swap3A_250 = arith.constant 112 : index
    %swap3A_251 = tpu.vector_load %arg7[%swap3A_249, %swap3A_250] {strides = array<i32>} : memref<16x128xf32, #tpu.memory_space<vmem>>, vector<1x16xf32>,
    %swap3A_252 = vector.shape_cast %swap3A_251 : vector<1x16xf32> to vector<16xf32>
    %swap3A_253 = vector.shape_cast %broadcast_in_dim3A_247 : vector<16xf32> to vector<1x16xf32>
    tpu.vector_store %arg7[%swap3A_249, %swap3A_250], %swap3A_253 {strides = array<i32>} : memref<16x128xf32, #tpu.memory_space<vmem>>, vector<1x16xf32>,
    %broadcast_in_dim3A_254 = arith.constant 0.000000e+00 : f32
    %broadcast_in_dim3A_255 = vector.broadcast %broadcast_in_dim3A_254 : f32 to vector<16xf32>
    %swap3A_256 = arith.constant 4 : i32
    %swap3A_257 = arith.index_cast %swap3A_256 : i32 to index
    %swap3A_258 = arith.constant 0 : index
    %swap3A_259 = tpu.vector_load %arg7[%swap3A_257, %swap3A_258] {strides = array<i32>} : memref<16x128xf32, #tpu.memory_space<vmem>>, vector<1x16xf32>,
    %swap3A_260 = vector.shape_cast %swap3A_259 : vector<1x16xf32> to vector<16xf32>
    %swap3A_261 = vector.shape_cast %broadcast_in_dim3A_255 : vector<16xf32> to vector<1x16xf32>
    tpu.vector_store %arg7[%swap3A_257, %swap3A_258], %swap3A_261 {strides = array<i32>} : memref<16x128xf32, #tpu.memory_space<vmem>>, vector<1x16xf32>,
    %broadcast_in_dim3A_262 = arith.constant 0.000000e+00 : f32
    %broadcast_in_dim3A_263 = vector.broadcast %broadcast_in_dim3A_262 : f32 to vector<16xf32>
    %swap3A_264 = arith.constant 4 : i32
    %swap3A_265 = arith.index_cast %swap3A_264 : i32 to index
    %swap3A_266 = arith.constant 16 : index
    %swap3A_267 = tpu.vector_load %arg7[%swap3A_265, %swap3A_266] {strides = array<i32>} : memref<16x128xf32, #tpu.memory_space<vmem>>, vector<1x16xf32>,
    %swap3A_268 = vector.shape_cast %swap3A_267 : vector<1x16xf32> to vector<16xf32>
    %swap3A_269 = vector.shape_cast %broadcast_in_dim3A_263 : vector<16xf32> to vector<1x16xf32>
    tpu.vector_store %arg7[%swap3A_265, %swap3A_266], %swap3A_269 {strides = array<i32>} : memref<16x128xf32, #tpu.memory_space<vmem>>, vector<1x16xf32>,
    %broadcast_in_dim3A_270 = arith.constant 0.000000e+00 : f32
    %broadcast_in_dim3A_271 = vector.broadcast %broadcast_in_dim3A_270 : f32 to vector<16xf32>
    %swap3A_272 = arith.constant 4 : i32
    %swap3A_273 = arith.index_cast %swap3A_272 : i32 to index
    %swap3A_274 = arith.constant 32 : index
    %swap3A_275 = tpu.vector_load %arg7[%swap3A_273, %swap3A_274] {strides = array<i32>} : memref<16x128xf32, #tpu.memory_space<vmem>>, vector<1x16xf32>,
    %swap3A_276 = vector.shape_cast %swap3A_275 : vector<1x16xf32> to vector<16xf32>
    %swap3A_277 = vector.shape_cast %broadcast_in_dim3A_271 : vector<16xf32> to vector<1x16xf32>
    tpu.vector_store %arg7[%swap3A_273, %swap3A_274], %swap3A_277 {strides = array<i32>} : memref<16x128xf32, #tpu.memory_space<vmem>>, vector<1x16xf32>,
    %broadcast_in_dim3A_278 = arith.constant 0.000000e+00 : f32
    %broadcast_in_dim3A_279 = vector.broadcast %broadcast_in_dim3A_278 : f32 to vector<16xf32>
    %swap3A_280 = arith.constant 4 : i32
    %swap3A_281 = arith.index_cast %swap3A_280 : i32 to index
    %swap3A_282 = arith.constant 48 : index
    %swap3A_283 = tpu.vector_load %arg7[%swap3A_281, %swap3A_282] {strides = array<i32>} : memref<16x128xf32, #tpu.memory_space<vmem>>, vector<1x16xf32>,
    %swap3A_284 = vector.shape_cast %swap3A_283 : vector<1x16xf32> to vector<16xf32>
    %swap3A_285 = vector.shape_cast %broadcast_in_dim3A_279 : vector<16xf32> to vector<1x16xf32>
    tpu.vector_store %arg7[%swap3A_281, %swap3A_282], %swap3A_285 {strides = array<i32>} : memref<16x128xf32, #tpu.memory_space<vmem>>, vector<1x16xf32>,
    %broadcast_in_dim3A_286 = arith.constant 0.000000e+00 : f32
    %broadcast_in_dim3A_287 = vector.broadcast %broadcast_in_dim3A_286 : f32 to vector<16xf32>
    %swap3A_288 = arith.constant 4 : i32
    %swap3A_289 = arith.index_cast %swap3A_288 : i32 to index
    %swap3A_290 = arith.constant 64 : index
    %swap3A_291 = tpu.vector_load %arg7[%swap3A_289, %swap3A_290] {strides = array<i32>} : memref<16x128xf32, #tpu.memory_space<vmem>>, vector<1x16xf32>,
    %swap3A_292 = vector.shape_cast %swap3A_291 : vector<1x16xf32> to vector<16xf32>
    %swap3A_293 = vector.shape_cast %broadcast_in_dim3A_287 : vector<16xf32> to vector<1x16xf32>
    tpu.vector_store %arg7[%swap3A_289, %swap3A_290], %swap3A_293 {strides = array<i32>} : memref<16x128xf32, #tpu.memory_space<vmem>>, vector<1x16xf32>,
    %broadcast_in_dim3A_294 = arith.constant 0.000000e+00 : f32
    %broadcast_in_dim3A_295 = vector.broadcast %broadcast_in_dim3A_294 : f32 to vector<16xf32>
    %swap3A_296 = arith.constant 4 : i32
    %swap3A_297 = arith.index_cast %swap3A_296 : i32 to index
    %swap3A_298 = arith.constant 80 : index
    %swap3A_299 = tpu.vector_load %arg7[%swap3A_297, %swap3A_298] {strides = array<i32>} : memref<16x128xf32, #tpu.memory_space<vmem>>, vector<1x16xf32>,
    %swap3A_300 = vector.shape_cast %swap3A_299 : vector<1x16xf32> to vector<16xf32>
    %swap3A_301 = vector.shape_cast %broadcast_in_dim3A_295 : vector<16xf32> to vector<1x16xf32>
    tpu.vector_store %arg7[%swap3A_297, %swap3A_298], %swap3A_301 {strides = array<i32>} : memref<16x128xf32, #tpu.memory_space<vmem>>, vector<1x16xf32>,
    %broadcast_in_dim3A_302 = arith.constant 0.000000e+00 : f32
    %broadcast_in_dim3A_303 = vector.broadcast %broadcast_in_dim3A_302 : f32 to vector<16xf32>
    %swap3A_304 = arith.constant 4 : i32
    %swap3A_305 = arith.index_cast %swap3A_304 : i32 to index
    %swap3A_306 = arith.constant 96 : index
    %swap3A_307 = tpu.vector_load %arg7[%swap3A_305, %swap3A_306] {strides = array<i32>} : memref<16x128xf32, #tpu.memory_space<vmem>>, vector<1x16xf32>,
    %swap3A_308 = vector.shape_cast %swap3A_307 : vector<1x16xf32> to vector<16xf32>
    %swap3A_309 = vector.shape_cast %broadcast_in_dim3A_303 : vector<16xf32> to vector<1x16xf32>
    tpu.vector_store %arg7[%swap3A_305, %swap3A_306], %swap3A_309 {strides = array<i32>} : memref<16x128xf32, #tpu.memory_space<vmem>>, vector<1x16xf32>,
    %broadcast_in_dim3A_310 = arith.constant 0.000000e+00 : f32
    %broadcast_in_dim3A_311 = vector.broadcast %broadcast_in_dim3A_310 : f32 to vector<16xf32>
    %swap3A_312 = arith.constant 4 : i32
    %swap3A_313 = arith.index_cast %swap3A_312 : i32 to index
    %swap3A_314 = arith.constant 112 : index
    %swap3A_315 = tpu.vector_load %arg7[%swap3A_313, %swap3A_314] {strides = array<i32>} : memref<16x128xf32, #tpu.memory_space<vmem>>, vector<1x16xf32>,
    %swap3A_316 = vector.shape_cast %swap3A_315 : vector<1x16xf32> to vector<16xf32>
    %swap3A_317 = vector.shape_cast %broadcast_in_dim3A_311 : vector<16xf32> to vector<1x16xf32>
    tpu.vector_store %arg7[%swap3A_313, %swap3A_314], %swap3A_317 {strides = array<i32>} : memref<16x128xf32, #tpu.memory_space<vmem>>, vector<1x16xf32>,
    %broadcast_in_dim3A_318 = arith.constant 0.000000e+00 : f32
    %broadcast_in_dim3A_319 = vector.broadcast %broadcast_in_dim3A_318 : f32 to vector<16xf32>
    %swap3A_320 = arith.constant 5 : i32
    %swap3A_321 = arith.index_cast %swap3A_320 : i32 to index
    %swap3A_322 = arith.constant 0 : index
    %swap3A_323 = tpu.vector_load %arg7[%swap3A_321, %swap3A_322] {strides = array<i32>} : memref<16x128xf32, #tpu.memory_space<vmem>>, vector<1x16xf32>,
    %swap3A_324 = vector.shape_cast %swap3A_323 : vector<1x16xf32> to vector<16xf32>
    %swap3A_325 = vector.shape_cast %broadcast_in_dim3A_319 : vector<16xf32> to vector<1x16xf32>
    tpu.vector_store %arg7[%swap3A_321, %swap3A_322], %swap3A_325 {strides = array<i32>} : memref<16x128xf32, #tpu.memory_space<vmem>>, vector<1x16xf32>,
    %broadcast_in_dim3A_326 = arith.constant 0.000000e+00 : f32
    %broadcast_in_dim3A_327 = vector.broadcast %broadcast_in_dim3A_326 : f32 to vector<16xf32>
    %swap3A_328 = arith.constant 5 : i32
    %swap3A_329 = arith.index_cast %swap3A_328 : i32 to index
    %swap3A_330 = arith.constant 16 : index
    %swap3A_331 = tpu.vector_load %arg7[%swap3A_329, %swap3A_330] {strides = array<i32>} : memref<16x128xf32, #tpu.memory_space<vmem>>, vector<1x16xf32>,
    %swap3A_332 = vector.shape_cast %swap3A_331 : vector<1x16xf32> to vector<16xf32>
    %swap3A_333 = vector.shape_cast %broadcast_in_dim3A_327 : vector<16xf32> to vector<1x16xf32>
    tpu.vector_store %arg7[%swap3A_329, %swap3A_330], %swap3A_333 {strides = array<i32>} : memref<16x128xf32, #tpu.memory_space<vmem>>, vector<1x16xf32>,
    %broadcast_in_dim3A_334 = arith.constant 0.000000e+00 : f32
    %broadcast_in_dim3A_335 = vector.broadcast %broadcast_in_dim3A_334 : f32 to vector<16xf32>
    %swap3A_336 = arith.constant 5 : i32
    %swap3A_337 = arith.index_cast %swap3A_336 : i32 to index
    %swap3A_338 = arith.constant 32 : index
    %swap3A_339 = tpu.vector_load %arg7[%swap3A_337, %swap3A_338] {strides = array<i32>} : memref<16x128xf32, #tpu.memory_space<vmem>>, vector<1x16xf32>,
    %swap3A_340 = vector.shape_cast %swap3A_339 : vector<1x16xf32> to vector<16xf32>
    %swap3A_341 = vector.shape_cast %broadcast_in_dim3A_335 : vector<16xf32> to vector<1x16xf32>
    tpu.vector_store %arg7[%swap3A_337, %swap3A_338], %swap3A_341 {strides = array<i32>} : memref<16x128xf32, #tpu.memory_space<vmem>>, vector<1x16xf32>,
    %broadcast_in_dim3A_342 = arith.constant 0.000000e+00 : f32
    %broadcast_in_dim3A_343 = vector.broadcast %broadcast_in_dim3A_342 : f32 to vector<16xf32>
    %swap3A_344 = arith.constant 5 : i32
    %swap3A_345 = arith.index_cast %swap3A_344 : i32 to index
    %swap3A_346 = arith.constant 48 : index
    %swap3A_347 = tpu.vector_load %arg7[%swap3A_345, %swap3A_346] {strides = array<i32>} : memref<16x128xf32, #tpu.memory_space<vmem>>, vector<1x16xf32>,
    %swap3A_348 = vector.shape_cast %swap3A_347 : vector<1x16xf32> to vector<16xf32>
    %swap3A_349 = vector.shape_cast %broadcast_in_dim3A_343 : vector<16xf32> to vector<1x16xf32>
    tpu.vector_store %arg7[%swap3A_345, %swap3A_346], %swap3A_349 {strides = array<i32>} : memref<16x128xf32, #tpu.memory_space<vmem>>, vector<1x16xf32>,
    %broadcast_in_dim3A_350 = arith.constant 0.000000e+00 : f32
    %broadcast_in_dim3A_351 = vector.broadcast %broadcast_in_dim3A_350 : f32 to vector<16xf32>
    %swap3A_352 = arith.constant 5 : i32
    %swap3A_353 = arith.index_cast %swap3A_352 : i32 to index
    %swap3A_354 = arith.constant 64 : index
    %swap3A_355 = tpu.vector_load %arg7[%swap3A_353, %swap3A_354] {strides = array<i32>} : memref<16x128xf32, #tpu.memory_space<vmem>>, vector<1x16xf32>,
    %swap3A_356 = vector.shape_cast %swap3A_355 : vector<1x16xf32> to vector<16xf32>
    %swap3A_357 = vector.shape_cast %broadcast_in_dim3A_351 : vector<16xf32> to vector<1x16xf32>
    tpu.vector_store %arg7[%swap3A_353, %swap3A_354], %swap3A_357 {strides = array<i32>} : memref<16x128xf32, #tpu.memory_space<vmem>>, vector<1x16xf32>,
    %broadcast_in_dim3A_358 = arith.constant 0.000000e+00 : f32
    %broadcast_in_dim3A_359 = vector.broadcast %broadcast_in_dim3A_358 : f32 to vector<16xf32>
    %swap3A_360 = arith.constant 5 : i32
    %swap3A_361 = arith.index_cast %swap3A_360 : i32 to index
    %swap3A_362 = arith.constant 80 : index
    %swap3A_363 = tpu.vector_load %arg7[%swap3A_361, %swap3A_362] {strides = array<i32>} : memref<16x128xf32, #tpu.memory_space<vmem>>, vector<1x16xf32>,
    %swap3A_364 = vector.shape_cast %swap3A_363 : vector<1x16xf32> to vector<16xf32>
    %swap3A_365 = vector.shape_cast %broadcast_in_dim3A_359 : vector<16xf32> to vector<1x16xf32>
    tpu.vector_store %arg7[%swap3A_361, %swap3A_362], %swap3A_365 {strides = array<i32>} : memref<16x128xf32, #tpu.memory_space<vmem>>, vector<1x16xf32>,
    %broadcast_in_dim3A_366 = arith.constant 0.000000e+00 : f32
    %broadcast_in_dim3A_367 = vector.broadcast %broadcast_in_dim3A_366 : f32 to vector<16xf32>
    %swap3A_368 = arith.constant 5 : i32
    %swap3A_369 = arith.index_cast %swap3A_368 : i32 to index
    %swap3A_370 = arith.constant 96 : index
    %swap3A_371 = tpu.vector_load %arg7[%swap3A_369, %swap3A_370] {strides = array<i32>} : memref<16x128xf32, #tpu.memory_space<vmem>>, vector<1x16xf32>,
    %swap3A_372 = vector.shape_cast %swap3A_371 : vector<1x16xf32> to vector<16xf32>
    %swap3A_373 = vector.shape_cast %broadcast_in_dim3A_367 : vector<16xf32> to vector<1x16xf32>
    tpu.vector_store %arg7[%swap3A_369, %swap3A_370], %swap3A_373 {strides = array<i32>} : memref<16x128xf32, #tpu.memory_space<vmem>>, vector<1x16xf32>,
    %broadcast_in_dim3A_374 = arith.constant 0.000000e+00 : f32
    %broadcast_in_dim3A_375 = vector.broadcast %broadcast_in_dim3A_374 : f32 to vector<16xf32>
    %swap3A_376 = arith.constant 5 : i32
    %swap3A_377 = arith.index_cast %swap3A_376 : i32 to index
    %swap3A_378 = arith.constant 112 : index
    %swap3A_379 = tpu.vector_load %arg7[%swap3A_377, %swap3A_378] {strides = array<i32>} : memref<16x128xf32, #tpu.memory_space<vmem>>, vector<1x16xf32>,
    %swap3A_380 = vector.shape_cast %swap3A_379 : vector<1x16xf32> to vector<16xf32>
    %swap3A_381 = vector.shape_cast %broadcast_in_dim3A_375 : vector<16xf32> to vector<1x16xf32>
    tpu.vector_store %arg7[%swap3A_377, %swap3A_378], %swap3A_381 {strides = array<i32>} : memref<16x128xf32, #tpu.memory_space<vmem>>, vector<1x16xf32>,
    %broadcast_in_dim3A_382 = arith.constant 0.000000e+00 : f32
    %broadcast_in_dim3A_383 = vector.broadcast %broadcast_in_dim3A_382 : f32 to vector<16xf32>
    %swap3A_384 = arith.constant 6 : i32
    %swap3A_385 = arith.index_cast %swap3A_384 : i32 to index
    %swap3A_386 = arith.constant 0 : index
    %swap3A_387 = tpu.vector_load %arg7[%swap3A_385, %swap3A_386] {strides = array<i32>} : memref<16x128xf32, #tpu.memory_space<vmem>>, vector<1x16xf32>,
    %swap3A_388 = vector.shape_cast %swap3A_387 : vector<1x16xf32> to vector<16xf32>
    %swap3A_389 = vector.shape_cast %broadcast_in_dim3A_383 : vector<16xf32> to vector<1x16xf32>
    tpu.vector_store %arg7[%swap3A_385, %swap3A_386], %swap3A_389 {strides = array<i32>} : memref<16x128xf32, #tpu.memory_space<vmem>>, vector<1x16xf32>,
    %broadcast_in_dim3A_390 = arith.constant 0.000000e+00 : f32
    %broadcast_in_dim3A_391 = vector.broadcast %broadcast_in_dim3A_390 : f32 to vector<16xf32>
    %swap3A_392 = arith.constant 6 : i32
    %swap3A_393 = arith.index_cast %swap3A_392 : i32 to index
    %swap3A_394 = arith.constant 16 : index
    %swap3A_395 = tpu.vector_load %arg7[%swap3A_393, %swap3A_394] {strides = array<i32>} : memref<16x128xf32, #tpu.memory_space<vmem>>, vector<1x16xf32>,
    %swap3A_396 = vector.shape_cast %swap3A_395 : vector<1x16xf32> to vector<16xf32>
    %swap3A_397 = vector.shape_cast %broadcast_in_dim3A_391 : vector<16xf32> to vector<1x16xf32>
    tpu.vector_store %arg7[%swap3A_393, %swap3A_394], %swap3A_397 {strides = array<i32>} : memref<16x128xf32, #tpu.memory_space<vmem>>, vector<1x16xf32>,
    %broadcast_in_dim3A_398 = arith.constant 0.000000e+00 : f32
    %broadcast_in_dim3A_399 = vector.broadcast %broadcast_in_dim3A_398 : f32 to vector<16xf32>
    %swap3A_400 = arith.constant 6 : i32
    %swap3A_401 = arith.index_cast %swap3A_400 : i32 to index
    %swap3A_402 = arith.constant 32 : index
    %swap3A_403 = tpu.vector_load %arg7[%swap3A_401, %swap3A_402] {strides = array<i32>} : memref<16x128xf32, #tpu.memory_space<vmem>>, vector<1x16xf32>,
    %swap3A_404 = vector.shape_cast %swap3A_403 : vector<1x16xf32> to vector<16xf32>
    %swap3A_405 = vector.shape_cast %broadcast_in_dim3A_399 : vector<16xf32> to vector<1x16xf32>
    tpu.vector_store %arg7[%swap3A_401, %swap3A_402], %swap3A_405 {strides = array<i32>} : memref<16x128xf32, #tpu.memory_space<vmem>>, vector<1x16xf32>,
    %broadcast_in_dim3A_406 = arith.constant 0.000000e+00 : f32
    %broadcast_in_dim3A_407 = vector.broadcast %broadcast_in_dim3A_406 : f32 to vector<16xf32>
    %swap3A_408 = arith.constant 6 : i32
    %swap3A_409 = arith.index_cast %swap3A_408 : i32 to index
    %swap3A_410 = arith.constant 48 : index
    %swap3A_411 = tpu.vector_load %arg7[%swap3A_409, %swap3A_410] {strides = array<i32>} : memref<16x128xf32, #tpu.memory_space<vmem>>, vector<1x16xf32>,
    %swap3A_412 = vector.shape_cast %swap3A_411 : vector<1x16xf32> to vector<16xf32>
    %swap3A_413 = vector.shape_cast %broadcast_in_dim3A_407 : vector<16xf32> to vector<1x16xf32>
    tpu.vector_store %arg7[%swap3A_409, %swap3A_410], %swap3A_413 {strides = array<i32>} : memref<16x128xf32, #tpu.memory_space<vmem>>, vector<1x16xf32>,
    %broadcast_in_dim3A_414 = arith.constant 0.000000e+00 : f32
    %broadcast_in_dim3A_415 = vector.broadcast %broadcast_in_dim3A_414 : f32 to vector<16xf32>
    %swap3A_416 = arith.constant 6 : i32
    %swap3A_417 = arith.index_cast %swap3A_416 : i32 to index
    %swap3A_418 = arith.constant 64 : index
    %swap3A_419 = tpu.vector_load %arg7[%swap3A_417, %swap3A_418] {strides = array<i32>} : memref<16x128xf32, #tpu.memory_space<vmem>>, vector<1x16xf32>,
    %swap3A_420 = vector.shape_cast %swap3A_419 : vector<1x16xf32> to vector<16xf32>
    %swap3A_421 = vector.shape_cast %broadcast_in_dim3A_415 : vector<16xf32> to vector<1x16xf32>
    tpu.vector_store %arg7[%swap3A_417, %swap3A_418], %swap3A_421 {strides = array<i32>} : memref<16x128xf32, #tpu.memory_space<vmem>>, vector<1x16xf32>,
    %broadcast_in_dim3A_422 = arith.constant 0.000000e+00 : f32
    %broadcast_in_dim3A_423 = vector.broadcast %broadcast_in_dim3A_422 : f32 to vector<16xf32>
    %swap3A_424 = arith.constant 6 : i32
    %swap3A_425 = arith.index_cast %swap3A_424 : i32 to index
    %swap3A_426 = arith.constant 80 : index
    %swap3A_427 = tpu.vector_load %arg7[%swap3A_425, %swap3A_426] {strides = array<i32>} : memref<16x128xf32, #tpu.memory_space<vmem>>, vector<1x16xf32>,
    %swap3A_428 = vector.shape_cast %swap3A_427 : vector<1x16xf32> to vector<16xf32>
    %swap3A_429 = vector.shape_cast %broadcast_in_dim3A_423 : vector<16xf32> to vector<1x16xf32>
    tpu.vector_store %arg7[%swap3A_425, %swap3A_426], %swap3A_429 {strides = array<i32>} : memref<16x128xf32, #tpu.memory_space<vmem>>, vector<1x16xf32>,
    %broadcast_in_dim3A_430 = arith.constant 0.000000e+00 : f32
    %broadcast_in_dim3A_431 = vector.broadcast %broadcast_in_dim3A_430 : f32 to vector<16xf32>
    %swap3A_432 = arith.constant 6 : i32
    %swap3A_433 = arith.index_cast %swap3A_432 : i32 to index
    %swap3A_434 = arith.constant 96 : index
    %swap3A_435 = tpu.vector_load %arg7[%swap3A_433, %swap3A_434] {strides = array<i32>} : memref<16x128xf32, #tpu.memory_space<vmem>>, vector<1x16xf32>,
    %swap3A_436 = vector.shape_cast %swap3A_435 : vector<1x16xf32> to vector<16xf32>
    %swap3A_437 = vector.shape_cast %broadcast_in_dim3A_431 : vector<16xf32> to vector<1x16xf32>
    tpu.vector_store %arg7[%swap3A_433, %swap3A_434], %swap3A_437 {strides = array<i32>} : memref<16x128xf32, #tpu.memory_space<vmem>>, vector<1x16xf32>,
    %broadcast_in_dim3A_438 = arith.constant 0.000000e+00 : f32
    %broadcast_in_dim3A_439 = vector.broadcast %broadcast_in_dim3A_438 : f32 to vector<16xf32>
    %swap3A_440 = arith.constant 6 : i32
    %swap3A_441 = arith.index_cast %swap3A_440 : i32 to index
    %swap3A_442 = arith.constant 112 : index
    %swap3A_443 = tpu.vector_load %arg7[%swap3A_441, %swap3A_442] {strides = array<i32>} : memref<16x128xf32, #tpu.memory_space<vmem>>, vector<1x16xf32>,
    %swap3A_444 = vector.shape_cast %swap3A_443 : vector<1x16xf32> to vector<16xf32>
    %swap3A_445 = vector.shape_cast %broadcast_in_dim3A_439 : vector<16xf32> to vector<1x16xf32>
    tpu.vector_store %arg7[%swap3A_441, %swap3A_442], %swap3A_445 {strides = array<i32>} : memref<16x128xf32, #tpu.memory_space<vmem>>, vector<1x16xf32>,
    %broadcast_in_dim3A_446 = arith.constant 0.000000e+00 : f32
    %broadcast_in_dim3A_447 = vector.broadcast %broadcast_in_dim3A_446 : f32 to vector<16xf32>
    %swap3A_448 = arith.constant 7 : i32
    %swap3A_449 = arith.index_cast %swap3A_448 : i32 to index
    %swap3A_450 = arith.constant 0 : index
    %swap3A_451 = tpu.vector_load %arg7[%swap3A_449, %swap3A_450] {strides = array<i32>} : memref<16x128xf32, #tpu.memory_space<vmem>>, vector<1x16xf32>,
    %swap3A_452 = vector.shape_cast %swap3A_451 : vector<1x16xf32> to vector<16xf32>
    %swap3A_453 = vector.shape_cast %broadcast_in_dim3A_447 : vector<16xf32> to vector<1x16xf32>
    tpu.vector_store %arg7[%swap3A_449, %swap3A_450], %swap3A_453 {strides = array<i32>} : memref<16x128xf32, #tpu.memory_space<vmem>>, vector<1x16xf32>,
    %broadcast_in_dim3A_454 = arith.constant 0.000000e+00 : f32
    %broadcast_in_dim3A_455 = vector.broadcast %broadcast_in_dim3A_454 : f32 to vector<16xf32>
    %swap3A_456 = arith.constant 7 : i32
    %swap3A_457 = arith.index_cast %swap3A_456 : i32 to index
    %swap3A_458 = arith.constant 16 : index
    %swap3A_459 = tpu.vector_load %arg7[%swap3A_457, %swap3A_458] {strides = array<i32>} : memref<16x128xf32, #tpu.memory_space<vmem>>, vector<1x16xf32>,
    %swap3A_460 = vector.shape_cast %swap3A_459 : vector<1x16xf32> to vector<16xf32>
    %swap3A_461 = vector.shape_cast %broadcast_in_dim3A_455 : vector<16xf32> to vector<1x16xf32>
    tpu.vector_store %arg7[%swap3A_457, %swap3A_458], %swap3A_461 {strides = array<i32>} : memref<16x128xf32, #tpu.memory_space<vmem>>, vector<1x16xf32>,
    %broadcast_in_dim3A_462 = arith.constant 0.000000e+00 : f32
    %broadcast_in_dim3A_463 = vector.broadcast %broadcast_in_dim3A_462 : f32 to vector<16xf32>
    %swap3A_464 = arith.constant 7 : i32
    %swap3A_465 = arith.index_cast %swap3A_464 : i32 to index
    %swap3A_466 = arith.constant 32 : index
    %swap3A_467 = tpu.vector_load %arg7[%swap3A_465, %swap3A_466] {strides = array<i32>} : memref<16x128xf32, #tpu.memory_space<vmem>>, vector<1x16xf32>,
    %swap3A_468 = vector.shape_cast %swap3A_467 : vector<1x16xf32> to vector<16xf32>
    %swap3A_469 = vector.shape_cast %broadcast_in_dim3A_463 : vector<16xf32> to vector<1x16xf32>
    tpu.vector_store %arg7[%swap3A_465, %swap3A_466], %swap3A_469 {strides = array<i32>} : memref<16x128xf32, #tpu.memory_space<vmem>>, vector<1x16xf32>,
    %broadcast_in_dim3A_470 = arith.constant 0.000000e+00 : f32
    %broadcast_in_dim3A_471 = vector.broadcast %broadcast_in_dim3A_470 : f32 to vector<16xf32>
    %swap3A_472 = arith.constant 7 : i32
    %swap3A_473 = arith.index_cast %swap3A_472 : i32 to index
    %swap3A_474 = arith.constant 48 : index
    %swap3A_475 = tpu.vector_load %arg7[%swap3A_473, %swap3A_474] {strides = array<i32>} : memref<16x128xf32, #tpu.memory_space<vmem>>, vector<1x16xf32>,
    %swap3A_476 = vector.shape_cast %swap3A_475 : vector<1x16xf32> to vector<16xf32>
    %swap3A_477 = vector.shape_cast %broadcast_in_dim3A_471 : vector<16xf32> to vector<1x16xf32>
    tpu.vector_store %arg7[%swap3A_473, %swap3A_474], %swap3A_477 {strides = array<i32>} : memref<16x128xf32, #tpu.memory_space<vmem>>, vector<1x16xf32>,
    %broadcast_in_dim3A_478 = arith.constant 0.000000e+00 : f32
    %broadcast_in_dim3A_479 = vector.broadcast %broadcast_in_dim3A_478 : f32 to vector<16xf32>
    %swap3A_480 = arith.constant 7 : i32
    %swap3A_481 = arith.index_cast %swap3A_480 : i32 to index
    %swap3A_482 = arith.constant 64 : index
    %swap3A_483 = tpu.vector_load %arg7[%swap3A_481, %swap3A_482] {strides = array<i32>} : memref<16x128xf32, #tpu.memory_space<vmem>>, vector<1x16xf32>,
    %swap3A_484 = vector.shape_cast %swap3A_483 : vector<1x16xf32> to vector<16xf32>
    %swap3A_485 = vector.shape_cast %broadcast_in_dim3A_479 : vector<16xf32> to vector<1x16xf32>
    tpu.vector_store %arg7[%swap3A_481, %swap3A_482], %swap3A_485 {strides = array<i32>} : memref<16x128xf32, #tpu.memory_space<vmem>>, vector<1x16xf32>,
    %broadcast_in_dim3A_486 = arith.constant 0.000000e+00 : f32
    %broadcast_in_dim3A_487 = vector.broadcast %broadcast_in_dim3A_486 : f32 to vector<16xf32>
    %swap3A_488 = arith.constant 7 : i32
    %swap3A_489 = arith.index_cast %swap3A_488 : i32 to index
    %swap3A_490 = arith.constant 80 : index
    %swap3A_491 = tpu.vector_load %arg7[%swap3A_489, %swap3A_490] {strides = array<i32>} : memref<16x128xf32, #tpu.memory_space<vmem>>, vector<1x16xf32>,
    %swap3A_492 = vector.shape_cast %swap3A_491 : vector<1x16xf32> to vector<16xf32>
    %swap3A_493 = vector.shape_cast %broadcast_in_dim3A_487 : vector<16xf32> to vector<1x16xf32>
    tpu.vector_store %arg7[%swap3A_489, %swap3A_490], %swap3A_493 {strides = array<i32>} : memref<16x128xf32, #tpu.memory_space<vmem>>, vector<1x16xf32>,
    %broadcast_in_dim3A_494 = arith.constant 0.000000e+00 : f32
    %broadcast_in_dim3A_495 = vector.broadcast %broadcast_in_dim3A_494 : f32 to vector<16xf32>
    %swap3A_496 = arith.constant 7 : i32
    %swap3A_497 = arith.index_cast %swap3A_496 : i32 to index
    %swap3A_498 = arith.constant 96 : index
    %swap3A_499 = tpu.vector_load %arg7[%swap3A_497, %swap3A_498] {strides = array<i32>} : memref<16x128xf32, #tpu.memory_space<vmem>>, vector<1x16xf32>,
    %swap3A_500 = vector.shape_cast %swap3A_499 : vector<1x16xf32> to vector<16xf32>
    %swap3A_501 = vector.shape_cast %broadcast_in_dim3A_495 : vector<16xf32> to vector<1x16xf32>
    tpu.vector_store %arg7[%swap3A_497, %swap3A_498], %swap3A_501 {strides = array<i32>} : memref<16x128xf32, #tpu.memory_space<vmem>>, vector<1x16xf32>,
    %broadcast_in_dim3A_502 = arith.constant 0.000000e+00 : f32
    %broadcast_in_dim3A_503 = vector.broadcast %broadcast_in_dim3A_502 : f32 to vector<16xf32>
    %swap3A_504 = arith.constant 7 : i32
    %swap3A_505 = arith.index_cast %swap3A_504 : i32 to index
    %swap3A_506 = arith.constant 112 : index
    %swap3A_507 = tpu.vector_load %arg7[%swap3A_505, %swap3A_506] {strides = array<i32>} : memref<16x128xf32, #tpu.memory_space<vmem>>, vector<1x16xf32>,
    %swap3A_508 = vector.shape_cast %swap3A_507 : vector<1x16xf32> to vector<16xf32>
    %swap3A_509 = vector.shape_cast %broadcast_in_dim3A_503 : vector<16xf32> to vector<1x16xf32>
    tpu.vector_store %arg7[%swap3A_505, %swap3A_506], %swap3A_509 {strides = array<i32>} : memref<16x128xf32, #tpu.memory_space<vmem>>, vector<1x16xf32>,
    %broadcast_in_dim3A_510 = arith.constant 0.000000e+00 : f32
    %broadcast_in_dim3A_511 = vector.broadcast %broadcast_in_dim3A_510 : f32 to vector<16xf32>
    %swap3A_512 = arith.constant 8 : i32
    %swap3A_513 = arith.index_cast %swap3A_512 : i32 to index
    %swap3A_514 = arith.constant 0 : index
    %swap3A_515 = tpu.vector_load %arg7[%swap3A_513, %swap3A_514] {strides = array<i32>} : memref<16x128xf32, #tpu.memory_space<vmem>>, vector<1x16xf32>,
    %swap3A_516 = vector.shape_cast %swap3A_515 : vector<1x16xf32> to vector<16xf32>
    %swap3A_517 = vector.shape_cast %broadcast_in_dim3A_511 : vector<16xf32> to vector<1x16xf32>
    tpu.vector_store %arg7[%swap3A_513, %swap3A_514], %swap3A_517 {strides = array<i32>} : memref<16x128xf32, #tpu.memory_space<vmem>>, vector<1x16xf32>,
    %broadcast_in_dim3A_518 = arith.constant 0.000000e+00 : f32
    %broadcast_in_dim3A_519 = vector.broadcast %broadcast_in_dim3A_518 : f32 to vector<16xf32>
    %swap3A_520 = arith.constant 8 : i32
    %swap3A_521 = arith.index_cast %swap3A_520 : i32 to index
    %swap3A_522 = arith.constant 16 : index
    %swap3A_523 = tpu.vector_load %arg7[%swap3A_521, %swap3A_522] {strides = array<i32>} : memref<16x128xf32, #tpu.memory_space<vmem>>, vector<1x16xf32>,
    %swap3A_524 = vector.shape_cast %swap3A_523 : vector<1x16xf32> to vector<16xf32>
    %swap3A_525 = vector.shape_cast %broadcast_in_dim3A_519 : vector<16xf32> to vector<1x16xf32>
    tpu.vector_store %arg7[%swap3A_521, %swap3A_522], %swap3A_525 {strides = array<i32>} : memref<16x128xf32, #tpu.memory_space<vmem>>, vector<1x16xf32>,
    %broadcast_in_dim3A_526 = arith.constant 0.000000e+00 : f32
    %broadcast_in_dim3A_527 = vector.broadcast %broadcast_in_dim3A_526 : f32 to vector<16xf32>
    %swap3A_528 = arith.constant 8 : i32
    %swap3A_529 = arith.index_cast %swap3A_528 : i32 to index
    %swap3A_530 = arith.constant 32 : index
    %swap3A_531 = tpu.vector_load %arg7[%swap3A_529, %swap3A_530] {strides = array<i32>} : memref<16x128xf32, #tpu.memory_space<vmem>>, vector<1x16xf32>,
    %swap3A_532 = vector.shape_cast %swap3A_531 : vector<1x16xf32> to vector<16xf32>
    %swap3A_533 = vector.shape_cast %broadcast_in_dim3A_527 : vector<16xf32> to vector<1x16xf32>
    tpu.vector_store %arg7[%swap3A_529, %swap3A_530], %swap3A_533 {strides = array<i32>} : memref<16x128xf32, #tpu.memory_space<vmem>>, vector<1x16xf32>,
    %broadcast_in_dim3A_534 = arith.constant 0.000000e+00 : f32
    %broadcast_in_dim3A_535 = vector.broadcast %broadcast_in_dim3A_534 : f32 to vector<16xf32>
    %swap3A_536 = arith.constant 8 : i32
    %swap3A_537 = arith.index_cast %swap3A_536 : i32 to index
    %swap3A_538 = arith.constant 48 : index
    %swap3A_539 = tpu.vector_load %arg7[%swap3A_537, %swap3A_538] {strides = array<i32>} : memref<16x128xf32, #tpu.memory_space<vmem>>, vector<1x16xf32>,
    %swap3A_540 = vector.shape_cast %swap3A_539 : vector<1x16xf32> to vector<16xf32>
    %swap3A_541 = vector.shape_cast %broadcast_in_dim3A_535 : vector<16xf32> to vector<1x16xf32>
    tpu.vector_store %arg7[%swap3A_537, %swap3A_538], %swap3A_541 {strides = array<i32>} : memref<16x128xf32, #tpu.memory_space<vmem>>, vector<1x16xf32>,
    %broadcast_in_dim3A_542 = arith.constant 0.000000e+00 : f32
    %broadcast_in_dim3A_543 = vector.broadcast %broadcast_in_dim3A_542 : f32 to vector<16xf32>
    %swap3A_544 = arith.constant 8 : i32
    %swap3A_545 = arith.index_cast %swap3A_544 : i32 to index
    %swap3A_546 = arith.constant 64 : index
    %swap3A_547 = tpu.vector_load %arg7[%swap3A_545, %swap3A_546] {strides = array<i32>} : memref<16x128xf32, #tpu.memory_space<vmem>>, vector<1x16xf32>,
    %swap3A_548 = vector.shape_cast %swap3A_547 : vector<1x16xf32> to vector<16xf32>
    %swap3A_549 = vector.shape_cast %broadcast_in_dim3A_543 : vector<16xf32> to vector<1x16xf32>
    tpu.vector_store %arg7[%swap3A_545, %swap3A_546], %swap3A_549 {strides = array<i32>} : memref<16x128xf32, #tpu.memory_space<vmem>>, vector<1x16xf32>,
    %broadcast_in_dim3A_550 = arith.constant 0.000000e+00 : f32
    %broadcast_in_dim3A_551 = vector.broadcast %broadcast_in_dim3A_550 : f32 to vector<16xf32>
    %swap3A_552 = arith.constant 8 : i32
    %swap3A_553 = arith.index_cast %swap3A_552 : i32 to index
    %swap3A_554 = arith.constant 80 : index
    %swap3A_555 = tpu.vector_load %arg7[%swap3A_553, %swap3A_554] {strides = array<i32>} : memref<16x128xf32, #tpu.memory_space<vmem>>, vector<1x16xf32>,
    %swap3A_556 = vector.shape_cast %swap3A_555 : vector<1x16xf32> to vector<16xf32>
    %swap3A_557 = vector.shape_cast %broadcast_in_dim3A_551 : vector<16xf32> to vector<1x16xf32>
    tpu.vector_store %arg7[%swap3A_553, %swap3A_554], %swap3A_557 {strides = array<i32>} : memref<16x128xf32, #tpu.memory_space<vmem>>, vector<1x16xf32>,
    %broadcast_in_dim3A_558 = arith.constant 0.000000e+00 : f32
    %broadcast_in_dim3A_559 = vector.broadcast %broadcast_in_dim3A_558 : f32 to vector<16xf32>
    %swap3A_560 = arith.constant 8 : i32
    %swap3A_561 = arith.index_cast %swap3A_560 : i32 to index
    %swap3A_562 = arith.constant 96 : index
    %swap3A_563 = tpu.vector_load %arg7[%swap3A_561, %swap3A_562] {strides = array<i32>} : memref<16x128xf32, #tpu.memory_space<vmem>>, vector<1x16xf32>,
    %swap3A_564 = vector.shape_cast %swap3A_563 : vector<1x16xf32> to vector<16xf32>
    %swap3A_565 = vector.shape_cast %broadcast_in_dim3A_559 : vector<16xf32> to vector<1x16xf32>
    tpu.vector_store %arg7[%swap3A_561, %swap3A_562], %swap3A_565 {strides = array<i32>} : memref<16x128xf32, #tpu.memory_space<vmem>>, vector<1x16xf32>,
    %broadcast_in_dim3A_566 = arith.constant 0.000000e+00 : f32
    %broadcast_in_dim3A_567 = vector.broadcast %broadcast_in_dim3A_566 : f32 to vector<16xf32>
    %swap3A_568 = arith.constant 8 : i32
    %swap3A_569 = arith.index_cast %swap3A_568 : i32 to index
    %swap3A_570 = arith.constant 112 : index
    %swap3A_571 = tpu.vector_load %arg7[%swap3A_569, %swap3A_570] {strides = array<i32>} : memref<16x128xf32, #tpu.memory_space<vmem>>, vector<1x16xf32>,
    %swap3A_572 = vector.shape_cast %swap3A_571 : vector<1x16xf32> to vector<16xf32>
    %swap3A_573 = vector.shape_cast %broadcast_in_dim3A_567 : vector<16xf32> to vector<1x16xf32>
    tpu.vector_store %arg7[%swap3A_569, %swap3A_570], %swap3A_573 {strides = array<i32>} : memref<16x128xf32, #tpu.memory_space<vmem>>, vector<1x16xf32>,
    %broadcast_in_dim3A_574 = arith.constant 0.000000e+00 : f32
    %broadcast_in_dim3A_575 = vector.broadcast %broadcast_in_dim3A_574 : f32 to vector<16xf32>
    %swap3A_576 = arith.constant 9 : i32
    %swap3A_577 = arith.index_cast %swap3A_576 : i32 to index
    %swap3A_578 = arith.constant 0 : index
    %swap3A_579 = tpu.vector_load %arg7[%swap3A_577, %swap3A_578] {strides = array<i32>} : memref<16x128xf32, #tpu.memory_space<vmem>>, vector<1x16xf32>,
    %swap3A_580 = vector.shape_cast %swap3A_579 : vector<1x16xf32> to vector<16xf32>
    %swap3A_581 = vector.shape_cast %broadcast_in_dim3A_575 : vector<16xf32> to vector<1x16xf32>
    tpu.vector_store %arg7[%swap3A_577, %swap3A_578], %swap3A_581 {strides = array<i32>} : memref<16x128xf32, #tpu.memory_space<vmem>>, vector<1x16xf32>,
    %broadcast_in_dim3A_582 = arith.constant 0.000000e+00 : f32
    %broadcast_in_dim3A_583 = vector.broadcast %broadcast_in_dim3A_582 : f32 to vector<16xf32>
    %swap3A_584 = arith.constant 9 : i32
    %swap3A_585 = arith.index_cast %swap3A_584 : i32 to index
    %swap3A_586 = arith.constant 16 : index
    %swap3A_587 = tpu.vector_load %arg7[%swap3A_585, %swap3A_586] {strides = array<i32>} : memref<16x128xf32, #tpu.memory_space<vmem>>, vector<1x16xf32>,
    %swap3A_588 = vector.shape_cast %swap3A_587 : vector<1x16xf32> to vector<16xf32>
    %swap3A_589 = vector.shape_cast %broadcast_in_dim3A_583 : vector<16xf32> to vector<1x16xf32>
    tpu.vector_store %arg7[%swap3A_585, %swap3A_586], %swap3A_589 {strides = array<i32>} : memref<16x128xf32, #tpu.memory_space<vmem>>, vector<1x16xf32>,
    %broadcast_in_dim3A_590 = arith.constant 0.000000e+00 : f32
    %broadcast_in_dim3A_591 = vector.broadcast %broadcast_in_dim3A_590 : f32 to vector<16xf32>
    %swap3A_592 = arith.constant 9 : i32
    %swap3A_593 = arith.index_cast %swap3A_592 : i32 to index
    %swap3A_594 = arith.constant 32 : index
    %swap3A_595 = tpu.vector_load %arg7[%swap3A_593, %swap3A_594] {strides = array<i32>} : memref<16x128xf32, #tpu.memory_space<vmem>>, vector<1x16xf32>,
    %swap3A_596 = vector.shape_cast %swap3A_595 : vector<1x16xf32> to vector<16xf32>
    %swap3A_597 = vector.shape_cast %broadcast_in_dim3A_591 : vector<16xf32> to vector<1x16xf32>
    tpu.vector_store %arg7[%swap3A_593, %swap3A_594], %swap3A_597 {strides = array<i32>} : memref<16x128xf32, #tpu.memory_space<vmem>>, vector<1x16xf32>,
    %broadcast_in_dim3A_598 = arith.constant 0.000000e+00 : f32
    %broadcast_in_dim3A_599 = vector.broadcast %broadcast_in_dim3A_598 : f32 to vector<16xf32>
    %swap3A_600 = arith.constant 9 : i32
    %swap3A_601 = arith.index_cast %swap3A_600 : i32 to index
    %swap3A_602 = arith.constant 48 : index
    %swap3A_603 = tpu.vector_load %arg7[%swap3A_601, %swap3A_602] {strides = array<i32>} : memref<16x128xf32, #tpu.memory_space<vmem>>, vector<1x16xf32>,
    %swap3A_604 = vector.shape_cast %swap3A_603 : vector<1x16xf32> to vector<16xf32>
    %swap3A_605 = vector.shape_cast %broadcast_in_dim3A_599 : vector<16xf32> to vector<1x16xf32>
    tpu.vector_store %arg7[%swap3A_601, %swap3A_602], %swap3A_605 {strides = array<i32>} : memref<16x128xf32, #tpu.memory_space<vmem>>, vector<1x16xf32>,
    %broadcast_in_dim3A_606 = arith.constant 0.000000e+00 : f32
    %broadcast_in_dim3A_607 = vector.broadcast %broadcast_in_dim3A_606 : f32 to vector<16xf32>
    %swap3A_608 = arith.constant 9 : i32
    %swap3A_609 = arith.index_cast %swap3A_608 : i32 to index
    %swap3A_610 = arith.constant 64 : index
    %swap3A_611 = tpu.vector_load %arg7[%swap3A_609, %swap3A_610] {strides = array<i32>} : memref<16x128xf32, #tpu.memory_space<vmem>>, vector<1x16xf32>,
    %swap3A_612 = vector.shape_cast %swap3A_611 : vector<1x16xf32> to vector<16xf32>
    %swap3A_613 = vector.shape_cast %broadcast_in_dim3A_607 : vector<16xf32> to vector<1x16xf32>
    tpu.vector_store %arg7[%swap3A_609, %swap3A_610], %swap3A_613 {strides = array<i32>} : memref<16x128xf32, #tpu.memory_space<vmem>>, vector<1x16xf32>,
    %broadcast_in_dim3A_614 = arith.constant 0.000000e+00 : f32
    %broadcast_in_dim3A_615 = vector.broadcast %broadcast_in_dim3A_614 : f32 to vector<16xf32>
    %swap3A_616 = arith.constant 9 : i32
    %swap3A_617 = arith.index_cast %swap3A_616 : i32 to index
    %swap3A_618 = arith.constant 80 : index
    %swap3A_619 = tpu.vector_load %arg7[%swap3A_617, %swap3A_618] {strides = array<i32>} : memref<16x128xf32, #tpu.memory_space<vmem>>, vector<1x16xf32>,
    %swap3A_620 = vector.shape_cast %swap3A_619 : vector<1x16xf32> to vector<16xf32>
    %swap3A_621 = vector.shape_cast %broadcast_in_dim3A_615 : vector<16xf32> to vector<1x16xf32>
    tpu.vector_store %arg7[%swap3A_617, %swap3A_618], %swap3A_621 {strides = array<i32>} : memref<16x128xf32, #tpu.memory_space<vmem>>, vector<1x16xf32>,
    %broadcast_in_dim3A_622 = arith.constant 0.000000e+00 : f32
    %broadcast_in_dim3A_623 = vector.broadcast %broadcast_in_dim3A_622 : f32 to vector<16xf32>
    %swap3A_624 = arith.constant 9 : i32
    %swap3A_625 = arith.index_cast %swap3A_624 : i32 to index
    %swap3A_626 = arith.constant 96 : index
    %swap3A_627 = tpu.vector_load %arg7[%swap3A_625, %swap3A_626] {strides = array<i32>} : memref<16x128xf32, #tpu.memory_space<vmem>>, vector<1x16xf32>,
    %swap3A_628 = vector.shape_cast %swap3A_627 : vector<1x16xf32> to vector<16xf32>
    %swap3A_629 = vector.shape_cast %broadcast_in_dim3A_623 : vector<16xf32> to vector<1x16xf32>
    tpu.vector_store %arg7[%swap3A_625, %swap3A_626], %swap3A_629 {strides = array<i32>} : memref<16x128xf32, #tpu.memory_space<vmem>>, vector<1x16xf32>,
    %broadcast_in_dim3A_630 = arith.constant 0.000000e+00 : f32
    %broadcast_in_dim3A_631 = vector.broadcast %broadcast_in_dim3A_630 : f32 to vector<16xf32>
    %swap3A_632 = arith.constant 9 : i32
    %swap3A_633 = arith.index_cast %swap3A_632 : i32 to index
    %swap3A_634 = arith.constant 112 : index
    %swap3A_635 = tpu.vector_load %arg7[%swap3A_633, %swap3A_634] {strides = array<i32>} : memref<16x128xf32, #tpu.memory_space<vmem>>, vector<1x16xf32>,
    %swap3A_636 = vector.shape_cast %swap3A_635 : vector<1x16xf32> to vector<16xf32>
    %swap3A_637 = vector.shape_cast %broadcast_in_dim3A_631 : vector<16xf32> to vector<1x16xf32>
    tpu.vector_store %arg7[%swap3A_633, %swap3A_634], %swap3A_637 {strides = array<i32>} : memref<16x128xf32, #tpu.memory_space<vmem>>, vector<1x16xf32>,
    %broadcast_in_dim3A_638 = arith.constant 0.000000e+00 : f32
    %broadcast_in_dim3A_639 = vector.broadcast %broadcast_in_dim3A_638 : f32 to vector<16xf32>
    %swap3A_640 = arith.constant 10 : i32
    %swap3A_641 = arith.index_cast %swap3A_640 : i32 to index
    %swap3A_642 = arith.constant 0 : index
    %swap3A_643 = tpu.vector_load %arg7[%swap3A_641, %swap3A_642] {strides = array<i32>} : memref<16x128xf32, #tpu.memory_space<vmem>>, vector<1x16xf32>,
    %swap3A_644 = vector.shape_cast %swap3A_643 : vector<1x16xf32> to vector<16xf32>
    %swap3A_645 = vector.shape_cast %broadcast_in_dim3A_639 : vector<16xf32> to vector<1x16xf32>
    tpu.vector_store %arg7[%swap3A_641, %swap3A_642], %swap3A_645 {strides = array<i32>} : memref<16x128xf32, #tpu.memory_space<vmem>>, vector<1x16xf32>,
    %broadcast_in_dim3A_646 = arith.constant 0.000000e+00 : f32
    %broadcast_in_dim3A_647 = vector.broadcast %broadcast_in_dim3A_646 : f32 to vector<16xf32>
    %swap3A_648 = arith.constant 10 : i32
    %swap3A_649 = arith.index_cast %swap3A_648 : i32 to index
    %swap3A_650 = arith.constant 16 : index
    %swap3A_651 = tpu.vector_load %arg7[%swap3A_649, %swap3A_650] {strides = array<i32>} : memref<16x128xf32, #tpu.memory_space<vmem>>, vector<1x16xf32>,
    %swap3A_652 = vector.shape_cast %swap3A_651 : vector<1x16xf32> to vector<16xf32>
    %swap3A_653 = vector.shape_cast %broadcast_in_dim3A_647 : vector<16xf32> to vector<1x16xf32>
    tpu.vector_store %arg7[%swap3A_649, %swap3A_650], %swap3A_653 {strides = array<i32>} : memref<16x128xf32, #tpu.memory_space<vmem>>, vector<1x16xf32>,
    %broadcast_in_dim3A_654 = arith.constant 0.000000e+00 : f32
    %broadcast_in_dim3A_655 = vector.broadcast %broadcast_in_dim3A_654 : f32 to vector<16xf32>
    %swap3A_656 = arith.constant 10 : i32
    %swap3A_657 = arith.index_cast %swap3A_656 : i32 to index
    %swap3A_658 = arith.constant 32 : index
    %swap3A_659 = tpu.vector_load %arg7[%swap3A_657, %swap3A_658] {strides = array<i32>} : memref<16x128xf32, #tpu.memory_space<vmem>>, vector<1x16xf32>,
    %swap3A_660 = vector.shape_cast %swap3A_659 : vector<1x16xf32> to vector<16xf32>
    %swap3A_661 = vector.shape_cast %broadcast_in_dim3A_655 : vector<16xf32> to vector<1x16xf32>
    tpu.vector_store %arg7[%swap3A_657, %swap3A_658], %swap3A_661 {strides = array<i32>} : memref<16x128xf32, #tpu.memory_space<vmem>>, vector<1x16xf32>,
    %broadcast_in_dim3A_662 = arith.constant 0.000000e+00 : f32
    %broadcast_in_dim3A_663 = vector.broadcast %broadcast_in_dim3A_662 : f32 to vector<16xf32>
    %swap3A_664 = arith.constant 10 : i32
    %swap3A_665 = arith.index_cast %swap3A_664 : i32 to index
    %swap3A_666 = arith.constant 48 : index
    %swap3A_667 = tpu.vector_load %arg7[%swap3A_665, %swap3A_666] {strides = array<i32>} : memref<16x128xf32, #tpu.memory_space<vmem>>, vector<1x16xf32>,
    %swap3A_668 = vector.shape_cast %swap3A_667 : vector<1x16xf32> to vector<16xf32>
    %swap3A_669 = vector.shape_cast %broadcast_in_dim3A_663 : vector<16xf32> to vector<1x16xf32>
    tpu.vector_store %arg7[%swap3A_665, %swap3A_666], %swap3A_669 {strides = array<i32>} : memref<16x128xf32, #tpu.memory_space<vmem>>, vector<1x16xf32>,
    %broadcast_in_dim3A_670 = arith.constant 0.000000e+00 : f32
    %broadcast_in_dim3A_671 = vector.broadcast %broadcast_in_dim3A_670 : f32 to vector<16xf32>
    %swap3A_672 = arith.constant 10 : i32
    %swap3A_673 = arith.index_cast %swap3A_672 : i32 to index
    %swap3A_674 = arith.constant 64 : index
    %swap3A_675 = tpu.vector_load %arg7[%swap3A_673, %swap3A_674] {strides = array<i32>} : memref<16x128xf32, #tpu.memory_space<vmem>>, vector<1x16xf32>,
    %swap3A_676 = vector.shape_cast %swap3A_675 : vector<1x16xf32> to vector<16xf32>
    %swap3A_677 = vector.shape_cast %broadcast_in_dim3A_671 : vector<16xf32> to vector<1x16xf32>
    tpu.vector_store %arg7[%swap3A_673, %swap3A_674], %swap3A_677 {strides = array<i32>} : memref<16x128xf32, #tpu.memory_space<vmem>>, vector<1x16xf32>,
    %broadcast_in_dim3A_678 = arith.constant 0.000000e+00 : f32
    %broadcast_in_dim3A_679 = vector.broadcast %broadcast_in_dim3A_678 : f32 to vector<16xf32>
    %swap3A_680 = arith.constant 10 : i32
    %swap3A_681 = arith.index_cast %swap3A_680 : i32 to index
    %swap3A_682 = arith.constant 80 : index
    %swap3A_683 = tpu.vector_load %arg7[%swap3A_681, %swap3A_682] {strides = array<i32>} : memref<16x128xf32, #tpu.memory_space<vmem>>, vector<1x16xf32>,
    %swap3A_684 = vector.shape_cast %swap3A_683 : vector<1x16xf32> to vector<16xf32>
    %swap3A_685 = vector.shape_cast %broadcast_in_dim3A_679 : vector<16xf32> to vector<1x16xf32>
    tpu.vector_store %arg7[%swap3A_681, %swap3A_682], %swap3A_685 {strides = array<i32>} : memref<16x128xf32, #tpu.memory_space<vmem>>, vector<1x16xf32>,
    %broadcast_in_dim3A_686 = arith.constant 0.000000e+00 : f32
    %broadcast_in_dim3A_687 = vector.broadcast %broadcast_in_dim3A_686 : f32 to vector<16xf32>
    %swap3A_688 = arith.constant 10 : i32
    %swap3A_689 = arith.index_cast %swap3A_688 : i32 to index
    %swap3A_690 = arith.constant 96 : index
    %swap3A_691 = tpu.vector_load %arg7[%swap3A_689, %swap3A_690] {strides = array<i32>} : memref<16x128xf32, #tpu.memory_space<vmem>>, vector<1x16xf32>,
    %swap3A_692 = vector.shape_cast %swap3A_691 : vector<1x16xf32> to vector<16xf32>
    %swap3A_693 = vector.shape_cast %broadcast_in_dim3A_687 : vector<16xf32> to vector<1x16xf32>
    tpu.vector_store %arg7[%swap3A_689, %swap3A_690], %swap3A_693 {strides = array<i32>} : memref<16x128xf32, #tpu.memory_space<vmem>>, vector<1x16xf32>,
    %broadcast_in_dim3A_694 = arith.constant 0.000000e+00 : f32
    %broadcast_in_dim3A_695 = vector.broadcast %broadcast_in_dim3A_694 : f32 to vector<16xf32>
    %swap3A_696 = arith.constant 10 : i32
    %swap3A_697 = arith.index_cast %swap3A_696 : i32 to index
    %swap3A_698 = arith.constant 112 : index
    %swap3A_699 = tpu.vector_load %arg7[%swap3A_697, %swap3A_698] {strides = array<i32>} : memref<16x128xf32, #tpu.memory_space<vmem>>, vector<1x16xf32>,
    %swap3A_700 = vector.shape_cast %swap3A_699 : vector<1x16xf32> to vector<16xf32>
    %swap3A_701 = vector.shape_cast %broadcast_in_dim3A_695 : vector<16xf32> to vector<1x16xf32>
    tpu.vector_store %arg7[%swap3A_697, %swap3A_698], %swap3A_701 {strides = array<i32>} : memref<16x128xf32, #tpu.memory_space<vmem>>, vector<1x16xf32>,
    %broadcast_in_dim3A_702 = arith.constant 0.000000e+00 : f32
    %broadcast_in_dim3A_703 = vector.broadcast %broadcast_in_dim3A_702 : f32 to vector<16xf32>
    %swap3A_704 = arith.constant 11 : i32
    %swap3A_705 = arith.index_cast %swap3A_704 : i32 to index
    %swap3A_706 = arith.constant 0 : index
    %swap3A_707 = tpu.vector_load %arg7[%swap3A_705, %swap3A_706] {strides = array<i32>} : memref<16x128xf32, #tpu.memory_space<vmem>>, vector<1x16xf32>,
    %swap3A_708 = vector.shape_cast %swap3A_707 : vector<1x16xf32> to vector<16xf32>
    %swap3A_709 = vector.shape_cast %broadcast_in_dim3A_703 : vector<16xf32> to vector<1x16xf32>
    tpu.vector_store %arg7[%swap3A_705, %swap3A_706], %swap3A_709 {strides = array<i32>} : memref<16x128xf32, #tpu.memory_space<vmem>>, vector<1x16xf32>,
    %broadcast_in_dim3A_710 = arith.constant 0.000000e+00 : f32
    %broadcast_in_dim3A_711 = vector.broadcast %broadcast_in_dim3A_710 : f32 to vector<16xf32>
    %swap3A_712 = arith.constant 11 : i32
    %swap3A_713 = arith.index_cast %swap3A_712 : i32 to index
    %swap3A_714 = arith.constant 16 : index
    %swap3A_715 = tpu.vector_load %arg7[%swap3A_713, %swap3A_714] {strides = array<i32>} : memref<16x128xf32, #tpu.memory_space<vmem>>, vector<1x16xf32>,
    %swap3A_716 = vector.shape_cast %swap3A_715 : vector<1x16xf32> to vector<16xf32>
    %swap3A_717 = vector.shape_cast %broadcast_in_dim3A_711 : vector<16xf32> to vector<1x16xf32>
    tpu.vector_store %arg7[%swap3A_713, %swap3A_714], %swap3A_717 {strides = array<i32>} : memref<16x128xf32, #tpu.memory_space<vmem>>, vector<1x16xf32>,
    %broadcast_in_dim3A_718 = arith.constant 0.000000e+00 : f32
    %broadcast_in_dim3A_719 = vector.broadcast %broadcast_in_dim3A_718 : f32 to vector<16xf32>
    %swap3A_720 = arith.constant 11 : i32
    %swap3A_721 = arith.index_cast %swap3A_720 : i32 to index
    %swap3A_722 = arith.constant 32 : index
    %swap3A_723 = tpu.vector_load %arg7[%swap3A_721, %swap3A_722] {strides = array<i32>} : memref<16x128xf32, #tpu.memory_space<vmem>>, vector<1x16xf32>,
    %swap3A_724 = vector.shape_cast %swap3A_723 : vector<1x16xf32> to vector<16xf32>
    %swap3A_725 = vector.shape_cast %broadcast_in_dim3A_719 : vector<16xf32> to vector<1x16xf32>
    tpu.vector_store %arg7[%swap3A_721, %swap3A_722], %swap3A_725 {strides = array<i32>} : memref<16x128xf32, #tpu.memory_space<vmem>>, vector<1x16xf32>,
    %broadcast_in_dim3A_726 = arith.constant 0.000000e+00 : f32
    %broadcast_in_dim3A_727 = vector.broadcast %broadcast_in_dim3A_726 : f32 to vector<16xf32>
    %swap3A_728 = arith.constant 11 : i32
    %swap3A_729 = arith.index_cast %swap3A_728 : i32 to index
    %swap3A_730 = arith.constant 48 : index
    %swap3A_731 = tpu.vector_load %arg7[%swap3A_729, %swap3A_730] {strides = array<i32>} : memref<16x128xf32, #tpu.memory_space<vmem>>, vector<1x16xf32>,
    %swap3A_732 = vector.shape_cast %swap3A_731 : vector<1x16xf32> to vector<16xf32>
    %swap3A_733 = vector.shape_cast %broadcast_in_dim3A_727 : vector<16xf32> to vector<1x16xf32>
    tpu.vector_store %arg7[%swap3A_729, %swap3A_730], %swap3A_733 {strides = array<i32>} : memref<16x128xf32, #tpu.memory_space<vmem>>, vector<1x16xf32>,
    %broadcast_in_dim3A_734 = arith.constant 0.000000e+00 : f32
    %broadcast_in_dim3A_735 = vector.broadcast %broadcast_in_dim3A_734 : f32 to vector<16xf32>
    %swap3A_736 = arith.constant 11 : i32
    %swap3A_737 = arith.index_cast %swap3A_736 : i32 to index
    %swap3A_738 = arith.constant 64 : index
    %swap3A_739 = tpu.vector_load %arg7[%swap3A_737, %swap3A_738] {strides = array<i32>} : memref<16x128xf32, #tpu.memory_space<vmem>>, vector<1x16xf32>,
    %swap3A_740 = vector.shape_cast %swap3A_739 : vector<1x16xf32> to vector<16xf32>
    %swap3A_741 = vector.shape_cast %broadcast_in_dim3A_735 : vector<16xf32> to vector<1x16xf32>
    tpu.vector_store %arg7[%swap3A_737, %swap3A_738], %swap3A_741 {strides = array<i32>} : memref<16x128xf32, #tpu.memory_space<vmem>>, vector<1x16xf32>,
    %broadcast_in_dim3A_742 = arith.constant 0.000000e+00 : f32
    %broadcast_in_dim3A_743 = vector.broadcast %broadcast_in_dim3A_742 : f32 to vector<16xf32>
    %swap3A_744 = arith.constant 11 : i32
    %swap3A_745 = arith.index_cast %swap3A_744 : i32 to index
    %swap3A_746 = arith.constant 80 : index
    %swap3A_747 = tpu.vector_load %arg7[%swap3A_745, %swap3A_746] {strides = array<i32>} : memref<16x128xf32, #tpu.memory_space<vmem>>, vector<1x16xf32>,
    %swap3A_748 = vector.shape_cast %swap3A_747 : vector<1x16xf32> to vector<16xf32>
    %swap3A_749 = vector.shape_cast %broadcast_in_dim3A_743 : vector<16xf32> to vector<1x16xf32>
    tpu.vector_store %arg7[%swap3A_745, %swap3A_746], %swap3A_749 {strides = array<i32>} : memref<16x128xf32, #tpu.memory_space<vmem>>, vector<1x16xf32>,
    %broadcast_in_dim3A_750 = arith.constant 0.000000e+00 : f32
    %broadcast_in_dim3A_751 = vector.broadcast %broadcast_in_dim3A_750 : f32 to vector<16xf32>
    %swap3A_752 = arith.constant 11 : i32
    %swap3A_753 = arith.index_cast %swap3A_752 : i32 to index
    %swap3A_754 = arith.constant 96 : index
    %swap3A_755 = tpu.vector_load %arg7[%swap3A_753, %swap3A_754] {strides = array<i32>} : memref<16x128xf32, #tpu.memory_space<vmem>>, vector<1x16xf32>,
    %swap3A_756 = vector.shape_cast %swap3A_755 : vector<1x16xf32> to vector<16xf32>
    %swap3A_757 = vector.shape_cast %broadcast_in_dim3A_751 : vector<16xf32> to vector<1x16xf32>
    tpu.vector_store %arg7[%swap3A_753, %swap3A_754], %swap3A_757 {strides = array<i32>} : memref<16x128xf32, #tpu.memory_space<vmem>>, vector<1x16xf32>,
    %broadcast_in_dim3A_758 = arith.constant 0.000000e+00 : f32
    %broadcast_in_dim3A_759 = vector.broadcast %broadcast_in_dim3A_758 : f32 to vector<16xf32>
    %swap3A_760 = arith.constant 11 : i32
    %swap3A_761 = arith.index_cast %swap3A_760 : i32 to index
    %swap3A_762 = arith.constant 112 : index
    %swap3A_763 = tpu.vector_load %arg7[%swap3A_761, %swap3A_762] {strides = array<i32>} : memref<16x128xf32, #tpu.memory_space<vmem>>, vector<1x16xf32>,
    %swap3A_764 = vector.shape_cast %swap3A_763 : vector<1x16xf32> to vector<16xf32>
    %swap3A_765 = vector.shape_cast %broadcast_in_dim3A_759 : vector<16xf32> to vector<1x16xf32>
    tpu.vector_store %arg7[%swap3A_761, %swap3A_762], %swap3A_765 {strides = array<i32>} : memref<16x128xf32, #tpu.memory_space<vmem>>, vector<1x16xf32>,
    %broadcast_in_dim3A_766 = arith.constant 0.000000e+00 : f32
    %broadcast_in_dim3A_767 = vector.broadcast %broadcast_in_dim3A_766 : f32 to vector<16xf32>
    %swap3A_768 = arith.constant 12 : i32
    %swap3A_769 = arith.index_cast %swap3A_768 : i32 to index
    %swap3A_770 = arith.constant 0 : index
    %swap3A_771 = tpu.vector_load %arg7[%swap3A_769, %swap3A_770] {strides = array<i32>} : memref<16x128xf32, #tpu.memory_space<vmem>>, vector<1x16xf32>,
    %swap3A_772 = vector.shape_cast %swap3A_771 : vector<1x16xf32> to vector<16xf32>
    %swap3A_773 = vector.shape_cast %broadcast_in_dim3A_767 : vector<16xf32> to vector<1x16xf32>
    tpu.vector_store %arg7[%swap3A_769, %swap3A_770], %swap3A_773 {strides = array<i32>} : memref<16x128xf32, #tpu.memory_space<vmem>>, vector<1x16xf32>,
    %broadcast_in_dim3A_774 = arith.constant 0.000000e+00 : f32
    %broadcast_in_dim3A_775 = vector.broadcast %broadcast_in_dim3A_774 : f32 to vector<16xf32>
    %swap3A_776 = arith.constant 12 : i32
    %swap3A_777 = arith.index_cast %swap3A_776 : i32 to index
    %swap3A_778 = arith.constant 16 : index
    %swap3A_779 = tpu.vector_load %arg7[%swap3A_777, %swap3A_778] {strides = array<i32>} : memref<16x128xf32, #tpu.memory_space<vmem>>, vector<1x16xf32>,
    %swap3A_780 = vector.shape_cast %swap3A_779 : vector<1x16xf32> to vector<16xf32>
    %swap3A_781 = vector.shape_cast %broadcast_in_dim3A_775 : vector<16xf32> to vector<1x16xf32>
    tpu.vector_store %arg7[%swap3A_777, %swap3A_778], %swap3A_781 {strides = array<i32>} : memref<16x128xf32, #tpu.memory_space<vmem>>, vector<1x16xf32>,
    %broadcast_in_dim3A_782 = arith.constant 0.000000e+00 : f32
    %broadcast_in_dim3A_783 = vector.broadcast %broadcast_in_dim3A_782 : f32 to vector<16xf32>
    %swap3A_784 = arith.constant 12 : i32
    %swap3A_785 = arith.index_cast %swap3A_784 : i32 to index
    %swap3A_786 = arith.constant 32 : index
    %swap3A_787 = tpu.vector_load %arg7[%swap3A_785, %swap3A_786] {strides = array<i32>} : memref<16x128xf32, #tpu.memory_space<vmem>>, vector<1x16xf32>,
    %swap3A_788 = vector.shape_cast %swap3A_787 : vector<1x16xf32> to vector<16xf32>
    %swap3A_789 = vector.shape_cast %broadcast_in_dim3A_783 : vector<16xf32> to vector<1x16xf32>
    tpu.vector_store %arg7[%swap3A_785, %swap3A_786], %swap3A_789 {strides = array<i32>} : memref<16x128xf32, #tpu.memory_space<vmem>>, vector<1x16xf32>,
    %broadcast_in_dim3A_790 = arith.constant 0.000000e+00 : f32
    %broadcast_in_dim3A_791 = vector.broadcast %broadcast_in_dim3A_790 : f32 to vector<16xf32>
    %swap3A_792 = arith.constant 12 : i32
    %swap3A_793 = arith.index_cast %swap3A_792 : i32 to index
    %swap3A_794 = arith.constant 48 : index
    %swap3A_795 = tpu.vector_load %arg7[%swap3A_793, %swap3A_794] {strides = array<i32>} : memref<16x128xf32, #tpu.memory_space<vmem>>, vector<1x16xf32>,
    %swap3A_796 = vector.shape_cast %swap3A_795 : vector<1x16xf32> to vector<16xf32>
    %swap3A_797 = vector.shape_cast %broadcast_in_dim3A_791 : vector<16xf32> to vector<1x16xf32>
    tpu.vector_store %arg7[%swap3A_793, %swap3A_794], %swap3A_797 {strides = array<i32>} : memref<16x128xf32, #tpu.memory_space<vmem>>, vector<1x16xf32>,
    %broadcast_in_dim3A_798 = arith.constant 0.000000e+00 : f32
    %broadcast_in_dim3A_799 = vector.broadcast %broadcast_in_dim3A_798 : f32 to vector<16xf32>
    %swap3A_800 = arith.constant 12 : i32
    %swap3A_801 = arith.index_cast %swap3A_800 : i32 to index
    %swap3A_802 = arith.constant 64 : index
    %swap3A_803 = tpu.vector_load %arg7[%swap3A_801, %swap3A_802] {strides = array<i32>} : memref<16x128xf32, #tpu.memory_space<vmem>>, vector<1x16xf32>,
    %swap3A_804 = vector.shape_cast %swap3A_803 : vector<1x16xf32> to vector<16xf32>
    %swap3A_805 = vector.shape_cast %broadcast_in_dim3A_799 : vector<16xf32> to vector<1x16xf32>
    tpu.vector_store %arg7[%swap3A_801, %swap3A_802], %swap3A_805 {strides = array<i32>} : memref<16x128xf32, #tpu.memory_space<vmem>>, vector<1x16xf32>,
    %broadcast_in_dim3A_806 = arith.constant 0.000000e+00 : f32
    %broadcast_in_dim3A_807 = vector.broadcast %broadcast_in_dim3A_806 : f32 to vector<16xf32>
    %swap3A_808 = arith.constant 12 : i32
    %swap3A_809 = arith.index_cast %swap3A_808 : i32 to index
    %swap3A_810 = arith.constant 80 : index
    %swap3A_811 = tpu.vector_load %arg7[%swap3A_809, %swap3A_810] {strides = array<i32>} : memref<16x128xf32, #tpu.memory_space<vmem>>, vector<1x16xf32>,
    %swap3A_812 = vector.shape_cast %swap3A_811 : vector<1x16xf32> to vector<16xf32>
    %swap3A_813 = vector.shape_cast %broadcast_in_dim3A_807 : vector<16xf32> to vector<1x16xf32>
    tpu.vector_store %arg7[%swap3A_809, %swap3A_810], %swap3A_813 {strides = array<i32>} : memref<16x128xf32, #tpu.memory_space<vmem>>, vector<1x16xf32>,
    %broadcast_in_dim3A_814 = arith.constant 0.000000e+00 : f32
    %broadcast_in_dim3A_815 = vector.broadcast %broadcast_in_dim3A_814 : f32 to vector<16xf32>
    %swap3A_816 = arith.constant 12 : i32
    %swap3A_817 = arith.index_cast %swap3A_816 : i32 to index
    %swap3A_818 = arith.constant 96 : index
    %swap3A_819 = tpu.vector_load %arg7[%swap3A_817, %swap3A_818] {strides = array<i32>} : memref<16x128xf32, #tpu.memory_space<vmem>>, vector<1x16xf32>,
    %swap3A_820 = vector.shape_cast %swap3A_819 : vector<1x16xf32> to vector<16xf32>
    %swap3A_821 = vector.shape_cast %broadcast_in_dim3A_815 : vector<16xf32> to vector<1x16xf32>
    tpu.vector_store %arg7[%swap3A_817, %swap3A_818], %swap3A_821 {strides = array<i32>} : memref<16x128xf32, #tpu.memory_space<vmem>>, vector<1x16xf32>,
    %broadcast_in_dim3A_822 = arith.constant 0.000000e+00 : f32
    %broadcast_in_dim3A_823 = vector.broadcast %broadcast_in_dim3A_822 : f32 to vector<16xf32>
    %swap3A_824 = arith.constant 12 : i32
    %swap3A_825 = arith.index_cast %swap3A_824 : i32 to index
    %swap3A_826 = arith.constant 112 : index
    %swap3A_827 = tpu.vector_load %arg7[%swap3A_825, %swap3A_826] {strides = array<i32>} : memref<16x128xf32, #tpu.memory_space<vmem>>, vector<1x16xf32>,
    %swap3A_828 = vector.shape_cast %swap3A_827 : vector<1x16xf32> to vector<16xf32>
    %swap3A_829 = vector.shape_cast %broadcast_in_dim3A_823 : vector<16xf32> to vector<1x16xf32>
    tpu.vector_store %arg7[%swap3A_825, %swap3A_826], %swap3A_829 {strides = array<i32>} : memref<16x128xf32, #tpu.memory_space<vmem>>, vector<1x16xf32>,
    %broadcast_in_dim3A_830 = arith.constant 0.000000e+00 : f32
    %broadcast_in_dim3A_831 = vector.broadcast %broadcast_in_dim3A_830 : f32 to vector<16xf32>
    %swap3A_832 = arith.constant 13 : i32
    %swap3A_833 = arith.index_cast %swap3A_832 : i32 to index
    %swap3A_834 = arith.constant 0 : index
    %swap3A_835 = tpu.vector_load %arg7[%swap3A_833, %swap3A_834] {strides = array<i32>} : memref<16x128xf32, #tpu.memory_space<vmem>>, vector<1x16xf32>,
    %swap3A_836 = vector.shape_cast %swap3A_835 : vector<1x16xf32> to vector<16xf32>
    %swap3A_837 = vector.shape_cast %broadcast_in_dim3A_831 : vector<16xf32> to vector<1x16xf32>
    tpu.vector_store %arg7[%swap3A_833, %swap3A_834], %swap3A_837 {strides = array<i32>} : memref<16x128xf32, #tpu.memory_space<vmem>>, vector<1x16xf32>,
    %broadcast_in_dim3A_838 = arith.constant 0.000000e+00 : f32
    %broadcast_in_dim3A_839 = vector.broadcast %broadcast_in_dim3A_838 : f32 to vector<16xf32>
    %swap3A_840 = arith.constant 13 : i32
    %swap3A_841 = arith.index_cast %swap3A_840 : i32 to index
    %swap3A_842 = arith.constant 16 : index
    %swap3A_843 = tpu.vector_load %arg7[%swap3A_841, %swap3A_842] {strides = array<i32>} : memref<16x128xf32, #tpu.memory_space<vmem>>, vector<1x16xf32>,
    %swap3A_844 = vector.shape_cast %swap3A_843 : vector<1x16xf32> to vector<16xf32>
    %swap3A_845 = vector.shape_cast %broadcast_in_dim3A_839 : vector<16xf32> to vector<1x16xf32>
    tpu.vector_store %arg7[%swap3A_841, %swap3A_842], %swap3A_845 {strides = array<i32>} : memref<16x128xf32, #tpu.memory_space<vmem>>, vector<1x16xf32>,
    %broadcast_in_dim3A_846 = arith.constant 0.000000e+00 : f32
    %broadcast_in_dim3A_847 = vector.broadcast %broadcast_in_dim3A_846 : f32 to vector<16xf32>
    %swap3A_848 = arith.constant 13 : i32
    %swap3A_849 = arith.index_cast %swap3A_848 : i32 to index
    %swap3A_850 = arith.constant 32 : index
    %swap3A_851 = tpu.vector_load %arg7[%swap3A_849, %swap3A_850] {strides = array<i32>} : memref<16x128xf32, #tpu.memory_space<vmem>>, vector<1x16xf32>,
    %swap3A_852 = vector.shape_cast %swap3A_851 : vector<1x16xf32> to vector<16xf32>
    %swap3A_853 = vector.shape_cast %broadcast_in_dim3A_847 : vector<16xf32> to vector<1x16xf32>
    tpu.vector_store %arg7[%swap3A_849, %swap3A_850], %swap3A_853 {strides = array<i32>} : memref<16x128xf32, #tpu.memory_space<vmem>>, vector<1x16xf32>,
    %broadcast_in_dim3A_854 = arith.constant 0.000000e+00 : f32
    %broadcast_in_dim3A_855 = vector.broadcast %broadcast_in_dim3A_854 : f32 to vector<16xf32>
    %swap3A_856 = arith.constant 13 : i32
    %swap3A_857 = arith.index_cast %swap3A_856 : i32 to index
    %swap3A_858 = arith.constant 48 : index
    %swap3A_859 = tpu.vector_load %arg7[%swap3A_857, %swap3A_858] {strides = array<i32>} : memref<16x128xf32, #tpu.memory_space<vmem>>, vector<1x16xf32>,
    %swap3A_860 = vector.shape_cast %swap3A_859 : vector<1x16xf32> to vector<16xf32>
    %swap3A_861 = vector.shape_cast %broadcast_in_dim3A_855 : vector<16xf32> to vector<1x16xf32>
    tpu.vector_store %arg7[%swap3A_857, %swap3A_858], %swap3A_861 {strides = array<i32>} : memref<16x128xf32, #tpu.memory_space<vmem>>, vector<1x16xf32>,
    %broadcast_in_dim3A_862 = arith.constant 0.000000e+00 : f32
    %broadcast_in_dim3A_863 = vector.broadcast %broadcast_in_dim3A_862 : f32 to vector<16xf32>
    %swap3A_864 = arith.constant 13 : i32
    %swap3A_865 = arith.index_cast %swap3A_864 : i32 to index
    %swap3A_866 = arith.constant 64 : index
    %swap3A_867 = tpu.vector_load %arg7[%swap3A_865, %swap3A_866] {strides = array<i32>} : memref<16x128xf32, #tpu.memory_space<vmem>>, vector<1x16xf32>,
    %swap3A_868 = vector.shape_cast %swap3A_867 : vector<1x16xf32> to vector<16xf32>
    %swap3A_869 = vector.shape_cast %broadcast_in_dim3A_863 : vector<16xf32> to vector<1x16xf32>
    tpu.vector_store %arg7[%swap3A_865, %swap3A_866], %swap3A_869 {strides = array<i32>} : memref<16x128xf32, #tpu.memory_space<vmem>>, vector<1x16xf32>,
    %broadcast_in_dim3A_870 = arith.constant 0.000000e+00 : f32
    %broadcast_in_dim3A_871 = vector.broadcast %broadcast_in_dim3A_870 : f32 to vector<16xf32>
    %swap3A_872 = arith.constant 13 : i32
    %swap3A_873 = arith.index_cast %swap3A_872 : i32 to index
    %swap3A_874 = arith.constant 80 : index
    %swap3A_875 = tpu.vector_load %arg7[%swap3A_873, %swap3A_874] {strides = array<i32>} : memref<16x128xf32, #tpu.memory_space<vmem>>, vector<1x16xf32>,
    %swap3A_876 = vector.shape_cast %swap3A_875 : vector<1x16xf32> to vector<16xf32>
    %swap3A_877 = vector.shape_cast %broadcast_in_dim3A_871 : vector<16xf32> to vector<1x16xf32>
    tpu.vector_store %arg7[%swap3A_873, %swap3A_874], %swap3A_877 {strides = array<i32>} : memref<16x128xf32, #tpu.memory_space<vmem>>, vector<1x16xf32>,
    %broadcast_in_dim3A_878 = arith.constant 0.000000e+00 : f32
    %broadcast_in_dim3A_879 = vector.broadcast %broadcast_in_dim3A_878 : f32 to vector<16xf32>
    %swap3A_880 = arith.constant 13 : i32
    %swap3A_881 = arith.index_cast %swap3A_880 : i32 to index
    %swap3A_882 = arith.constant 96 : index
    %swap3A_883 = tpu.vector_load %arg7[%swap3A_881, %swap3A_882] {strides = array<i32>} : memref<16x128xf32, #tpu.memory_space<vmem>>, vector<1x16xf32>,
    %swap3A_884 = vector.shape_cast %swap3A_883 : vector<1x16xf32> to vector<16xf32>
    %swap3A_885 = vector.shape_cast %broadcast_in_dim3A_879 : vector<16xf32> to vector<1x16xf32>
    tpu.vector_store %arg7[%swap3A_881, %swap3A_882], %swap3A_885 {strides = array<i32>} : memref<16x128xf32, #tpu.memory_space<vmem>>, vector<1x16xf32>,
    %broadcast_in_dim3A_886 = arith.constant 0.000000e+00 : f32
    %broadcast_in_dim3A_887 = vector.broadcast %broadcast_in_dim3A_886 : f32 to vector<16xf32>
    %swap3A_888 = arith.constant 13 : i32
    %swap3A_889 = arith.index_cast %swap3A_888 : i32 to index
    %swap3A_890 = arith.constant 112 : index
    %swap3A_891 = tpu.vector_load %arg7[%swap3A_889, %swap3A_890] {strides = array<i32>} : memref<16x128xf32, #tpu.memory_space<vmem>>, vector<1x16xf32>,
    %swap3A_892 = vector.shape_cast %swap3A_891 : vector<1x16xf32> to vector<16xf32>
    %swap3A_893 = vector.shape_cast %broadcast_in_dim3A_887 : vector<16xf32> to vector<1x16xf32>
    tpu.vector_store %arg7[%swap3A_889, %swap3A_890], %swap3A_893 {strides = array<i32>} : memref<16x128xf32, #tpu.memory_space<vmem>>, vector<1x16xf32>,
    %broadcast_in_dim3A_894 = arith.constant 0.000000e+00 : f32
    %broadcast_in_dim3A_895 = vector.broadcast %broadcast_in_dim3A_894 : f32 to vector<16xf32>
    %swap3A_896 = arith.constant 14 : i32
    %swap3A_897 = arith.index_cast %swap3A_896 : i32 to index
    %swap3A_898 = arith.constant 0 : index
    %swap3A_899 = tpu.vector_load %arg7[%swap3A_897, %swap3A_898] {strides = array<i32>} : memref<16x128xf32, #tpu.memory_space<vmem>>, vector<1x16xf32>,
    %swap3A_900 = vector.shape_cast %swap3A_899 : vector<1x16xf32> to vector<16xf32>
    %swap3A_901 = vector.shape_cast %broadcast_in_dim3A_895 : vector<16xf32> to vector<1x16xf32>
    tpu.vector_store %arg7[%swap3A_897, %swap3A_898], %swap3A_901 {strides = array<i32>} : memref<16x128xf32, #tpu.memory_space<vmem>>, vector<1x16xf32>,
    %broadcast_in_dim3A_902 = arith.constant 0.000000e+00 : f32
    %broadcast_in_dim3A_903 = vector.broadcast %broadcast_in_dim3A_902 : f32 to vector<16xf32>
    %swap3A_904 = arith.constant 14 : i32
    %swap3A_905 = arith.index_cast %swap3A_904 : i32 to index
    %swap3A_906 = arith.constant 16 : index
    %swap3A_907 = tpu.vector_load %arg7[%swap3A_905, %swap3A_906] {strides = array<i32>} : memref<16x128xf32, #tpu.memory_space<vmem>>, vector<1x16xf32>,
    %swap3A_908 = vector.shape_cast %swap3A_907 : vector<1x16xf32> to vector<16xf32>
    %swap3A_909 = vector.shape_cast %broadcast_in_dim3A_903 : vector<16xf32> to vector<1x16xf32>
    tpu.vector_store %arg7[%swap3A_905, %swap3A_906], %swap3A_909 {strides = array<i32>} : memref<16x128xf32, #tpu.memory_space<vmem>>, vector<1x16xf32>,
    %broadcast_in_dim3A_910 = arith.constant 0.000000e+00 : f32
    %broadcast_in_dim3A_911 = vector.broadcast %broadcast_in_dim3A_910 : f32 to vector<16xf32>
    %swap3A_912 = arith.constant 14 : i32
    %swap3A_913 = arith.index_cast %swap3A_912 : i32 to index
    %swap3A_914 = arith.constant 32 : index
    %swap3A_915 = tpu.vector_load %arg7[%swap3A_913, %swap3A_914] {strides = array<i32>} : memref<16x128xf32, #tpu.memory_space<vmem>>, vector<1x16xf32>,
    %swap3A_916 = vector.shape_cast %swap3A_915 : vector<1x16xf32> to vector<16xf32>
    %swap3A_917 = vector.shape_cast %broadcast_in_dim3A_911 : vector<16xf32> to vector<1x16xf32>
    tpu.vector_store %arg7[%swap3A_913, %swap3A_914], %swap3A_917 {strides = array<i32>} : memref<16x128xf32, #tpu.memory_space<vmem>>, vector<1x16xf32>,
    %broadcast_in_dim3A_918 = arith.constant 0.000000e+00 : f32
    %broadcast_in_dim3A_919 = vector.broadcast %broadcast_in_dim3A_918 : f32 to vector<16xf32>
    %swap3A_920 = arith.constant 14 : i32
    %swap3A_921 = arith.index_cast %swap3A_920 : i32 to index
    %swap3A_922 = arith.constant 48 : index
    %swap3A_923 = tpu.vector_load %arg7[%swap3A_921, %swap3A_922] {strides = array<i32>} : memref<16x128xf32, #tpu.memory_space<vmem>>, vector<1x16xf32>,
    %swap3A_924 = vector.shape_cast %swap3A_923 : vector<1x16xf32> to vector<16xf32>
    %swap3A_925 = vector.shape_cast %broadcast_in_dim3A_919 : vector<16xf32> to vector<1x16xf32>
    tpu.vector_store %arg7[%swap3A_921, %swap3A_922], %swap3A_925 {strides = array<i32>} : memref<16x128xf32, #tpu.memory_space<vmem>>, vector<1x16xf32>,
    %broadcast_in_dim3A_926 = arith.constant 0.000000e+00 : f32
    %broadcast_in_dim3A_927 = vector.broadcast %broadcast_in_dim3A_926 : f32 to vector<16xf32>
    %swap3A_928 = arith.constant 14 : i32
    %swap3A_929 = arith.index_cast %swap3A_928 : i32 to index
    %swap3A_930 = arith.constant 64 : index
    %swap3A_931 = tpu.vector_load %arg7[%swap3A_929, %swap3A_930] {strides = array<i32>} : memref<16x128xf32, #tpu.memory_space<vmem>>, vector<1x16xf32>,
    %swap3A_932 = vector.shape_cast %swap3A_931 : vector<1x16xf32> to vector<16xf32>
    %swap3A_933 = vector.shape_cast %broadcast_in_dim3A_927 : vector<16xf32> to vector<1x16xf32>
    tpu.vector_store %arg7[%swap3A_929, %swap3A_930], %swap3A_933 {strides = array<i32>} : memref<16x128xf32, #tpu.memory_space<vmem>>, vector<1x16xf32>,
    %broadcast_in_dim3A_934 = arith.constant 0.000000e+00 : f32
    %broadcast_in_dim3A_935 = vector.broadcast %broadcast_in_dim3A_934 : f32 to vector<16xf32>
    %swap3A_936 = arith.constant 14 : i32
    %swap3A_937 = arith.index_cast %swap3A_936 : i32 to index
    %swap3A_938 = arith.constant 80 : index
    %swap3A_939 = tpu.vector_load %arg7[%swap3A_937, %swap3A_938] {strides = array<i32>} : memref<16x128xf32, #tpu.memory_space<vmem>>, vector<1x16xf32>,
    %swap3A_940 = vector.shape_cast %swap3A_939 : vector<1x16xf32> to vector<16xf32>
    %swap3A_941 = vector.shape_cast %broadcast_in_dim3A_935 : vector<16xf32> to vector<1x16xf32>
    tpu.vector_store %arg7[%swap3A_937, %swap3A_938], %swap3A_941 {strides = array<i32>} : memref<16x128xf32, #tpu.memory_space<vmem>>, vector<1x16xf32>,
    %broadcast_in_dim3A_942 = arith.constant 0.000000e+00 : f32
    %broadcast_in_dim3A_943 = vector.broadcast %broadcast_in_dim3A_942 : f32 to vector<16xf32>
    %swap3A_944 = arith.constant 14 : i32
    %swap3A_945 = arith.index_cast %swap3A_944 : i32 to index
    %swap3A_946 = arith.constant 96 : index
    %swap3A_947 = tpu.vector_load %arg7[%swap3A_945, %swap3A_946] {strides = array<i32>} : memref<16x128xf32, #tpu.memory_space<vmem>>, vector<1x16xf32>,
    %swap3A_948 = vector.shape_cast %swap3A_947 : vector<1x16xf32> to vector<16xf32>
    %swap3A_949 = vector.shape_cast %broadcast_in_dim3A_943 : vector<16xf32> to vector<1x16xf32>
    tpu.vector_store %arg7[%swap3A_945, %swap3A_946], %swap3A_949 {strides = array<i32>} : memref<16x128xf32, #tpu.memory_space<vmem>>, vector<1x16xf32>,
    %broadcast_in_dim3A_950 = arith.constant 0.000000e+00 : f32
    %broadcast_in_dim3A_951 = vector.broadcast %broadcast_in_dim3A_950 : f32 to vector<16xf32>
    %swap3A_952 = arith.constant 14 : i32
    %swap3A_953 = arith.index_cast %swap3A_952 : i32 to index
    %swap3A_954 = arith.constant 112 : index
    %swap3A_955 = tpu.vector_load %arg7[%swap3A_953, %swap3A_954] {strides = array<i32>} : memref<16x128xf32, #tpu.memory_space<vmem>>, vector<1x16xf32>,
    %swap3A_956 = vector.shape_cast %swap3A_955 : vector<1x16xf32> to vector<16xf32>
    %swap3A_957 = vector.shape_cast %broadcast_in_dim3A_951 : vector<16xf32> to vector<1x16xf32>
    tpu.vector_store %arg7[%swap3A_953, %swap3A_954], %swap3A_957 {strides = array<i32>} : memref<16x128xf32, #tpu.memory_space<vmem>>, vector<1x16xf32>,
    %broadcast_in_dim3A_958 = arith.constant 0.000000e+00 : f32
    %broadcast_in_dim3A_959 = vector.broadcast %broadcast_in_dim3A_958 : f32 to vector<16xf32>
    %swap3A_960 = arith.constant 15 : i32
    %swap3A_961 = arith.index_cast %swap3A_960 : i32 to index
    %swap3A_962 = arith.constant 0 : index
    %swap3A_963 = tpu.vector_load %arg7[%swap3A_961, %swap3A_962] {strides = array<i32>} : memref<16x128xf32, #tpu.memory_space<vmem>>, vector<1x16xf32>,
    %swap3A_964 = vector.shape_cast %swap3A_963 : vector<1x16xf32> to vector<16xf32>
    %swap3A_965 = vector.shape_cast %broadcast_in_dim3A_959 : vector<16xf32> to vector<1x16xf32>
    tpu.vector_store %arg7[%swap3A_961, %swap3A_962], %swap3A_965 {strides = array<i32>} : memref<16x128xf32, #tpu.memory_space<vmem>>, vector<1x16xf32>,
    %broadcast_in_dim3A_966 = arith.constant 0.000000e+00 : f32
    %broadcast_in_dim3A_967 = vector.broadcast %broadcast_in_dim3A_966 : f32 to vector<16xf32>
    %swap3A_968 = arith.constant 15 : i32
    %swap3A_969 = arith.index_cast %swap3A_968 : i32 to index
    %swap3A_970 = arith.constant 16 : index
    %swap3A_971 = tpu.vector_load %arg7[%swap3A_969, %swap3A_970] {strides = array<i32>} : memref<16x128xf32, #tpu.memory_space<vmem>>, vector<1x16xf32>,
    %swap3A_972 = vector.shape_cast %swap3A_971 : vector<1x16xf32> to vector<16xf32>
    %swap3A_973 = vector.shape_cast %broadcast_in_dim3A_967 : vector<16xf32> to vector<1x16xf32>
    tpu.vector_store %arg7[%swap3A_969, %swap3A_970], %swap3A_973 {strides = array<i32>} : memref<16x128xf32, #tpu.memory_space<vmem>>, vector<1x16xf32>,
    %broadcast_in_dim3A_974 = arith.constant 0.000000e+00 : f32
    %broadcast_in_dim3A_975 = vector.broadcast %broadcast_in_dim3A_974 : f32 to vector<16xf32>
    %swap3A_976 = arith.constant 15 : i32
    %swap3A_977 = arith.index_cast %swap3A_976 : i32 to index
    %swap3A_978 = arith.constant 32 : index
    %swap3A_979 = tpu.vector_load %arg7[%swap3A_977, %swap3A_978] {strides = array<i32>} : memref<16x128xf32, #tpu.memory_space<vmem>>, vector<1x16xf32>,
    %swap3A_980 = vector.shape_cast %swap3A_979 : vector<1x16xf32> to vector<16xf32>
    %swap3A_981 = vector.shape_cast %broadcast_in_dim3A_975 : vector<16xf32> to vector<1x16xf32>
    tpu.vector_store %arg7[%swap3A_977, %swap3A_978], %swap3A_981 {strides = array<i32>} : memref<16x128xf32, #tpu.memory_space<vmem>>, vector<1x16xf32>,
    %broadcast_in_dim3A_982 = arith.constant 0.000000e+00 : f32
    %broadcast_in_dim3A_983 = vector.broadcast %broadcast_in_dim3A_982 : f32 to vector<16xf32>
    %swap3A_984 = arith.constant 15 : i32
    %swap3A_985 = arith.index_cast %swap3A_984 : i32 to index
    %swap3A_986 = arith.constant 48 : index
    %swap3A_987 = tpu.vector_load %arg7[%swap3A_985, %swap3A_986] {strides = array<i32>} : memref<16x128xf32, #tpu.memory_space<vmem>>, vector<1x16xf32>,
    %swap3A_988 = vector.shape_cast %swap3A_987 : vector<1x16xf32> to vector<16xf32>
    %swap3A_989 = vector.shape_cast %broadcast_in_dim3A_983 : vector<16xf32> to vector<1x16xf32>
    tpu.vector_store %arg7[%swap3A_985, %swap3A_986], %swap3A_989 {strides = array<i32>} : memref<16x128xf32, #tpu.memory_space<vmem>>, vector<1x16xf32>,
    %broadcast_in_dim3A_990 = arith.constant 0.000000e+00 : f32
    %broadcast_in_dim3A_991 = vector.broadcast %broadcast_in_dim3A_990 : f32 to vector<16xf32>
    %swap3A_992 = arith.constant 15 : i32
    %swap3A_993 = arith.index_cast %swap3A_992 : i32 to index
    %swap3A_994 = arith.constant 64 : index
    %swap3A_995 = tpu.vector_load %arg7[%swap3A_993, %swap3A_994] {strides = array<i32>} : memref<16x128xf32, #tpu.memory_space<vmem>>, vector<1x16xf32>,
    %swap3A_996 = vector.shape_cast %swap3A_995 : vector<1x16xf32> to vector<16xf32>
    %swap3A_997 = vector.shape_cast %broadcast_in_dim3A_991 : vector<16xf32> to vector<1x16xf32>
    tpu.vector_store %arg7[%swap3A_993, %swap3A_994], %swap3A_997 {strides = array<i32>} : memref<16x128xf32, #tpu.memory_space<vmem>>, vector<1x16xf32>,
    %broadcast_in_dim3A_998 = arith.constant 0.000000e+00 : f32
    %broadcast_in_dim3A_999 = vector.broadcast %broadcast_in_dim3A_998 : f32 to vector<16xf32>
    %swap3A_1000 = arith.constant 15 : i32
    %swap3A_1001 = arith.index_cast %swap3A_1000 : i32 to index
    %swap3A_1002 = arith.constant 80 : index
    %swap3A_1003 = tpu.vector_load %arg7[%swap3A_1001, %swap3A_1002] {strides = array<i32>} : memref<16x128xf32, #tpu.memory_space<vmem>>, vector<1x16xf32>,
    %swap3A_1004 = vector.shape_cast %swap3A_1003 : vector<1x16xf32> to vector<16xf32>
    %swap3A_1005 = vector.shape_cast %broadcast_in_dim3A_999 : vector<16xf32> to vector<1x16xf32>
    tpu.vector_store %arg7[%swap3A_1001, %swap3A_1002], %swap3A_1005 {strides = array<i32>} : memref<16x128xf32, #tpu.memory_space<vmem>>, vector<1x16xf32>,
    %broadcast_in_dim3A_1006 = arith.constant 0.000000e+00 : f32
    %broadcast_in_dim3A_1007 = vector.broadcast %broadcast_in_dim3A_1006 : f32 to vector<16xf32>
    %swap3A_1008 = arith.constant 15 : i32
    %swap3A_1009 = arith.index_cast %swap3A_1008 : i32 to index
    %swap3A_1010 = arith.constant 96 : index
    %swap3A_1011 = tpu.vector_load %arg7[%swap3A_1009, %swap3A_1010] {strides = array<i32>} : memref<16x128xf32, #tpu.memory_space<vmem>>, vector<1x16xf32>,
    %swap3A_1012 = vector.shape_cast %swap3A_1011 : vector<1x16xf32> to vector<16xf32>
    %swap3A_1013 = vector.shape_cast %broadcast_in_dim3A_1007 : vector<16xf32> to vector<1x16xf32>
    tpu.vector_store %arg7[%swap3A_1009, %swap3A_1010], %swap3A_1013 {strides = array<i32>} : memref<16x128xf32, #tpu.memory_space<vmem>>, vector<1x16xf32>,
    %broadcast_in_dim3A_1014 = arith.constant 0.000000e+00 : f32
    %broadcast_in_dim3A_1015 = vector.broadcast %broadcast_in_dim3A_1014 : f32 to vector<16xf32>
    %swap3A_1016 = arith.constant 15 : i32
    %swap3A_1017 = arith.index_cast %swap3A_1016 : i32 to index
    %swap3A_1018 = arith.constant 112 : index
    %swap3A_1019 = tpu.vector_load %arg7[%swap3A_1017, %swap3A_1018] {strides = array<i32>} : memref<16x128xf32, #tpu.memory_space<vmem>>, vector<1x16xf32>,
    %swap3A_1020 = vector.shape_cast %swap3A_1019 : vector<1x16xf32> to vector<16xf32>
    %swap3A_1021 = vector.shape_cast %broadcast_in_dim3A_1015 : vector<16xf32> to vector<1x16xf32>
    tpu.vector_store %arg7[%swap3A_1017, %swap3A_1018], %swap3A_1021 {strides = array<i32>} : memref<16x128xf32, #tpu.memory_space<vmem>>, vector<1x16xf32>,
    %mul3A = arith.constant 16 : i32
    %mul3A_1022 = arith.muli %arg0, %mul3A : i32
    %add3A = arith.addi %mul3A_1022, %arg1 : i32
    %mul3A_1023 = arith.constant 10240 : i32
    %mul3A_1024 = arith.muli %add3A, %mul3A_1023 : i32
    %add3A_1025 = arith.constant 0 : i32
    %add3A_1026 = arith.addi %mul3A_1024, %add3A_1025 : i32
    %dma_start3A = tpu.memref_slice %arg2[%add3A_1026] : memref<327680xi32, #tpu.memory_space<hbm>> -> memref<128xi32, #tpu.memory_space<hbm>>
    %dma_start3A_1027 = tpu.memref_slice %arg2[%add3A_1026] : memref<327680xi32, #tpu.memory_space<hbm>> -> memref<128xi32, #tpu.memory_space<hbm>>
    tpu.enqueue_dma source(%dma_start3A_1027 : memref<128xi32, #tpu.memory_space<hbm>>) target(%arg8 : memref<128xi32, #tpu.memory_space<vmem>>) target_semaphore(%arg26 : memref<!tpu.dma_semaphore, #tpu.memory_space<semaphore_mem>>)
    %add3A_1028 = arith.constant 0 : i32
    %add3A_1029 = arith.addi %mul3A_1024, %add3A_1028 : i32
    %dma_start3A_1030 = tpu.memref_slice %arg3[%add3A_1029] : memref<327680xi32, #tpu.memory_space<hbm>> -> memref<128xi32, #tpu.memory_space<hbm>>
    %dma_start3A_1031 = tpu.memref_slice %arg3[%add3A_1029] : memref<327680xi32, #tpu.memory_space<hbm>> -> memref<128xi32, #tpu.memory_space<hbm>>
    tpu.enqueue_dma source(%dma_start3A_1031 : memref<128xi32, #tpu.memory_space<hbm>>) target(%arg16 : memref<128xi32, #tpu.memory_space<vmem>>) target_semaphore(%arg34 : memref<!tpu.dma_semaphore, #tpu.memory_space<semaphore_mem>>)
    %add3A_1032 = arith.constant 128 : i32
    %add3A_1033 = arith.addi %mul3A_1024, %add3A_1032 : i32
    %dma_start3A_1034 = tpu.memref_slice %arg2[%add3A_1033] : memref<327680xi32, #tpu.memory_space<hbm>> -> memref<128xi32, #tpu.memory_space<hbm>>
    %dma_start3A_1035 = tpu.memref_slice %arg2[%add3A_1033] : memref<327680xi32, #tpu.memory_space<hbm>> -> memref<128xi32, #tpu.memory_space<hbm>>
    tpu.enqueue_dma source(%dma_start3A_1035 : memref<128xi32, #tpu.memory_space<hbm>>) target(%arg9 : memref<128xi32, #tpu.memory_space<vmem>>) target_semaphore(%arg27 : memref<!tpu.dma_semaphore, #tpu.memory_space<semaphore_mem>>)
    %add3A_1036 = arith.constant 128 : i32
    %add3A_1037 = arith.addi %mul3A_1024, %add3A_1036 : i32
    %dma_start3A_1038 = tpu.memref_slice %arg3[%add3A_1037] : memref<327680xi32, #tpu.memory_space<hbm>> -> memref<128xi32, #tpu.memory_space<hbm>>
    %dma_start3A_1039 = tpu.memref_slice %arg3[%add3A_1037] : memref<327680xi32, #tpu.memory_space<hbm>> -> memref<128xi32, #tpu.memory_space<hbm>>
    tpu.enqueue_dma source(%dma_start3A_1039 : memref<128xi32, #tpu.memory_space<hbm>>) target(%arg17 : memref<128xi32, #tpu.memory_space<vmem>>) target_semaphore(%arg35 : memref<!tpu.dma_semaphore, #tpu.memory_space<semaphore_mem>>)
    %add3A_1040 = arith.constant 256 : i32
    %add3A_1041 = arith.addi %mul3A_1024, %add3A_1040 : i32
    %dma_start3A_1042 = tpu.memref_slice %arg2[%add3A_1041] : memref<327680xi32, #tpu.memory_space<hbm>> -> memref<128xi32, #tpu.memory_space<hbm>>
    %dma_start3A_1043 = tpu.memref_slice %arg2[%add3A_1041] : memref<327680xi32, #tpu.memory_space<hbm>> -> memref<128xi32, #tpu.memory_space<hbm>>
    tpu.enqueue_dma source(%dma_start3A_1043 : memref<128xi32, #tpu.memory_space<hbm>>) target(%arg10 : memref<128xi32, #tpu.memory_space<vmem>>) target_semaphore(%arg28 : memref<!tpu.dma_semaphore, #tpu.memory_space<semaphore_mem>>)
    %add3A_1044 = arith.constant 256 : i32
    %add3A_1045 = arith.addi %mul3A_1024, %add3A_1044 : i32
    %dma_start3A_1046 = tpu.memref_slice %arg3[%add3A_1045] : memref<327680xi32, #tpu.memory_space<hbm>> -> memref<128xi32, #tpu.memory_space<hbm>>
    %dma_start3A_1047 = tpu.memref_slice %arg3[%add3A_1045] : memref<327680xi32, #tpu.memory_space<hbm>> -> memref<128xi32, #tpu.memory_space<hbm>>
    tpu.enqueue_dma source(%dma_start3A_1047 : memref<128xi32, #tpu.memory_space<hbm>>) target(%arg18 : memref<128xi32, #tpu.memory_space<vmem>>) target_semaphore(%arg36 : memref<!tpu.dma_semaphore, #tpu.memory_space<semaphore_mem>>)
    %add3A_1048 = arith.constant 384 : i32
    %add3A_1049 = arith.addi %mul3A_1024, %add3A_1048 : i32
    %dma_start3A_1050 = tpu.memref_slice %arg2[%add3A_1049] : memref<327680xi32, #tpu.memory_space<hbm>> -> memref<128xi32, #tpu.memory_space<hbm>>
    %dma_start3A_1051 = tpu.memref_slice %arg2[%add3A_1049] : memref<327680xi32, #tpu.memory_space<hbm>> -> memref<128xi32, #tpu.memory_space<hbm>>
    tpu.enqueue_dma source(%dma_start3A_1051 : memref<128xi32, #tpu.memory_space<hbm>>) target(%arg11 : memref<128xi32, #tpu.memory_space<vmem>>) target_semaphore(%arg29 : memref<!tpu.dma_semaphore, #tpu.memory_space<semaphore_mem>>)
    %add3A_1052 = arith.constant 384 : i32
    %add3A_1053 = arith.addi %mul3A_1024, %add3A_1052 : i32
    %dma_start3A_1054 = tpu.memref_slice %arg3[%add3A_1053] : memref<327680xi32, #tpu.memory_space<hbm>> -> memref<128xi32, #tpu.memory_space<hbm>>
    %dma_start3A_1055 = tpu.memref_slice %arg3[%add3A_1053] : memref<327680xi32, #tpu.memory_space<hbm>> -> memref<128xi32, #tpu.memory_space<hbm>>
    tpu.enqueue_dma source(%dma_start3A_1055 : memref<128xi32, #tpu.memory_space<hbm>>) target(%arg19 : memref<128xi32, #tpu.memory_space<vmem>>) target_semaphore(%arg37 : memref<!tpu.dma_semaphore, #tpu.memory_space<semaphore_mem>>)
    %scan3A = arith.constant 0 : i32
    %scan3A_1056 = arith.constant 0 : i32
    %scan3A_1057 = arith.constant 40 : i32
    %scan3A_1058 = arith.addi %scan3A_1056, %scan3A_1057 : i32
    %scan3A_1059 = arith.constant 1 : i32
    scf.for %scan3A_1093 = %scan3A_1056 to %scan3A_1058 step %scan3A_1059  : i32 {
      %mul3A_1094 = arith.constant 640 : i32
      %mul3A_1095 = arith.muli %arg1, %mul3A_1094 : i32
      %mul3A_1096 = arith.constant 16 : i32
      %mul3A_1097 = arith.muli %scan3A_1093, %mul3A_1096 : i32
      %add3A_1098 = arith.addi %mul3A_1095, %mul3A_1097 : i32
      %dma_start3A_1099 = arith.constant 0 : i32
      %dma_start3A_1100 = tpu.memref_slice %arg6[%add3A_1098, %dma_start3A_1099] : memref<10240x128xf32, #tpu.memory_space<vmem_shared>> -> memref<16x128xf32, #tpu.memory_space<vmem_shared>>
      %dma_start3A_1101 = arith.constant 0 : i32
      %dma_start3A_1102 = tpu.memref_slice %arg6[%add3A_1098, %dma_start3A_1101] : memref<10240x128xf32, #tpu.memory_space<vmem_shared>> -> memref<16x128xf32, #tpu.memory_space<vmem_shared>>
      tpu.enqueue_dma source(%arg7 : memref<16x128xf32, #tpu.memory_space<vmem>>) target(%dma_start3A_1102 : memref<16x128xf32, #tpu.memory_space<vmem_shared>>) target_semaphore(%arg46 : memref<!tpu.dma_semaphore, #tpu.memory_space<semaphore_mem>>)
    }
    %scan3A_1060 = arith.constant 40 : i32
    %scan3A_1061 = arith.constant 0 : i32
    %scan3A_1062 = arith.constant 0 : i32
    %scan3A_1063 = arith.constant 40 : i32
    %scan3A_1064 = arith.addi %scan3A_1062, %scan3A_1063 : i32
    %scan3A_1065 = arith.constant 1 : i32
    scf.for %scan3A_1093 = %scan3A_1062 to %scan3A_1064 step %scan3A_1065  : i32 {
      %mul3A_1094 = arith.constant 640 : i32
      %mul3A_1095 = arith.muli %arg1, %mul3A_1094 : i32
      %mul3A_1096 = arith.constant 16 : i32
      %mul3A_1097 = arith.muli %scan3A_1093, %mul3A_1096 : i32
      %add3A_1098 = arith.addi %mul3A_1095, %mul3A_1097 : i32
      %dma_wait3A_1099 = arith.constant 0 : i32
      %dma_wait3A_1100 = tpu.memref_slice %arg6[%add3A_1098, %dma_wait3A_1099] : memref<10240x128xf32, #tpu.memory_space<vmem_shared>> -> memref<16x128xf32, #tpu.memory_space<vmem_shared>>
      %dma_wait3A_1101 = arith.constant 0 : i32
      %dma_wait3A_1102 = tpu.memref_slice %arg6[%add3A_1098, %dma_wait3A_1101] : memref<10240x128xf32, #tpu.memory_space<vmem_shared>> -> memref<16x128xf32, #tpu.memory_space<vmem_shared>>
      tpu.wait_dma2 semaphore(%arg46 : memref<!tpu.dma_semaphore, #tpu.memory_space<semaphore_mem>>) src(%arg7 : memref<16x128xf32, #tpu.memory_space<vmem>>) dst(%dma_wait3A_1102 : memref<16x128xf32, #tpu.memory_space<vmem_shared>>)
    }
    %scan3A_1066 = arith.constant 40 : i32
    %barrier3A = arith.constant 0 : index
    tpu.barrier barrier_id(%barrier3A)
    %dma_wait3A = tpu.memref_slice %arg2[%mul3A_1024] : memref<327680xi32, #tpu.memory_space<hbm>> -> memref<128xi32, #tpu.memory_space<hbm>>
    %dma_wait3A_1067 = tpu.memref_slice %arg2[%mul3A_1024] : memref<327680xi32, #tpu.memory_space<hbm>> -> memref<128xi32, #tpu.memory_space<hbm>>
    tpu.wait_dma2 semaphore(%arg26 : memref<!tpu.dma_semaphore, #tpu.memory_space<semaphore_mem>>) src(%dma_wait3A_1067 : memref<128xi32, #tpu.memory_space<hbm>>) dst(%arg8 : memref<128xi32, #tpu.memory_space<vmem>>)
    %dma_start3A_1068 = arith.constant 0 : i32
    %dma_start3A_1069 = arith.constant 0 : i32
    %dma_start3A_1070 = tpu.memref_slice %arg4[%dma_start3A_1068, %dma_start3A_1069] : memref<10000x128xf32, #tpu.memory_space<hbm>> -> memref<10000x128xf32, #tpu.memory_space<hbm>>
    tpu.enqueue_indirect_dma source(%dma_start3A_1070 : memref<10000x128xf32, #tpu.memory_space<hbm>>) target(%arg24 : memref<128x128xf32, #tpu.memory_space<vmem>>) offsets(%arg8 : memref<128xi32, #tpu.memory_space<vmem>>) semaphore(%arg42 : memref<!tpu.dma_semaphore, #tpu.memory_space<semaphore_mem>>)
    %scan3A_1071 = arith.constant 0 : i32
    %scan3A_1072 = arith.constant 0 : i32
    %scan3A_1073 = arith.constant 10 : i32
    %scan3A_1074 = arith.addi %scan3A_1072, %scan3A_1073 : i32
    %scan3A_1075 = arith.constant 1 : i32
    scf.for %scan3A_1093 = %scan3A_1072 to %scan3A_1074 step %scan3A_1075  : i32 {
      %mul3A_1094 = arith.constant 8 : i32
      %mul3A_1095 = arith.muli %mul3A_1094, %scan3A_1093 : i32
      %add3A_1096 = arith.constant 0 : i32
      %add3A_1097 = arith.addi %mul3A_1095, %add3A_1096 : i32
      %ge3A = arith.constant 1 : i32
      %ge3A_1098 = arith.cmpi sge, %add3A_1097, %ge3A : i32
      %convert_element_type3A = arith.extui %ge3A_1098 : i1 to i32
      %cond3A = arith.constant 0 : i32
      %cond3A_1099 = arith.cmpi ne, %convert_element_type3A, %cond3A : i32
      scf.if %cond3A_1099 {
        %dma_wait3A_1362 = arith.constant 0 : i32
        %dma_wait3A_1363 = arith.constant 0 : i32
        %dma_wait3A_1364 = tpu.memref_slice %arg6[%dma_wait3A_1362, %dma_wait3A_1363] : memref<10240x128xf32, #tpu.memory_space<vmem_shared>> -> memref<10240x128xf32, #tpu.memory_space<vmem_shared>>
        tpu.wait_indirect_dma semaphore(%arg45 : memref<!tpu.dma_semaphore, #tpu.memory_space<semaphore_mem>>) src(%arg25 : memref<128x128xf32, #tpu.memory_space<vmem>>) dst(%dma_wait3A_1364 : memref<10240x128xf32, #tpu.memory_space<vmem_shared>>)
      } else {
      }
      %add3A_1100 = arith.constant 4 : i32
      %add3A_1101 = arith.addi %add3A_1097, %add3A_1100 : i32
      %lt3A = arith.constant 80 : i32
      %lt3A_1102 = arith.cmpi slt, %add3A_1101, %lt3A : i32
      %convert_element_type3A_1103 = arith.extui %lt3A_1102 : i1 to i32
      %cond3A_1104 = arith.constant 0 : i32
      %cond3A_1105 = arith.cmpi ne, %convert_element_type3A_1103, %cond3A_1104 : i32
      scf.if %cond3A_1105 {
        %add3A_1362 = arith.constant 4 : i32
        %add3A_1363 = arith.addi %add3A_1097, %add3A_1362 : i32
        %mul3A_1364 = arith.constant 128 : i32
        %mul3A_1365 = arith.muli %add3A_1363, %mul3A_1364 : i32
        %add3A_1366 = arith.addi %mul3A_1024, %mul3A_1365 : i32
        %dma_start3A_1367 = tpu.memref_slice %arg2[%add3A_1366] : memref<327680xi32, #tpu.memory_space<hbm>> -> memref<128xi32, #tpu.memory_space<hbm>>
        %dma_start3A_1368 = tpu.memref_slice %arg2[%add3A_1366] : memref<327680xi32, #tpu.memory_space<hbm>> -> memref<128xi32, #tpu.memory_space<hbm>>
        tpu.enqueue_dma source(%dma_start3A_1368 : memref<128xi32, #tpu.memory_space<hbm>>) target(%arg12 : memref<128xi32, #tpu.memory_space<vmem>>) target_semaphore(%arg30 : memref<!tpu.dma_semaphore, #tpu.memory_space<semaphore_mem>>)
        %add3A_1369 = arith.constant 4 : i32
        %add3A_1370 = arith.addi %add3A_1097, %add3A_1369 : i32
        %mul3A_1371 = arith.constant 128 : i32
        %mul3A_1372 = arith.muli %add3A_1370, %mul3A_1371 : i32
        %add3A_1373 = arith.addi %mul3A_1024, %mul3A_1372 : i32
        %dma_start3A_1374 = tpu.memref_slice %arg3[%add3A_1373] : memref<327680xi32, #tpu.memory_space<hbm>> -> memref<128xi32, #tpu.memory_space<hbm>>
        %dma_start3A_1375 = tpu.memref_slice %arg3[%add3A_1373] : memref<327680xi32, #tpu.memory_space<hbm>> -> memref<128xi32, #tpu.memory_space<hbm>>
        tpu.enqueue_dma source(%dma_start3A_1375 : memref<128xi32, #tpu.memory_space<hbm>>) target(%arg20 : memref<128xi32, #tpu.memory_space<vmem>>) target_semaphore(%arg38 : memref<!tpu.dma_semaphore, #tpu.memory_space<semaphore_mem>>)
      } else {
      }
      %add3A_1106 = arith.constant 1 : i32
      %add3A_1107 = arith.addi %add3A_1097, %add3A_1106 : i32
      %lt3A_1108 = arith.constant 80 : i32
      %lt3A_1109 = arith.cmpi slt, %add3A_1107, %lt3A_1108 : i32
      %convert_element_type3A_1110 = arith.extui %lt3A_1109 : i1 to i32
      %cond3A_1111 = arith.constant 0 : i32
      %cond3A_1112 = arith.cmpi ne, %convert_element_type3A_1110, %cond3A_1111 : i32
      scf.if %cond3A_1112 {
        %add3A_1362 = arith.constant 1 : i32
        %add3A_1363 = arith.addi %add3A_1097, %add3A_1362 : i32
        %mul3A_1364 = arith.constant 128 : i32
        %mul3A_1365 = arith.muli %add3A_1363, %mul3A_1364 : i32
        %add3A_1366 = arith.addi %mul3A_1024, %mul3A_1365 : i32
        %dma_wait3A_1367 = tpu.memref_slice %arg2[%add3A_1366] : memref<327680xi32, #tpu.memory_space<hbm>> -> memref<128xi32, #tpu.memory_space<hbm>>
        %dma_wait3A_1368 = tpu.memref_slice %arg2[%add3A_1366] : memref<327680xi32, #tpu.memory_space<hbm>> -> memref<128xi32, #tpu.memory_space<hbm>>
        tpu.wait_dma2 semaphore(%arg27 : memref<!tpu.dma_semaphore, #tpu.memory_space<semaphore_mem>>) src(%dma_wait3A_1368 : memref<128xi32, #tpu.memory_space<hbm>>) dst(%arg9 : memref<128xi32, #tpu.memory_space<vmem>>)
        %dma_start3A_1369 = arith.constant 0 : i32
        %dma_start3A_1370 = arith.constant 0 : i32
        %dma_start3A_1371 = tpu.memref_slice %arg4[%dma_start3A_1369, %dma_start3A_1370] : memref<10000x128xf32, #tpu.memory_space<hbm>> -> memref<10000x128xf32, #tpu.memory_space<hbm>>
        tpu.enqueue_indirect_dma source(%dma_start3A_1371 : memref<10000x128xf32, #tpu.memory_space<hbm>>) target(%arg25 : memref<128x128xf32, #tpu.memory_space<vmem>>) offsets(%arg9 : memref<128xi32, #tpu.memory_space<vmem>>) semaphore(%arg43 : memref<!tpu.dma_semaphore, #tpu.memory_space<semaphore_mem>>)
      } else {
      }
      %dma_wait3A_1113 = arith.constant 0 : i32
      %dma_wait3A_1114 = arith.constant 0 : i32
      %dma_wait3A_1115 = tpu.memref_slice %arg4[%dma_wait3A_1113, %dma_wait3A_1114] : memref<10000x128xf32, #tpu.memory_space<hbm>> -> memref<10000x128xf32, #tpu.memory_space<hbm>>
      tpu.wait_indirect_dma semaphore(%arg42 : memref<!tpu.dma_semaphore, #tpu.memory_space<semaphore_mem>>) src(%dma_wait3A_1115 : memref<10000x128xf32, #tpu.memory_space<hbm>>) dst(%arg24 : memref<128x128xf32, #tpu.memory_space<vmem>>)
      %mul3A_1116 = arith.constant 128 : i32
      %mul3A_1117 = arith.muli %add3A_1097, %mul3A_1116 : i32
      %add3A_1118 = arith.addi %mul3A_1024, %mul3A_1117 : i32
      %dma_wait3A_1119 = tpu.memref_slice %arg3[%add3A_1118] : memref<327680xi32, #tpu.memory_space<hbm>> -> memref<128xi32, #tpu.memory_space<hbm>>
      %dma_wait3A_1120 = tpu.memref_slice %arg3[%add3A_1118] : memref<327680xi32, #tpu.memory_space<hbm>> -> memref<128xi32, #tpu.memory_space<hbm>>
      tpu.wait_dma2 semaphore(%arg34 : memref<!tpu.dma_semaphore, #tpu.memory_space<semaphore_mem>>) src(%dma_wait3A_1120 : memref<128xi32, #tpu.memory_space<hbm>>) dst(%arg16 : memref<128xi32, #tpu.memory_space<vmem>>)
      %dma_start3A_1121 = arith.constant 0 : i32
      %dma_start3A_1122 = arith.constant 0 : i32
      %dma_start3A_1123 = tpu.memref_slice %arg6[%dma_start3A_1121, %dma_start3A_1122] : memref<10240x128xf32, #tpu.memory_space<vmem_shared>> -> memref<10240x128xf32, #tpu.memory_space<vmem_shared>>
      tpu.enqueue_indirect_dma source(%arg24 : memref<128x128xf32, #tpu.memory_space<vmem>>) target(%dma_start3A_1123 : memref<10240x128xf32, #tpu.memory_space<vmem_shared>>) offsets(%arg16 : memref<128xi32, #tpu.memory_space<vmem>>) semaphore(%arg44 : memref<!tpu.dma_semaphore, #tpu.memory_space<semaphore_mem>>) {add = true}
      %mul3A_1124 = arith.constant 8 : i32
      %mul3A_1125 = arith.muli %mul3A_1124, %scan3A_1093 : i32
      %add3A_1126 = arith.constant 1 : i32
      %add3A_1127 = arith.addi %mul3A_1125, %add3A_1126 : i32
      %ge3A_1128 = arith.constant 1 : i32
      %ge3A_1129 = arith.cmpi sge, %add3A_1127, %ge3A_1128 : i32
      %convert_element_type3A_1130 = arith.extui %ge3A_1129 : i1 to i32
      %cond3A_1131 = arith.constant 0 : i32
      %cond3A_1132 = arith.cmpi ne, %convert_element_type3A_1130, %cond3A_1131 : i32
      scf.if %cond3A_1132 {
        %dma_wait3A_1362 = arith.constant 0 : i32
        %dma_wait3A_1363 = arith.constant 0 : i32
        %dma_wait3A_1364 = tpu.memref_slice %arg6[%dma_wait3A_1362, %dma_wait3A_1363] : memref<10240x128xf32, #tpu.memory_space<vmem_shared>> -> memref<10240x128xf32, #tpu.memory_space<vmem_shared>>
        tpu.wait_indirect_dma semaphore(%arg44 : memref<!tpu.dma_semaphore, #tpu.memory_space<semaphore_mem>>) src(%arg24 : memref<128x128xf32, #tpu.memory_space<vmem>>) dst(%dma_wait3A_1364 : memref<10240x128xf32, #tpu.memory_space<vmem_shared>>)
      } else {
      }
      %add3A_1133 = arith.constant 4 : i32
      %add3A_1134 = arith.addi %add3A_1127, %add3A_1133 : i32
      %lt3A_1135 = arith.constant 80 : i32
      %lt3A_1136 = arith.cmpi slt, %add3A_1134, %lt3A_1135 : i32
      %convert_element_type3A_1137 = arith.extui %lt3A_1136 : i1 to i32
      %cond3A_1138 = arith.constant 0 : i32
      %cond3A_1139 = arith.cmpi ne, %convert_element_type3A_1137, %cond3A_1138 : i32
      scf.if %cond3A_1139 {
        %add3A_1362 = arith.constant 4 : i32
        %add3A_1363 = arith.addi %add3A_1127, %add3A_1362 : i32
        %mul3A_1364 = arith.constant 128 : i32
        %mul3A_1365 = arith.muli %add3A_1363, %mul3A_1364 : i32
        %add3A_1366 = arith.addi %mul3A_1024, %mul3A_1365 : i32
        %dma_start3A_1367 = tpu.memref_slice %arg2[%add3A_1366] : memref<327680xi32, #tpu.memory_space<hbm>> -> memref<128xi32, #tpu.memory_space<hbm>>
        %dma_start3A_1368 = tpu.memref_slice %arg2[%add3A_1366] : memref<327680xi32, #tpu.memory_space<hbm>> -> memref<128xi32, #tpu.memory_space<hbm>>
        tpu.enqueue_dma source(%dma_start3A_1368 : memref<128xi32, #tpu.memory_space<hbm>>) target(%arg13 : memref<128xi32, #tpu.memory_space<vmem>>) target_semaphore(%arg31 : memref<!tpu.dma_semaphore, #tpu.memory_space<semaphore_mem>>)
        %add3A_1369 = arith.constant 4 : i32
        %add3A_1370 = arith.addi %add3A_1127, %add3A_1369 : i32
        %mul3A_1371 = arith.constant 128 : i32
        %mul3A_1372 = arith.muli %add3A_1370, %mul3A_1371 : i32
        %add3A_1373 = arith.addi %mul3A_1024, %mul3A_1372 : i32
        %dma_start3A_1374 = tpu.memref_slice %arg3[%add3A_1373] : memref<327680xi32, #tpu.memory_space<hbm>> -> memref<128xi32, #tpu.memory_space<hbm>>
        %dma_start3A_1375 = tpu.memref_slice %arg3[%add3A_1373] : memref<327680xi32, #tpu.memory_space<hbm>> -> memref<128xi32, #tpu.memory_space<hbm>>
        tpu.enqueue_dma source(%dma_start3A_1375 : memref<128xi32, #tpu.memory_space<hbm>>) target(%arg21 : memref<128xi32, #tpu.memory_space<vmem>>) target_semaphore(%arg39 : memref<!tpu.dma_semaphore, #tpu.memory_space<semaphore_mem>>)
      } else {
      }
      %add3A_1140 = arith.constant 1 : i32
      %add3A_1141 = arith.addi %add3A_1127, %add3A_1140 : i32
      %lt3A_1142 = arith.constant 80 : i32
      %lt3A_1143 = arith.cmpi slt, %add3A_1141, %lt3A_1142 : i32
      %convert_element_type3A_1144 = arith.extui %lt3A_1143 : i1 to i32
      %cond3A_1145 = arith.constant 0 : i32
      %cond3A_1146 = arith.cmpi ne, %convert_element_type3A_1144, %cond3A_1145 : i32
      scf.if %cond3A_1146 {
        %add3A_1362 = arith.constant 1 : i32
        %add3A_1363 = arith.addi %add3A_1127, %add3A_1362 : i32
        %mul3A_1364 = arith.constant 128 : i32
        %mul3A_1365 = arith.muli %add3A_1363, %mul3A_1364 : i32
        %add3A_1366 = arith.addi %mul3A_1024, %mul3A_1365 : i32
        %dma_wait3A_1367 = tpu.memref_slice %arg2[%add3A_1366] : memref<327680xi32, #tpu.memory_space<hbm>> -> memref<128xi32, #tpu.memory_space<hbm>>
        %dma_wait3A_1368 = tpu.memref_slice %arg2[%add3A_1366] : memref<327680xi32, #tpu.memory_space<hbm>> -> memref<128xi32, #tpu.memory_space<hbm>>
        tpu.wait_dma2 semaphore(%arg28 : memref<!tpu.dma_semaphore, #tpu.memory_space<semaphore_mem>>) src(%dma_wait3A_1368 : memref<128xi32, #tpu.memory_space<hbm>>) dst(%arg10 : memref<128xi32, #tpu.memory_space<vmem>>)
        %dma_start3A_1369 = arith.constant 0 : i32
        %dma_start3A_1370 = arith.constant 0 : i32
        %dma_start3A_1371 = tpu.memref_slice %arg4[%dma_start3A_1369, %dma_start3A_1370] : memref<10000x128xf32, #tpu.memory_space<hbm>> -> memref<10000x128xf32, #tpu.memory_space<hbm>>
        tpu.enqueue_indirect_dma source(%dma_start3A_1371 : memref<10000x128xf32, #tpu.memory_space<hbm>>) target(%arg24 : memref<128x128xf32, #tpu.memory_space<vmem>>) offsets(%arg10 : memref<128xi32, #tpu.memory_space<vmem>>) semaphore(%arg42 : memref<!tpu.dma_semaphore, #tpu.memory_space<semaphore_mem>>)
      } else {
      }
      %dma_wait3A_1147 = arith.constant 0 : i32
      %dma_wait3A_1148 = arith.constant 0 : i32
      %dma_wait3A_1149 = tpu.memref_slice %arg4[%dma_wait3A_1147, %dma_wait3A_1148] : memref<10000x128xf32, #tpu.memory_space<hbm>> -> memref<10000x128xf32, #tpu.memory_space<hbm>>
      tpu.wait_indirect_dma semaphore(%arg43 : memref<!tpu.dma_semaphore, #tpu.memory_space<semaphore_mem>>) src(%dma_wait3A_1149 : memref<10000x128xf32, #tpu.memory_space<hbm>>) dst(%arg25 : memref<128x128xf32, #tpu.memory_space<vmem>>)
      %mul3A_1150 = arith.constant 128 : i32
      %mul3A_1151 = arith.muli %add3A_1127, %mul3A_1150 : i32
      %add3A_1152 = arith.addi %mul3A_1024, %mul3A_1151 : i32
      %dma_wait3A_1153 = tpu.memref_slice %arg3[%add3A_1152] : memref<327680xi32, #tpu.memory_space<hbm>> -> memref<128xi32, #tpu.memory_space<hbm>>
      %dma_wait3A_1154 = tpu.memref_slice %arg3[%add3A_1152] : memref<327680xi32, #tpu.memory_space<hbm>> -> memref<128xi32, #tpu.memory_space<hbm>>
      tpu.wait_dma2 semaphore(%arg35 : memref<!tpu.dma_semaphore, #tpu.memory_space<semaphore_mem>>) src(%dma_wait3A_1154 : memref<128xi32, #tpu.memory_space<hbm>>) dst(%arg17 : memref<128xi32, #tpu.memory_space<vmem>>)
      %dma_start3A_1155 = arith.constant 0 : i32
      %dma_start3A_1156 = arith.constant 0 : i32
      %dma_start3A_1157 = tpu.memref_slice %arg6[%dma_start3A_1155, %dma_start3A_1156] : memref<10240x128xf32, #tpu.memory_space<vmem_shared>> -> memref<10240x128xf32, #tpu.memory_space<vmem_shared>>
      tpu.enqueue_indirect_dma source(%arg25 : memref<128x128xf32, #tpu.memory_space<vmem>>) target(%dma_start3A_1157 : memref<10240x128xf32, #tpu.memory_space<vmem_shared>>) offsets(%arg17 : memref<128xi32, #tpu.memory_space<vmem>>) semaphore(%arg45 : memref<!tpu.dma_semaphore, #tpu.memory_space<semaphore_mem>>) {add = true}
      %mul3A_1158 = arith.constant 8 : i32
      %mul3A_1159 = arith.muli %mul3A_1158, %scan3A_1093 : i32
      %add3A_1160 = arith.constant 2 : i32
      %add3A_1161 = arith.addi %mul3A_1159, %add3A_1160 : i32
      %ge3A_1162 = arith.constant 1 : i32
      %ge3A_1163 = arith.cmpi sge, %add3A_1161, %ge3A_1162 : i32
      %convert_element_type3A_1164 = arith.extui %ge3A_1163 : i1 to i32
      %cond3A_1165 = arith.constant 0 : i32
      %cond3A_1166 = arith.cmpi ne, %convert_element_type3A_1164, %cond3A_1165 : i32
      scf.if %cond3A_1166 {
        %dma_wait3A_1362 = arith.constant 0 : i32
        %dma_wait3A_1363 = arith.constant 0 : i32
        %dma_wait3A_1364 = tpu.memref_slice %arg6[%dma_wait3A_1362, %dma_wait3A_1363] : memref<10240x128xf32, #tpu.memory_space<vmem_shared>> -> memref<10240x128xf32, #tpu.memory_space<vmem_shared>>
        tpu.wait_indirect_dma semaphore(%arg45 : memref<!tpu.dma_semaphore, #tpu.memory_space<semaphore_mem>>) src(%arg25 : memref<128x128xf32, #tpu.memory_space<vmem>>) dst(%dma_wait3A_1364 : memref<10240x128xf32, #tpu.memory_space<vmem_shared>>)
      } else {
      }
      %add3A_1167 = arith.constant 4 : i32
      %add3A_1168 = arith.addi %add3A_1161, %add3A_1167 : i32
      %lt3A_1169 = arith.constant 80 : i32
      %lt3A_1170 = arith.cmpi slt, %add3A_1168, %lt3A_1169 : i32
      %convert_element_type3A_1171 = arith.extui %lt3A_1170 : i1 to i32
      %cond3A_1172 = arith.constant 0 : i32
      %cond3A_1173 = arith.cmpi ne, %convert_element_type3A_1171, %cond3A_1172 : i32
      scf.if %cond3A_1173 {
        %add3A_1362 = arith.constant 4 : i32
        %add3A_1363 = arith.addi %add3A_1161, %add3A_1362 : i32
        %mul3A_1364 = arith.constant 128 : i32
        %mul3A_1365 = arith.muli %add3A_1363, %mul3A_1364 : i32
        %add3A_1366 = arith.addi %mul3A_1024, %mul3A_1365 : i32
        %dma_start3A_1367 = tpu.memref_slice %arg2[%add3A_1366] : memref<327680xi32, #tpu.memory_space<hbm>> -> memref<128xi32, #tpu.memory_space<hbm>>
        %dma_start3A_1368 = tpu.memref_slice %arg2[%add3A_1366] : memref<327680xi32, #tpu.memory_space<hbm>> -> memref<128xi32, #tpu.memory_space<hbm>>
        tpu.enqueue_dma source(%dma_start3A_1368 : memref<128xi32, #tpu.memory_space<hbm>>) target(%arg14 : memref<128xi32, #tpu.memory_space<vmem>>) target_semaphore(%arg32 : memref<!tpu.dma_semaphore, #tpu.memory_space<semaphore_mem>>)
        %add3A_1369 = arith.constant 4 : i32
        %add3A_1370 = arith.addi %add3A_1161, %add3A_1369 : i32
        %mul3A_1371 = arith.constant 128 : i32
        %mul3A_1372 = arith.muli %add3A_1370, %mul3A_1371 : i32
        %add3A_1373 = arith.addi %mul3A_1024, %mul3A_1372 : i32
        %dma_start3A_1374 = tpu.memref_slice %arg3[%add3A_1373] : memref<327680xi32, #tpu.memory_space<hbm>> -> memref<128xi32, #tpu.memory_space<hbm>>
        %dma_start3A_1375 = tpu.memref_slice %arg3[%add3A_1373] : memref<327680xi32, #tpu.memory_space<hbm>> -> memref<128xi32, #tpu.memory_space<hbm>>
        tpu.enqueue_dma source(%dma_start3A_1375 : memref<128xi32, #tpu.memory_space<hbm>>) target(%arg22 : memref<128xi32, #tpu.memory_space<vmem>>) target_semaphore(%arg40 : memref<!tpu.dma_semaphore, #tpu.memory_space<semaphore_mem>>)
      } else {
      }
      %add3A_1174 = arith.constant 1 : i32
      %add3A_1175 = arith.addi %add3A_1161, %add3A_1174 : i32
      %lt3A_1176 = arith.constant 80 : i32
      %lt3A_1177 = arith.cmpi slt, %add3A_1175, %lt3A_1176 : i32
      %convert_element_type3A_1178 = arith.extui %lt3A_1177 : i1 to i32
      %cond3A_1179 = arith.constant 0 : i32
      %cond3A_1180 = arith.cmpi ne, %convert_element_type3A_1178, %cond3A_1179 : i32
      scf.if %cond3A_1180 {
        %add3A_1362 = arith.constant 1 : i32
        %add3A_1363 = arith.addi %add3A_1161, %add3A_1362 : i32
        %mul3A_1364 = arith.constant 128 : i32
        %mul3A_1365 = arith.muli %add3A_1363, %mul3A_1364 : i32
        %add3A_1366 = arith.addi %mul3A_1024, %mul3A_1365 : i32
        %dma_wait3A_1367 = tpu.memref_slice %arg2[%add3A_1366] : memref<327680xi32, #tpu.memory_space<hbm>> -> memref<128xi32, #tpu.memory_space<hbm>>
        %dma_wait3A_1368 = tpu.memref_slice %arg2[%add3A_1366] : memref<327680xi32, #tpu.memory_space<hbm>> -> memref<128xi32, #tpu.memory_space<hbm>>
        tpu.wait_dma2 semaphore(%arg29 : memref<!tpu.dma_semaphore, #tpu.memory_space<semaphore_mem>>) src(%dma_wait3A_1368 : memref<128xi32, #tpu.memory_space<hbm>>) dst(%arg11 : memref<128xi32, #tpu.memory_space<vmem>>)
        %dma_start3A_1369 = arith.constant 0 : i32
        %dma_start3A_1370 = arith.constant 0 : i32
        %dma_start3A_1371 = tpu.memref_slice %arg4[%dma_start3A_1369, %dma_start3A_1370] : memref<10000x128xf32, #tpu.memory_space<hbm>> -> memref<10000x128xf32, #tpu.memory_space<hbm>>
        tpu.enqueue_indirect_dma source(%dma_start3A_1371 : memref<10000x128xf32, #tpu.memory_space<hbm>>) target(%arg25 : memref<128x128xf32, #tpu.memory_space<vmem>>) offsets(%arg11 : memref<128xi32, #tpu.memory_space<vmem>>) semaphore(%arg43 : memref<!tpu.dma_semaphore, #tpu.memory_space<semaphore_mem>>)
      } else {
      }
      %dma_wait3A_1181 = arith.constant 0 : i32
      %dma_wait3A_1182 = arith.constant 0 : i32
      %dma_wait3A_1183 = tpu.memref_slice %arg4[%dma_wait3A_1181, %dma_wait3A_1182] : memref<10000x128xf32, #tpu.memory_space<hbm>> -> memref<10000x128xf32, #tpu.memory_space<hbm>>
      tpu.wait_indirect_dma semaphore(%arg42 : memref<!tpu.dma_semaphore, #tpu.memory_space<semaphore_mem>>) src(%dma_wait3A_1183 : memref<10000x128xf32, #tpu.memory_space<hbm>>) dst(%arg24 : memref<128x128xf32, #tpu.memory_space<vmem>>)
      %mul3A_1184 = arith.constant 128 : i32
      %mul3A_1185 = arith.muli %add3A_1161, %mul3A_1184 : i32
      %add3A_1186 = arith.addi %mul3A_1024, %mul3A_1185 : i32
      %dma_wait3A_1187 = tpu.memref_slice %arg3[%add3A_1186] : memref<327680xi32, #tpu.memory_space<hbm>> -> memref<128xi32, #tpu.memory_space<hbm>>
      %dma_wait3A_1188 = tpu.memref_slice %arg3[%add3A_1186] : memref<327680xi32, #tpu.memory_space<hbm>> -> memref<128xi32, #tpu.memory_space<hbm>>
      tpu.wait_dma2 semaphore(%arg36 : memref<!tpu.dma_semaphore, #tpu.memory_space<semaphore_mem>>) src(%dma_wait3A_1188 : memref<128xi32, #tpu.memory_space<hbm>>) dst(%arg18 : memref<128xi32, #tpu.memory_space<vmem>>)
      %dma_start3A_1189 = arith.constant 0 : i32
      %dma_start3A_1190 = arith.constant 0 : i32
      %dma_start3A_1191 = tpu.memref_slice %arg6[%dma_start3A_1189, %dma_start3A_1190] : memref<10240x128xf32, #tpu.memory_space<vmem_shared>> -> memref<10240x128xf32, #tpu.memory_space<vmem_shared>>
      tpu.enqueue_indirect_dma source(%arg24 : memref<128x128xf32, #tpu.memory_space<vmem>>) target(%dma_start3A_1191 : memref<10240x128xf32, #tpu.memory_space<vmem_shared>>) offsets(%arg18 : memref<128xi32, #tpu.memory_space<vmem>>) semaphore(%arg44 : memref<!tpu.dma_semaphore, #tpu.memory_space<semaphore_mem>>) {add = true}
      %mul3A_1192 = arith.constant 8 : i32
      %mul3A_1193 = arith.muli %mul3A_1192, %scan3A_1093 : i32
      %add3A_1194 = arith.constant 3 : i32
      %add3A_1195 = arith.addi %mul3A_1193, %add3A_1194 : i32
      %ge3A_1196 = arith.constant 1 : i32
      %ge3A_1197 = arith.cmpi sge, %add3A_1195, %ge3A_1196 : i32
      %convert_element_type3A_1198 = arith.extui %ge3A_1197 : i1 to i32
      %cond3A_1199 = arith.constant 0 : i32
      %cond3A_1200 = arith.cmpi ne, %convert_element_type3A_1198, %cond3A_1199 : i32
      scf.if %cond3A_1200 {
        %dma_wait3A_1362 = arith.constant 0 : i32
        %dma_wait3A_1363 = arith.constant 0 : i32
        %dma_wait3A_1364 = tpu.memref_slice %arg6[%dma_wait3A_1362, %dma_wait3A_1363] : memref<10240x128xf32, #tpu.memory_space<vmem_shared>> -> memref<10240x128xf32, #tpu.memory_space<vmem_shared>>
        tpu.wait_indirect_dma semaphore(%arg44 : memref<!tpu.dma_semaphore, #tpu.memory_space<semaphore_mem>>) src(%arg24 : memref<128x128xf32, #tpu.memory_space<vmem>>) dst(%dma_wait3A_1364 : memref<10240x128xf32, #tpu.memory_space<vmem_shared>>)
      } else {
      }
      %add3A_1201 = arith.constant 4 : i32
      %add3A_1202 = arith.addi %add3A_1195, %add3A_1201 : i32
      %lt3A_1203 = arith.constant 80 : i32
      %lt3A_1204 = arith.cmpi slt, %add3A_1202, %lt3A_1203 : i32
      %convert_element_type3A_1205 = arith.extui %lt3A_1204 : i1 to i32
      %cond3A_1206 = arith.constant 0 : i32
      %cond3A_1207 = arith.cmpi ne, %convert_element_type3A_1205, %cond3A_1206 : i32
      scf.if %cond3A_1207 {
        %add3A_1362 = arith.constant 4 : i32
        %add3A_1363 = arith.addi %add3A_1195, %add3A_1362 : i32
        %mul3A_1364 = arith.constant 128 : i32
        %mul3A_1365 = arith.muli %add3A_1363, %mul3A_1364 : i32
        %add3A_1366 = arith.addi %mul3A_1024, %mul3A_1365 : i32
        %dma_start3A_1367 = tpu.memref_slice %arg2[%add3A_1366] : memref<327680xi32, #tpu.memory_space<hbm>> -> memref<128xi32, #tpu.memory_space<hbm>>
        %dma_start3A_1368 = tpu.memref_slice %arg2[%add3A_1366] : memref<327680xi32, #tpu.memory_space<hbm>> -> memref<128xi32, #tpu.memory_space<hbm>>
        tpu.enqueue_dma source(%dma_start3A_1368 : memref<128xi32, #tpu.memory_space<hbm>>) target(%arg15 : memref<128xi32, #tpu.memory_space<vmem>>) target_semaphore(%arg33 : memref<!tpu.dma_semaphore, #tpu.memory_space<semaphore_mem>>)
        %add3A_1369 = arith.constant 4 : i32
        %add3A_1370 = arith.addi %add3A_1195, %add3A_1369 : i32
        %mul3A_1371 = arith.constant 128 : i32
        %mul3A_1372 = arith.muli %add3A_1370, %mul3A_1371 : i32
        %add3A_1373 = arith.addi %mul3A_1024, %mul3A_1372 : i32
        %dma_start3A_1374 = tpu.memref_slice %arg3[%add3A_1373] : memref<327680xi32, #tpu.memory_space<hbm>> -> memref<128xi32, #tpu.memory_space<hbm>>
        %dma_start3A_1375 = tpu.memref_slice %arg3[%add3A_1373] : memref<327680xi32, #tpu.memory_space<hbm>> -> memref<128xi32, #tpu.memory_space<hbm>>
        tpu.enqueue_dma source(%dma_start3A_1375 : memref<128xi32, #tpu.memory_space<hbm>>) target(%arg23 : memref<128xi32, #tpu.memory_space<vmem>>) target_semaphore(%arg41 : memref<!tpu.dma_semaphore, #tpu.memory_space<semaphore_mem>>)
      } else {
      }
      %add3A_1208 = arith.constant 1 : i32
      %add3A_1209 = arith.addi %add3A_1195, %add3A_1208 : i32
      %lt3A_1210 = arith.constant 80 : i32
      %lt3A_1211 = arith.cmpi slt, %add3A_1209, %lt3A_1210 : i32
      %convert_element_type3A_1212 = arith.extui %lt3A_1211 : i1 to i32
      %cond3A_1213 = arith.constant 0 : i32
      %cond3A_1214 = arith.cmpi ne, %convert_element_type3A_1212, %cond3A_1213 : i32
      scf.if %cond3A_1214 {
        %add3A_1362 = arith.constant 1 : i32
        %add3A_1363 = arith.addi %add3A_1195, %add3A_1362 : i32
        %mul3A_1364 = arith.constant 128 : i32
        %mul3A_1365 = arith.muli %add3A_1363, %mul3A_1364 : i32
        %add3A_1366 = arith.addi %mul3A_1024, %mul3A_1365 : i32
        %dma_wait3A_1367 = tpu.memref_slice %arg2[%add3A_1366] : memref<327680xi32, #tpu.memory_space<hbm>> -> memref<128xi32, #tpu.memory_space<hbm>>
        %dma_wait3A_1368 = tpu.memref_slice %arg2[%add3A_1366] : memref<327680xi32, #tpu.memory_space<hbm>> -> memref<128xi32, #tpu.memory_space<hbm>>
        tpu.wait_dma2 semaphore(%arg30 : memref<!tpu.dma_semaphore, #tpu.memory_space<semaphore_mem>>) src(%dma_wait3A_1368 : memref<128xi32, #tpu.memory_space<hbm>>) dst(%arg12 : memref<128xi32, #tpu.memory_space<vmem>>)
        %dma_start3A_1369 = arith.constant 0 : i32
        %dma_start3A_1370 = arith.constant 0 : i32
        %dma_start3A_1371 = tpu.memref_slice %arg4[%dma_start3A_1369, %dma_start3A_1370] : memref<10000x128xf32, #tpu.memory_space<hbm>> -> memref<10000x128xf32, #tpu.memory_space<hbm>>
        tpu.enqueue_indirect_dma source(%dma_start3A_1371 : memref<10000x128xf32, #tpu.memory_space<hbm>>) target(%arg24 : memref<128x128xf32, #tpu.memory_space<vmem>>) offsets(%arg12 : memref<128xi32, #tpu.memory_space<vmem>>) semaphore(%arg42 : memref<!tpu.dma_semaphore, #tpu.memory_space<semaphore_mem>>)
      } else {
      }
      %dma_wait3A_1215 = arith.constant 0 : i32
      %dma_wait3A_1216 = arith.constant 0 : i32
      %dma_wait3A_1217 = tpu.memref_slice %arg4[%dma_wait3A_1215, %dma_wait3A_1216] : memref<10000x128xf32, #tpu.memory_space<hbm>> -> memref<10000x128xf32, #tpu.memory_space<hbm>>
      tpu.wait_indirect_dma semaphore(%arg43 : memref<!tpu.dma_semaphore, #tpu.memory_space<semaphore_mem>>) src(%dma_wait3A_1217 : memref<10000x128xf32, #tpu.memory_space<hbm>>) dst(%arg25 : memref<128x128xf32, #tpu.memory_space<vmem>>)
      %mul3A_1218 = arith.constant 128 : i32
      %mul3A_1219 = arith.muli %add3A_1195, %mul3A_1218 : i32
      %add3A_1220 = arith.addi %mul3A_1024, %mul3A_1219 : i32
      %dma_wait3A_1221 = tpu.memref_slice %arg3[%add3A_1220] : memref<327680xi32, #tpu.memory_space<hbm>> -> memref<128xi32, #tpu.memory_space<hbm>>
      %dma_wait3A_1222 = tpu.memref_slice %arg3[%add3A_1220] : memref<327680xi32, #tpu.memory_space<hbm>> -> memref<128xi32, #tpu.memory_space<hbm>>
      tpu.wait_dma2 semaphore(%arg37 : memref<!tpu.dma_semaphore, #tpu.memory_space<semaphore_mem>>) src(%dma_wait3A_1222 : memref<128xi32, #tpu.memory_space<hbm>>) dst(%arg19 : memref<128xi32, #tpu.memory_space<vmem>>)
      %dma_start3A_1223 = arith.constant 0 : i32
      %dma_start3A_1224 = arith.constant 0 : i32
      %dma_start3A_1225 = tpu.memref_slice %arg6[%dma_start3A_1223, %dma_start3A_1224] : memref<10240x128xf32, #tpu.memory_space<vmem_shared>> -> memref<10240x128xf32, #tpu.memory_space<vmem_shared>>
      tpu.enqueue_indirect_dma source(%arg25 : memref<128x128xf32, #tpu.memory_space<vmem>>) target(%dma_start3A_1225 : memref<10240x128xf32, #tpu.memory_space<vmem_shared>>) offsets(%arg19 : memref<128xi32, #tpu.memory_space<vmem>>) semaphore(%arg45 : memref<!tpu.dma_semaphore, #tpu.memory_space<semaphore_mem>>) {add = true}
      %mul3A_1226 = arith.constant 8 : i32
      %mul3A_1227 = arith.muli %mul3A_1226, %scan3A_1093 : i32
      %add3A_1228 = arith.constant 4 : i32
      %add3A_1229 = arith.addi %mul3A_1227, %add3A_1228 : i32
      %ge3A_1230 = arith.constant 1 : i32
      %ge3A_1231 = arith.cmpi sge, %add3A_1229, %ge3A_1230 : i32
      %convert_element_type3A_1232 = arith.extui %ge3A_1231 : i1 to i32
      %cond3A_1233 = arith.constant 0 : i32
      %cond3A_1234 = arith.cmpi ne, %convert_element_type3A_1232, %cond3A_1233 : i32
      scf.if %cond3A_1234 {
        %dma_wait3A_1362 = arith.constant 0 : i32
        %dma_wait3A_1363 = arith.constant 0 : i32
        %dma_wait3A_1364 = tpu.memref_slice %arg6[%dma_wait3A_1362, %dma_wait3A_1363] : memref<10240x128xf32, #tpu.memory_space<vmem_shared>> -> memref<10240x128xf32, #tpu.memory_space<vmem_shared>>
        tpu.wait_indirect_dma semaphore(%arg45 : memref<!tpu.dma_semaphore, #tpu.memory_space<semaphore_mem>>) src(%arg25 : memref<128x128xf32, #tpu.memory_space<vmem>>) dst(%dma_wait3A_1364 : memref<10240x128xf32, #tpu.memory_space<vmem_shared>>)
      } else {
      }
      %add3A_1235 = arith.constant 4 : i32
      %add3A_1236 = arith.addi %add3A_1229, %add3A_1235 : i32
      %lt3A_1237 = arith.constant 80 : i32
      %lt3A_1238 = arith.cmpi slt, %add3A_1236, %lt3A_1237 : i32
      %convert_element_type3A_1239 = arith.extui %lt3A_1238 : i1 to i32
      %cond3A_1240 = arith.constant 0 : i32
      %cond3A_1241 = arith.cmpi ne, %convert_element_type3A_1239, %cond3A_1240 : i32
      scf.if %cond3A_1241 {
        %add3A_1362 = arith.constant 4 : i32
        %add3A_1363 = arith.addi %add3A_1229, %add3A_1362 : i32
        %mul3A_1364 = arith.constant 128 : i32
        %mul3A_1365 = arith.muli %add3A_1363, %mul3A_1364 : i32
        %add3A_1366 = arith.addi %mul3A_1024, %mul3A_1365 : i32
        %dma_start3A_1367 = tpu.memref_slice %arg2[%add3A_1366] : memref<327680xi32, #tpu.memory_space<hbm>> -> memref<128xi32, #tpu.memory_space<hbm>>
        %dma_start3A_1368 = tpu.memref_slice %arg2[%add3A_1366] : memref<327680xi32, #tpu.memory_space<hbm>> -> memref<128xi32, #tpu.memory_space<hbm>>
        tpu.enqueue_dma source(%dma_start3A_1368 : memref<128xi32, #tpu.memory_space<hbm>>) target(%arg8 : memref<128xi32, #tpu.memory_space<vmem>>) target_semaphore(%arg26 : memref<!tpu.dma_semaphore, #tpu.memory_space<semaphore_mem>>)
        %add3A_1369 = arith.constant 4 : i32
        %add3A_1370 = arith.addi %add3A_1229, %add3A_1369 : i32
        %mul3A_1371 = arith.constant 128 : i32
        %mul3A_1372 = arith.muli %add3A_1370, %mul3A_1371 : i32
        %add3A_1373 = arith.addi %mul3A_1024, %mul3A_1372 : i32
        %dma_start3A_1374 = tpu.memref_slice %arg3[%add3A_1373] : memref<327680xi32, #tpu.memory_space<hbm>> -> memref<128xi32, #tpu.memory_space<hbm>>
        %dma_start3A_1375 = tpu.memref_slice %arg3[%add3A_1373] : memref<327680xi32, #tpu.memory_space<hbm>> -> memref<128xi32, #tpu.memory_space<hbm>>
        tpu.enqueue_dma source(%dma_start3A_1375 : memref<128xi32, #tpu.memory_space<hbm>>) target(%arg16 : memref<128xi32, #tpu.memory_space<vmem>>) target_semaphore(%arg34 : memref<!tpu.dma_semaphore, #tpu.memory_space<semaphore_mem>>)
      } else {
      }
      %add3A_1242 = arith.constant 1 : i32
      %add3A_1243 = arith.addi %add3A_1229, %add3A_1242 : i32
      %lt3A_1244 = arith.constant 80 : i32
      %lt3A_1245 = arith.cmpi slt, %add3A_1243, %lt3A_1244 : i32
      %convert_element_type3A_1246 = arith.extui %lt3A_1245 : i1 to i32
      %cond3A_1247 = arith.constant 0 : i32
      %cond3A_1248 = arith.cmpi ne, %convert_element_type3A_1246, %cond3A_1247 : i32
      scf.if %cond3A_1248 {
        %add3A_1362 = arith.constant 1 : i32
        %add3A_1363 = arith.addi %add3A_1229, %add3A_1362 : i32
        %mul3A_1364 = arith.constant 128 : i32
        %mul3A_1365 = arith.muli %add3A_1363, %mul3A_1364 : i32
        %add3A_1366 = arith.addi %mul3A_1024, %mul3A_1365 : i32
        %dma_wait3A_1367 = tpu.memref_slice %arg2[%add3A_1366] : memref<327680xi32, #tpu.memory_space<hbm>> -> memref<128xi32, #tpu.memory_space<hbm>>
        %dma_wait3A_1368 = tpu.memref_slice %arg2[%add3A_1366] : memref<327680xi32, #tpu.memory_space<hbm>> -> memref<128xi32, #tpu.memory_space<hbm>>
        tpu.wait_dma2 semaphore(%arg31 : memref<!tpu.dma_semaphore, #tpu.memory_space<semaphore_mem>>) src(%dma_wait3A_1368 : memref<128xi32, #tpu.memory_space<hbm>>) dst(%arg13 : memref<128xi32, #tpu.memory_space<vmem>>)
        %dma_start3A_1369 = arith.constant 0 : i32
        %dma_start3A_1370 = arith.constant 0 : i32
        %dma_start3A_1371 = tpu.memref_slice %arg4[%dma_start3A_1369, %dma_start3A_1370] : memref<10000x128xf32, #tpu.memory_space<hbm>> -> memref<10000x128xf32, #tpu.memory_space<hbm>>
        tpu.enqueue_indirect_dma source(%dma_start3A_1371 : memref<10000x128xf32, #tpu.memory_space<hbm>>) target(%arg25 : memref<128x128xf32, #tpu.memory_space<vmem>>) offsets(%arg13 : memref<128xi32, #tpu.memory_space<vmem>>) semaphore(%arg43 : memref<!tpu.dma_semaphore, #tpu.memory_space<semaphore_mem>>)
      } else {
      }
      %dma_wait3A_1249 = arith.constant 0 : i32
      %dma_wait3A_1250 = arith.constant 0 : i32
      %dma_wait3A_1251 = tpu.memref_slice %arg4[%dma_wait3A_1249, %dma_wait3A_1250] : memref<10000x128xf32, #tpu.memory_space<hbm>> -> memref<10000x128xf32, #tpu.memory_space<hbm>>
      tpu.wait_indirect_dma semaphore(%arg42 : memref<!tpu.dma_semaphore, #tpu.memory_space<semaphore_mem>>) src(%dma_wait3A_1251 : memref<10000x128xf32, #tpu.memory_space<hbm>>) dst(%arg24 : memref<128x128xf32, #tpu.memory_space<vmem>>)
      %mul3A_1252 = arith.constant 128 : i32
      %mul3A_1253 = arith.muli %add3A_1229, %mul3A_1252 : i32
      %add3A_1254 = arith.addi %mul3A_1024, %mul3A_1253 : i32
      %dma_wait3A_1255 = tpu.memref_slice %arg3[%add3A_1254] : memref<327680xi32, #tpu.memory_space<hbm>> -> memref<128xi32, #tpu.memory_space<hbm>>
      %dma_wait3A_1256 = tpu.memref_slice %arg3[%add3A_1254] : memref<327680xi32, #tpu.memory_space<hbm>> -> memref<128xi32, #tpu.memory_space<hbm>>
      tpu.wait_dma2 semaphore(%arg38 : memref<!tpu.dma_semaphore, #tpu.memory_space<semaphore_mem>>) src(%dma_wait3A_1256 : memref<128xi32, #tpu.memory_space<hbm>>) dst(%arg20 : memref<128xi32, #tpu.memory_space<vmem>>)
      %dma_start3A_1257 = arith.constant 0 : i32
      %dma_start3A_1258 = arith.constant 0 : i32
      %dma_start3A_1259 = tpu.memref_slice %arg6[%dma_start3A_1257, %dma_start3A_1258] : memref<10240x128xf32, #tpu.memory_space<vmem_shared>> -> memref<10240x128xf32, #tpu.memory_space<vmem_shared>>
      tpu.enqueue_indirect_dma source(%arg24 : memref<128x128xf32, #tpu.memory_space<vmem>>) target(%dma_start3A_1259 : memref<10240x128xf32, #tpu.memory_space<vmem_shared>>) offsets(%arg20 : memref<128xi32, #tpu.memory_space<vmem>>) semaphore(%arg44 : memref<!tpu.dma_semaphore, #tpu.memory_space<semaphore_mem>>) {add = true}
      %mul3A_1260 = arith.constant 8 : i32
      %mul3A_1261 = arith.muli %mul3A_1260, %scan3A_1093 : i32
      %add3A_1262 = arith.constant 5 : i32
      %add3A_1263 = arith.addi %mul3A_1261, %add3A_1262 : i32
      %ge3A_1264 = arith.constant 1 : i32
      %ge3A_1265 = arith.cmpi sge, %add3A_1263, %ge3A_1264 : i32
      %convert_element_type3A_1266 = arith.extui %ge3A_1265 : i1 to i32
      %cond3A_1267 = arith.constant 0 : i32
      %cond3A_1268 = arith.cmpi ne, %convert_element_type3A_1266, %cond3A_1267 : i32
      scf.if %cond3A_1268 {
        %dma_wait3A_1362 = arith.constant 0 : i32
        %dma_wait3A_1363 = arith.constant 0 : i32
        %dma_wait3A_1364 = tpu.memref_slice %arg6[%dma_wait3A_1362, %dma_wait3A_1363] : memref<10240x128xf32, #tpu.memory_space<vmem_shared>> -> memref<10240x128xf32, #tpu.memory_space<vmem_shared>>
        tpu.wait_indirect_dma semaphore(%arg44 : memref<!tpu.dma_semaphore, #tpu.memory_space<semaphore_mem>>) src(%arg24 : memref<128x128xf32, #tpu.memory_space<vmem>>) dst(%dma_wait3A_1364 : memref<10240x128xf32, #tpu.memory_space<vmem_shared>>)
      } else {
      }
      %add3A_1269 = arith.constant 4 : i32
      %add3A_1270 = arith.addi %add3A_1263, %add3A_1269 : i32
      %lt3A_1271 = arith.constant 80 : i32
      %lt3A_1272 = arith.cmpi slt, %add3A_1270, %lt3A_1271 : i32
      %convert_element_type3A_1273 = arith.extui %lt3A_1272 : i1 to i32
      %cond3A_1274 = arith.constant 0 : i32
      %cond3A_1275 = arith.cmpi ne, %convert_element_type3A_1273, %cond3A_1274 : i32
      scf.if %cond3A_1275 {
        %add3A_1362 = arith.constant 4 : i32
        %add3A_1363 = arith.addi %add3A_1263, %add3A_1362 : i32
        %mul3A_1364 = arith.constant 128 : i32
        %mul3A_1365 = arith.muli %add3A_1363, %mul3A_1364 : i32
        %add3A_1366 = arith.addi %mul3A_1024, %mul3A_1365 : i32
        %dma_start3A_1367 = tpu.memref_slice %arg2[%add3A_1366] : memref<327680xi32, #tpu.memory_space<hbm>> -> memref<128xi32, #tpu.memory_space<hbm>>
        %dma_start3A_1368 = tpu.memref_slice %arg2[%add3A_1366] : memref<327680xi32, #tpu.memory_space<hbm>> -> memref<128xi32, #tpu.memory_space<hbm>>
        tpu.enqueue_dma source(%dma_start3A_1368 : memref<128xi32, #tpu.memory_space<hbm>>) target(%arg9 : memref<128xi32, #tpu.memory_space<vmem>>) target_semaphore(%arg27 : memref<!tpu.dma_semaphore, #tpu.memory_space<semaphore_mem>>)
        %add3A_1369 = arith.constant 4 : i32
        %add3A_1370 = arith.addi %add3A_1263, %add3A_1369 : i32
        %mul3A_1371 = arith.constant 128 : i32
        %mul3A_1372 = arith.muli %add3A_1370, %mul3A_1371 : i32
        %add3A_1373 = arith.addi %mul3A_1024, %mul3A_1372 : i32
        %dma_start3A_1374 = tpu.memref_slice %arg3[%add3A_1373] : memref<327680xi32, #tpu.memory_space<hbm>> -> memref<128xi32, #tpu.memory_space<hbm>>
        %dma_start3A_1375 = tpu.memref_slice %arg3[%add3A_1373] : memref<327680xi32, #tpu.memory_space<hbm>> -> memref<128xi32, #tpu.memory_space<hbm>>
        tpu.enqueue_dma source(%dma_start3A_1375 : memref<128xi32, #tpu.memory_space<hbm>>) target(%arg17 : memref<128xi32, #tpu.memory_space<vmem>>) target_semaphore(%arg35 : memref<!tpu.dma_semaphore, #tpu.memory_space<semaphore_mem>>)
      } else {
      }
      %add3A_1276 = arith.constant 1 : i32
      %add3A_1277 = arith.addi %add3A_1263, %add3A_1276 : i32
      %lt3A_1278 = arith.constant 80 : i32
      %lt3A_1279 = arith.cmpi slt, %add3A_1277, %lt3A_1278 : i32
      %convert_element_type3A_1280 = arith.extui %lt3A_1279 : i1 to i32
      %cond3A_1281 = arith.constant 0 : i32
      %cond3A_1282 = arith.cmpi ne, %convert_element_type3A_1280, %cond3A_1281 : i32
      scf.if %cond3A_1282 {
        %add3A_1362 = arith.constant 1 : i32
        %add3A_1363 = arith.addi %add3A_1263, %add3A_1362 : i32
        %mul3A_1364 = arith.constant 128 : i32
        %mul3A_1365 = arith.muli %add3A_1363, %mul3A_1364 : i32
        %add3A_1366 = arith.addi %mul3A_1024, %mul3A_1365 : i32
        %dma_wait3A_1367 = tpu.memref_slice %arg2[%add3A_1366] : memref<327680xi32, #tpu.memory_space<hbm>> -> memref<128xi32, #tpu.memory_space<hbm>>
        %dma_wait3A_1368 = tpu.memref_slice %arg2[%add3A_1366] : memref<327680xi32, #tpu.memory_space<hbm>> -> memref<128xi32, #tpu.memory_space<hbm>>
        tpu.wait_dma2 semaphore(%arg32 : memref<!tpu.dma_semaphore, #tpu.memory_space<semaphore_mem>>) src(%dma_wait3A_1368 : memref<128xi32, #tpu.memory_space<hbm>>) dst(%arg14 : memref<128xi32, #tpu.memory_space<vmem>>)
        %dma_start3A_1369 = arith.constant 0 : i32
        %dma_start3A_1370 = arith.constant 0 : i32
        %dma_start3A_1371 = tpu.memref_slice %arg4[%dma_start3A_1369, %dma_start3A_1370] : memref<10000x128xf32, #tpu.memory_space<hbm>> -> memref<10000x128xf32, #tpu.memory_space<hbm>>
        tpu.enqueue_indirect_dma source(%dma_start3A_1371 : memref<10000x128xf32, #tpu.memory_space<hbm>>) target(%arg24 : memref<128x128xf32, #tpu.memory_space<vmem>>) offsets(%arg14 : memref<128xi32, #tpu.memory_space<vmem>>) semaphore(%arg42 : memref<!tpu.dma_semaphore, #tpu.memory_space<semaphore_mem>>)
      } else {
      }
      %dma_wait3A_1283 = arith.constant 0 : i32
      %dma_wait3A_1284 = arith.constant 0 : i32
      %dma_wait3A_1285 = tpu.memref_slice %arg4[%dma_wait3A_1283, %dma_wait3A_1284] : memref<10000x128xf32, #tpu.memory_space<hbm>> -> memref<10000x128xf32, #tpu.memory_space<hbm>>
      tpu.wait_indirect_dma semaphore(%arg43 : memref<!tpu.dma_semaphore, #tpu.memory_space<semaphore_mem>>) src(%dma_wait3A_1285 : memref<10000x128xf32, #tpu.memory_space<hbm>>) dst(%arg25 : memref<128x128xf32, #tpu.memory_space<vmem>>)
      %mul3A_1286 = arith.constant 128 : i32
      %mul3A_1287 = arith.muli %add3A_1263, %mul3A_1286 : i32
      %add3A_1288 = arith.addi %mul3A_1024, %mul3A_1287 : i32
      %dma_wait3A_1289 = tpu.memref_slice %arg3[%add3A_1288] : memref<327680xi32, #tpu.memory_space<hbm>> -> memref<128xi32, #tpu.memory_space<hbm>>
      %dma_wait3A_1290 = tpu.memref_slice %arg3[%add3A_1288] : memref<327680xi32, #tpu.memory_space<hbm>> -> memref<128xi32, #tpu.memory_space<hbm>>
      tpu.wait_dma2 semaphore(%arg39 : memref<!tpu.dma_semaphore, #tpu.memory_space<semaphore_mem>>) src(%dma_wait3A_1290 : memref<128xi32, #tpu.memory_space<hbm>>) dst(%arg21 : memref<128xi32, #tpu.memory_space<vmem>>)
      %dma_start3A_1291 = arith.constant 0 : i32
      %dma_start3A_1292 = arith.constant 0 : i32
      %dma_start3A_1293 = tpu.memref_slice %arg6[%dma_start3A_1291, %dma_start3A_1292] : memref<10240x128xf32, #tpu.memory_space<vmem_shared>> -> memref<10240x128xf32, #tpu.memory_space<vmem_shared>>
      tpu.enqueue_indirect_dma source(%arg25 : memref<128x128xf32, #tpu.memory_space<vmem>>) target(%dma_start3A_1293 : memref<10240x128xf32, #tpu.memory_space<vmem_shared>>) offsets(%arg21 : memref<128xi32, #tpu.memory_space<vmem>>) semaphore(%arg45 : memref<!tpu.dma_semaphore, #tpu.memory_space<semaphore_mem>>) {add = true}
      %mul3A_1294 = arith.constant 8 : i32
      %mul3A_1295 = arith.muli %mul3A_1294, %scan3A_1093 : i32
      %add3A_1296 = arith.constant 6 : i32
      %add3A_1297 = arith.addi %mul3A_1295, %add3A_1296 : i32
      %ge3A_1298 = arith.constant 1 : i32
      %ge3A_1299 = arith.cmpi sge, %add3A_1297, %ge3A_1298 : i32
      %convert_element_type3A_1300 = arith.extui %ge3A_1299 : i1 to i32
      %cond3A_1301 = arith.constant 0 : i32
      %cond3A_1302 = arith.cmpi ne, %convert_element_type3A_1300, %cond3A_1301 : i32
      scf.if %cond3A_1302 {
        %dma_wait3A_1362 = arith.constant 0 : i32
        %dma_wait3A_1363 = arith.constant 0 : i32
        %dma_wait3A_1364 = tpu.memref_slice %arg6[%dma_wait3A_1362, %dma_wait3A_1363] : memref<10240x128xf32, #tpu.memory_space<vmem_shared>> -> memref<10240x128xf32, #tpu.memory_space<vmem_shared>>
        tpu.wait_indirect_dma semaphore(%arg45 : memref<!tpu.dma_semaphore, #tpu.memory_space<semaphore_mem>>) src(%arg25 : memref<128x128xf32, #tpu.memory_space<vmem>>) dst(%dma_wait3A_1364 : memref<10240x128xf32, #tpu.memory_space<vmem_shared>>)
      } else {
      }
      %add3A_1303 = arith.constant 4 : i32
      %add3A_1304 = arith.addi %add3A_1297, %add3A_1303 : i32
      %lt3A_1305 = arith.constant 80 : i32
      %lt3A_1306 = arith.cmpi slt, %add3A_1304, %lt3A_1305 : i32
      %convert_element_type3A_1307 = arith.extui %lt3A_1306 : i1 to i32
      %cond3A_1308 = arith.constant 0 : i32
      %cond3A_1309 = arith.cmpi ne, %convert_element_type3A_1307, %cond3A_1308 : i32
      scf.if %cond3A_1309 {
        %add3A_1362 = arith.constant 4 : i32
        %add3A_1363 = arith.addi %add3A_1297, %add3A_1362 : i32
        %mul3A_1364 = arith.constant 128 : i32
        %mul3A_1365 = arith.muli %add3A_1363, %mul3A_1364 : i32
        %add3A_1366 = arith.addi %mul3A_1024, %mul3A_1365 : i32
        %dma_start3A_1367 = tpu.memref_slice %arg2[%add3A_1366] : memref<327680xi32, #tpu.memory_space<hbm>> -> memref<128xi32, #tpu.memory_space<hbm>>
        %dma_start3A_1368 = tpu.memref_slice %arg2[%add3A_1366] : memref<327680xi32, #tpu.memory_space<hbm>> -> memref<128xi32, #tpu.memory_space<hbm>>
        tpu.enqueue_dma source(%dma_start3A_1368 : memref<128xi32, #tpu.memory_space<hbm>>) target(%arg10 : memref<128xi32, #tpu.memory_space<vmem>>) target_semaphore(%arg28 : memref<!tpu.dma_semaphore, #tpu.memory_space<semaphore_mem>>)
        %add3A_1369 = arith.constant 4 : i32
        %add3A_1370 = arith.addi %add3A_1297, %add3A_1369 : i32
        %mul3A_1371 = arith.constant 128 : i32
        %mul3A_1372 = arith.muli %add3A_1370, %mul3A_1371 : i32
        %add3A_1373 = arith.addi %mul3A_1024, %mul3A_1372 : i32
        %dma_start3A_1374 = tpu.memref_slice %arg3[%add3A_1373] : memref<327680xi32, #tpu.memory_space<hbm>> -> memref<128xi32, #tpu.memory_space<hbm>>
        %dma_start3A_1375 = tpu.memref_slice %arg3[%add3A_1373] : memref<327680xi32, #tpu.memory_space<hbm>> -> memref<128xi32, #tpu.memory_space<hbm>>
        tpu.enqueue_dma source(%dma_start3A_1375 : memref<128xi32, #tpu.memory_space<hbm>>) target(%arg18 : memref<128xi32, #tpu.memory_space<vmem>>) target_semaphore(%arg36 : memref<!tpu.dma_semaphore, #tpu.memory_space<semaphore_mem>>)
      } else {
      }
      %add3A_1310 = arith.constant 1 : i32
      %add3A_1311 = arith.addi %add3A_1297, %add3A_1310 : i32
      %lt3A_1312 = arith.constant 80 : i32
      %lt3A_1313 = arith.cmpi slt, %add3A_1311, %lt3A_1312 : i32
      %convert_element_type3A_1314 = arith.extui %lt3A_1313 : i1 to i32
      %cond3A_1315 = arith.constant 0 : i32
      %cond3A_1316 = arith.cmpi ne, %convert_element_type3A_1314, %cond3A_1315 : i32
      scf.if %cond3A_1316 {
        %add3A_1362 = arith.constant 1 : i32
        %add3A_1363 = arith.addi %add3A_1297, %add3A_1362 : i32
        %mul3A_1364 = arith.constant 128 : i32
        %mul3A_1365 = arith.muli %add3A_1363, %mul3A_1364 : i32
        %add3A_1366 = arith.addi %mul3A_1024, %mul3A_1365 : i32
        %dma_wait3A_1367 = tpu.memref_slice %arg2[%add3A_1366] : memref<327680xi32, #tpu.memory_space<hbm>> -> memref<128xi32, #tpu.memory_space<hbm>>
        %dma_wait3A_1368 = tpu.memref_slice %arg2[%add3A_1366] : memref<327680xi32, #tpu.memory_space<hbm>> -> memref<128xi32, #tpu.memory_space<hbm>>
        tpu.wait_dma2 semaphore(%arg33 : memref<!tpu.dma_semaphore, #tpu.memory_space<semaphore_mem>>) src(%dma_wait3A_1368 : memref<128xi32, #tpu.memory_space<hbm>>) dst(%arg15 : memref<128xi32, #tpu.memory_space<vmem>>)
        %dma_start3A_1369 = arith.constant 0 : i32
        %dma_start3A_1370 = arith.constant 0 : i32
        %dma_start3A_1371 = tpu.memref_slice %arg4[%dma_start3A_1369, %dma_start3A_1370] : memref<10000x128xf32, #tpu.memory_space<hbm>> -> memref<10000x128xf32, #tpu.memory_space<hbm>>
        tpu.enqueue_indirect_dma source(%dma_start3A_1371 : memref<10000x128xf32, #tpu.memory_space<hbm>>) target(%arg25 : memref<128x128xf32, #tpu.memory_space<vmem>>) offsets(%arg15 : memref<128xi32, #tpu.memory_space<vmem>>) semaphore(%arg43 : memref<!tpu.dma_semaphore, #tpu.memory_space<semaphore_mem>>)
      } else {
      }
      %dma_wait3A_1317 = arith.constant 0 : i32
      %dma_wait3A_1318 = arith.constant 0 : i32
      %dma_wait3A_1319 = tpu.memref_slice %arg4[%dma_wait3A_1317, %dma_wait3A_1318] : memref<10000x128xf32, #tpu.memory_space<hbm>> -> memref<10000x128xf32, #tpu.memory_space<hbm>>
      tpu.wait_indirect_dma semaphore(%arg42 : memref<!tpu.dma_semaphore, #tpu.memory_space<semaphore_mem>>) src(%dma_wait3A_1319 : memref<10000x128xf32, #tpu.memory_space<hbm>>) dst(%arg24 : memref<128x128xf32, #tpu.memory_space<vmem>>)
      %mul3A_1320 = arith.constant 128 : i32
      %mul3A_1321 = arith.muli %add3A_1297, %mul3A_1320 : i32
      %add3A_1322 = arith.addi %mul3A_1024, %mul3A_1321 : i32
      %dma_wait3A_1323 = tpu.memref_slice %arg3[%add3A_1322] : memref<327680xi32, #tpu.memory_space<hbm>> -> memref<128xi32, #tpu.memory_space<hbm>>
      %dma_wait3A_1324 = tpu.memref_slice %arg3[%add3A_1322] : memref<327680xi32, #tpu.memory_space<hbm>> -> memref<128xi32, #tpu.memory_space<hbm>>
      tpu.wait_dma2 semaphore(%arg40 : memref<!tpu.dma_semaphore, #tpu.memory_space<semaphore_mem>>) src(%dma_wait3A_1324 : memref<128xi32, #tpu.memory_space<hbm>>) dst(%arg22 : memref<128xi32, #tpu.memory_space<vmem>>)
      %dma_start3A_1325 = arith.constant 0 : i32
      %dma_start3A_1326 = arith.constant 0 : i32
      %dma_start3A_1327 = tpu.memref_slice %arg6[%dma_start3A_1325, %dma_start3A_1326] : memref<10240x128xf32, #tpu.memory_space<vmem_shared>> -> memref<10240x128xf32, #tpu.memory_space<vmem_shared>>
      tpu.enqueue_indirect_dma source(%arg24 : memref<128x128xf32, #tpu.memory_space<vmem>>) target(%dma_start3A_1327 : memref<10240x128xf32, #tpu.memory_space<vmem_shared>>) offsets(%arg22 : memref<128xi32, #tpu.memory_space<vmem>>) semaphore(%arg44 : memref<!tpu.dma_semaphore, #tpu.memory_space<semaphore_mem>>) {add = true}
      %mul3A_1328 = arith.constant 8 : i32
      %mul3A_1329 = arith.muli %mul3A_1328, %scan3A_1093 : i32
      %add3A_1330 = arith.constant 7 : i32
      %add3A_1331 = arith.addi %mul3A_1329, %add3A_1330 : i32
      %ge3A_1332 = arith.constant 1 : i32
      %ge3A_1333 = arith.cmpi sge, %add3A_1331, %ge3A_1332 : i32
      %convert_element_type3A_1334 = arith.extui %ge3A_1333 : i1 to i32
      %cond3A_1335 = arith.constant 0 : i32
      %cond3A_1336 = arith.cmpi ne, %convert_element_type3A_1334, %cond3A_1335 : i32
      scf.if %cond3A_1336 {
        %dma_wait3A_1362 = arith.constant 0 : i32
        %dma_wait3A_1363 = arith.constant 0 : i32
        %dma_wait3A_1364 = tpu.memref_slice %arg6[%dma_wait3A_1362, %dma_wait3A_1363] : memref<10240x128xf32, #tpu.memory_space<vmem_shared>> -> memref<10240x128xf32, #tpu.memory_space<vmem_shared>>
        tpu.wait_indirect_dma semaphore(%arg44 : memref<!tpu.dma_semaphore, #tpu.memory_space<semaphore_mem>>) src(%arg24 : memref<128x128xf32, #tpu.memory_space<vmem>>) dst(%dma_wait3A_1364 : memref<10240x128xf32, #tpu.memory_space<vmem_shared>>)
      } else {
      }
      %add3A_1337 = arith.constant 4 : i32
      %add3A_1338 = arith.addi %add3A_1331, %add3A_1337 : i32
      %lt3A_1339 = arith.constant 80 : i32
      %lt3A_1340 = arith.cmpi slt, %add3A_1338, %lt3A_1339 : i32
      %convert_element_type3A_1341 = arith.extui %lt3A_1340 : i1 to i32
      %cond3A_1342 = arith.constant 0 : i32
      %cond3A_1343 = arith.cmpi ne, %convert_element_type3A_1341, %cond3A_1342 : i32
      scf.if %cond3A_1343 {
        %add3A_1362 = arith.constant 4 : i32
        %add3A_1363 = arith.addi %add3A_1331, %add3A_1362 : i32
        %mul3A_1364 = arith.constant 128 : i32
        %mul3A_1365 = arith.muli %add3A_1363, %mul3A_1364 : i32
        %add3A_1366 = arith.addi %mul3A_1024, %mul3A_1365 : i32
        %dma_start3A_1367 = tpu.memref_slice %arg2[%add3A_1366] : memref<327680xi32, #tpu.memory_space<hbm>> -> memref<128xi32, #tpu.memory_space<hbm>>
        %dma_start3A_1368 = tpu.memref_slice %arg2[%add3A_1366] : memref<327680xi32, #tpu.memory_space<hbm>> -> memref<128xi32, #tpu.memory_space<hbm>>
        tpu.enqueue_dma source(%dma_start3A_1368 : memref<128xi32, #tpu.memory_space<hbm>>) target(%arg11 : memref<128xi32, #tpu.memory_space<vmem>>) target_semaphore(%arg29 : memref<!tpu.dma_semaphore, #tpu.memory_space<semaphore_mem>>)
        %add3A_1369 = arith.constant 4 : i32
        %add3A_1370 = arith.addi %add3A_1331, %add3A_1369 : i32
        %mul3A_1371 = arith.constant 128 : i32
        %mul3A_1372 = arith.muli %add3A_1370, %mul3A_1371 : i32
        %add3A_1373 = arith.addi %mul3A_1024, %mul3A_1372 : i32
        %dma_start3A_1374 = tpu.memref_slice %arg3[%add3A_1373] : memref<327680xi32, #tpu.memory_space<hbm>> -> memref<128xi32, #tpu.memory_space<hbm>>
        %dma_start3A_1375 = tpu.memref_slice %arg3[%add3A_1373] : memref<327680xi32, #tpu.memory_space<hbm>> -> memref<128xi32, #tpu.memory_space<hbm>>
        tpu.enqueue_dma source(%dma_start3A_1375 : memref<128xi32, #tpu.memory_space<hbm>>) target(%arg19 : memref<128xi32, #tpu.memory_space<vmem>>) target_semaphore(%arg37 : memref<!tpu.dma_semaphore, #tpu.memory_space<semaphore_mem>>)
      } else {
      }
      %add3A_1344 = arith.constant 1 : i32
      %add3A_1345 = arith.addi %add3A_1331, %add3A_1344 : i32
      %lt3A_1346 = arith.constant 80 : i32
      %lt3A_1347 = arith.cmpi slt, %add3A_1345, %lt3A_1346 : i32
      %convert_element_type3A_1348 = arith.extui %lt3A_1347 : i1 to i32
      %cond3A_1349 = arith.constant 0 : i32
      %cond3A_1350 = arith.cmpi ne, %convert_element_type3A_1348, %cond3A_1349 : i32
      scf.if %cond3A_1350 {
        %add3A_1362 = arith.constant 1 : i32
        %add3A_1363 = arith.addi %add3A_1331, %add3A_1362 : i32
        %mul3A_1364 = arith.constant 128 : i32
        %mul3A_1365 = arith.muli %add3A_1363, %mul3A_1364 : i32
        %add3A_1366 = arith.addi %mul3A_1024, %mul3A_1365 : i32
        %dma_wait3A_1367 = tpu.memref_slice %arg2[%add3A_1366] : memref<327680xi32, #tpu.memory_space<hbm>> -> memref<128xi32, #tpu.memory_space<hbm>>
        %dma_wait3A_1368 = tpu.memref_slice %arg2[%add3A_1366] : memref<327680xi32, #tpu.memory_space<hbm>> -> memref<128xi32, #tpu.memory_space<hbm>>
        tpu.wait_dma2 semaphore(%arg26 : memref<!tpu.dma_semaphore, #tpu.memory_space<semaphore_mem>>) src(%dma_wait3A_1368 : memref<128xi32, #tpu.memory_space<hbm>>) dst(%arg8 : memref<128xi32, #tpu.memory_space<vmem>>)
        %dma_start3A_1369 = arith.constant 0 : i32
        %dma_start3A_1370 = arith.constant 0 : i32
        %dma_start3A_1371 = tpu.memref_slice %arg4[%dma_start3A_1369, %dma_start3A_1370] : memref<10000x128xf32, #tpu.memory_space<hbm>> -> memref<10000x128xf32, #tpu.memory_space<hbm>>
        tpu.enqueue_indirect_dma source(%dma_start3A_1371 : memref<10000x128xf32, #tpu.memory_space<hbm>>) target(%arg24 : memref<128x128xf32, #tpu.memory_space<vmem>>) offsets(%arg8 : memref<128xi32, #tpu.memory_space<vmem>>) semaphore(%arg42 : memref<!tpu.dma_semaphore, #tpu.memory_space<semaphore_mem>>)
      } else {
      }
      %dma_wait3A_1351 = arith.constant 0 : i32
      %dma_wait3A_1352 = arith.constant 0 : i32
      %dma_wait3A_1353 = tpu.memref_slice %arg4[%dma_wait3A_1351, %dma_wait3A_1352] : memref<10000x128xf32, #tpu.memory_space<hbm>> -> memref<10000x128xf32, #tpu.memory_space<hbm>>
      tpu.wait_indirect_dma semaphore(%arg43 : memref<!tpu.dma_semaphore, #tpu.memory_space<semaphore_mem>>) src(%dma_wait3A_1353 : memref<10000x128xf32, #tpu.memory_space<hbm>>) dst(%arg25 : memref<128x128xf32, #tpu.memory_space<vmem>>)
      %mul3A_1354 = arith.constant 128 : i32
      %mul3A_1355 = arith.muli %add3A_1331, %mul3A_1354 : i32
      %add3A_1356 = arith.addi %mul3A_1024, %mul3A_1355 : i32
      %dma_wait3A_1357 = tpu.memref_slice %arg3[%add3A_1356] : memref<327680xi32, #tpu.memory_space<hbm>> -> memref<128xi32, #tpu.memory_space<hbm>>
      %dma_wait3A_1358 = tpu.memref_slice %arg3[%add3A_1356] : memref<327680xi32, #tpu.memory_space<hbm>> -> memref<128xi32, #tpu.memory_space<hbm>>
      tpu.wait_dma2 semaphore(%arg41 : memref<!tpu.dma_semaphore, #tpu.memory_space<semaphore_mem>>) src(%dma_wait3A_1358 : memref<128xi32, #tpu.memory_space<hbm>>) dst(%arg23 : memref<128xi32, #tpu.memory_space<vmem>>)
      %dma_start3A_1359 = arith.constant 0 : i32
      %dma_start3A_1360 = arith.constant 0 : i32
      %dma_start3A_1361 = tpu.memref_slice %arg6[%dma_start3A_1359, %dma_start3A_1360] : memref<10240x128xf32, #tpu.memory_space<vmem_shared>> -> memref<10240x128xf32, #tpu.memory_space<vmem_shared>>
      tpu.enqueue_indirect_dma source(%arg25 : memref<128x128xf32, #tpu.memory_space<vmem>>) target(%dma_start3A_1361 : memref<10240x128xf32, #tpu.memory_space<vmem_shared>>) offsets(%arg23 : memref<128xi32, #tpu.memory_space<vmem>>) semaphore(%arg45 : memref<!tpu.dma_semaphore, #tpu.memory_space<semaphore_mem>>) {add = true}
    }
    %scan3A_1076 = arith.constant 10 : i32
    %dma_wait3A_1077 = arith.constant 0 : i32
    %dma_wait3A_1078 = arith.constant 0 : i32
    %dma_wait3A_1079 = tpu.memref_slice %arg6[%dma_wait3A_1077, %dma_wait3A_1078] : memref<10240x128xf32, #tpu.memory_space<vmem_shared>> -> memref<10240x128xf32, #tpu.memory_space<vmem_shared>>
    tpu.wait_indirect_dma semaphore(%arg45 : memref<!tpu.dma_semaphore, #tpu.memory_space<semaphore_mem>>) src(%arg25 : memref<128x128xf32, #tpu.memory_space<vmem>>) dst(%dma_wait3A_1079 : memref<10240x128xf32, #tpu.memory_space<vmem_shared>>)
    %barrier3A_1080 = arith.constant 0 : index
    tpu.barrier barrier_id(%barrier3A_1080)
    %scan3A_1081 = arith.constant 0 : i32
    %scan3A_1082 = arith.constant 0 : i32
    %scan3A_1083 = arith.constant 5 : i32
    %scan3A_1084 = arith.addi %scan3A_1082, %scan3A_1083 : i32
    %scan3A_1085 = arith.constant 1 : i32
    scf.for %scan3A_1093 = %scan3A_1082 to %scan3A_1084 step %scan3A_1085  : i32 {
      %mul3A_1094 = arith.constant 640 : i32
      %mul3A_1095 = arith.muli %arg1, %mul3A_1094 : i32
      %mul3A_1096 = arith.constant 128 : i32
      %mul3A_1097 = arith.muli %scan3A_1093, %mul3A_1096 : i32
      %add3A_1098 = arith.addi %mul3A_1095, %mul3A_1097 : i32
      %dma_start3A_1099 = arith.constant 0 : i32
      %dma_start3A_1100 = tpu.memref_slice %arg5[%arg0, %add3A_1098, %dma_start3A_1099] : memref<2x10240x128xf32, #tpu.memory_space<hbm>> -> memref<1x128x128xf32, #tpu.memory_space<hbm>>
      %dma_start3A_1101 = tpu.memref_squeeze %dma_start3A_1100 : memref<1x128x128xf32, #tpu.memory_space<hbm>> -> memref<128x128xf32, #tpu.memory_space<hbm>>
      %dma_start3A_1102 = arith.constant 0 : i32
      %dma_start3A_1103 = tpu.memref_slice %arg6[%add3A_1098, %dma_start3A_1102] : memref<10240x128xf32, #tpu.memory_space<vmem_shared>> -> memref<128x128xf32, #tpu.memory_space<vmem_shared>>
      tpu.enqueue_dma source(%dma_start3A_1103 : memref<128x128xf32, #tpu.memory_space<vmem_shared>>) target(%dma_start3A_1101 : memref<128x128xf32, #tpu.memory_space<hbm>>) target_semaphore(%arg46 : memref<!tpu.dma_semaphore, #tpu.memory_space<semaphore_mem>>)
    }
    %scan3A_1086 = arith.constant 5 : i32
    %scan3A_1087 = arith.constant 0 : i32
    %scan3A_1088 = arith.constant 0 : i32
    %scan3A_1089 = arith.constant 5 : i32
    %scan3A_1090 = arith.addi %scan3A_1088, %scan3A_1089 : i32
    %scan3A_1091 = arith.constant 1 : i32
    scf.for %scan3A_1093 = %scan3A_1088 to %scan3A_1090 step %scan3A_1091  : i32 {
      %mul3A_1094 = arith.constant 640 : i32
      %mul3A_1095 = arith.muli %arg1, %mul3A_1094 : i32
      %mul3A_1096 = arith.constant 128 : i32
      %mul3A_1097 = arith.muli %scan3A_1093, %mul3A_1096 : i32
      %add3A_1098 = arith.addi %mul3A_1095, %mul3A_1097 : i32
      %dma_wait3A_1099 = arith.constant 0 : i32
      %dma_wait3A_1100 = tpu.memref_slice %arg5[%arg0, %add3A_1098, %dma_wait3A_1099] : memref<2x10240x128xf32, #tpu.memory_space<hbm>> -> memref<1x128x128xf32, #tpu.memory_space<hbm>>
      %dma_wait3A_1101 = tpu.memref_squeeze %dma_wait3A_1100 : memref<1x128x128xf32, #tpu.memory_space<hbm>> -> memref<128x128xf32, #tpu.memory_space<hbm>>
      %dma_wait3A_1102 = arith.constant 0 : i32
      %dma_wait3A_1103 = tpu.memref_slice %arg6[%add3A_1098, %dma_wait3A_1102] : memref<10240x128xf32, #tpu.memory_space<vmem_shared>> -> memref<128x128xf32, #tpu.memory_space<vmem_shared>>
      tpu.wait_dma2 semaphore(%arg46 : memref<!tpu.dma_semaphore, #tpu.memory_space<semaphore_mem>>) src(%dma_wait3A_1103 : memref<128x128xf32, #tpu.memory_space<vmem_shared>>) dst(%dma_wait3A_1101 : memref<128x128xf32, #tpu.memory_space<hbm>>)
    }
    %scan3A_1092 = arith.constant 5 : i32
    return
  }
}

module attributes {stable_mosaic.version = 14 : i64} {
  func.func @_tca_body(%arg0: memref<10000x128xf32, #tpu.memory_space<vmem>>, %arg1: memref<2x10240xf32, #tpu.memory_space<vmem>>, %arg2: memref<10000x128xf32, #tpu.memory_space<vmem>>, %arg3: memref<10000x1xf32, #tpu.memory_space<vmem>>) attributes {dimension_semantics = [], scalar_prefetch = 0 : i64, scratch_operands = 0 : i64, tpu.core_type = #tpu.core_type<tc>} {
    %get3A = arith.constant 0 : index
    %get3A_0 = arith.constant 0 : index
    %get3A_1 = vector.load %arg1[%get3A, %get3A_0] : memref<2x10240xf32, #tpu.memory_space<vmem>>, vector<1x10240xf32>
    %get3A_2 = vector.shape_cast %get3A_1 : vector<1x10240xf32> to vector<10240xf32>
    %get3A_3 = arith.constant 1 : index
    %get3A_4 = arith.constant 0 : index
    %get3A_5 = vector.load %arg1[%get3A_3, %get3A_4] : memref<2x10240xf32, #tpu.memory_space<vmem>>, vector<1x10240xf32>
    %get3A_6 = vector.shape_cast %get3A_5 : vector<1x10240xf32> to vector<10240xf32>
    %add3A = arith.addf %get3A_2, %get3A_6 : vector<10240xf32>
    %add3A_7 = arith.constant 1.000000e+00 : f32
    %add3A_8 = vector.broadcast %add3A_7 : f32 to vector<10240xf32>
    %add3A_9 = arith.addf %add3A, %add3A_8 : vector<10240xf32>
    %slice3A = vector.extract_strided_slice %add3A_9 {offsets = [0], sizes = [10000], strides = [1]} : vector<10240xf32> to vector<10000xf32>
    %rsqrt3A = math.rsqrt %slice3A : vector<10000xf32>
    %get3A_10 = arith.constant 0 : index
    %get3A_11 = arith.constant 0 : index
    %get3A_12 = vector.load %arg0[%get3A_10, %get3A_11] : memref<10000x128xf32, #tpu.memory_space<vmem>>, vector<10000x128xf32>
    %broadcast_in_dim3A = vector.shape_cast %rsqrt3A : vector<10000xf32> to vector<10000x1xf32>
    %mul3A = vector.broadcast %broadcast_in_dim3A : vector<10000x1xf32> to vector<10000x128xf32>
    %mul3A_13 = arith.mulf %get3A_12, %mul3A : vector<10000x128xf32>
    %swap3A = arith.constant 0 : index
    %swap3A_14 = arith.constant 0 : index
    %swap3A_15 = vector.load %arg2[%swap3A, %swap3A_14] : memref<10000x128xf32, #tpu.memory_space<vmem>>, vector<10000x128xf32>
    tpu.vector_store %arg2[%swap3A, %swap3A_14], %mul3A_13 {strides = array<i32>} : memref<10000x128xf32, #tpu.memory_space<vmem>>, vector<10000x128xf32>,
    %broadcast_in_dim3A_16 = vector.shape_cast %rsqrt3A : vector<10000xf32> to vector<10000x1xf32>
    %swap3A_17 = arith.constant 0 : index
    %swap3A_18 = arith.constant 0 : index
    %swap3A_19 = vector.load %arg3[%swap3A_17, %swap3A_18] : memref<10000x1xf32, #tpu.memory_space<vmem>>, vector<10000x1xf32>
    tpu.vector_store %arg3[%swap3A_17, %swap3A_18], %broadcast_in_dim3A_16 {strides = array<i32>} : memref<10000x1xf32, #tpu.memory_space<vmem>>, vector<10000x1xf32>,
    return
  }
}

module attributes {stable_mosaic.version = 14 : i64} {
  func.func @_tcb_body(%arg0: memref<2x10240x128xf32, #tpu.memory_space<vmem>>, %arg1: memref<10000x128xf32, #tpu.memory_space<vmem>>, %arg2: memref<10000x1xf32, #tpu.memory_space<vmem>>, %arg3: memref<128x128xf32, #tpu.memory_space<vmem>>, %arg4: memref<1x128xf32, #tpu.memory_space<vmem>>, %arg5: memref<10000x128xf32, #tpu.memory_space<vmem>>) attributes {dimension_semantics = [], scalar_prefetch = 0 : i64, scratch_operands = 0 : i64, tpu.core_type = #tpu.core_type<tc>} {
    %get3A = arith.constant 0 : index
    %get3A_0 = arith.constant 0 : index
    %get3A_1 = arith.constant 0 : index
    %get3A_2 = vector.load %arg0[%get3A, %get3A_0, %get3A_1] : memref<2x10240x128xf32, #tpu.memory_space<vmem>>, vector<1x10000x128xf32>
    %get3A_3 = vector.shape_cast %get3A_2 : vector<1x10000x128xf32> to vector<10000x128xf32>
    %get3A_4 = arith.constant 1 : index
    %get3A_5 = arith.constant 0 : index
    %get3A_6 = arith.constant 0 : index
    %get3A_7 = vector.load %arg0[%get3A_4, %get3A_5, %get3A_6] : memref<2x10240x128xf32, #tpu.memory_space<vmem>>, vector<1x10000x128xf32>
    %get3A_8 = vector.shape_cast %get3A_7 : vector<1x10000x128xf32> to vector<10000x128xf32>
    %add3A = arith.addf %get3A_3, %get3A_8 : vector<10000x128xf32>
    %get3A_9 = arith.constant 0 : index
    %get3A_10 = arith.constant 0 : index
    %get3A_11 = vector.load %arg1[%get3A_9, %get3A_10] : memref<10000x128xf32, #tpu.memory_space<vmem>>, vector<10000x128xf32>
    %add3A_12 = arith.addf %add3A, %get3A_11 : vector<10000x128xf32>
    %get3A_13 = arith.constant 0 : index
    %get3A_14 = arith.constant 0 : index
    %get3A_15 = vector.load %arg2[%get3A_13, %get3A_14] : memref<10000x1xf32, #tpu.memory_space<vmem>>, vector<10000x1xf32>
    %mul3A = vector.broadcast %get3A_15 : vector<10000x1xf32> to vector<10000x128xf32>
    %mul3A_16 = arith.mulf %add3A_12, %mul3A : vector<10000x128xf32>
    %get3A_17 = arith.constant 0 : index
    %get3A_18 = arith.constant 0 : index
    %get3A_19 = vector.load %arg3[%get3A_17, %get3A_18] : memref<128x128xf32, #tpu.memory_space<vmem>>, vector<128x128xf32>
    %dot_general3A = arith.constant dense<0.000000e+00> : vector<10000x128xf32>
    %dot_general3A_20 = tpu.matmul %mul3A_16, %get3A_19, %dot_general3A {dimension_numbers = #tpu.dot_dimension_numbers<[1], [1], [0], [0], [0, 0, 1, 0], [], []>, transpose_lhs_hint = false} : vector<10000x128xf32>, vector<128x128xf32>, vector<10000x128xf32> -> vector<10000x128xf32>
    %get3A_21 = arith.constant 0 : index
    %get3A_22 = arith.constant 0 : index
    %get3A_23 = vector.load %arg4[%get3A_21, %get3A_22] : memref<1x128xf32, #tpu.memory_space<vmem>>, vector<1x128xf32>
    %add3A_24 = vector.broadcast %get3A_23 : vector<1x128xf32> to vector<10000x128xf32>
    %add3A_25 = arith.addf %dot_general3A_20, %add3A_24 : vector<10000x128xf32>
    %max3A = arith.constant 0.000000e+00 : f32
    %max3A_26 = vector.broadcast %max3A : f32 to vector<10000x128xf32>
    %max3A_27 = arith.maximumf %add3A_25, %max3A_26 : vector<10000x128xf32>
    %swap3A = arith.constant 0 : index
    %swap3A_28 = arith.constant 0 : index
    %swap3A_29 = vector.load %arg5[%swap3A, %swap3A_28] : memref<10000x128xf32, #tpu.memory_space<vmem>>, vector<10000x128xf32>
    tpu.vector_store %arg5[%swap3A, %swap3A_28], %max3A_27 {strides = array<i32>} : memref<10000x128xf32, #tpu.memory_space<vmem>>, vector<10000x128xf32>,
    return
  }
}

</mosaic_0001>

<sc_bundles>
// kernel: kernel.6.cloned.1.call-start
scs
__scs_entry_jumppad:
0x0: {  	(pc) =	sbr.rel $0x88, $3  }
0x1: {  	(tag) =	ssettag $0x0;
	lr =	simm.s32 $0x1  }
0x2: {  	[smem:$0x3F9D] =	sst lr;
	_ =	strace $0xD0000000  }
0x3: {  	_ = 	snop  }
0x4: {  	_ = 	snop  }
0x5: {  	_ = 	snop  }
0x6: {  	_ = 	snop  }
0x7: {  	_ = 	snop  }
__scs_overlays_trampoline_lowered:
0x8: {  	[smem:$0x3FAC] =	sst s0  }
0x9: {  	[smem:$0x3FAD] =	sst s1  }
0xa: {  	[smem:$0x3FAE] =	sst s2  }
0xb: {  	[smem:$0x3FAF] =	sst s3  }
0xc: {  	[smem:$0x3FB0] =	sst s4  }
0xd: {  	[smem:$0x3FB1] =	sst s5  }
0xe: {  	[smem:$0x3FB2] =	sst s6  }
0xf: {  	[smem:$0x3FB3] =	sst s7  }
0x10: {  	[smem:$0x3FB4] =	sst s8  }
0x11: {  	[smem:$0x3FB5] =	sst s9;
	s0 =	simm.s32 @!p0 $0x0  }
0x12: {  	s1 =	sld [smem:$0x3F9B];
	s0 =	simm.s32 @p0 $0x1  }
0x13: {  	[smem:$0x3FB6] =	sst s0;
	s0 =	simm.s32 @!p1 $0x0  }
0x14: {  	s2 =	sld [smem:$0x3F9A];
	s0 =	simm.s32 @p1 $0x1  }
0x15: {  	[smem:$0x3FB7] =	sst s0;
	s0 =	simm.s32 @!p2 $0x0  }
0x16: {  	s3 =	sld [smem:$0x3FDB];
	s0 =	simm.s32 @p2 $0x1  }
0x17: {  	s4 =	simm.s32 $0x1BF5;
	[smem:$0x3FB9] =	sst s0  }
0x18: {  	s0 =	sld [smem:$0x3F9C];
	_ =	swait.ge [sflag:s4], $0x0  }
0x19: {  	s7 =	sld [smem:$0x3F9D]  }
0x1a: {  	s8 =	sadd.s32 $0xFFFFE003, lr  }
0x1b: {  	s9 =	sadd.s32 $0xFFFFFEF7, lr;
	s5 =	simm.s32 $0xFFFFFFFF;
	p2 =	slt.u32 s8, $0xFFFFF086  }
0x1c: {  	p1 =	slt.u32 s9, $0xF7A;
	s5 =	simm.s32 @!p2 $0x0  }
0x1d: {  	s5 =	simm.s32 @p1 $0x1;
	p0 =	seq.s32 s7, s2  }
0x1e: {  	s7 =	smul.u32 @!p0 $0xF7A, s2;
	p2 =	seq.s32 @!p0 s5, $0x0  }
0x1f: {  	s9 =	smul.u32 $0xF7A, s1;
	s8 =	simm.s32 @!p0 $0x1BF5;
	p2 =	por !p2, p0  }
0x20: {  	[sflag:s8] =	ssyncset.s32 @!p0 $0xFFFFF086;
	s6 =	sadd.s32 @!p0 s3, s7;
	s7 =	simm.s32 @!p0 $0x108  }
0x21: {  	s3 =	sadd.s32 s3, s9;
	s6 =	sadd.s32 @!p0 $0x88, s6;
	s7 =	simm.s32 @p2 $0x1082  }
0x22: {  	[simem:s7], [sflag:s8] =	dma.local @!p0 [hbm:s6], $0xF7A  }
0x23: {  	s9 =	sor.u32 $0xD0000000, s2;
	s6 =	simm.s32 $0x108;
	_ =	swait.ge @!p0 [sflag:s8], $0x0  }
0x24: {  	s3 =	sadd.s32 $0x88, s3;
	s6 =	simm.s32 @!p1 $0x1082;
	[sflag:s4] =	ssyncset.s32 $0xFFFFF086  }
0x25: {  	[simem:s6], [sflag:s4] =	dma.local [hbm:s3], $0xF7A  }
0x26: {  	[smem:$0x3F9D] =	sst s1;
	(tag) =	ssettag s2;
	_ =	strace s9  }
0x27: {  	s1 =	sld [smem:$0x3FAD]  }
0x28: {  	s2 =	sld [smem:$0x3FAE]  }
0x29: {  	s4 =	sld [smem:$0x3FB0]  }
0x2a: {  	p0 =	seq.s32 s5, $0x0;
	s5 =	sld [smem:$0x3FB1]  }
0x2b: {  	s6 =	sld [smem:$0x3FB2]  }
0x2c: {  	s7 =	sld [smem:$0x3FB3]  }
0x2d: {  	s3 =	simm.s32 $0x108;
	s8 =	sld [smem:$0x3FB4]  }
0x2e: {  	s3 =	simm.s32 @!p0 $0x1082;
	s9 =	sld [smem:$0x3FB5]  }
0x2f: {  	lr =	sadd.s32 s0, s3;
	s0 =	sld [smem:$0x3FAC]  }
0x30: {  	s3 =	sld [smem:$0x3FAF]  }
0x31: {  	[smem:$0x3FB8] =	sst s10  }
0x32: {  	s10 =	sld [smem:$0x3FB6];
	_ =	sdelay $0x3  }
0x33: {  	p0 =	seq.s32 s10, $0x1;
	s10 =	sld [smem:$0x3FB8];
	_ =	sdelay $0x3  }
0x34: {  	[smem:$0x3FB8] =	sst s10  }
0x35: {  	s10 =	sld [smem:$0x3FB7];
	_ =	sdelay $0x3  }
0x36: {  	p1 =	seq.s32 s10, $0x1;
	s10 =	sld [smem:$0x3FB8];
	_ =	sdelay $0x3  }
0x37: {  	[smem:$0x3FB8] =	sst s10  }
0x38: {  	s10 =	sld [smem:$0x3FB9]  }
0x39: {  	_ = 	snop;
	(pc) =	sbr.ind lr, $3  }
0x3a: {  	_ = 	snop  }
0x3b: {  	_ = 	snop  }
0x3c: {  	p2 =	seq.s32 s10, $0x1;
	s10 =	sld [smem:$0x3FB8]  }
0x3d: {  	_ =	shalt  }
0x3e: {  	_ =	shalt  }
0x3f: {  	_ =	shalt  }
0x40: {  	_ =	shalt  }
0x41: {  	_ =	shalt  }
0x42: {  	_ =	shalt  }
0x43: {  	_ =	shalt  }
0x44: {  	_ =	shalt  }
0x45: {  	_ =	shalt  }
0x46: {  	_ =	shalt  }
0x47: {  	_ =	shalt  }
0x48: {  	_ =	shalt  }
0x49: {  	_ =	shalt  }
0x4a: {  	_ =	shalt  }
0x4b: {  	_ =	shalt  }
0x4c: {  	_ =	shalt  }
0x4d: {  	_ =	shalt  }
0x4e: {  	_ =	shalt  }
0x4f: {  	_ =	shalt  }
0x50: {  	_ =	shalt  }
0x51: {  	_ =	shalt  }
0x52: {  	_ =	shalt  }
0x53: {  	_ =	shalt  }
0x54: {  	_ =	shalt  }
0x55: {  	_ =	shalt  }
0x56: {  	_ =	shalt  }
0x57: {  	_ =	shalt  }
0x58: {  	_ =	shalt  }
0x59: {  	_ =	shalt  }
0x5a: {  	_ =	shalt  }
0x5b: {  	_ =	shalt  }
0x5c: {  	_ =	shalt  }
0x5d: {  	_ =	shalt  }
0x5e: {  	_ =	shalt  }
0x5f: {  	_ =	shalt  }
0x60: {  	_ =	shalt  }
0x61: {  	_ =	shalt  }
0x62: {  	_ =	shalt  }
0x63: {  	_ =	shalt  }
0x64: {  	_ =	shalt  }
0x65: {  	_ =	shalt  }
0x66: {  	_ =	shalt  }
0x67: {  	_ =	shalt  }
0x68: {  	_ =	shalt  }
0x69: {  	_ =	shalt  }
0x6a: {  	_ =	shalt  }
0x6b: {  	_ =	shalt  }
0x6c: {  	_ =	shalt  }
0x6d: {  	_ =	shalt  }
0x6e: {  	_ =	shalt  }
0x6f: {  	_ =	shalt  }
0x70: {  	_ =	shalt  }
0x71: {  	_ =	shalt  }
0x72: {  	_ =	shalt  }
0x73: {  	_ =	shalt  }
0x74: {  	_ =	shalt  }
0x75: {  	_ =	shalt  }
0x76: {  	_ =	shalt  }
0x77: {  	_ =	shalt  }
0x78: {  	_ =	shalt  }
0x79: {  	_ =	shalt  }
0x7a: {  	_ =	shalt  }
0x7b: {  	_ =	shalt  }
0x7c: {  	_ =	shalt  }
0x7d: {  	_ =	shalt  }
0x7e: {  	_ =	shalt  }
0x7f: {  	_ =	shalt  }
0x80: {  	_ =	shalt  }
0x81: {  	_ =	shalt  }
0x82: {  	_ =	shalt  }
0x83: {  	_ =	shalt  }
0x84: {  	_ =	shalt  }
0x85: {  	_ =	shalt  }
0x86: {  	_ =	shalt  }
0x87: {  	_ =	shalt  }
.Lfunc_end0:
.L_simem_size_0:
called_computation_lowered:
.L_overlay_start_0:
0x88: {  	s2 =	sld [smem:$0x3FD9]  }
0x89: {  	s3 =	sld [smem:$0x3FFE];
	_ =	sdelay $0x1  }
0x8a: {  	s1 =	srdreg.scid  }
0x8b: {  	s0 =	sand.u32 $0x1, s1  }
0x8c: {  	s17 =	sshll.u32 s0, $0xA;
	s2 =	sadd.s32 s3, s2  }
0x8d: {  	s2 =	sadd.s32 s2, s17  }
0x8e: {  	[smem:$0x3FC4] =	sst s2  }
0x8f: {  	_ = 	snop  }
0x90: {  	s2 =	sld [smem:$0x3FD0];
	(tm) =	ssettm $0x1  }
0x91: {  	s18 =	sld [smem:$0x3FFB];
	_ =	sdelay $0x3  }
0x92: {  	_ =	strace s18  }
0x93: {  	s3 =	sld [smem:$0x3FFC];
	_ =	sdelay $0x3  }
0x94: {  	_ =	strace s3  }
0x95: {  	s3 =	sld [smem:$0x3FFD];
	_ =	sdelay $0x3  }
0x96: {  	_ =	strace s3  }
0x97: {  	_ =	strace $0x8FFFFFFF  }
0x98: {  	s19 =	sld [smem:$0x3FDB];
	_ =	sdelay $0x1  }
0x99: {  	s4 =	simm.s32 $_scs_section_size  }
0x9a: {  	s5 =	simm.s32 $_size__tile_overlayer_lowered;
	s6 =	simm.s32 $_tile_overlayer_lowered  }
0x9b: {  	s22 =	simm.s32 $0x1BFF;
	s21 =	sshll.u32 s6, $0x1;
	s3 =	sadd.s32 s4, s19  }
0x9c: {  	s7 =	simm.s32 $0x0;
	s20 =	sshll.u32 s5, $0x1;
	s5 =	sadd.s32 s21, s3  }
0x9d: {  	[timem:s7], [sflag:s22] =	dma.local [hbm:s5], s20  }
0x9e: {  	_ =	swait.ge [sflag:s22], s20  }
0x9f: {  	s4 =	ssub.s32 $0x0, s20;
	[sflag:s22] =	ssyncset.done $0x0  }
0xa0: {  	[sflag:s22] =	ssyncadd.s32 s4;
	_ =	sdelay $0x1  }
0xa1: {  	s23 =	simm.s32 $0x1B8B  }
0xa2: {  	_ =	swait.ge [sflag:s23], $0x1  }
0xa3: {  	[sflag:s23] =	ssyncset.done $0x0  }
0xa4: {  	s25 =	simm.s32 $0x1B8E;
	s24 =	sld [smem:$0x3FFE];
	[sflag:s23] =	ssyncadd.s32 $0xFFFFFFFF  }
0xa5: {  	s26 =	simm.s32 $execute0_lowered;
	[smem:$0x3FD2] =	sst s25  }
0xa6: {  	s5 =	sshll.u32 s26, $0x1;
	_ =	strace $0x80000046;
	[dreg:$0x1] =	wrdreg $0xFFFFFFFF  }
0xa7: {  	s28 =	simm.s32 $_size_execute0_lowered;
	s3 =	sadd.s32 s3, s5;
	[dreg:$0x0] =	wrdreg $0x0  }
0xa8: {  	s5 =	sshll.u32 s28, $0x1;
	[dreg:$0x2] =	wrdreg s3  }
0xa9: {  	[dreg:$0x3] =	wrdreg s5  }
0xaa: {  	[dreg:$0x4] =	wrdreg $0xC0  }
0xab: {  	_ =	task [dreg:s7], $0x5FFFF  }
0xac: {  	[dreg:$0x1] =	wrdreg $0xFFFFFFFF  }
0xad: {  	[dreg:$0x0] =	wrdreg $0x60  }
0xae: {  	[dreg:$0x2] =	wrdreg s24  }
0xaf: {  	[dreg:$0x3] =	wrdreg s2  }
0xb0: {  	[dreg:$0x4] =	wrdreg $0x0  }
0xb1: {  	[dreg:$0x5] =	wrdreg $0x9  }
0xb2: {  	_ =	task.clear_ibuf [dreg:s7], $0x6FFFF;
	_ =	strace $0x90000046  }
0xb3: {  	s29 =	simm.s32 $0x9;
	_ =	strace $0x80000048  }
0xb4: {  	_ =	swait.ge [sflag:s29], $0x1  }
0xb5: {  	[sflag:s29] =	ssyncadd.s32 $0xFFFFFFFF  }
0xb6: {  	_ =	strace $0x90000048  }
0xb7: {  	_ =	sfence  }
0xb8: {  	s30 =	sld [smem:$0x0];
	_ =	sdelay $0x2  }
0xb9: {  	s31 =	sshll.u32 s1, $0xD;
	s1 =	sshrl.u32 s1, $0x2  }
0xba: {  	s3 =	sand.u32 $0x4000, s31;
	s1 =	sadd.s32 s1, s30  }
0xbb: {  	s0 =	sor.u32 s3, s0;
	s1 =	sshll.u32 s1, $0x11  }
0xbc: {  	s0 =	sor.u32 s1, s0  }
0xbd: {  	s0 =	sadd.s32 $0x8F2B, s0  }
0xbe: {  	[sflag:s0] =	ssyncadd.remote.s32 $0x1  }
0xbf: {  	_ =	sfence.sel $0xFFFF  }
0xc0: {  	[dreg:$0x0] =	wrdreg $0xFFFFFFFF;
	(pc) =	sbr.abs _section_cstart, $3  }
0xc1: {  	[dreg:$0x1] =	wrdreg $0xFFFFFFFF  }
0xc2: {  	_ =	task.clear_ibuf [dreg:s7], $0x2FFFF;
	_ =	strace $0x9FFFFFFF  }
0xc3: {  	(tm) =	ssettm $0x7FFFFFFF  }
tec
execute0_lowered:
.L_overlay_start_1:
0x0: {  	(tag) =	ssettag $0x1  }
0x1: {  	s0 =	rddreg [dreg:$0x0]  }
0x2: {  	s2 =	rddreg [dreg:$0x1]  }
0x3: {  	s1 =	rddreg [dreg:$0x2];
	s3 =	srdreg.scid  }
0x4: {  	s10 =	stileid.u32;
	s28 =	simm.s32 $0x700;
	s29 =	simm.s32 $0x4  }
0x5: {  	s30 =	simm.s32 $0x9;
	s31 =	simm.s32 $0x6;
	s4 =	sand.u32 $0x1, s3  }
0x6: {  	s3 =	simm.s32 $0x0;
	s0 =	sadd.s32 $0xBE00, s0;
	s7 =	smul.u32 $0x500, s10  }
0x7: {  	s9 =	smul.u32 $0xA00, s10;
	s5 =	sshll.u32 s4, $0x4;
	[smem:$0x7FF] =	sst s3  }
0x8: {  	s6 =	ssub.s32 $0x2, s4;
	s18 =	smul.u32 $0x28000, s4;
	s4 =	sshll.u32 s4, $0x7  }
0x9: {  	s8 =	sshrl.u32 s6, $0x1;
	s4 =	sor.u32 s4, s7;
	s23 =	sshrl.u32 s9, $0x2  }
0xa: {  	s6 =	ssub.s32 s6, s8;
	s4 =	sshrl.u32 s4, $0x3;
	s8 =	sadd.s32 s23, s1  }
0xb: {  	_ =	strace $0x80000047;
	s2 =	sadd.s32 s2, s4;
	[dreg:$0x13] =	wrdreg s8  }
0xc: {  	s5 =	sor.u32 s10, s5;
	s25 =	smax.u32 s6, $0x1;
	[dreg:$0x12] =	wrdreg s2  }
0xd: {  	s5 =	smul.u32 $0x2800, s5;
	s7 =	sadd.s32 $0x80, s8;
	[dreg:$0x14] =	wrdreg s25  }
0xe: {  	s20 =	smul.u32 $0x2800, s10;
	s23 =	sadd.s32 $0x180, s8;
	[dreg:$0x15] =	wrdreg s7  }
0xf: {  	s5 =	sshrl.u32 s5, $0x3;
	[dreg:$0x17] =	wrdreg s23;
	s25 =	simm.s32 $0x580  }
0x10: {  	s23 =	simm.s32 $0x300;
	s7 =	simm.s32 $0x0;
	s11 =	sadd.s32 s0, s5  }
0x11: {  	s5 =	sadd.s32 s20, s18;
	[dreg:$0xc] =	wrdreg s25;
	s25 =	simm.s32 $0x2  }
0x12: {  	s19 =	sadd.s32 $0x10, s11;
	s21 =	sadd.s32 $0x20, s11;
	[dreg:$0xe] =	wrdreg s11  }
0x13: {  	s22 =	sadd.s32 $0x30, s11;
	s24 =	sor.u32 $0x580, s5;
	s26 =	sor.u32 $0x500, s5  }
0x14: {  	s10 =	sor.u32 $0x480, s5;
	s12 =	sor.u32 $0x400, s5;
	[dreg:$0xf] =	wrdreg s19  }
0x15: {  	s13 =	sor.u32 $0x380, s5;
	s17 =	sor.u32 $0x300, s5;
	[dreg:$0x10] =	wrdreg s21  }
0x16: {  	[dreg:$0x11] =	wrdreg s22;
	s2 =	sshrl.u32 s24, $0x3;
	s4 =	sshrl.u32 s26, $0x3  }
0x17: {  	s11 =	sshrl.u32 s10, $0x3;
	s15 =	sshrl.u32 s13, $0x3;
	s18 =	sshrl.u32 s17, $0x3  }
0x18: {  	s19 =	sor.u32 $0x280, s5;
	s5 =	sor.u32 $0x200, s5;
	s22 =	sadd.s32 $0x100, s8  }
0x19: {  	s24 =	sadd.s32 $0x200, s8;
	s17 =	simm.s32 $0x480;
	[dreg:$0x16] =	wrdreg s22  }
0x1a: {  	s26 =	simm.s32 $0x680;
	s2 =	sadd.s32 s2, s0;
	[dreg:$0x18] =	wrdreg s24  }
0x1b: {  	s9 =	sadd.s32 s4, s0;
	s4 =	sshrl.u32 s12, $0x3;
	[dreg:$0xd] =	wrdreg s26  }
0x1c: {  	s16 =	sadd.s32 s15, s0;
	s21 =	sshrl.u32 s5, $0x3;
	[dreg:$0x4] =	wrdreg s2  }
0x1d: {  	s15 =	simm.s32 $0x380;
	s22 =	simm.s32 $0x80;
	[dreg:$0x5] =	wrdreg s9  }
0x1e: {  	s24 =	simm.s32 $0x600;
	s2 =	sadd.s32 s11, s0;
	[dreg:$0x8] =	wrdreg s16  }
0x1f: {  	s26 =	simm.s32 $0x3;
	s14 =	sadd.s32 s4, s0;
	[dreg:$0x6] =	wrdreg s2  }
0x20: {  	s4 =	sshrl.u32 s19, $0x3;
	[dreg:$0x7] =	wrdreg s14;
	s2 =	sadd.s32 s18, s0  }
0x21: {  	s16 =	simm.s32 $0x400;
	s20 =	sadd.s32 s4, s0;
	[dreg:$0x9] =	wrdreg s2  }
0x22: {  	s19 =	simm.s32 $0x280;
	s0 =	sadd.s32 s21, s0;
	[dreg:$0xa] =	wrdreg s20  }
0x23: {  	s18 =	simm.s32 $0x500;
	s21 =	simm.s32 $0x1;
	[dreg:$0xb] =	wrdreg s0  }
0x24: {  	v0 =	vimm.f32 $0.0e+00;
	v1 =	vimm.f32 $1.000000000e+00;
	s20 =	simm.s32 $0xD;
	s0 =	simm.s32 $0xB;
	s2 =	simm.s32 $0x8  }
.LBB2_1:
0x25: {  	[tilespmem:$0x280] =	vst v0  }
0x26: {  	[tilespmem:$0x300] =	vst v1  }
0x27: {  	[tilespmem:$0x290] =	vst v0  }
0x28: {  	[tilespmem:$0x310] =	vst v1  }
0x29: {  	[tilespmem:$0x2A0] =	vst v0  }
0x2a: {  	[tilespmem:$0x320] =	vst v1  }
0x2b: {  	[tilespmem:$0x2B0] =	vst v0  }
0x2c: {  	[tilespmem:$0x330] =	vst v1  }
0x2d: {  	[tilespmem:$0x2C0] =	vst v0  }
0x2e: {  	[tilespmem:$0x340] =	vst v1  }
0x2f: {  	[tilespmem:$0x2D0] =	vst v0  }
0x30: {  	[tilespmem:$0x350] =	vst v1  }
0x31: {  	[tilespmem:$0x2E0] =	vst v0  }
0x32: {  	[tilespmem:$0x360] =	vst v1  }
0x33: {  	[tilespmem:$0x2F0] =	vst v0  }
0x34: {  	[tilespmem:$0x370] =	vst v1;
	s4 =	rddreg [dreg:$0xe]  }
0x35: {  	[tilespmem:s15], [sflag:$0x1] =	stream.linear.gather [hbm4b:s4+s3], $0x80, $0x38;
	[tilespmem:$0x780] =	vst v63  }
0x36: {  	s5 =	rddreg [dreg:$0xf]  }
0x37: {  	[tilespmem:s16], [sflag:$0x2] =	stream.linear.gather [hbm4b:s5+s3], $0x80, $0x38;
	[tilespmem:$0x780] =	vst v63  }
0x38: {  	s6 =	rddreg [dreg:$0x10]  }
0x39: {  	[tilespmem:s17], [sflag:$0x3] =	stream.linear.gather [hbm4b:s6+s3], $0x80, $0x38;
	[tilespmem:$0x780] =	vst v63  }
0x3a: {  	s9 =	rddreg [dreg:$0x11]  }
0x3b: {  	[tilespmem:s18], [sflag:$0x4] =	stream.linear.gather [hbm4b:s9+s3], $0x80, $0x38;
	[tilespmem:$0x780] =	vst v63  }
0x3c: {  	_ = 	snop  }
0x3d: {  	[spmem:s8] =	stream.linear.scatter [tilespmem:s19], [sflag:$0xD], $0x80, $0x38;
	[tilespmem:$0x780] =	vst v63  }
0x3e: {  	_ =	swait.ge [sflag:s20], $0x80  }
0x3f: {  	[sflag:s20] =	ssyncset.done $0x0  }
0x40: {  	s10 =	rddreg [dreg:$0x15];
	[sflag:s20] =	ssyncadd.s32 $0xFFFFFF80  }
0x41: {  	[spmem:s10] =	stream.linear.scatter [tilespmem:s19], [sflag:$0xD], $0x80, $0x38;
	[tilespmem:$0x780] =	vst v63  }
0x42: {  	_ =	swait.ge [sflag:s20], $0x80  }
0x43: {  	[sflag:s20] =	ssyncset.done $0x0  }
0x44: {  	s11 =	rddreg [dreg:$0x16];
	[sflag:s20] =	ssyncadd.s32 $0xFFFFFF80  }
0x45: {  	[spmem:s11] =	stream.linear.scatter [tilespmem:s19], [sflag:$0xD], $0x80, $0x38;
	[tilespmem:$0x780] =	vst v63  }
0x46: {  	_ =	swait.ge [sflag:s20], $0x80  }
0x47: {  	[sflag:s20] =	ssyncset.done $0x0  }
0x48: {  	s12 =	rddreg [dreg:$0x17];
	[sflag:s20] =	ssyncadd.s32 $0xFFFFFF80  }
0x49: {  	[spmem:s12] =	stream.linear.scatter [tilespmem:s19], [sflag:$0xD], $0x80, $0x38;
	[tilespmem:$0x780] =	vst v63  }
0x4a: {  	_ =	swait.ge [sflag:s20], $0x80  }
0x4b: {  	[sflag:s20] =	ssyncset.done $0x0  }
0x4c: {  	s13 =	rddreg [dreg:$0x18];
	[sflag:s20] =	ssyncadd.s32 $0xFFFFFF80  }
0x4d: {  	[spmem:s13] =	stream.linear.scatter [tilespmem:s19], [sflag:$0xD], $0x80, $0x38;
	[tilespmem:$0x780] =	vst v63  }
0x4e: {  	_ =	swait.ge [sflag:s20], $0x80  }
0x4f: {  	[sflag:s20] =	ssyncset.done $0x0  }
0x50: {  	p0 =	por $0x1, $0x1;
	[sflag:s20] =	ssyncadd.s32 $0xFFFFFF80  }
0x51: {  	s4 =	simm.s32 @!p0 $0x9;
	[bflag:$0x0] =	sbarrier.arrive $0xFFFF  }
0x52: {  	_ =	swait.ge @!p0 [sflag:s4], $0x80  }
0x53: {  	s5 =	rddreg [dreg:$0xb];
	[sflag:s4] =	ssyncset.done @!p0 $0x0  }
0x54: {  	s14 =	rddreg [dreg:$0xc];
	[sflag:s4] =	ssyncadd.s32 @!p0 $0xFFFFFF80;
	s6 =	sadd.s32 $0x0, s5  }
0x55: {  	[tilespmem:s14], [sflag:$0x5] =	stream.linear.gather [hbm4b:s6+s3], $0x80, $0x38;
	[tilespmem:$0x780] =	vst v63  }
0x56: {  	_ =	swait.ge [sflag:s21], $0x80  }
0x57: {  	[sflag:s21] =	ssyncset.done $0x0  }
0x58: {  	s4 =	simm.s32 @!p0 $0xA;
	[sflag:s21] =	ssyncadd.s32 $0xFFFFFF80  }
0x59: {  	[spmem:s1] =	stream.indirect.scatter.add.f32 [tilespmem:s23], [sflag:$0x9], $0x1, s15, s22, $0xb8;
	[tilespmem:$0x780] =	vst v63  }
0x5a: {  	_ =	swait.ge @!p0 [sflag:s4], $0x80  }
0x5b: {  	s8 =	rddreg [dreg:$0xa];
	[sflag:s4] =	ssyncset.done @!p0 $0x0  }
0x5c: {  	[sflag:s4] =	ssyncadd.s32 @!p0 $0xFFFFFF80;
	s9 =	sadd.s32 $0x0, s8  }
0x5d: {  	[tilespmem:s24], [sflag:$0x6] =	stream.linear.gather [hbm4b:s9+s3], $0x80, $0x38;
	[tilespmem:$0x780] =	vst v63  }
0x5e: {  	_ =	swait.ge [sflag:s25], $0x80  }
0x5f: {  	[sflag:s25] =	ssyncset.done $0x0  }
0x60: {  	s4 =	simm.s32 @!p0 $0xB;
	[sflag:s25] =	ssyncadd.s32 $0xFFFFFF80  }
0x61: {  	[spmem:s1] =	stream.indirect.scatter.add.f32 [tilespmem:s23], [sflag:$0xA], $0x1, s16, s22, $0xb8;
	[tilespmem:$0x780] =	vst v63  }
0x62: {  	_ =	swait.ge @!p0 [sflag:s4], $0x80  }
0x63: {  	s10 =	rddreg [dreg:$0x9];
	[sflag:s4] =	ssyncset.done @!p0 $0x0  }
0x64: {  	s11 =	rddreg [dreg:$0xd];
	[sflag:s4] =	ssyncadd.s32 @!p0 $0xFFFFFF80;
	s12 =	sadd.s32 $0x0, s10  }
0x65: {  	[tilespmem:s11], [sflag:$0x7] =	stream.linear.gather [hbm4b:s12+s3], $0x80, $0x38;
	[tilespmem:$0x780] =	vst v63  }
0x66: {  	_ =	swait.ge [sflag:s26], $0x80  }
0x67: {  	[sflag:s26] =	ssyncset.done $0x0  }
0x68: {  	s4 =	simm.s32 @!p0 $0xC;
	[sflag:s26] =	ssyncadd.s32 $0xFFFFFF80  }
0x69: {  	[spmem:s1] =	stream.indirect.scatter.add.f32 [tilespmem:s23], [sflag:$0xB], $0x1, s17, s22, $0xb8;
	[tilespmem:$0x780] =	vst v63  }
0x6a: {  	_ =	swait.ge @!p0 [sflag:s4], $0x80  }
0x6b: {  	s13 =	rddreg [dreg:$0x8];
	[sflag:s4] =	ssyncset.done @!p0 $0x0  }
0x6c: {  	[sflag:s4] =	ssyncadd.s32 @!p0 $0xFFFFFF80;
	s14 =	sadd.s32 $0x0, s13  }
0x6d: {  	[tilespmem:s28], [sflag:$0x8] =	stream.linear.gather [hbm4b:s14+s3], $0x80, $0x38;
	[tilespmem:$0x780] =	vst v63  }
0x6e: {  	_ =	swait.ge [sflag:s29], $0x80  }
0x6f: {  	[sflag:s29] =	ssyncset.done $0x0  }
0x70: {  	[sflag:s29] =	ssyncadd.s32 $0xFFFFFF80  }
0x71: {  	[spmem:s1] =	stream.indirect.scatter.add.f32 [tilespmem:s23], [sflag:$0xC], $0x1, s18, s22, $0xb8;
	[tilespmem:$0x780] =	vst v63  }
0x72: {  	_ =	swait.ge [sflag:s30], $0x80  }
0x73: {  	p0 =	por $0x0, $0x0;
	[sflag:s30] =	ssyncset.done $0x0  }
0x74: {  	s4 =	simm.s32 @p0 $0x5;
	[sflag:s30] =	ssyncadd.s32 $0xFFFFFF80  }
0x75: {  	_ =	swait.ge @p0 [sflag:s4], $0x80  }
0x76: {  	s5 =	simm.s32 @p0 $0x300;
	s8 =	simm.s32 @p0 $0xA;
	[sflag:s4] =	ssyncset.done @p0 $0x0  }
0x77: {  	s10 =	simm.s32 @p0 $0x580;
	[sflag:s4] =	ssyncadd.s32 @p0 $0xFFFFFF80;
	s4 =	simm.s32 @p0 $0x80  }
0x78: {  	[spmem:s1] =	stream.indirect.scatter.add.f32 @p0 [tilespmem:s5], [sflag:$0x9], $0x1, s10, s4, $0xb8;
	[tilespmem:$0x780] =	vst v63  }
0x79: {  	s11 =	simm.s32 @!p0 $0x380;
	_ =	swait.ge @p0 [sflag:s8], $0x80  }
0x7a: {  	s12 =	simm.s32 @!p0 $0x5;
	s10 =	rddreg [dreg:$0x7];
	[sflag:s8] =	ssyncset.done @p0 $0x0  }
0x7b: {  	[sflag:s8] =	ssyncadd.s32 @p0 $0xFFFFFF80;
	s8 =	sadd.s32 @!p0 $0x0, s10;
	s10 =	simm.s32 @!p0 $0x0  }
0x7c: {  	[tilespmem:s11], [sflag:$0x1] =	stream.linear.gather @!p0 [hbm4b:s8+s10], $0x80, $0x38;
	[tilespmem:$0x780] =	vst v63  }
0x7d: {  	_ =	swait.ge @!p0 [sflag:s12], $0x80  }
0x7e: {  	s13 =	simm.s32 @!p0 $0x580;
	s8 =	simm.s32 @!p0 $0x300;
	[sflag:s12] =	ssyncset.done @!p0 $0x0  }
0x7f: {  	s11 =	simm.s32 @!p0 $0xA;
	[sflag:s12] =	ssyncadd.s32 @!p0 $0xFFFFFF80;
	s12 =	simm.s32 @!p0 $0x80  }
0x80: {  	[spmem:s1] =	stream.indirect.scatter.add.f32 @!p0 [tilespmem:s8], [sflag:$0x9], $0x1, s13, s12, $0xb8;
	[tilespmem:$0x780] =	vst v63  }
0x81: {  	_ =	swait.ge @!p0 [sflag:s11], $0x80  }
0x82: {  	s13 =	rddreg [dreg:$0x6];
	[sflag:s11] =	ssyncset.done @!p0 $0x0  }
0x83: {  	[sflag:s11] =	ssyncadd.s32 @!p0 $0xFFFFFF80;
	s11 =	sadd.s32 @!p0 $0x0, s13;
	s13 =	simm.s32 @!p0 $0x400  }
0x84: {  	[tilespmem:s13], [sflag:$0x2] =	stream.linear.gather @!p0 [hbm4b:s11+s10], $0x80, $0x38;
	[tilespmem:$0x780] =	vst v63  }
0x85: {  	_ =	swait.ge [sflag:s31], $0x80  }
0x86: {  	[sflag:s31] =	ssyncset.done $0x0  }
0x87: {  	[sflag:s31] =	ssyncadd.s32 $0xFFFFFF80  }
0x88: {  	[spmem:s1] =	stream.indirect.scatter.add.f32 [tilespmem:s23], [sflag:$0xA], $0x1, s24, s22, $0xb8;
	[tilespmem:$0x780] =	vst v63  }
0x89: {  	_ =	swait.ge [sflag:s0], $0x80  }
0x8a: {  	[sflag:s0] =	ssyncset.done $0x0  }
0x8b: {  	s11 =	simm.s32 @p0 $0x7;
	[sflag:s0] =	ssyncadd.s32 $0xFFFFFF80  }
0x8c: {  	_ =	swait.ge @p0 [sflag:s11], $0x80  }
0x8d: {  	[sflag:s11] =	ssyncset.done @p0 $0x0  }
0x8e: {  	[sflag:s11] =	ssyncadd.s32 @p0 $0xFFFFFF80;
	s11 =	simm.s32 @p0 $0x680  }
0x8f: {  	[spmem:s1] =	stream.indirect.scatter.add.f32 @p0 [tilespmem:s5], [sflag:$0xB], $0x1, s11, s4, $0xb8;
	[tilespmem:$0x780] =	vst v63  }
0x90: {  	s4 =	simm.s32 @p0 $0xC  }
0x91: {  	_ =	swait.ge @p0 [sflag:s4], $0x80  }
0x92: {  	s5 =	rddreg [dreg:$0x5];
	[sflag:s4] =	ssyncset.done @p0 $0x0  }
0x93: {  	[sflag:s4] =	ssyncadd.s32 @p0 $0xFFFFFF80;
	s4 =	sadd.s32 @!p0 $0x0, s5;
	s5 =	simm.s32 @!p0 $0x480  }
0x94: {  	[tilespmem:s5], [sflag:$0x3] =	stream.linear.gather @!p0 [hbm4b:s4+s10], $0x80, $0x38;
	[tilespmem:$0x780] =	vst v63  }
0x95: {  	s4 =	simm.s32 @!p0 $0x7  }
0x96: {  	_ =	swait.ge @!p0 [sflag:s4], $0x80  }
0x97: {  	[sflag:s4] =	ssyncset.done @!p0 $0x0  }
0x98: {  	[sflag:s4] =	ssyncadd.s32 @!p0 $0xFFFFFF80;
	s4 =	simm.s32 @!p0 $0x680  }
0x99: {  	[spmem:s1] =	stream.indirect.scatter.add.f32 @!p0 [tilespmem:s8], [sflag:$0xB], $0x1, s4, s12, $0xb8;
	[tilespmem:$0x780] =	vst v63  }
0x9a: {  	s4 =	simm.s32 @!p0 $0xC  }
0x9b: {  	_ =	swait.ge @!p0 [sflag:s4], $0x80  }
0x9c: {  	s5 =	rddreg [dreg:$0x4];
	[sflag:s4] =	ssyncset.done @!p0 $0x0  }
0x9d: {  	[sflag:s4] =	ssyncadd.s32 @!p0 $0xFFFFFF80;
	s4 =	sadd.s32 @!p0 $0x0, s5;
	s5 =	simm.s32 @!p0 $0x500  }
0x9e: {  	[tilespmem:s5], [sflag:$0x4] =	stream.linear.gather @!p0 [hbm4b:s4+s10], $0x80, $0x38;
	[tilespmem:$0x780] =	vst v63  }
0x9f: {  	p1 =	por $0x0, $0x0;
	_ =	swait.ge [sflag:s2], $0x80  }
0xa0: {  	s8 =	simm.s32 $0x80;
	s10 =	simm.s32 $0x100;
	[sflag:s2] =	ssyncset.done $0x0  }
.LBB2_2:
0xa1: {  	s4 =	simm.s32 @!p1 $0x9;
	[sflag:s2] =	ssyncadd.s32 $0xFFFFFF80  }
0xa2: {  	[spmem:s1] =	stream.indirect.scatter.add.f32 [tilespmem:s23], [sflag:$0xC], $0x1, s28, s22, $0xb8;
	[tilespmem:$0x780] =	vst v63  }
0xa3: {  	_ =	swait.ge @!p1 [sflag:s4], $0x80  }
0xa4: {  	[sflag:s4] =	ssyncset.done @!p1 $0x0;
	s5 =	rddreg [dreg:$0xb]  }
0xa5: {  	s13 =	rddreg [dreg:$0xc];
	[sflag:s4] =	ssyncadd.s32 @!p1 $0xFFFFFF80;
	s5 =	sadd.s32 s8, s5  }
0xa6: {  	[tilespmem:s13], [sflag:$0x5] =	stream.linear.gather [hbm4b:s5+s3], $0x80, $0x38;
	[tilespmem:$0x780] =	vst v63  }
0xa7: {  	_ =	swait.ge [sflag:s21], $0x80  }
0xa8: {  	[sflag:s21] =	ssyncset.done $0x0  }
0xa9: {  	s4 =	simm.s32 @!p1 $0xA;
	[sflag:s21] =	ssyncadd.s32 $0xFFFFFF80  }
0xaa: {  	[spmem:s1] =	stream.indirect.scatter.add.f32 [tilespmem:s23], [sflag:$0x9], $0x1, s15, s22, $0xb8;
	[tilespmem:$0x780] =	vst v63  }
0xab: {  	_ =	swait.ge @!p1 [sflag:s4], $0x80  }
0xac: {  	[sflag:s4] =	ssyncset.done @!p1 $0x0;
	s14 =	rddreg [dreg:$0xa]  }
0xad: {  	[sflag:s4] =	ssyncadd.s32 @!p1 $0xFFFFFF80;
	s6 =	sadd.s32 s8, s14  }
0xae: {  	[tilespmem:s24], [sflag:$0x6] =	stream.linear.gather [hbm4b:s6+s3], $0x80, $0x38;
	[tilespmem:$0x780] =	vst v63  }
0xaf: {  	_ =	swait.ge [sflag:s25], $0x80  }
0xb0: {  	[sflag:s25] =	ssyncset.done $0x0  }
0xb1: {  	s4 =	simm.s32 @!p1 $0xB;
	[sflag:s25] =	ssyncadd.s32 $0xFFFFFF80  }
0xb2: {  	[spmem:s1] =	stream.indirect.scatter.add.f32 [tilespmem:s23], [sflag:$0xA], $0x1, s16, s22, $0xb8;
	[tilespmem:$0x780] =	vst v63  }
0xb3: {  	_ =	swait.ge @!p1 [sflag:s4], $0x80  }
0xb4: {  	[sflag:s4] =	ssyncset.done @!p1 $0x0;
	s9 =	rddreg [dreg:$0x9]  }
0xb5: {  	s12 =	rddreg [dreg:$0xd];
	[sflag:s4] =	ssyncadd.s32 @!p1 $0xFFFFFF80;
	s5 =	sadd.s32 s8, s9  }
0xb6: {  	[tilespmem:s12], [sflag:$0x7] =	stream.linear.gather [hbm4b:s5+s3], $0x80, $0x38;
	[tilespmem:$0x780] =	vst v63  }
0xb7: {  	_ =	swait.ge [sflag:s26], $0x80  }
0xb8: {  	[sflag:s26] =	ssyncset.done $0x0  }
0xb9: {  	s4 =	simm.s32 @!p1 $0xC;
	[sflag:s26] =	ssyncadd.s32 $0xFFFFFF80  }
0xba: {  	[spmem:s1] =	stream.indirect.scatter.add.f32 [tilespmem:s23], [sflag:$0xB], $0x1, s17, s22, $0xb8;
	[tilespmem:$0x780] =	vst v63  }
0xbb: {  	_ =	swait.ge @!p1 [sflag:s4], $0x80  }
0xbc: {  	[sflag:s4] =	ssyncset.done @!p1 $0x0;
	s13 =	rddreg [dreg:$0x8]  }
0xbd: {  	[sflag:s4] =	ssyncadd.s32 @!p1 $0xFFFFFF80;
	s14 =	sadd.s32 s8, s13  }
0xbe: {  	[tilespmem:s28], [sflag:$0x8] =	stream.linear.gather [hbm4b:s14+s3], $0x80, $0x38;
	[tilespmem:$0x780] =	vst v63  }
0xbf: {  	_ =	swait.ge [sflag:s29], $0x80  }
0xc0: {  	[sflag:s29] =	ssyncset.done $0x0  }
0xc1: {  	[sflag:s29] =	ssyncadd.s32 $0xFFFFFF80  }
0xc2: {  	[spmem:s1] =	stream.indirect.scatter.add.f32 [tilespmem:s23], [sflag:$0xC], $0x1, s18, s22, $0xb8;
	[tilespmem:$0x780] =	vst v63  }
0xc3: {  	_ =	swait.ge [sflag:s30], $0x80  }
0xc4: {  	p1 =	seq.s32 s8, $0x480;
	[sflag:s30] =	ssyncset.done $0x0  }
0xc5: {  	s4 =	simm.s32 @p1 $0x5;
	[sflag:s30] =	ssyncadd.s32 $0xFFFFFF80  }
0xc6: {  	_ =	swait.ge @p1 [sflag:s4], $0x80  }
0xc7: {  	s13 =	simm.s32 @p1 $0x300;
	s5 =	simm.s32 @p1 $0xA;
	[sflag:s4] =	ssyncset.done @p1 $0x0  }
0xc8: {  	s12 =	simm.s32 @p1 $0x580;
	[sflag:s4] =	ssyncadd.s32 @p1 $0xFFFFFF80;
	s4 =	simm.s32 @p1 $0x80  }
0xc9: {  	[spmem:s1] =	stream.indirect.scatter.add.f32 @p1 [tilespmem:s13], [sflag:$0x9], $0x1, s12, s4, $0xb8;
	[tilespmem:$0x780] =	vst v63  }
0xca: {  	s14 =	simm.s32 @!p1 $0x380;
	_ =	swait.ge @p1 [sflag:s5], $0x80  }
0xcb: {  	s6 =	simm.s32 @!p1 $0x5;
	s12 =	rddreg [dreg:$0x7];
	[sflag:s5] =	ssyncset.done @p1 $0x0  }
0xcc: {  	[sflag:s5] =	ssyncadd.s32 @p1 $0xFFFFFF80;
	s5 =	sadd.s32 @!p1 s8, s12;
	s12 =	simm.s32 @!p1 $0x0  }
0xcd: {  	[tilespmem:s14], [sflag:$0x1] =	stream.linear.gather @!p1 [hbm4b:s5+s12], $0x80, $0x38;
	[tilespmem:$0x780] =	vst v63  }
0xce: {  	_ =	swait.ge @!p1 [sflag:s6], $0x80  }
0xcf: {  	s9 =	simm.s32 @!p1 $0xA;
	s14 =	simm.s32 @!p1 $0x300;
	[sflag:s6] =	ssyncset.done @!p1 $0x0  }
0xd0: {  	s5 =	simm.s32 @!p1 $0x80;
	[sflag:s6] =	ssyncadd.s32 @!p1 $0xFFFFFF80;
	s6 =	simm.s32 @!p1 $0x580  }
0xd1: {  	[spmem:s1] =	stream.indirect.scatter.add.f32 @!p1 [tilespmem:s14], [sflag:$0x9], $0x1, s6, s5, $0xb8;
	[tilespmem:$0x780] =	vst v63  }
0xd2: {  	_ =	swait.ge @!p1 [sflag:s9], $0x80  }
0xd3: {  	s6 =	rddreg [dreg:$0x6];
	[sflag:s9] =	ssyncset.done @!p1 $0x0  }
0xd4: {  	[sflag:s9] =	ssyncadd.s32 @!p1 $0xFFFFFF80;
	s6 =	sadd.s32 @!p1 s8, s6;
	s9 =	simm.s32 @!p1 $0x400  }
0xd5: {  	[tilespmem:s9], [sflag:$0x2] =	stream.linear.gather @!p1 [hbm4b:s6+s12], $0x80, $0x38;
	[tilespmem:$0x780] =	vst v63  }
0xd6: {  	_ =	swait.ge [sflag:s31], $0x80  }
0xd7: {  	[sflag:s31] =	ssyncset.done $0x0  }
0xd8: {  	[sflag:s31] =	ssyncadd.s32 $0xFFFFFF80  }
0xd9: {  	[spmem:s1] =	stream.indirect.scatter.add.f32 [tilespmem:s23], [sflag:$0xA], $0x1, s24, s22, $0xb8;
	[tilespmem:$0x780] =	vst v63  }
0xda: {  	_ =	swait.ge [sflag:s0], $0x80  }
0xdb: {  	[sflag:s0] =	ssyncset.done $0x0  }
0xdc: {  	s6 =	simm.s32 @p1 $0x7;
	[sflag:s0] =	ssyncadd.s32 $0xFFFFFF80  }
0xdd: {  	_ =	swait.ge @p1 [sflag:s6], $0x80  }
0xde: {  	[sflag:s6] =	ssyncset.done @p1 $0x0  }
0xdf: {  	s9 =	simm.s32 @p1 $0xC;
	[sflag:s6] =	ssyncadd.s32 @p1 $0xFFFFFF80;
	s6 =	simm.s32 @p1 $0x680  }
0xe0: {  	[spmem:s1] =	stream.indirect.scatter.add.f32 @p1 [tilespmem:s13], [sflag:$0xB], $0x1, s6, s4, $0xb8;
	[tilespmem:$0x780] =	vst v63  }
0xe1: {  	_ =	swait.ge @p1 [sflag:s9], $0x80  }
0xe2: {  	s6 =	simm.s32 @!p1 $0x7;
	s4 =	rddreg [dreg:$0x5];
	[sflag:s9] =	ssyncset.done @p1 $0x0  }
0xe3: {  	[sflag:s9] =	ssyncadd.s32 @p1 $0xFFFFFF80;
	s4 =	sadd.s32 @!p1 s8, s4;
	s9 =	simm.s32 @!p1 $0x480  }
0xe4: {  	[tilespmem:s9], [sflag:$0x3] =	stream.linear.gather @!p1 [hbm4b:s4+s12], $0x80, $0x38;
	[tilespmem:$0x780] =	vst v63  }
0xe5: {  	_ =	swait.ge @!p1 [sflag:s6], $0x80  }
0xe6: {  	s11 =	smov.u32 s10;
	s10 =	sadd.s32 $0x80, s10;
	[sflag:s6] =	ssyncset.done @!p1 $0x0  }
0xe7: {  	s4 =	simm.s32 @!p1 $0x680;
	[sflag:s6] =	ssyncadd.s32 @!p1 $0xFFFFFF80;
	s6 =	simm.s32 @!p1 $0xC  }
0xe8: {  	[spmem:s1] =	stream.indirect.scatter.add.f32 @!p1 [tilespmem:s14], [sflag:$0xB], $0x1, s4, s5, $0xb8;
	[tilespmem:$0x780] =	vst v63  }
0xe9: {  	p0 =	sne.s32 s10, $0x500;
	_ =	swait.ge @!p1 [sflag:s6], $0x80  }
.Ltmp0:
0xea: {  	s4 =	rddreg [dreg:$0x4];
	[sflag:s6] =	ssyncset.done @!p1 $0x0;
	(pc) =	sbr.rel @p0 .LBB2_2-.Ltmp0, $4  }
0xeb: {  	s5 =	simm.s32 @!p1 $0x500;
	[sflag:s6] =	ssyncadd.s32 @!p1 $0xFFFFFF80;
	s4 =	sadd.s32 @!p1 s8, s4  }
0xec: {  	[tilespmem:s5], [sflag:$0x4] =	stream.linear.gather @!p1 [hbm4b:s4+s12], $0x80, $0x38;
	[tilespmem:$0x780] =	vst v63  }
0xed: {  	s8 =	smov.u32 s11;
	_ =	swait.ge [sflag:s2], $0x80  }
0xee: {  	p1 =	seq.s32 s8, $0x0;
	[sflag:s2] =	ssyncset.done $0x0  }
0xef: {  	s4 =	simm.s32 @!p1 $0x9;
	[sflag:s2] =	ssyncadd.s32 $0xFFFFFF80  }
0xf0: {  	[spmem:s1] =	stream.indirect.scatter.add.f32 [tilespmem:s23], [sflag:$0xC], $0x1, s28, s22, $0xb8;
	[tilespmem:$0x780] =	vst v63  }
0xf1: {  	_ =	swait.ge @!p1 [sflag:s4], $0x80  }
0xf2: {  	s5 =	rddreg [dreg:$0xb];
	[sflag:s4] =	ssyncset.done @!p1 $0x0  }
0xf3: {  	s6 =	rddreg [dreg:$0xc];
	[sflag:s4] =	ssyncadd.s32 @!p1 $0xFFFFFF80;
	s5 =	sadd.s32 s8, s5  }
0xf4: {  	[tilespmem:s6], [sflag:$0x5] =	stream.linear.gather [hbm4b:s5+s3], $0x80, $0x38;
	[tilespmem:$0x780] =	vst v63  }
0xf5: {  	_ =	swait.ge [sflag:s21], $0x80  }
0xf6: {  	[sflag:s21] =	ssyncset.done $0x0  }
0xf7: {  	s4 =	simm.s32 @!p1 $0xA;
	[sflag:s21] =	ssyncadd.s32 $0xFFFFFF80  }
0xf8: {  	[spmem:s1] =	stream.indirect.scatter.add.f32 [tilespmem:s23], [sflag:$0x9], $0x1, s15, s22, $0xb8;
	[tilespmem:$0x780] =	vst v63  }
0xf9: {  	_ =	swait.ge @!p1 [sflag:s4], $0x80  }
0xfa: {  	s9 =	rddreg [dreg:$0xa];
	[sflag:s4] =	ssyncset.done @!p1 $0x0  }
0xfb: {  	[sflag:s4] =	ssyncadd.s32 @!p1 $0xFFFFFF80;
	s10 =	sadd.s32 s8, s9  }
0xfc: {  	[tilespmem:s24], [sflag:$0x6] =	stream.linear.gather [hbm4b:s10+s3], $0x80, $0x38;
	[tilespmem:$0x780] =	vst v63  }
0xfd: {  	_ =	swait.ge [sflag:s25], $0x80  }
0xfe: {  	[sflag:s25] =	ssyncset.done $0x0  }
0xff: {  	s4 =	simm.s32 @!p1 $0xB;
	[sflag:s25] =	ssyncadd.s32 $0xFFFFFF80  }
0x100: {  	[spmem:s1] =	stream.indirect.scatter.add.f32 [tilespmem:s23], [sflag:$0xA], $0x1, s16, s22, $0xb8;
	[tilespmem:$0x780] =	vst v63  }
0x101: {  	_ =	swait.ge @!p1 [sflag:s4], $0x80  }
0x102: {  	s11 =	rddreg [dreg:$0x9];
	[sflag:s4] =	ssyncset.done @!p1 $0x0  }
0x103: {  	s12 =	rddreg [dreg:$0xd];
	[sflag:s4] =	ssyncadd.s32 @!p1 $0xFFFFFF80;
	s13 =	sadd.s32 s8, s11  }
0x104: {  	[tilespmem:s12], [sflag:$0x7] =	stream.linear.gather [hbm4b:s13+s3], $0x80, $0x38;
	[tilespmem:$0x780] =	vst v63  }
0x105: {  	_ =	swait.ge [sflag:s26], $0x80  }
0x106: {  	[sflag:s26] =	ssyncset.done $0x0  }
0x107: {  	s4 =	simm.s32 @!p1 $0xC;
	[sflag:s26] =	ssyncadd.s32 $0xFFFFFF80  }
0x108: {  	[spmem:s1] =	stream.indirect.scatter.add.f32 [tilespmem:s23], [sflag:$0xB], $0x1, s17, s22, $0xb8;
	[tilespmem:$0x780] =	vst v63  }
0x109: {  	_ =	swait.ge @!p1 [sflag:s4], $0x80  }
0x10a: {  	s14 =	rddreg [dreg:$0x8];
	[sflag:s4] =	ssyncset.done @!p1 $0x0  }
0x10b: {  	[sflag:s4] =	ssyncadd.s32 @!p1 $0xFFFFFF80;
	s5 =	sadd.s32 s8, s14  }
0x10c: {  	[tilespmem:s28], [sflag:$0x8] =	stream.linear.gather [hbm4b:s5+s3], $0x80, $0x38;
	[tilespmem:$0x780] =	vst v63  }
0x10d: {  	_ =	swait.ge [sflag:s29], $0x80  }
0x10e: {  	[sflag:s29] =	ssyncset.done $0x0  }
0x10f: {  	[sflag:s29] =	ssyncadd.s32 $0xFFFFFF80  }
0x110: {  	[spmem:s1] =	stream.indirect.scatter.add.f32 [tilespmem:s23], [sflag:$0xC], $0x1, s18, s22, $0xb8;
	[tilespmem:$0x780] =	vst v63  }
0x111: {  	_ =	swait.ge [sflag:s30], $0x80  }
0x112: {  	p0 =	seq.s32 s8, $0x480;
	[sflag:s30] =	ssyncset.done $0x0  }
0x113: {  	s4 =	simm.s32 @p0 $0x5;
	[sflag:s30] =	ssyncadd.s32 $0xFFFFFF80  }
0x114: {  	_ =	swait.ge @p0 [sflag:s4], $0x80  }
0x115: {  	s6 =	simm.s32 @p0 $0xA;
	s9 =	simm.s32 @p0 $0x580;
	[sflag:s4] =	ssyncset.done @p0 $0x0  }
0x116: {  	s5 =	simm.s32 @p0 $0x300;
	[sflag:s4] =	ssyncadd.s32 @p0 $0xFFFFFF80;
	s4 =	simm.s32 @p0 $0x80  }
0x117: {  	[spmem:s1] =	stream.indirect.scatter.add.f32 @p0 [tilespmem:s5], [sflag:$0x9], $0x1, s9, s4, $0xb8;
	[tilespmem:$0x780] =	vst v63  }
0x118: {  	s10 =	simm.s32 @!p0 $0x380;
	_ =	swait.ge @p0 [sflag:s6], $0x80  }
0x119: {  	s11 =	simm.s32 @!p0 $0x5;
	s9 =	rddreg [dreg:$0x7];
	[sflag:s6] =	ssyncset.done @p0 $0x0  }
0x11a: {  	[sflag:s6] =	ssyncadd.s32 @p0 $0xFFFFFF80;
	s6 =	sadd.s32 @!p0 s8, s9;
	s9 =	simm.s32 @!p0 $0x0  }
0x11b: {  	[tilespmem:s10], [sflag:$0x1] =	stream.linear.gather @!p0 [hbm4b:s6+s9], $0x80, $0x38;
	[tilespmem:$0x780] =	vst v63  }
0x11c: {  	_ =	swait.ge @!p0 [sflag:s11], $0x80  }
0x11d: {  	s12 =	simm.s32 @!p0 $0x580;
	s6 =	simm.s32 @!p0 $0x300;
	[sflag:s11] =	ssyncset.done @!p0 $0x0  }
0x11e: {  	s10 =	simm.s32 @!p0 $0xA;
	[sflag:s11] =	ssyncadd.s32 @!p0 $0xFFFFFF80;
	s11 =	simm.s32 @!p0 $0x80  }
0x11f: {  	[spmem:s1] =	stream.indirect.scatter.add.f32 @!p0 [tilespmem:s6], [sflag:$0x9], $0x1, s12, s11, $0xb8;
	[tilespmem:$0x780] =	vst v63  }
0x120: {  	_ =	swait.ge @!p0 [sflag:s10], $0x80  }
0x121: {  	s12 =	rddreg [dreg:$0x6];
	[sflag:s10] =	ssyncset.done @!p0 $0x0  }
0x122: {  	[sflag:s10] =	ssyncadd.s32 @!p0 $0xFFFFFF80;
	s10 =	sadd.s32 @!p0 s8, s12;
	s12 =	simm.s32 @!p0 $0x400  }
0x123: {  	[tilespmem:s12], [sflag:$0x2] =	stream.linear.gather @!p0 [hbm4b:s10+s9], $0x80, $0x38;
	[tilespmem:$0x780] =	vst v63  }
0x124: {  	_ =	swait.ge [sflag:s31], $0x80  }
0x125: {  	[sflag:s31] =	ssyncset.done $0x0  }
0x126: {  	[sflag:s31] =	ssyncadd.s32 $0xFFFFFF80  }
0x127: {  	[spmem:s1] =	stream.indirect.scatter.add.f32 [tilespmem:s23], [sflag:$0xA], $0x1, s24, s22, $0xb8;
	[tilespmem:$0x780] =	vst v63  }
0x128: {  	_ =	swait.ge [sflag:s0], $0x80  }
0x129: {  	[sflag:s0] =	ssyncset.done $0x0  }
0x12a: {  	s10 =	simm.s32 @p0 $0x7;
	[sflag:s0] =	ssyncadd.s32 $0xFFFFFF80  }
0x12b: {  	_ =	swait.ge @p0 [sflag:s10], $0x80  }
0x12c: {  	[sflag:s10] =	ssyncset.done @p0 $0x0  }
0x12d: {  	[sflag:s10] =	ssyncadd.s32 @p0 $0xFFFFFF80;
	s10 =	simm.s32 @p0 $0x680  }
0x12e: {  	[spmem:s1] =	stream.indirect.scatter.add.f32 @p0 [tilespmem:s5], [sflag:$0xB], $0x1, s10, s4, $0xb8;
	[tilespmem:$0x780] =	vst v63  }
0x12f: {  	s4 =	simm.s32 @p0 $0xC  }
0x130: {  	_ =	swait.ge @p0 [sflag:s4], $0x80  }
0x131: {  	s5 =	rddreg [dreg:$0x5];
	[sflag:s4] =	ssyncset.done @p0 $0x0  }
0x132: {  	[sflag:s4] =	ssyncadd.s32 @p0 $0xFFFFFF80;
	s4 =	sadd.s32 @!p0 s8, s5;
	s5 =	simm.s32 @!p0 $0x480  }
0x133: {  	[tilespmem:s5], [sflag:$0x3] =	stream.linear.gather @!p0 [hbm4b:s4+s9], $0x80, $0x38;
	[tilespmem:$0x780] =	vst v63  }
0x134: {  	s4 =	simm.s32 @!p0 $0x7  }
0x135: {  	_ =	swait.ge @!p0 [sflag:s4], $0x80  }
0x136: {  	[sflag:s4] =	ssyncset.done @!p0 $0x0  }
0x137: {  	[sflag:s4] =	ssyncadd.s32 @!p0 $0xFFFFFF80;
	s4 =	simm.s32 @!p0 $0x680  }
0x138: {  	[spmem:s1] =	stream.indirect.scatter.add.f32 @!p0 [tilespmem:s6], [sflag:$0xB], $0x1, s4, s11, $0xb8;
	[tilespmem:$0x780] =	vst v63  }
0x139: {  	s4 =	simm.s32 @!p0 $0xC  }
0x13a: {  	_ =	swait.ge @!p0 [sflag:s4], $0x80  }
0x13b: {  	s5 =	rddreg [dreg:$0x4];
	[sflag:s4] =	ssyncset.done @!p0 $0x0  }
0x13c: {  	[sflag:s4] =	ssyncadd.s32 @!p0 $0xFFFFFF80;
	s4 =	sadd.s32 @!p0 s8, s5;
	s5 =	simm.s32 @!p0 $0x500  }
0x13d: {  	[tilespmem:s5], [sflag:$0x4] =	stream.linear.gather @!p0 [hbm4b:s4+s9], $0x80, $0x38;
	[tilespmem:$0x780] =	vst v63  }
0x13e: {  	_ =	swait.ge [sflag:s2], $0x80  }
0x13f: {  	[sflag:s2] =	ssyncset.done $0x0  }
0x140: {  	[sflag:s2] =	ssyncadd.s32 $0xFFFFFF80  }
0x141: {  	[spmem:s1] =	stream.indirect.scatter.add.f32 [tilespmem:s23], [sflag:$0xC], $0x1, s28, s22, $0xb8;
	[tilespmem:$0x780] =	vst v63  }
0x142: {  	_ =	swait.ge [sflag:s30], $0x80  }
0x143: {  	[sflag:s30] =	ssyncset.done $0x0  }
0x144: {  	s6 =	simm.s32 $0xA;
	[sflag:s30] =	ssyncadd.s32 $0xFFFFFF80  }
0x145: {  	_ =	swait.ge [sflag:s6], $0x80  }
0x146: {  	[sflag:s6] =	ssyncset.done $0x0  }
0x147: {  	[sflag:s6] =	ssyncadd.s32 $0xFFFFFF80  }
0x148: {  	_ =	swait.ge [sflag:s0], $0x80  }
0x149: {  	[sflag:s0] =	ssyncset.done $0x0  }
0x14a: {  	s8 =	simm.s32 $0xC;
	[sflag:s0] =	ssyncadd.s32 $0xFFFFFF80  }
0x14b: {  	_ =	swait.ge [sflag:s8], $0x80  }
0x14c: {  	[sflag:s8] =	ssyncset.done $0x0  }
0x14d: {  	[sflag:s8] =	ssyncadd.s32 $0xFFFFFF80  }
0x14e: {  	s13 =	simm.s32 $0x10;
	s9 =	stileid.u32;
	[bflag:$0x0] =	sbarrier.arrive $0xFFFF  }
0x14f: {  	s12 =	simm.s32 $0x20;
	s4 =	sshll.u32 s9, $0x6;
	s8 =	rddreg [dreg:$0x13]  }
0x150: {  	s4 =	sor.u32 $0x1C0D, s4;
	s11 =	rddreg [dreg:$0x12];
	s10 =	sshrl.u32 s8, $0x3  }
0x151: {  	[hbm:s11@s12], [sflag:s4] =	dma.strided [spmem:s10@s13], $0x50, s21, $0x10   }
0x152: {  	_ =	swait.ge [sflag:s20], $0x50  }
0x153: {  	s7 =	sadd.s32 $0x1, s7;
	s14 =	rddreg [dreg:$0x14]  }
0x154: {  	p0 =	sne.s32 s7, s14  }
.Ltmp1:
0x155: {  	_ = 	snop;
	(pc) =	sbr.rel @p0 .LBB2_1-.Ltmp1, $3  }
0x156: {  	_ =	sdelay $0x1  }
0x157: {  	[sflag:s20] =	ssyncset.done $0x0  }
0x158: {  	[sflag:s20] =	ssyncadd.s32 $0xFFFFFFB0  }
0x159: {  	_ =	sfence.sel $0x180000  }
0x15a: {  	[bflag:$0x0] =	sbarrier.arrive $0xFFFF  }
0x15b: {  	_ =	strace $0x90000047  }
0x15c: {  	s0 =	stileid.u32;
	[bflag:$0x2] =	sbarrier.arrive $0xFFFF  }
0x15d: {  	p0 =	sne.s32 s0, $0x0;
	s0 =	rddreg [dreg:$0x3]  }
0x15e: {  	s0 =	sadd.s32 @!p0 $0x100000, s0  }
0x15f: {  	[sflag:s0] =	ssyncadd.tile.s32 @!p0 $0x1;
	_ =	shalt  }
.Lfunc_end2:
_tile_overlayer_lowered:
.L_overlay_start_2:
0x160: {  	(tag) =	ssettag $0x2  }
0x161: {  	s0 =	rddreg [dreg:$0x0];
	s2 =	stileid.u32  }
0x162: {  	s1 =	rddreg [dreg:$0x1];
	p0 =	sne.s32 s2, $0x0  }
0x163: {  	s3 =	rddreg [dreg:$0x2];
	[bflag:$0x3] =	sbarrier.arrive $0xFFFF;
	s2 =	simm.s32 @!p0 $0x1C0D  }
0x164: {  	[timem:s3], [sflag:s2] =	dma.local @!p0 [hbm:s0], s1  }
0x165: {  	s0 =	simm.s32 @!p0 $0xD  }
0x166: {  	_ =	swait.ge @!p0 [sflag:s0], s1  }
0x167: {  	s1 =	ssub.s32 @!p0 $0x0, s1;
	[sflag:s0] =	ssyncset.done @!p0 $0x0  }
0x168: {  	[sflag:s0] =	ssyncadd.s32 @!p0 s1  }
0x169: {  	[bflag:$0x3] =	sbarrier.arrive $0xFFFF  }
0x16a: {  	_ =	shalt  }

// kernel: kernel.9.cloned.1.call-start
scs
__scs_entry_jumppad:
0x0: {  	(pc) =	sbr.rel $0x88, $3  }
0x1: {  	(tag) =	ssettag $0x0;
	lr =	simm.s32 $0x1  }
0x2: {  	[smem:$0x3F9D] =	sst lr;
	_ =	strace $0xD0000000  }
0x3: {  	_ = 	snop  }
0x4: {  	_ = 	snop  }
0x5: {  	_ = 	snop  }
0x6: {  	_ = 	snop  }
0x7: {  	_ = 	snop  }
__scs_overlays_trampoline_lowered:
0x8: {  	[smem:$0x3FAC] =	sst s0  }
0x9: {  	[smem:$0x3FAD] =	sst s1  }
0xa: {  	[smem:$0x3FAE] =	sst s2  }
0xb: {  	[smem:$0x3FAF] =	sst s3  }
0xc: {  	[smem:$0x3FB0] =	sst s4  }
0xd: {  	[smem:$0x3FB1] =	sst s5  }
0xe: {  	[smem:$0x3FB2] =	sst s6  }
0xf: {  	[smem:$0x3FB3] =	sst s7  }
0x10: {  	[smem:$0x3FB4] =	sst s8  }
0x11: {  	[smem:$0x3FB5] =	sst s9;
	s0 =	simm.s32 @!p0 $0x0  }
0x12: {  	s1 =	sld [smem:$0x3F9B];
	s0 =	simm.s32 @p0 $0x1  }
0x13: {  	[smem:$0x3FB6] =	sst s0;
	s0 =	simm.s32 @!p1 $0x0  }
0x14: {  	s2 =	sld [smem:$0x3F9A];
	s0 =	simm.s32 @p1 $0x1  }
0x15: {  	[smem:$0x3FB7] =	sst s0;
	s0 =	simm.s32 @!p2 $0x0  }
0x16: {  	s3 =	sld [smem:$0x3FDB];
	s0 =	simm.s32 @p2 $0x1  }
0x17: {  	s4 =	simm.s32 $0x1BF5;
	[smem:$0x3FB9] =	sst s0  }
0x18: {  	s0 =	sld [smem:$0x3F9C];
	_ =	swait.ge [sflag:s4], $0x0  }
0x19: {  	s7 =	sld [smem:$0x3F9D]  }
0x1a: {  	s8 =	sadd.s32 $0xFFFFE003, lr  }
0x1b: {  	s9 =	sadd.s32 $0xFFFFFEF7, lr;
	s5 =	simm.s32 $0xFFFFFFFF;
	p2 =	slt.u32 s8, $0xFFFFF086  }
0x1c: {  	p1 =	slt.u32 s9, $0xF7A;
	s5 =	simm.s32 @!p2 $0x0  }
0x1d: {  	s5 =	simm.s32 @p1 $0x1;
	p0 =	seq.s32 s7, s2  }
0x1e: {  	s7 =	smul.u32 @!p0 $0xF7A, s2;
	p2 =	seq.s32 @!p0 s5, $0x0  }
0x1f: {  	s9 =	smul.u32 $0xF7A, s1;
	s8 =	simm.s32 @!p0 $0x1BF5;
	p2 =	por !p2, p0  }
0x20: {  	[sflag:s8] =	ssyncset.s32 @!p0 $0xFFFFF086;
	s6 =	sadd.s32 @!p0 s3, s7;
	s7 =	simm.s32 @!p0 $0x108  }
0x21: {  	s3 =	sadd.s32 s3, s9;
	s6 =	sadd.s32 @!p0 $0x88, s6;
	s7 =	simm.s32 @p2 $0x1082  }
0x22: {  	[simem:s7], [sflag:s8] =	dma.local @!p0 [hbm:s6], $0xF7A  }
0x23: {  	s9 =	sor.u32 $0xD0000000, s2;
	s6 =	simm.s32 $0x108;
	_ =	swait.ge @!p0 [sflag:s8], $0x0  }
0x24: {  	s3 =	sadd.s32 $0x88, s3;
	s6 =	simm.s32 @!p1 $0x1082;
	[sflag:s4] =	ssyncset.s32 $0xFFFFF086  }
0x25: {  	[simem:s6], [sflag:s4] =	dma.local [hbm:s3], $0xF7A  }
0x26: {  	[smem:$0x3F9D] =	sst s1;
	(tag) =	ssettag s2;
	_ =	strace s9  }
0x27: {  	s1 =	sld [smem:$0x3FAD]  }
0x28: {  	s2 =	sld [smem:$0x3FAE]  }
0x29: {  	s4 =	sld [smem:$0x3FB0]  }
0x2a: {  	p0 =	seq.s32 s5, $0x0;
	s5 =	sld [smem:$0x3FB1]  }
0x2b: {  	s6 =	sld [smem:$0x3FB2]  }
0x2c: {  	s7 =	sld [smem:$0x3FB3]  }
0x2d: {  	s3 =	simm.s32 $0x108;
	s8 =	sld [smem:$0x3FB4]  }
0x2e: {  	s3 =	simm.s32 @!p0 $0x1082;
	s9 =	sld [smem:$0x3FB5]  }
0x2f: {  	lr =	sadd.s32 s0, s3;
	s0 =	sld [smem:$0x3FAC]  }
0x30: {  	s3 =	sld [smem:$0x3FAF]  }
0x31: {  	[smem:$0x3FB8] =	sst s10  }
0x32: {  	s10 =	sld [smem:$0x3FB6];
	_ =	sdelay $0x3  }
0x33: {  	p0 =	seq.s32 s10, $0x1;
	s10 =	sld [smem:$0x3FB8];
	_ =	sdelay $0x3  }
0x34: {  	[smem:$0x3FB8] =	sst s10  }
0x35: {  	s10 =	sld [smem:$0x3FB7];
	_ =	sdelay $0x3  }
0x36: {  	p1 =	seq.s32 s10, $0x1;
	s10 =	sld [smem:$0x3FB8];
	_ =	sdelay $0x3  }
0x37: {  	[smem:$0x3FB8] =	sst s10  }
0x38: {  	s10 =	sld [smem:$0x3FB9]  }
0x39: {  	_ = 	snop;
	(pc) =	sbr.ind lr, $3  }
0x3a: {  	_ = 	snop  }
0x3b: {  	_ = 	snop  }
0x3c: {  	p2 =	seq.s32 s10, $0x1;
	s10 =	sld [smem:$0x3FB8]  }
0x3d: {  	_ =	shalt  }
0x3e: {  	_ =	shalt  }
0x3f: {  	_ =	shalt  }
0x40: {  	_ =	shalt  }
0x41: {  	_ =	shalt  }
0x42: {  	_ =	shalt  }
0x43: {  	_ =	shalt  }
0x44: {  	_ =	shalt  }
0x45: {  	_ =	shalt  }
0x46: {  	_ =	shalt  }
0x47: {  	_ =	shalt  }
0x48: {  	_ =	shalt  }
0x49: {  	_ =	shalt  }
0x4a: {  	_ =	shalt  }
0x4b: {  	_ =	shalt  }
0x4c: {  	_ =	shalt  }
0x4d: {  	_ =	shalt  }
0x4e: {  	_ =	shalt  }
0x4f: {  	_ =	shalt  }
0x50: {  	_ =	shalt  }
0x51: {  	_ =	shalt  }
0x52: {  	_ =	shalt  }
0x53: {  	_ =	shalt  }
0x54: {  	_ =	shalt  }
0x55: {  	_ =	shalt  }
0x56: {  	_ =	shalt  }
0x57: {  	_ =	shalt  }
0x58: {  	_ =	shalt  }
0x59: {  	_ =	shalt  }
0x5a: {  	_ =	shalt  }
0x5b: {  	_ =	shalt  }
0x5c: {  	_ =	shalt  }
0x5d: {  	_ =	shalt  }
0x5e: {  	_ =	shalt  }
0x5f: {  	_ =	shalt  }
0x60: {  	_ =	shalt  }
0x61: {  	_ =	shalt  }
0x62: {  	_ =	shalt  }
0x63: {  	_ =	shalt  }
0x64: {  	_ =	shalt  }
0x65: {  	_ =	shalt  }
0x66: {  	_ =	shalt  }
0x67: {  	_ =	shalt  }
0x68: {  	_ =	shalt  }
0x69: {  	_ =	shalt  }
0x6a: {  	_ =	shalt  }
0x6b: {  	_ =	shalt  }
0x6c: {  	_ =	shalt  }
0x6d: {  	_ =	shalt  }
0x6e: {  	_ =	shalt  }
0x6f: {  	_ =	shalt  }
0x70: {  	_ =	shalt  }
0x71: {  	_ =	shalt  }
0x72: {  	_ =	shalt  }
0x73: {  	_ =	shalt  }
0x74: {  	_ =	shalt  }
0x75: {  	_ =	shalt  }
0x76: {  	_ =	shalt  }
0x77: {  	_ =	shalt  }
0x78: {  	_ =	shalt  }
0x79: {  	_ =	shalt  }
0x7a: {  	_ =	shalt  }
0x7b: {  	_ =	shalt  }
0x7c: {  	_ =	shalt  }
0x7d: {  	_ =	shalt  }
0x7e: {  	_ =	shalt  }
0x7f: {  	_ =	shalt  }
0x80: {  	_ =	shalt  }
0x81: {  	_ =	shalt  }
0x82: {  	_ =	shalt  }
0x83: {  	_ =	shalt  }
0x84: {  	_ =	shalt  }
0x85: {  	_ =	shalt  }
0x86: {  	_ =	shalt  }
0x87: {  	_ =	shalt  }
.Lfunc_end0:
.L_simem_size_0:
called_computation.1_lowered:
.L_overlay_start_0:
0x88: {  	s2 =	sld [smem:$0x3FD9]  }
0x89: {  	s3 =	sld [smem:$0x3FFE];
	_ =	sdelay $0x1  }
0x8a: {  	s1 =	srdreg.scid  }
0x8b: {  	s0 =	sand.u32 $0x1, s1  }
0x8c: {  	s17 =	sshll.u32 s0, $0xA;
	s2 =	sadd.s32 s3, s2  }
0x8d: {  	s2 =	sadd.s32 s2, s17  }
0x8e: {  	[smem:$0x3FC4] =	sst s2  }
0x8f: {  	_ = 	snop  }
0x90: {  	s2 =	sld [smem:$0x3FD0];
	(tm) =	ssettm $0x1  }
0x91: {  	s18 =	sld [smem:$0x3FFB];
	_ =	sdelay $0x3  }
0x92: {  	_ =	strace s18  }
0x93: {  	s3 =	sld [smem:$0x3FFC];
	_ =	sdelay $0x3  }
0x94: {  	_ =	strace s3  }
0x95: {  	s3 =	sld [smem:$0x3FFD];
	_ =	sdelay $0x3  }
0x96: {  	_ =	strace s3  }
0x97: {  	_ =	strace $0x8FFFFFFF  }
0x98: {  	s19 =	sld [smem:$0x3FDB];
	_ =	sdelay $0x1  }
0x99: {  	s4 =	simm.s32 $_scs_section_size  }
0x9a: {  	s5 =	simm.s32 $_size__tile_overlayer_lowered;
	s6 =	simm.s32 $_tile_overlayer_lowered  }
0x9b: {  	s22 =	simm.s32 $0x1BFF;
	s21 =	sshll.u32 s6, $0x1;
	s3 =	sadd.s32 s4, s19  }
0x9c: {  	s7 =	simm.s32 $0x0;
	s20 =	sshll.u32 s5, $0x1;
	s5 =	sadd.s32 s21, s3  }
0x9d: {  	[timem:s7], [sflag:s22] =	dma.local [hbm:s5], s20  }
0x9e: {  	_ =	swait.ge [sflag:s22], s20  }
0x9f: {  	s4 =	ssub.s32 $0x0, s20;
	[sflag:s22] =	ssyncset.done $0x0  }
0xa0: {  	[sflag:s22] =	ssyncadd.s32 s4;
	_ =	sdelay $0x1  }
0xa1: {  	s23 =	simm.s32 $0x1B8B  }
0xa2: {  	_ =	swait.ge [sflag:s23], $0x1  }
0xa3: {  	[sflag:s23] =	ssyncset.done $0x0  }
0xa4: {  	s25 =	simm.s32 $0x1B8E;
	s24 =	sld [smem:$0x3FFE];
	[sflag:s23] =	ssyncadd.s32 $0xFFFFFFFF  }
0xa5: {  	s26 =	simm.s32 $execute0_lowered;
	[smem:$0x3FD2] =	sst s25  }
0xa6: {  	s5 =	sshll.u32 s26, $0x1;
	_ =	strace $0x80000049;
	[dreg:$0x1] =	wrdreg $0xFFFFFFFF  }
0xa7: {  	s28 =	simm.s32 $_size_execute0_lowered;
	s3 =	sadd.s32 s3, s5;
	[dreg:$0x0] =	wrdreg $0x0  }
0xa8: {  	s5 =	sshll.u32 s28, $0x1;
	[dreg:$0x2] =	wrdreg s3  }
0xa9: {  	[dreg:$0x3] =	wrdreg s5  }
0xaa: {  	[dreg:$0x4] =	wrdreg $0xC0  }
0xab: {  	_ =	task [dreg:s7], $0x5FFFF  }
0xac: {  	[dreg:$0x1] =	wrdreg $0xFFFFFFFF  }
0xad: {  	[dreg:$0x0] =	wrdreg $0x60  }
0xae: {  	[dreg:$0x2] =	wrdreg s24  }
0xaf: {  	[dreg:$0x3] =	wrdreg s2  }
0xb0: {  	[dreg:$0x4] =	wrdreg $0x0  }
0xb1: {  	[dreg:$0x5] =	wrdreg $0x9  }
0xb2: {  	_ =	task.clear_ibuf [dreg:s7], $0x6FFFF;
	_ =	strace $0x90000049  }
0xb3: {  	s29 =	simm.s32 $0x9;
	_ =	strace $0x8000004B  }
0xb4: {  	_ =	swait.ge [sflag:s29], $0x1  }
0xb5: {  	[sflag:s29] =	ssyncadd.s32 $0xFFFFFFFF  }
0xb6: {  	_ =	strace $0x9000004B  }
0xb7: {  	_ =	sfence  }
0xb8: {  	s30 =	sld [smem:$0x0];
	_ =	sdelay $0x2  }
0xb9: {  	s31 =	sshll.u32 s1, $0xD;
	s1 =	sshrl.u32 s1, $0x2  }
0xba: {  	s3 =	sand.u32 $0x4000, s31;
	s1 =	sadd.s32 s1, s30  }
0xbb: {  	s0 =	sor.u32 s3, s0;
	s1 =	sshll.u32 s1, $0x11  }
0xbc: {  	s0 =	sor.u32 s1, s0  }
0xbd: {  	s0 =	sadd.s32 $0x8F2B, s0  }
0xbe: {  	[sflag:s0] =	ssyncadd.remote.s32 $0x1  }
0xbf: {  	_ =	sfence.sel $0xFFFF  }
0xc0: {  	[dreg:$0x0] =	wrdreg $0xFFFFFFFF;
	(pc) =	sbr.abs _section_cstart, $3  }
0xc1: {  	[dreg:$0x1] =	wrdreg $0xFFFFFFFF  }
0xc2: {  	_ =	task.clear_ibuf [dreg:s7], $0x2FFFF;
	_ =	strace $0x9FFFFFFF  }
0xc3: {  	(tm) =	ssettm $0x7FFFFFFF  }
tec
execute0_lowered:
.L_overlay_start_1:
0x0: {  	(tag) =	ssettag $0x1  }
0x1: {  	s5 =	rddreg [dreg:$0x0]  }
0x2: {  	s1 =	rddreg [dreg:$0x1]  }
0x3: {  	s2 =	rddreg [dreg:$0x2];
	s0 =	srdreg.scid;
	s4 =	simm.s32 $0x0  }
0x4: {  	s19 =	stileid.u32;
	s8 =	sand.u32 $0x1, s0;
	[smem:$0x7FF] =	sst s4  }
0x5: {  	s0 =	sadd.s32 $0x1E00, s5;
	s7 =	sadd.s32 $0x15E00, s5;
	s12 =	smul.u32 $0x14000, s19  }
0x6: {  	s3 =	sshll.u32 s8, $0x4;
	_ =	strace $0x8000004A;
	s10 =	smul.u32 $0x140000, s8  }
0x7: {  	s9 =	ssub.s32 $0x2, s8;
	s13 =	smul.u32 $0x28000, s8;
	s6 =	sor.u32 s19, s3  }
0x8: {  	s3 =	sadd.s32 $0xBE00, s5;
	s6 =	smul.u32 $0x2800, s6;
	s16 =	sadd.s32 s10, s12  }
0x9: {  	s24 =	sshrl.u32 s9, $0x1;
	s8 =	sadd.s32 $0x4000, s12;
	s17 =	sshrl.u32 s16, $0x3  }
0xa: {  	s5 =	ssub.s32 s9, s24;
	s6 =	sshrl.u32 s6, $0x3;
	s9 =	sadd.s32 s7, s17  }
0xb: {  	s25 =	sadd.s32 s0, s6;
	s26 =	sor.u32 $0x10, s6;
	[dreg:$0x18] =	wrdreg s9  }
0xc: {  	s18 =	sadd.s32 s10, s8;
	[dreg:$0x14] =	wrdreg s25;
	s14 =	sadd.s32 s0, s26  }
0xd: {  	s11 =	sadd.s32 s3, s6;
	[dreg:$0x16] =	wrdreg s14;
	s14 =	smul.u32 $0x2800, s19  }
0xe: {  	s9 =	sadd.s32 $0x8000, s12;
	[dreg:$0x15] =	wrdreg s11;
	s15 =	sadd.s32 s3, s26  }
0xf: {  	[dreg:$0x17] =	wrdreg s15;
	s15 =	sshrl.u32 s18, $0x3;
	s13 =	sadd.s32 s14, s13  }
0x10: {  	s16 =	sadd.s32 s10, s9;
	s15 =	sadd.s32 s7, s15;
	s14 =	sor.u32 $0x580, s13  }
0x11: {  	s16 =	sshrl.u32 s16, $0x3;
	[dreg:$0x19] =	wrdreg s15;
	s14 =	sshrl.u32 s14, $0x3  }
0x12: {  	s18 =	sor.u32 $0x500, s13;
	s22 =	sor.u32 $0x480, s13;
	s17 =	sadd.s32 s14, s3  }
0x13: {  	s20 =	sshrl.u32 s18, $0x3;
	s14 =	sadd.s32 s14, s0;
	[dreg:$0x4] =	wrdreg s17  }
0x14: {  	s26 =	sor.u32 $0x400, s13;
	s21 =	sadd.s32 s20, s3;
	[dreg:$0x5] =	wrdreg s14  }
0x15: {  	s24 =	sshrl.u32 s22, $0x3;
	s23 =	sadd.s32 s20, s0;
	[dreg:$0x6] =	wrdreg s21  }
0x16: {  	s22 =	sor.u32 $0x380, s13;
	s25 =	sadd.s32 s24, s3;
	[dreg:$0x7] =	wrdreg s23  }
0x17: {  	s20 =	sshrl.u32 s26, $0x3;
	[dreg:$0x8] =	wrdreg s25;
	s17 =	sadd.s32 s24, s0  }
0x18: {  	s26 =	sor.u32 $0x300, s13;
	s21 =	sadd.s32 s20, s3;
	[dreg:$0x9] =	wrdreg s17  }
0x19: {  	s23 =	sadd.s32 s20, s0;
	s24 =	sshrl.u32 s22, $0x3;
	[dreg:$0xa] =	wrdreg s21  }
0x1a: {  	s18 =	sshrl.u32 s26, $0x3;
	s26 =	sadd.s32 s7, s16;
	[dreg:$0xb] =	wrdreg s23  }
0x1b: {  	s11 =	sor.u32 $0x20, s6;
	s25 =	sadd.s32 s24, s3;
	[dreg:$0x1a] =	wrdreg s26  }
0x1c: {  	s6 =	sor.u32 $0x30, s6;
	s17 =	sadd.s32 s24, s0;
	[dreg:$0xc] =	wrdreg s25  }
0x1d: {  	s19 =	smul.u32 $0x50000, s19;
	s20 =	sadd.s32 s18, s3;
	[dreg:$0xd] =	wrdreg s17  }
0x1e: {  	s21 =	sor.u32 $0x280, s13;
	s22 =	sadd.s32 s18, s0;
	[dreg:$0xe] =	wrdreg s20  }
0x1f: {  	s18 =	sadd.s32 $0xC000, s12;
	[dreg:$0xf] =	wrdreg s22;
	s20 =	sadd.s32 s0, s11  }
0x20: {  	s23 =	sshrl.u32 s21, $0x3;
	s21 =	sadd.s32 s3, s11;
	[dreg:$0x1d] =	wrdreg s20  }
0x21: {  	s12 =	sadd.s32 $0x10000, s12;
	s22 =	sadd.s32 s0, s6;
	[dreg:$0x1e] =	wrdreg s21  }
0x22: {  	s13 =	sor.u32 $0x200, s13;
	s24 =	sadd.s32 s23, s3;
	[smem:$0x7D0] =	sst s22  }
0x23: {  	s13 =	sshrl.u32 s13, $0x3;
	s16 =	sadd.s32 s23, s0;
	[dreg:$0x10] =	wrdreg s24  }
0x24: {  	s25 =	sadd.s32 s10, s18;
	s17 =	sadd.s32 s13, s3;
	[dreg:$0x11] =	wrdreg s16  }
0x25: {  	s10 =	sadd.s32 s10, s12;
	s3 =	sadd.s32 s3, s6;
	[dreg:$0x12] =	wrdreg s17  }
0x26: {  	s14 =	sshrl.u32 s25, $0x3;
	s0 =	sadd.s32 s13, s0;
	[dreg:$0x1f] =	wrdreg s3  }
0x27: {  	s10 =	sshrl.u32 s10, $0x3;
	s14 =	sadd.s32 s7, s14;
	[dreg:$0x13] =	wrdreg s0  }
0x28: {  	s23 =	sshrl.u32 s19, $0x2;
	s7 =	sadd.s32 s7, s10;
	[dreg:$0x1b] =	wrdreg s14  }
0x29: {  	s6 =	sadd.s32 s18, s2;
	s24 =	smax.u32 s5, $0x1;
	[dreg:$0x1c] =	wrdreg s7  }
0x2a: {  	s5 =	sadd.s32 s9, s2;
	s9 =	sshrl.u32 s6, $0x3;
	[smem:$0x7D1] =	sst s24  }
0x2b: {  	s16 =	sadd.s32 s23, s2;
	[smem:$0x7D6] =	sst s9  }
0x2c: {  	s25 =	sadd.s32 $0x800, s16;
	[smem:$0x7FD] =	sst s16  }
0x2d: {  	s3 =	sadd.s32 s8, s2;
	s26 =	sadd.s32 $0x1000, s16;
	[smem:$0x7D2] =	sst s25  }
0x2e: {  	s0 =	sshrl.u32 s3, $0x3;
	[smem:$0x7D3] =	sst s26  }
0x2f: {  	s8 =	sshrl.u32 s5, $0x3;
	[smem:$0x7D4] =	sst s0  }
0x30: {  	s11 =	sadd.s32 $0x1800, s16;
	[smem:$0x7D5] =	sst s8  }
0x31: {  	s7 =	sadd.s32 s12, s2;
	s12 =	sadd.s32 $0x2000, s16;
	[smem:$0x7D8] =	sst s11  }
0x32: {  	s13 =	sadd.s32 $0x2800, s16;
	[smem:$0x7D9] =	sst s12  }
0x33: {  	s14 =	sadd.s32 $0x3000, s16;
	[smem:$0x7DA] =	sst s13  }
0x34: {  	s15 =	sadd.s32 $0x3800, s16;
	[smem:$0x7DB] =	sst s14  }
0x35: {  	s17 =	sadd.s32 $0x4000, s16;
	[smem:$0x7DC] =	sst s15  }
0x36: {  	s18 =	sadd.s32 $0x4800, s16;
	[smem:$0x7DD] =	sst s17  }
0x37: {  	s19 =	sadd.s32 $0x5000, s16;
	[smem:$0x7DE] =	sst s18  }
0x38: {  	s20 =	sadd.s32 $0x5800, s16;
	[smem:$0x7DF] =	sst s19  }
0x39: {  	s21 =	sadd.s32 $0x6000, s16;
	[smem:$0x7E0] =	sst s20  }
0x3a: {  	s22 =	sadd.s32 $0x6800, s16;
	[smem:$0x7E1] =	sst s21  }
0x3b: {  	s23 =	sadd.s32 $0x7000, s16;
	[smem:$0x7E2] =	sst s22  }
0x3c: {  	s24 =	sadd.s32 $0x7800, s16;
	[smem:$0x7E3] =	sst s23  }
0x3d: {  	s3 =	sadd.s32 $0x9000, s16;
	[smem:$0x7E4] =	sst s24  }
0x3e: {  	s5 =	sadd.s32 $0x9800, s16;
	[smem:$0x7E7] =	sst s3  }
0x3f: {  	s6 =	sadd.s32 $0xA000, s16;
	[smem:$0x7E8] =	sst s5  }
0x40: {  	s9 =	sadd.s32 $0xB800, s16;
	[smem:$0x7E9] =	sst s6  }
0x41: {  	s10 =	sshrl.u32 s7, $0x3;
	[smem:$0x7EC] =	sst s9  }
0x42: {  	s25 =	sadd.s32 $0x8000, s16;
	[smem:$0x7D7] =	sst s10  }
0x43: {  	s26 =	sadd.s32 $0x8800, s16;
	[smem:$0x7E5] =	sst s25  }
0x44: {  	s7 =	sadd.s32 $0xA800, s16;
	[smem:$0x7E6] =	sst s26  }
0x45: {  	s8 =	sadd.s32 $0xB000, s16;
	[smem:$0x7EA] =	sst s7  }
0x46: {  	s11 =	sadd.s32 $0xC800, s16;
	[smem:$0x7EB] =	sst s8  }
0x47: {  	s12 =	sadd.s32 $0xD000, s16;
	[smem:$0x7EE] =	sst s11  }
0x48: {  	s13 =	sadd.s32 $0xD800, s16;
	[smem:$0x7EF] =	sst s12  }
0x49: {  	s14 =	sadd.s32 $0xE000, s16;
	[smem:$0x7F0] =	sst s13  }
0x4a: {  	s31 =	simm.s32 $0x14C80;
	s15 =	sadd.s32 $0xE800, s16;
	[smem:$0x7F1] =	sst s14  }
0x4b: {  	s30 =	simm.s32 $0x15;
	s17 =	sadd.s32 $0xF000, s16;
	[smem:$0x7F2] =	sst s15  }
0x4c: {  	s28 =	simm.s32 $0x13;
	s18 =	sadd.s32 $0xF800, s16;
	[smem:$0x7F3] =	sst s17  }
0x4d: {  	s29 =	simm.s32 $0xC;
	s19 =	sadd.s32 $0x10000, s16;
	[smem:$0x7F4] =	sst s18  }
0x4e: {  	s20 =	sadd.s32 $0x10800, s16;
	s21 =	sadd.s32 $0x11000, s16;
	[smem:$0x7F5] =	sst s19  }
0x4f: {  	s22 =	sadd.s32 $0x11800, s16;
	s23 =	sadd.s32 $0x12000, s16;
	[smem:$0x7F6] =	sst s20  }
0x50: {  	s24 =	sadd.s32 $0x12800, s16;
	s9 =	simm.s32 $0x14980;
	[smem:$0x7F7] =	sst s21  }
0x51: {  	s0 =	simm.s32 $0x12;
	s5 =	simm.s32 $0x14;
	[smem:$0x7F8] =	sst s22  }
0x52: {  	s3 =	simm.s32 $0x0;
	s10 =	sadd.s32 $0xC000, s16;
	[smem:$0x7F9] =	sst s23  }
0x53: {  	[smem:$0x7FA] =	sst s24;
	s25 =	sadd.s32 $0x13000, s16;
	s26 =	sadd.s32 $0x13800, s16  }
0x54: {  	s7 =	simm.s32 $0x14800;
	s23 =	simm.s32 $0x14C00;
	s17 =	simm.s32 $0x14900  }
0x55: {  	s13 =	simm.s32 $0x14D00;
	s20 =	simm.s32 $0x80;
	s8 =	simm.s32 $0x15000  }
0x56: {  	s24 =	simm.s32 $0x19000;
	s21 =	simm.s32 $0xB;
	[smem:$0x7ED] =	sst s10  }
0x57: {  	s22 =	simm.s32 $0x5;
	s19 =	simm.s32 $0x6;
	[smem:$0x7FB] =	sst s25  }
0x58: {  	v0 =	vimm.f32 $0.0e+00;
	[smem:$0x7FC] =	sst s26;
	s26 =	simm.s32 $0x14880;
	s25 =	simm.s32 $0x11  }
.LBB2_1:
0x59: {  	[tilespmem:$0x14000] =	vst v0  }
0x5a: {  	[tilespmem:$0x14010] =	vst v0  }
0x5b: {  	[tilespmem:$0x14020] =	vst v0  }
0x5c: {  	[tilespmem:$0x14030] =	vst v0  }
0x5d: {  	[tilespmem:$0x14040] =	vst v0  }
0x5e: {  	[tilespmem:$0x14050] =	vst v0  }
0x5f: {  	[tilespmem:$0x14060] =	vst v0  }
0x60: {  	[tilespmem:$0x14070] =	vst v0  }
0x61: {  	[tilespmem:$0x14080] =	vst v0  }
0x62: {  	[tilespmem:$0x14090] =	vst v0  }
0x63: {  	[tilespmem:$0x140A0] =	vst v0  }
0x64: {  	[tilespmem:$0x140B0] =	vst v0  }
0x65: {  	[tilespmem:$0x140C0] =	vst v0  }
0x66: {  	[tilespmem:$0x140D0] =	vst v0  }
0x67: {  	[tilespmem:$0x140E0] =	vst v0  }
0x68: {  	[tilespmem:$0x140F0] =	vst v0  }
0x69: {  	[tilespmem:$0x14100] =	vst v0  }
0x6a: {  	[tilespmem:$0x14110] =	vst v0  }
0x6b: {  	[tilespmem:$0x14120] =	vst v0  }
0x6c: {  	[tilespmem:$0x14130] =	vst v0  }
0x6d: {  	[tilespmem:$0x14140] =	vst v0  }
0x6e: {  	[tilespmem:$0x14150] =	vst v0  }
0x6f: {  	[tilespmem:$0x14160] =	vst v0  }
0x70: {  	[tilespmem:$0x14170] =	vst v0  }
0x71: {  	[tilespmem:$0x14180] =	vst v0  }
0x72: {  	[tilespmem:$0x14190] =	vst v0  }
0x73: {  	[tilespmem:$0x141A0] =	vst v0  }
0x74: {  	[tilespmem:$0x141B0] =	vst v0  }
0x75: {  	[tilespmem:$0x141C0] =	vst v0  }
0x76: {  	[tilespmem:$0x141D0] =	vst v0  }
0x77: {  	[tilespmem:$0x141E0] =	vst v0  }
0x78: {  	[tilespmem:$0x141F0] =	vst v0  }
0x79: {  	[tilespmem:$0x14200] =	vst v0  }
0x7a: {  	[tilespmem:$0x14210] =	vst v0  }
0x7b: {  	[tilespmem:$0x14220] =	vst v0  }
0x7c: {  	[tilespmem:$0x14230] =	vst v0  }
0x7d: {  	[tilespmem:$0x14240] =	vst v0  }
0x7e: {  	[tilespmem:$0x14250] =	vst v0  }
0x7f: {  	[tilespmem:$0x14260] =	vst v0  }
0x80: {  	[tilespmem:$0x14270] =	vst v0  }
0x81: {  	[tilespmem:$0x14280] =	vst v0  }
0x82: {  	[tilespmem:$0x14290] =	vst v0  }
0x83: {  	[tilespmem:$0x142A0] =	vst v0  }
0x84: {  	[tilespmem:$0x142B0] =	vst v0  }
0x85: {  	[tilespmem:$0x142C0] =	vst v0  }
0x86: {  	[tilespmem:$0x142D0] =	vst v0  }
0x87: {  	[tilespmem:$0x142E0] =	vst v0  }
0x88: {  	[tilespmem:$0x142F0] =	vst v0  }
0x89: {  	[tilespmem:$0x14300] =	vst v0  }
0x8a: {  	[tilespmem:$0x14310] =	vst v0  }
0x8b: {  	[tilespmem:$0x14320] =	vst v0  }
0x8c: {  	[tilespmem:$0x14330] =	vst v0  }
0x8d: {  	[tilespmem:$0x14340] =	vst v0  }
0x8e: {  	[tilespmem:$0x14350] =	vst v0  }
0x8f: {  	[tilespmem:$0x14360] =	vst v0  }
0x90: {  	[tilespmem:$0x14370] =	vst v0  }
0x91: {  	[tilespmem:$0x14380] =	vst v0  }
0x92: {  	[tilespmem:$0x14390] =	vst v0  }
0x93: {  	[tilespmem:$0x143A0] =	vst v0  }
0x94: {  	[tilespmem:$0x143B0] =	vst v0  }
0x95: {  	[tilespmem:$0x143C0] =	vst v0  }
0x96: {  	[tilespmem:$0x143D0] =	vst v0  }
0x97: {  	[tilespmem:$0x143E0] =	vst v0  }
0x98: {  	[tilespmem:$0x143F0] =	vst v0  }
0x99: {  	[tilespmem:$0x14400] =	vst v0  }
0x9a: {  	[tilespmem:$0x14410] =	vst v0  }
0x9b: {  	[tilespmem:$0x14420] =	vst v0  }
0x9c: {  	[tilespmem:$0x14430] =	vst v0  }
0x9d: {  	[tilespmem:$0x14440] =	vst v0  }
0x9e: {  	[tilespmem:$0x14450] =	vst v0  }
0x9f: {  	[tilespmem:$0x14460] =	vst v0  }
0xa0: {  	[tilespmem:$0x14470] =	vst v0  }
0xa1: {  	[tilespmem:$0x14480] =	vst v0  }
0xa2: {  	[tilespmem:$0x14490] =	vst v0  }
0xa3: {  	[tilespmem:$0x144A0] =	vst v0  }
0xa4: {  	[tilespmem:$0x144B0] =	vst v0  }
0xa5: {  	[tilespmem:$0x144C0] =	vst v0  }
0xa6: {  	[tilespmem:$0x144D0] =	vst v0  }
0xa7: {  	[tilespmem:$0x144E0] =	vst v0  }
0xa8: {  	[tilespmem:$0x144F0] =	vst v0  }
0xa9: {  	[tilespmem:$0x14500] =	vst v0  }
0xaa: {  	[tilespmem:$0x14510] =	vst v0  }
0xab: {  	[tilespmem:$0x14520] =	vst v0  }
0xac: {  	[tilespmem:$0x14530] =	vst v0  }
0xad: {  	[tilespmem:$0x14540] =	vst v0  }
0xae: {  	[tilespmem:$0x14550] =	vst v0  }
0xaf: {  	[tilespmem:$0x14560] =	vst v0  }
0xb0: {  	[tilespmem:$0x14570] =	vst v0  }
0xb1: {  	[tilespmem:$0x14580] =	vst v0  }
0xb2: {  	[tilespmem:$0x14590] =	vst v0  }
0xb3: {  	[tilespmem:$0x145A0] =	vst v0  }
0xb4: {  	[tilespmem:$0x145B0] =	vst v0  }
0xb5: {  	[tilespmem:$0x145C0] =	vst v0  }
0xb6: {  	[tilespmem:$0x145D0] =	vst v0  }
0xb7: {  	[tilespmem:$0x145E0] =	vst v0  }
0xb8: {  	[tilespmem:$0x145F0] =	vst v0  }
0xb9: {  	[tilespmem:$0x14600] =	vst v0  }
0xba: {  	[tilespmem:$0x14610] =	vst v0  }
0xbb: {  	[tilespmem:$0x14620] =	vst v0  }
0xbc: {  	[tilespmem:$0x14630] =	vst v0  }
0xbd: {  	[tilespmem:$0x14640] =	vst v0  }
0xbe: {  	[tilespmem:$0x14650] =	vst v0  }
0xbf: {  	[tilespmem:$0x14660] =	vst v0  }
0xc0: {  	[tilespmem:$0x14670] =	vst v0  }
0xc1: {  	[tilespmem:$0x14680] =	vst v0  }
0xc2: {  	[tilespmem:$0x14690] =	vst v0  }
0xc3: {  	[tilespmem:$0x146A0] =	vst v0  }
0xc4: {  	[tilespmem:$0x146B0] =	vst v0  }
0xc5: {  	[tilespmem:$0x146C0] =	vst v0  }
0xc6: {  	[tilespmem:$0x146D0] =	vst v0  }
0xc7: {  	[tilespmem:$0x146E0] =	vst v0  }
0xc8: {  	[tilespmem:$0x146F0] =	vst v0  }
0xc9: {  	[tilespmem:$0x14700] =	vst v0  }
0xca: {  	[tilespmem:$0x14710] =	vst v0  }
0xcb: {  	[tilespmem:$0x14720] =	vst v0  }
0xcc: {  	[tilespmem:$0x14730] =	vst v0  }
0xcd: {  	[tilespmem:$0x14740] =	vst v0  }
0xce: {  	[tilespmem:$0x14750] =	vst v0  }
0xcf: {  	[tilespmem:$0x14760] =	vst v0  }
0xd0: {  	[tilespmem:$0x14770] =	vst v0  }
0xd1: {  	[tilespmem:$0x14780] =	vst v0  }
0xd2: {  	[tilespmem:$0x14790] =	vst v0  }
0xd3: {  	[tilespmem:$0x147A0] =	vst v0  }
0xd4: {  	[tilespmem:$0x147B0] =	vst v0  }
0xd5: {  	[tilespmem:$0x147C0] =	vst v0  }
0xd6: {  	[tilespmem:$0x147D0] =	vst v0  }
0xd7: {  	[tilespmem:$0x147E0] =	vst v0;
	s6 =	rddreg [dreg:$0x14]  }
0xd8: {  	[tilespmem:$0x147F0] =	vst v0;
	s10 =	rddreg [dreg:$0x15]  }
0xd9: {  	[tilespmem:s7], [sflag:$0x1] =	stream.linear.gather [hbm4b:s6+s4], $0x80, $0x38;
	[tilespmem:$0x1D000] =	vst v63  }
0xda: {  	s11 =	rddreg [dreg:$0x16]  }
0xdb: {  	[tilespmem:s23], [sflag:$0x9] =	stream.linear.gather [hbm4b:s10+s4], $0x80, $0x38;
	[tilespmem:$0x1D000] =	vst v63  }
0xdc: {  	s12 =	rddreg [dreg:$0x17]  }
0xdd: {  	[tilespmem:s26], [sflag:$0x2] =	stream.linear.gather [hbm4b:s11+s4], $0x80, $0x38;
	[tilespmem:$0x1D000] =	vst v63  }
0xde: {  	s14 =	rddreg [dreg:$0x1d]  }
0xdf: {  	[tilespmem:s31], [sflag:$0xA] =	stream.linear.gather [hbm4b:s12+s4], $0x80, $0x38;
	[tilespmem:$0x1D000] =	vst v63  }
0xe0: {  	s15 =	rddreg [dreg:$0x1e]  }
0xe1: {  	[tilespmem:s17], [sflag:$0x3] =	stream.linear.gather [hbm4b:s14+s4], $0x80, $0x38;
	[tilespmem:$0x1D000] =	vst v63  }
0xe2: {  	s18 =	sld [smem:$0x7D0]  }
0xe3: {  	[tilespmem:s13], [sflag:$0xB] =	stream.linear.gather [hbm4b:s15+s4], $0x80, $0x38;
	[tilespmem:$0x1D000] =	vst v63  }
0xe4: {  	[smem:$0x7CF] =	sst s3  }
0xe5: {  	[tilespmem:s9], [sflag:$0x4] =	stream.linear.gather [hbm4b:s18+s4], $0x80, $0x38;
	[tilespmem:$0x1D000] =	vst v63  }
0xe6: {  	s3 =	rddreg [dreg:$0x1f];
	s9 =	simm.s32 $0x14D80  }
0xe7: {  	[tilespmem:s9], [sflag:$0xC] =	stream.linear.gather [hbm4b:s3+s4], $0x80, $0x38;
	[tilespmem:$0x1D000] =	vst v63  }
0xe8: {  	s10 =	sld [smem:$0x7D2];
	s9 =	simm.s32 $0x14000  }
0xe9: {  	[spmem:s16] =	stream.linear.scatter [tilespmem:s9], [sflag:$0x15], $0x800, $0x38;
	[tilespmem:$0x1D000] =	vst v63  }
0xea: {  	s11 =	sld [smem:$0x7D3]  }
0xeb: {  	[spmem:s10] =	stream.linear.scatter [tilespmem:s9], [sflag:$0x15], $0x800, $0x38;
	[tilespmem:$0x1D000] =	vst v63  }
0xec: {  	s12 =	sld [smem:$0x7D8]  }
0xed: {  	[spmem:s11] =	stream.linear.scatter [tilespmem:s9], [sflag:$0x15], $0x800, $0x38;
	[tilespmem:$0x1D000] =	vst v63  }
0xee: {  	s14 =	sld [smem:$0x7D9]  }
0xef: {  	[spmem:s12] =	stream.linear.scatter [tilespmem:s9], [sflag:$0x15], $0x800, $0x38;
	[tilespmem:$0x1D000] =	vst v63  }
0xf0: {  	s15 =	sld [smem:$0x7DA]  }
0xf1: {  	[spmem:s14] =	stream.linear.scatter [tilespmem:s9], [sflag:$0x15], $0x800, $0x38;
	[tilespmem:$0x1D000] =	vst v63  }
0xf2: {  	s16 =	sld [smem:$0x7DB]  }
0xf3: {  	[spmem:s15] =	stream.linear.scatter [tilespmem:s9], [sflag:$0x15], $0x800, $0x38;
	[tilespmem:$0x1D000] =	vst v63  }
0xf4: {  	s18 =	sld [smem:$0x7DC]  }
0xf5: {  	[spmem:s16] =	stream.linear.scatter [tilespmem:s9], [sflag:$0x15], $0x800, $0x38;
	[tilespmem:$0x1D000] =	vst v63  }
0xf6: {  	s3 =	sld [smem:$0x7DD]  }
0xf7: {  	[spmem:s18] =	stream.linear.scatter [tilespmem:s9], [sflag:$0x15], $0x800, $0x38;
	[tilespmem:$0x1D000] =	vst v63  }
0xf8: {  	s10 =	sld [smem:$0x7DE]  }
0xf9: {  	[spmem:s3] =	stream.linear.scatter [tilespmem:s9], [sflag:$0x15], $0x800, $0x38;
	[tilespmem:$0x1D000] =	vst v63  }
0xfa: {  	s11 =	sld [smem:$0x7DF]  }
0xfb: {  	[spmem:s10] =	stream.linear.scatter [tilespmem:s9], [sflag:$0x15], $0x800, $0x38;
	[tilespmem:$0x1D000] =	vst v63  }
0xfc: {  	s12 =	sld [smem:$0x7E0]  }
0xfd: {  	[spmem:s11] =	stream.linear.scatter [tilespmem:s9], [sflag:$0x15], $0x800, $0x38;
	[tilespmem:$0x1D000] =	vst v63  }
0xfe: {  	s14 =	sld [smem:$0x7E1]  }
0xff: {  	[spmem:s12] =	stream.linear.scatter [tilespmem:s9], [sflag:$0x15], $0x800, $0x38;
	[tilespmem:$0x1D000] =	vst v63  }
0x100: {  	s15 =	sld [smem:$0x7E2]  }
0x101: {  	[spmem:s14] =	stream.linear.scatter [tilespmem:s9], [sflag:$0x15], $0x800, $0x38;
	[tilespmem:$0x1D000] =	vst v63  }
0x102: {  	s16 =	sld [smem:$0x7E3]  }
0x103: {  	[spmem:s15] =	stream.linear.scatter [tilespmem:s9], [sflag:$0x15], $0x800, $0x38;
	[tilespmem:$0x1D000] =	vst v63  }
0x104: {  	s18 =	sld [smem:$0x7E4]  }
0x105: {  	[spmem:s16] =	stream.linear.scatter [tilespmem:s9], [sflag:$0x15], $0x800, $0x38;
	[tilespmem:$0x1D000] =	vst v63  }
0x106: {  	s3 =	sld [smem:$0x7E5]  }
0x107: {  	[spmem:s18] =	stream.linear.scatter [tilespmem:s9], [sflag:$0x15], $0x800, $0x38;
	[tilespmem:$0x1D000] =	vst v63  }
0x108: {  	s10 =	sld [smem:$0x7E6]  }
0x109: {  	[spmem:s3] =	stream.linear.scatter [tilespmem:s9], [sflag:$0x15], $0x800, $0x38;
	[tilespmem:$0x1D000] =	vst v63  }
0x10a: {  	s11 =	sld [smem:$0x7E7]  }
0x10b: {  	[spmem:s10] =	stream.linear.scatter [tilespmem:s9], [sflag:$0x15], $0x800, $0x38;
	[tilespmem:$0x1D000] =	vst v63  }
0x10c: {  	s12 =	sld [smem:$0x7E8]  }
0x10d: {  	[spmem:s11] =	stream.linear.scatter [tilespmem:s9], [sflag:$0x15], $0x800, $0x38;
	[tilespmem:$0x1D000] =	vst v63  }
0x10e: {  	s14 =	sld [smem:$0x7E9]  }
0x10f: {  	[spmem:s12] =	stream.linear.scatter [tilespmem:s9], [sflag:$0x15], $0x800, $0x38;
	[tilespmem:$0x1D000] =	vst v63  }
0x110: {  	s15 =	sld [smem:$0x7EA]  }
0x111: {  	[spmem:s14] =	stream.linear.scatter [tilespmem:s9], [sflag:$0x15], $0x800, $0x38;
	[tilespmem:$0x1D000] =	vst v63  }
0x112: {  	s16 =	sld [smem:$0x7EB]  }
0x113: {  	[spmem:s15] =	stream.linear.scatter [tilespmem:s9], [sflag:$0x15], $0x800, $0x38;
	[tilespmem:$0x1D000] =	vst v63  }
0x114: {  	s18 =	sld [smem:$0x7EC]  }
0x115: {  	[spmem:s16] =	stream.linear.scatter [tilespmem:s9], [sflag:$0x15], $0x800, $0x38;
	[tilespmem:$0x1D000] =	vst v63  }
0x116: {  	s3 =	sld [smem:$0x7ED]  }
0x117: {  	[spmem:s18] =	stream.linear.scatter [tilespmem:s9], [sflag:$0x15], $0x800, $0x38;
	[tilespmem:$0x1D000] =	vst v63  }
0x118: {  	s10 =	sld [smem:$0x7EE]  }
0x119: {  	[spmem:s3] =	stream.linear.scatter [tilespmem:s9], [sflag:$0x15], $0x800, $0x38;
	[tilespmem:$0x1D000] =	vst v63  }
0x11a: {  	s11 =	sld [smem:$0x7EF]  }
0x11b: {  	[spmem:s10] =	stream.linear.scatter [tilespmem:s9], [sflag:$0x15], $0x800, $0x38;
	[tilespmem:$0x1D000] =	vst v63  }
0x11c: {  	s12 =	sld [smem:$0x7F0]  }
0x11d: {  	[spmem:s11] =	stream.linear.scatter [tilespmem:s9], [sflag:$0x15], $0x800, $0x38;
	[tilespmem:$0x1D000] =	vst v63  }
0x11e: {  	s14 =	sld [smem:$0x7F1]  }
0x11f: {  	[spmem:s12] =	stream.linear.scatter [tilespmem:s9], [sflag:$0x15], $0x800, $0x38;
	[tilespmem:$0x1D000] =	vst v63  }
0x120: {  	s15 =	sld [smem:$0x7F2]  }
0x121: {  	[spmem:s14] =	stream.linear.scatter [tilespmem:s9], [sflag:$0x15], $0x800, $0x38;
	[tilespmem:$0x1D000] =	vst v63  }
0x122: {  	s16 =	sld [smem:$0x7F3]  }
0x123: {  	[spmem:s15] =	stream.linear.scatter [tilespmem:s9], [sflag:$0x15], $0x800, $0x38;
	[tilespmem:$0x1D000] =	vst v63  }
0x124: {  	s18 =	sld [smem:$0x7F4]  }
0x125: {  	[spmem:s16] =	stream.linear.scatter [tilespmem:s9], [sflag:$0x15], $0x800, $0x38;
	[tilespmem:$0x1D000] =	vst v63  }
0x126: {  	s3 =	sld [smem:$0x7F5]  }
0x127: {  	[spmem:s18] =	stream.linear.scatter [tilespmem:s9], [sflag:$0x15], $0x800, $0x38;
	[tilespmem:$0x1D000] =	vst v63  }
0x128: {  	s10 =	sld [smem:$0x7F6]  }
0x129: {  	[spmem:s3] =	stream.linear.scatter [tilespmem:s9], [sflag:$0x15], $0x800, $0x38;
	[tilespmem:$0x1D000] =	vst v63  }
0x12a: {  	s11 =	sld [smem:$0x7F7]  }
0x12b: {  	[spmem:s10] =	stream.linear.scatter [tilespmem:s9], [sflag:$0x15], $0x800, $0x38;
	[tilespmem:$0x1D000] =	vst v63  }
0x12c: {  	s12 =	sld [smem:$0x7F8]  }
0x12d: {  	[spmem:s11] =	stream.linear.scatter [tilespmem:s9], [sflag:$0x15], $0x800, $0x38;
	[tilespmem:$0x1D000] =	vst v63  }
0x12e: {  	s14 =	sld [smem:$0x7F9]  }
0x12f: {  	[spmem:s12] =	stream.linear.scatter [tilespmem:s9], [sflag:$0x15], $0x800, $0x38;
	[tilespmem:$0x1D000] =	vst v63  }
0x130: {  	s15 =	sld [smem:$0x7FA]  }
0x131: {  	[spmem:s14] =	stream.linear.scatter [tilespmem:s9], [sflag:$0x15], $0x800, $0x38;
	[tilespmem:$0x1D000] =	vst v63  }
0x132: {  	s16 =	sld [smem:$0x7FB]  }
0x133: {  	[spmem:s15] =	stream.linear.scatter [tilespmem:s9], [sflag:$0x15], $0x800, $0x38;
	[tilespmem:$0x1D000] =	vst v63  }
0x134: {  	s18 =	sld [smem:$0x7FC]  }
0x135: {  	[spmem:s16] =	stream.linear.scatter [tilespmem:s9], [sflag:$0x15], $0x800, $0x38;
	[tilespmem:$0x1D000] =	vst v63  }
0x136: {  	_ = 	snop  }
0x137: {  	[spmem:s18] =	stream.linear.scatter [tilespmem:s9], [sflag:$0x15], $0x800, $0x38;
	[tilespmem:$0x1D000] =	vst v63  }
0x138: {  	_ =	swait.ge [sflag:s30], $0x800  }
0x139: {  	s6 =	simm.s32 $0x27;
	s9 =	simm.s32 $0x15;
	[sflag:s30] =	ssyncset.done $0x0  }
.LBB2_2:
0x13a: {  	p0 =	sne.s32 s6, $0x1;
	s6 =	sadd.s32 $0xFFFFFFFF, s6;
	[sflag:s9] =	ssyncadd.s32 $0xFFFFF800  }
.Ltmp0:
0x13b: {  	(pc) =	sbr.rel @p0 .LBB2_2-.Ltmp0, $3  }
0x13c: {  	_ =	sdelay $0x1  }
0x13d: {  	_ =	swait.ge [sflag:s9], $0x800  }
0x13e: {  	[sflag:s9] =	ssyncset.done $0x0  }
0x13f: {  	[sflag:s9] =	ssyncadd.s32 $0xFFFFF800  }
0x140: {  	s6 =	simm.s32 $0x1;
	[bflag:$0x0] =	sbarrier.arrive $0xFFFF  }
0x141: {  	p0 =	por $0x1, $0x1;
	_ =	swait.ge [sflag:s6], $0x80  }
0x142: {  	p0 =	por p0, p0;
	[sflag:s6] =	ssyncset.done $0x0  }
0x143: {  	[sflag:s6] =	ssyncadd.s32 $0xFFFFFF80;
	s6 =	simm.s32 @!p0 $0x14  }
0x144: {  	[tilespmem:s8], [sflag:$0x11] =	stream.indirect.gather [hbm4b:s1+s20], $0x80, s7, s20, $0xb8;
	[tilespmem:$0x1D000] =	vst v63  }
0x145: {  	_ =	swait.ge @!p0 [sflag:s6], $0x4000  }
0x146: {  	s16 =	simm.s32 $0x14A00;
	s18 =	rddreg [dreg:$0x13];
	[sflag:s6] =	ssyncset.done @!p0 $0x0  }
0x147: {  	s3 =	rddreg [dreg:$0x12];
	[sflag:s6] =	ssyncadd.s32 @!p0 $0xFFFFC000;
	s10 =	sadd.s32 $0x0, s18  }
0x148: {  	[tilespmem:s16], [sflag:$0x5] =	stream.linear.gather [hbm4b:s10+s4], $0x80, $0x38;
	[tilespmem:$0x1D000] =	vst v63  }
0x149: {  	s12 =	simm.s32 $0x14E00;
	s11 =	sadd.s32 $0x0, s3;
	s3 =	simm.s32 $0x2  }
0x14a: {  	[tilespmem:s12], [sflag:$0xD] =	stream.linear.gather [hbm4b:s11+s4], $0x80, $0x38;
	[tilespmem:$0x1D000] =	vst v63  }
0x14b: {  	_ =	swait.ge [sflag:s3], $0x80  }
0x14c: {  	[sflag:s3] =	ssyncset.done $0x0  }
0x14d: {  	[sflag:s3] =	ssyncadd.s32 $0xFFFFFF80  }
0x14e: {  	[tilespmem:s24], [sflag:$0x12] =	stream.indirect.gather [hbm4b:s1+s20], $0x80, s26, s20, $0xb8;
	[tilespmem:$0x1D000] =	vst v63  }
0x14f: {  	_ =	swait.ge [sflag:s25], $0x4000  }
0x150: {  	[sflag:s25] =	ssyncset.done $0x0  }
0x151: {  	s14 =	simm.s32 $0x9;
	[sflag:s25] =	ssyncadd.s32 $0xFFFFC000  }
0x152: {  	_ =	swait.ge [sflag:s14], $0x80  }
0x153: {  	[sflag:s14] =	ssyncset.done $0x0  }
0x154: {  	[sflag:s14] =	ssyncadd.s32 $0xFFFFFF80  }
0x155: {  	[spmem:s2] =	stream.indirect.scatter.add.f32 [tilespmem:s8], [sflag:$0x13], $0x80, s23, s20, $0xb8;
	[tilespmem:$0x1D000] =	vst v63  }
0x156: {  	_ =	swait.ge [sflag:s28], $0x4000  }
0x157: {  	s15 =	rddreg [dreg:$0x11]  }
0x158: {  	[sflag:s28] =	ssyncset.done $0x0;
	s18 =	rddreg [dreg:$0x10]  }
0x159: {  	[sflag:s28] =	ssyncadd.s32 $0xFFFFC000;
	s6 =	sadd.s32 $0x0, s15;
	s15 =	simm.s32 $0x14A80  }
0x15a: {  	[tilespmem:s15], [sflag:$0x6] =	stream.linear.gather [hbm4b:s6+s4], $0x80, $0x38;
	[tilespmem:$0x1D000] =	vst v63  }
0x15b: {  	s11 =	simm.s32 $0x14E80;
	s3 =	sadd.s32 $0x0, s18;
	s6 =	simm.s32 $0x3  }
0x15c: {  	[tilespmem:s11], [sflag:$0xE] =	stream.linear.gather [hbm4b:s3+s4], $0x80, $0x38;
	[tilespmem:$0x1D000] =	vst v63  }
0x15d: {  	_ =	swait.ge [sflag:s6], $0x80  }
0x15e: {  	[sflag:s6] =	ssyncset.done $0x0  }
0x15f: {  	[sflag:s6] =	ssyncadd.s32 $0xFFFFFF80  }
0x160: {  	[tilespmem:s8], [sflag:$0x11] =	stream.indirect.gather [hbm4b:s1+s20], $0x80, s17, s20, $0xb8;
	[tilespmem:$0x1D000] =	vst v63  }
0x161: {  	_ =	swait.ge [sflag:s0], $0x4000  }
0x162: {  	[sflag:s0] =	ssyncset.done $0x0  }
0x163: {  	s7 =	simm.s32 $0xA;
	[sflag:s0] =	ssyncadd.s32 $0xFFFFC000  }
0x164: {  	_ =	swait.ge [sflag:s7], $0x80  }
0x165: {  	[sflag:s7] =	ssyncset.done $0x0  }
0x166: {  	[sflag:s7] =	ssyncadd.s32 $0xFFFFFF80  }
0x167: {  	[spmem:s2] =	stream.indirect.scatter.add.f32 [tilespmem:s24], [sflag:$0x14], $0x80, s31, s20, $0xb8;
	[tilespmem:$0x1D000] =	vst v63  }
0x168: {  	_ =	swait.ge [sflag:s5], $0x4000  }
0x169: {  	s14 =	simm.s32 $0x14B00;
	s9 =	rddreg [dreg:$0xf];
	[sflag:s5] =	ssyncset.done $0x0  }
0x16a: {  	s10 =	rddreg [dreg:$0xe];
	[sflag:s5] =	ssyncadd.s32 $0xFFFFC000;
	s6 =	sadd.s32 $0x0, s9  }
0x16b: {  	[tilespmem:s14], [sflag:$0x7] =	stream.linear.gather [hbm4b:s6+s4], $0x80, $0x38;
	[tilespmem:$0x1D000] =	vst v63  }
0x16c: {  	s18 =	simm.s32 $0x4;
	s17 =	sadd.s32 $0x0, s10;
	s10 =	simm.s32 $0x14F00  }
0x16d: {  	[tilespmem:s10], [sflag:$0xF] =	stream.linear.gather [hbm4b:s17+s4], $0x80, $0x38;
	[tilespmem:$0x1D000] =	vst v63  }
0x16e: {  	_ =	swait.ge [sflag:s18], $0x80  }
0x16f: {  	[sflag:s18] =	ssyncset.done $0x0  }
0x170: {  	s6 =	simm.s32 $0x14980;
	[sflag:s18] =	ssyncadd.s32 $0xFFFFFF80  }
0x171: {  	[tilespmem:s24], [sflag:$0x12] =	stream.indirect.gather [hbm4b:s1+s20], $0x80, s6, s20, $0xb8;
	[tilespmem:$0x1D000] =	vst v63  }
0x172: {  	_ =	swait.ge [sflag:s25], $0x4000  }
0x173: {  	[sflag:s25] =	ssyncset.done $0x0  }
0x174: {  	[sflag:s25] =	ssyncadd.s32 $0xFFFFC000  }
0x175: {  	_ =	swait.ge [sflag:s21], $0x80  }
0x176: {  	[sflag:s21] =	ssyncset.done $0x0  }
0x177: {  	[sflag:s21] =	ssyncadd.s32 $0xFFFFFF80  }
0x178: {  	[spmem:s2] =	stream.indirect.scatter.add.f32 [tilespmem:s8], [sflag:$0x13], $0x80, s13, s20, $0xb8;
	[tilespmem:$0x1D000] =	vst v63  }
0x179: {  	_ =	swait.ge [sflag:s28], $0x4000  }
0x17a: {  	s13 =	simm.s32 $0x14B80;
	s7 =	rddreg [dreg:$0xd];
	[sflag:s28] =	ssyncset.done $0x0  }
0x17b: {  	s9 =	rddreg [dreg:$0xc];
	[sflag:s28] =	ssyncadd.s32 $0xFFFFC000;
	s6 =	sadd.s32 $0x0, s7  }
0x17c: {  	[tilespmem:s13], [sflag:$0x8] =	stream.linear.gather [hbm4b:s6+s4], $0x80, $0x38;
	[tilespmem:$0x1D000] =	vst v63  }
0x17d: {  	s18 =	simm.s32 $0x14F80;
	s17 =	sadd.s32 $0x0, s9  }
0x17e: {  	[tilespmem:s18], [sflag:$0x10] =	stream.linear.gather [hbm4b:s17+s4], $0x80, $0x38;
	[tilespmem:$0x1D000] =	vst v63  }
0x17f: {  	_ =	swait.ge [sflag:s22], $0x80  }
0x180: {  	[sflag:s22] =	ssyncset.done $0x0  }
0x181: {  	[sflag:s22] =	ssyncadd.s32 $0xFFFFFF80  }
0x182: {  	[tilespmem:s8], [sflag:$0x11] =	stream.indirect.gather [hbm4b:s1+s20], $0x80, s16, s20, $0xb8;
	[tilespmem:$0x1D000] =	vst v63  }
0x183: {  	_ =	swait.ge [sflag:s0], $0x4000  }
0x184: {  	[sflag:s0] =	ssyncset.done $0x0  }
0x185: {  	[sflag:s0] =	ssyncadd.s32 $0xFFFFC000  }
0x186: {  	_ =	swait.ge [sflag:s29], $0x80  }
0x187: {  	[sflag:s29] =	ssyncset.done $0x0  }
0x188: {  	s7 =	simm.s32 $0x14D80;
	[sflag:s29] =	ssyncadd.s32 $0xFFFFFF80  }
0x189: {  	[spmem:s2] =	stream.indirect.scatter.add.f32 [tilespmem:s24], [sflag:$0x14], $0x80, s7, s20, $0xb8;
	[tilespmem:$0x1D000] =	vst v63  }
0x18a: {  	_ =	swait.ge [sflag:s5], $0x4000  }
0x18b: {  	p0 =	por $0x0, $0x0;
	s6 =	rddreg [dreg:$0xb]  }
0x18c: {  	s7 =	simm.s32 @!p0 $0x0;
	[sflag:s5] =	ssyncset.done $0x0;
	s9 =	rddreg [dreg:$0xa]  }
0x18d: {  	[sflag:s5] =	ssyncadd.s32 $0xFFFFC000;
	s16 =	sadd.s32 @!p0 $0x0, s6;
	s6 =	simm.s32 @!p0 $0x14800  }
0x18e: {  	[tilespmem:s6], [sflag:$0x1] =	stream.linear.gather @!p0 [hbm4b:s16+s7], $0x80, $0x38;
	[tilespmem:$0x1D000] =	vst v63  }
0x18f: {  	s9 =	sadd.s32 @!p0 $0x0, s9;
	s16 =	simm.s32 @!p0 $0x14C00  }
0x190: {  	[tilespmem:s16], [sflag:$0x9] =	stream.linear.gather @!p0 [hbm4b:s9+s7], $0x80, $0x38;
	[tilespmem:$0x1D000] =	vst v63  }
0x191: {  	_ =	swait.ge [sflag:s19], $0x80  }
0x192: {  	[sflag:s19] =	ssyncset.done $0x0  }
0x193: {  	[sflag:s19] =	ssyncadd.s32 $0xFFFFFF80  }
0x194: {  	[tilespmem:s24], [sflag:$0x12] =	stream.indirect.gather [hbm4b:s1+s20], $0x80, s15, s20, $0xb8;
	[tilespmem:$0x1D000] =	vst v63  }
0x195: {  	_ =	swait.ge [sflag:s25], $0x4000  }
0x196: {  	[sflag:s25] =	ssyncset.done $0x0  }
0x197: {  	s9 =	simm.s32 $0xD;
	[sflag:s25] =	ssyncadd.s32 $0xFFFFC000  }
0x198: {  	_ =	swait.ge [sflag:s9], $0x80  }
0x199: {  	[sflag:s9] =	ssyncset.done $0x0  }
0x19a: {  	[sflag:s9] =	ssyncadd.s32 $0xFFFFFF80  }
0x19b: {  	[spmem:s2] =	stream.indirect.scatter.add.f32 [tilespmem:s8], [sflag:$0x13], $0x80, s12, s20, $0xb8;
	[tilespmem:$0x1D000] =	vst v63  }
0x19c: {  	_ =	swait.ge [sflag:s28], $0x4000  }
0x19d: {  	s30 =	simm.s32 @!p0 $0x14880;
	s9 =	rddreg [dreg:$0x9];
	[sflag:s28] =	ssyncset.done $0x0  }
0x19e: {  	s16 =	rddreg [dreg:$0x8];
	[sflag:s28] =	ssyncadd.s32 $0xFFFFC000;
	s9 =	sadd.s32 @!p0 $0x0, s9  }
0x19f: {  	[tilespmem:s30], [sflag:$0x2] =	stream.linear.gather @!p0 [hbm4b:s9+s7], $0x80, $0x38;
	[tilespmem:$0x1D000] =	vst v63  }
0x1a0: {  	s15 =	simm.s32 $0x7;
	s16 =	sadd.s32 @!p0 $0x0, s16;
	s9 =	simm.s32 @!p0 $0x14C80  }
0x1a1: {  	[tilespmem:s9], [sflag:$0xA] =	stream.linear.gather @!p0 [hbm4b:s16+s7], $0x80, $0x38;
	[tilespmem:$0x1D000] =	vst v63  }
0x1a2: {  	_ =	swait.ge [sflag:s15], $0x80  }
0x1a3: {  	[sflag:s15] =	ssyncset.done $0x0  }
0x1a4: {  	[sflag:s15] =	ssyncadd.s32 $0xFFFFFF80  }
0x1a5: {  	[tilespmem:s8], [sflag:$0x11] =	stream.indirect.gather [hbm4b:s1+s20], $0x80, s14, s20, $0xb8;
	[tilespmem:$0x1D000] =	vst v63  }
0x1a6: {  	_ =	swait.ge [sflag:s0], $0x4000  }
0x1a7: {  	[sflag:s0] =	ssyncset.done $0x0  }
0x1a8: {  	s16 =	simm.s32 $0xE;
	[sflag:s0] =	ssyncadd.s32 $0xFFFFC000  }
0x1a9: {  	_ =	swait.ge [sflag:s16], $0x80  }
0x1aa: {  	[sflag:s16] =	ssyncset.done $0x0  }
0x1ab: {  	[sflag:s16] =	ssyncadd.s32 $0xFFFFFF80  }
0x1ac: {  	[spmem:s2] =	stream.indirect.scatter.add.f32 [tilespmem:s24], [sflag:$0x14], $0x80, s11, s20, $0xb8;
	[tilespmem:$0x1D000] =	vst v63  }
0x1ad: {  	_ =	swait.ge [sflag:s5], $0x4000  }
0x1ae: {  	s30 =	simm.s32 @!p0 $0x14900;
	s9 =	rddreg [dreg:$0x7];
	[sflag:s5] =	ssyncset.done $0x0  }
0x1af: {  	s16 =	rddreg [dreg:$0x6];
	[sflag:s5] =	ssyncadd.s32 $0xFFFFC000;
	s9 =	sadd.s32 @!p0 $0x0, s9  }
0x1b0: {  	[tilespmem:s30], [sflag:$0x3] =	stream.linear.gather @!p0 [hbm4b:s9+s7], $0x80, $0x38;
	[tilespmem:$0x1D000] =	vst v63  }
0x1b1: {  	s17 =	simm.s32 $0x8;
	s16 =	sadd.s32 @!p0 $0x0, s16;
	s9 =	simm.s32 @!p0 $0x14D00  }
0x1b2: {  	[tilespmem:s9], [sflag:$0xB] =	stream.linear.gather @!p0 [hbm4b:s16+s7], $0x80, $0x38;
	[tilespmem:$0x1D000] =	vst v63  }
0x1b3: {  	_ =	swait.ge [sflag:s17], $0x80  }
0x1b4: {  	[sflag:s17] =	ssyncset.done $0x0  }
0x1b5: {  	[sflag:s17] =	ssyncadd.s32 $0xFFFFFF80  }
0x1b6: {  	[tilespmem:s24], [sflag:$0x12] =	stream.indirect.gather [hbm4b:s1+s20], $0x80, s13, s20, $0xb8;
	[tilespmem:$0x1D000] =	vst v63  }
0x1b7: {  	_ =	swait.ge [sflag:s25], $0x4000  }
0x1b8: {  	[sflag:s25] =	ssyncset.done $0x0  }
0x1b9: {  	s18 =	simm.s32 $0xF;
	[sflag:s25] =	ssyncadd.s32 $0xFFFFC000  }
0x1ba: {  	_ =	swait.ge [sflag:s18], $0x80  }
0x1bb: {  	[sflag:s18] =	ssyncset.done $0x0  }
0x1bc: {  	[sflag:s18] =	ssyncadd.s32 $0xFFFFFF80  }
0x1bd: {  	[spmem:s2] =	stream.indirect.scatter.add.f32 [tilespmem:s8], [sflag:$0x13], $0x80, s10, s20, $0xb8;
	[tilespmem:$0x1D000] =	vst v63  }
0x1be: {  	_ =	swait.ge [sflag:s28], $0x4000  }
0x1bf: {  	s30 =	simm.s32 @!p0 $0x14980;
	s9 =	rddreg [dreg:$0x5];
	[sflag:s28] =	ssyncset.done $0x0  }
0x1c0: {  	s16 =	rddreg [dreg:$0x4];
	[sflag:s28] =	ssyncadd.s32 $0xFFFFC000;
	s9 =	sadd.s32 @!p0 $0x0, s9  }
0x1c1: {  	[tilespmem:s30], [sflag:$0x4] =	stream.linear.gather @!p0 [hbm4b:s9+s7], $0x80, $0x38;
	[tilespmem:$0x1D000] =	vst v63  }
0x1c2: {  	s16 =	sadd.s32 @!p0 $0x0, s16;
	s9 =	simm.s32 @!p0 $0x14D80  }
0x1c3: {  	[tilespmem:s9], [sflag:$0xC] =	stream.linear.gather @!p0 [hbm4b:s16+s7], $0x80, $0x38;
	[tilespmem:$0x1D000] =	vst v63  }
0x1c4: {  	s7 =	simm.s32 @!p0 $0x1  }
0x1c5: {  	_ =	swait.ge @!p0 [sflag:s7], $0x80  }
0x1c6: {  	[sflag:s7] =	ssyncset.done @!p0 $0x0  }
0x1c7: {  	s9 =	simm.s32 @!p0 $0x80;
	[sflag:s7] =	ssyncadd.s32 @!p0 $0xFFFFFF80;
	s7 =	simm.s32 @!p0 $0x15000  }
0x1c8: {  	[tilespmem:s7], [sflag:$0x11] =	stream.indirect.gather @!p0 [hbm4b:s1+s9], $0x80, s6, s9, $0xb8;
	[tilespmem:$0x1D000] =	vst v63  }
0x1c9: {  	_ =	swait.ge [sflag:s0], $0x4000  }
0x1ca: {  	[sflag:s0] =	ssyncset.done $0x0  }
0x1cb: {  	p6 =	por $0x0, $0x0;
	s7 =	simm.s32 $0x10;
	[sflag:s0] =	ssyncadd.s32 $0xFFFFC000  }
0x1cc: {  	s30 =	simm.s32 $0x80;
	p0 =	por p6, p6;
	_ =	swait.ge [sflag:s7], $0x80  }
0x1cd: {  	s6 =	simm.s32 $0x100;
	s9 =	simm.s32 @!p0 $0x14;
	[sflag:s7] =	ssyncset.done $0x0  }
.LBB2_4:
0x1ce: {  	[sflag:s7] =	ssyncadd.s32 $0xFFFFFF80;
	s3 =	simm.s32 $0x14F80  }
0x1cf: {  	[spmem:s2] =	stream.indirect.scatter.add.f32 [tilespmem:s24], [sflag:$0x14], $0x80, s3, s20, $0xb8;
	[tilespmem:$0x1D000] =	vst v63  }
0x1d0: {  	_ =	swait.ge @!p0 [sflag:s9], $0x4000  }
0x1d1: {  	s18 =	simm.s32 $0x14A00;
	s16 =	rddreg [dreg:$0x13];
	[sflag:s9] =	ssyncset.done @!p0 $0x0  }
0x1d2: {  	s17 =	rddreg [dreg:$0x12];
	[sflag:s9] =	ssyncadd.s32 @!p0 $0xFFFFC000;
	s13 =	sadd.s32 s30, s16  }
0x1d3: {  	[tilespmem:s18], [sflag:$0x5] =	stream.linear.gather [hbm4b:s13+s4], $0x80, $0x38;
	[tilespmem:$0x1D000] =	vst v63  }
0x1d4: {  	s12 =	simm.s32 $0x14E00;
	s15 =	simm.s32 $0x2;
	s14 =	sadd.s32 s30, s17  }
0x1d5: {  	[tilespmem:s12], [sflag:$0xD] =	stream.linear.gather [hbm4b:s14+s4], $0x80, $0x38;
	[tilespmem:$0x1D000] =	vst v63  }
0x1d6: {  	_ =	swait.ge [sflag:s15], $0x80  }
0x1d7: {  	[sflag:s15] =	ssyncset.done $0x0  }
0x1d8: {  	[sflag:s15] =	ssyncadd.s32 $0xFFFFFF80  }
0x1d9: {  	[tilespmem:s24], [sflag:$0x12] =	stream.indirect.gather [hbm4b:s1+s20], $0x80, s26, s20, $0xb8;
	[tilespmem:$0x1D000] =	vst v63  }
0x1da: {  	_ =	swait.ge [sflag:s25], $0x4000  }
0x1db: {  	[sflag:s25] =	ssyncset.done $0x0  }
0x1dc: {  	s16 =	simm.s32 $0x9;
	[sflag:s25] =	ssyncadd.s32 $0xFFFFC000  }
0x1dd: {  	_ =	swait.ge [sflag:s16], $0x80  }
0x1de: {  	[sflag:s16] =	ssyncset.done $0x0  }
0x1df: {  	[sflag:s16] =	ssyncadd.s32 $0xFFFFFF80  }
0x1e0: {  	[spmem:s2] =	stream.indirect.scatter.add.f32 [tilespmem:s8], [sflag:$0x13], $0x80, s23, s20, $0xb8;
	[tilespmem:$0x1D000] =	vst v63  }
0x1e1: {  	_ =	swait.ge [sflag:s28], $0x4000  }
0x1e2: {  	s15 =	simm.s32 $0x14A80;
	s17 =	rddreg [dreg:$0x11];
	[sflag:s28] =	ssyncset.done $0x0  }
0x1e3: {  	s23 =	rddreg [dreg:$0x10];
	[sflag:s28] =	ssyncadd.s32 $0xFFFFC000;
	s9 =	sadd.s32 s30, s17  }
0x1e4: {  	[tilespmem:s15], [sflag:$0x6] =	stream.linear.gather [hbm4b:s9+s4], $0x80, $0x38;
	[tilespmem:$0x1D000] =	vst v63  }
0x1e5: {  	s11 =	simm.s32 $0x14E80;
	s10 =	simm.s32 $0x3;
	s26 =	sadd.s32 s30, s23  }
0x1e6: {  	[tilespmem:s11], [sflag:$0xE] =	stream.linear.gather [hbm4b:s26+s4], $0x80, $0x38;
	[tilespmem:$0x1D000] =	vst v63  }
0x1e7: {  	_ =	swait.ge [sflag:s10], $0x80  }
0x1e8: {  	[sflag:s10] =	ssyncset.done $0x0  }
0x1e9: {  	s13 =	simm.s32 $0x14900;
	[sflag:s10] =	ssyncadd.s32 $0xFFFFFF80  }
0x1ea: {  	[tilespmem:s8], [sflag:$0x11] =	stream.indirect.gather [hbm4b:s1+s20], $0x80, s13, s20, $0xb8;
	[tilespmem:$0x1D000] =	vst v63  }
0x1eb: {  	_ =	swait.ge [sflag:s0], $0x4000  }
0x1ec: {  	[sflag:s0] =	ssyncset.done $0x0  }
0x1ed: {  	s14 =	simm.s32 $0xA;
	[sflag:s0] =	ssyncadd.s32 $0xFFFFC000  }
0x1ee: {  	_ =	swait.ge [sflag:s14], $0x80  }
0x1ef: {  	[sflag:s14] =	ssyncset.done $0x0  }
0x1f0: {  	[sflag:s14] =	ssyncadd.s32 $0xFFFFFF80  }
0x1f1: {  	[spmem:s2] =	stream.indirect.scatter.add.f32 [tilespmem:s24], [sflag:$0x14], $0x80, s31, s20, $0xb8;
	[tilespmem:$0x1D000] =	vst v63  }
0x1f2: {  	_ =	swait.ge [sflag:s5], $0x4000  }
0x1f3: {  	s14 =	simm.s32 $0x14B00;
	s16 =	rddreg [dreg:$0xf];
	[sflag:s5] =	ssyncset.done $0x0  }
0x1f4: {  	s17 =	rddreg [dreg:$0xe];
	[sflag:s5] =	ssyncadd.s32 $0xFFFFC000;
	s9 =	sadd.s32 s30, s16  }
0x1f5: {  	[tilespmem:s14], [sflag:$0x7] =	stream.linear.gather [hbm4b:s9+s4], $0x80, $0x38;
	[tilespmem:$0x1D000] =	vst v63  }
0x1f6: {  	s26 =	simm.s32 $0x4;
	s10 =	simm.s32 $0x14F00;
	s23 =	sadd.s32 s30, s17  }
0x1f7: {  	[tilespmem:s10], [sflag:$0xF] =	stream.linear.gather [hbm4b:s23+s4], $0x80, $0x38;
	[tilespmem:$0x1D000] =	vst v63  }
0x1f8: {  	_ =	swait.ge [sflag:s26], $0x80  }
0x1f9: {  	[sflag:s26] =	ssyncset.done $0x0  }
0x1fa: {  	s13 =	simm.s32 $0x14980;
	[sflag:s26] =	ssyncadd.s32 $0xFFFFFF80  }
0x1fb: {  	[tilespmem:s24], [sflag:$0x12] =	stream.indirect.gather [hbm4b:s1+s20], $0x80, s13, s20, $0xb8;
	[tilespmem:$0x1D000] =	vst v63  }
0x1fc: {  	_ =	swait.ge [sflag:s25], $0x4000  }
0x1fd: {  	[sflag:s25] =	ssyncset.done $0x0  }
0x1fe: {  	[sflag:s25] =	ssyncadd.s32 $0xFFFFC000  }
0x1ff: {  	_ =	swait.ge [sflag:s21], $0x80  }
0x200: {  	[sflag:s21] =	ssyncset.done $0x0  }
0x201: {  	s16 =	simm.s32 $0x14D00;
	[sflag:s21] =	ssyncadd.s32 $0xFFFFFF80  }
0x202: {  	[spmem:s2] =	stream.indirect.scatter.add.f32 [tilespmem:s8], [sflag:$0x13], $0x80, s16, s20, $0xb8;
	[tilespmem:$0x1D000] =	vst v63  }
0x203: {  	_ =	swait.ge [sflag:s28], $0x4000  }
0x204: {  	s13 =	simm.s32 $0x14B80;
	s17 =	rddreg [dreg:$0xd];
	[sflag:s28] =	ssyncset.done $0x0  }
0x205: {  	s23 =	rddreg [dreg:$0xc];
	[sflag:s28] =	ssyncadd.s32 $0xFFFFC000;
	s9 =	sadd.s32 s30, s17  }
0x206: {  	[tilespmem:s13], [sflag:$0x8] =	stream.linear.gather [hbm4b:s9+s4], $0x80, $0x38;
	[tilespmem:$0x1D000] =	vst v63  }
0x207: {  	s26 =	sadd.s32 s30, s23  }
0x208: {  	[tilespmem:s3], [sflag:$0x10] =	stream.linear.gather [hbm4b:s26+s4], $0x80, $0x38;
	[tilespmem:$0x1D000] =	vst v63  }
0x209: {  	_ =	swait.ge [sflag:s22], $0x80  }
0x20a: {  	[sflag:s22] =	ssyncset.done $0x0  }
0x20b: {  	[sflag:s22] =	ssyncadd.s32 $0xFFFFFF80  }
0x20c: {  	[tilespmem:s8], [sflag:$0x11] =	stream.indirect.gather [hbm4b:s1+s20], $0x80, s18, s20, $0xb8;
	[tilespmem:$0x1D000] =	vst v63  }
0x20d: {  	_ =	swait.ge [sflag:s0], $0x4000  }
0x20e: {  	[sflag:s0] =	ssyncset.done $0x0  }
0x20f: {  	[sflag:s0] =	ssyncadd.s32 $0xFFFFC000  }
0x210: {  	_ =	swait.ge [sflag:s29], $0x80  }
0x211: {  	[sflag:s29] =	ssyncset.done $0x0  }
0x212: {  	s3 =	simm.s32 $0x14D80;
	[sflag:s29] =	ssyncadd.s32 $0xFFFFFF80  }
0x213: {  	[spmem:s2] =	stream.indirect.scatter.add.f32 [tilespmem:s24], [sflag:$0x14], $0x80, s3, s20, $0xb8;
	[tilespmem:$0x1D000] =	vst v63  }
0x214: {  	p2 =	seq.s32 s6, $0x0;
	_ =	swait.ge [sflag:s5], $0x4000  }
0x215: {  	p0 =	por p2, p2;
	p2 =	seq.s32 s30, $0x480;
	s9 =	rddreg [dreg:$0xb]  }
0x216: {  	s16 =	simm.s32 @!p2 $0x14800;
	[sflag:s5] =	ssyncset.done $0x0;
	s17 =	rddreg [dreg:$0xa]  }
0x217: {  	[sflag:s5] =	ssyncadd.s32 $0xFFFFC000;
	s23 =	sadd.s32 @!p2 s30, s9;
	s9 =	simm.s32 @!p2 $0x0  }
0x218: {  	[tilespmem:s16], [sflag:$0x1] =	stream.linear.gather @!p2 [hbm4b:s23+s9], $0x80, $0x38;
	[tilespmem:$0x1D000] =	vst v63  }
0x219: {  	s26 =	simm.s32 @!p2 $0x14C00;
	s17 =	sadd.s32 @!p2 s30, s17  }
0x21a: {  	[tilespmem:s26], [sflag:$0x9] =	stream.linear.gather @!p2 [hbm4b:s17+s9], $0x80, $0x38;
	[tilespmem:$0x1D000] =	vst v63  }
0x21b: {  	_ =	swait.ge [sflag:s19], $0x80  }
0x21c: {  	[sflag:s19] =	ssyncset.done $0x0  }
0x21d: {  	[sflag:s19] =	ssyncadd.s32 $0xFFFFFF80  }
0x21e: {  	[tilespmem:s24], [sflag:$0x12] =	stream.indirect.gather [hbm4b:s1+s20], $0x80, s15, s20, $0xb8;
	[tilespmem:$0x1D000] =	vst v63  }
0x21f: {  	_ =	swait.ge [sflag:s25], $0x4000  }
0x220: {  	[sflag:s25] =	ssyncset.done $0x0  }
0x221: {  	s15 =	simm.s32 $0xD;
	[sflag:s25] =	ssyncadd.s32 $0xFFFFC000  }
0x222: {  	_ =	swait.ge [sflag:s15], $0x80  }
0x223: {  	[sflag:s15] =	ssyncset.done $0x0  }
0x224: {  	[sflag:s15] =	ssyncadd.s32 $0xFFFFFF80  }
0x225: {  	[spmem:s2] =	stream.indirect.scatter.add.f32 [tilespmem:s8], [sflag:$0x13], $0x80, s12, s20, $0xb8;
	[tilespmem:$0x1D000] =	vst v63  }
0x226: {  	_ =	swait.ge [sflag:s28], $0x4000  }
0x227: {  	s26 =	simm.s32 @!p2 $0x14880;
	s17 =	rddreg [dreg:$0x9];
	[sflag:s28] =	ssyncset.done $0x0  }
0x228: {  	s23 =	rddreg [dreg:$0x8];
	[sflag:s28] =	ssyncadd.s32 $0xFFFFC000;
	s17 =	sadd.s32 @!p2 s30, s17  }
0x229: {  	[tilespmem:s26], [sflag:$0x2] =	stream.linear.gather @!p2 [hbm4b:s17+s9], $0x80, $0x38;
	[tilespmem:$0x1D000] =	vst v63  }
0x22a: {  	s31 =	simm.s32 @!p2 $0x14C80;
	s17 =	sadd.s32 @!p2 s30, s23  }
0x22b: {  	[tilespmem:s31], [sflag:$0xA] =	stream.linear.gather @!p2 [hbm4b:s17+s9], $0x80, $0x38;
	[tilespmem:$0x1D000] =	vst v63  }
0x22c: {  	s17 =	simm.s32 $0x7  }
0x22d: {  	_ =	swait.ge [sflag:s17], $0x80  }
0x22e: {  	[sflag:s17] =	ssyncset.done $0x0  }
0x22f: {  	[sflag:s17] =	ssyncadd.s32 $0xFFFFFF80  }
0x230: {  	[tilespmem:s8], [sflag:$0x11] =	stream.indirect.gather [hbm4b:s1+s20], $0x80, s14, s20, $0xb8;
	[tilespmem:$0x1D000] =	vst v63  }
0x231: {  	_ =	swait.ge [sflag:s0], $0x4000  }
0x232: {  	[sflag:s0] =	ssyncset.done $0x0  }
0x233: {  	s18 =	simm.s32 $0xE;
	[sflag:s0] =	ssyncadd.s32 $0xFFFFC000  }
0x234: {  	_ =	swait.ge [sflag:s18], $0x80  }
0x235: {  	[sflag:s18] =	ssyncset.done $0x0  }
0x236: {  	[sflag:s18] =	ssyncadd.s32 $0xFFFFFF80  }
0x237: {  	[spmem:s2] =	stream.indirect.scatter.add.f32 [tilespmem:s24], [sflag:$0x14], $0x80, s11, s20, $0xb8;
	[tilespmem:$0x1D000] =	vst v63  }
0x238: {  	_ =	swait.ge [sflag:s5], $0x4000  }
0x239: {  	s26 =	simm.s32 @!p2 $0x14900;
	s17 =	rddreg [dreg:$0x7];
	[sflag:s5] =	ssyncset.done $0x0  }
0x23a: {  	s23 =	rddreg [dreg:$0x6];
	[sflag:s5] =	ssyncadd.s32 $0xFFFFC000;
	s17 =	sadd.s32 @!p2 s30, s17  }
0x23b: {  	[tilespmem:s26], [sflag:$0x3] =	stream.linear.gather @!p2 [hbm4b:s17+s9], $0x80, $0x38;
	[tilespmem:$0x1D000] =	vst v63  }
0x23c: {  	s31 =	simm.s32 @!p2 $0x14D00;
	s17 =	sadd.s32 @!p2 s30, s23;
	s23 =	simm.s32 $0x8  }
0x23d: {  	[tilespmem:s31], [sflag:$0xB] =	stream.linear.gather @!p2 [hbm4b:s17+s9], $0x80, $0x38;
	[tilespmem:$0x1D000] =	vst v63  }
0x23e: {  	_ =	swait.ge [sflag:s23], $0x80  }
0x23f: {  	[sflag:s23] =	ssyncset.done $0x0  }
0x240: {  	[sflag:s23] =	ssyncadd.s32 $0xFFFFFF80  }
0x241: {  	[tilespmem:s24], [sflag:$0x12] =	stream.indirect.gather [hbm4b:s1+s20], $0x80, s13, s20, $0xb8;
	[tilespmem:$0x1D000] =	vst v63  }
0x242: {  	_ =	swait.ge [sflag:s25], $0x4000  }
0x243: {  	[sflag:s25] =	ssyncset.done $0x0  }
0x244: {  	s26 =	simm.s32 $0xF;
	[sflag:s25] =	ssyncadd.s32 $0xFFFFC000  }
0x245: {  	_ =	swait.ge [sflag:s26], $0x80  }
0x246: {  	[sflag:s26] =	ssyncset.done $0x0  }
0x247: {  	[sflag:s26] =	ssyncadd.s32 $0xFFFFFF80  }
0x248: {  	[spmem:s2] =	stream.indirect.scatter.add.f32 [tilespmem:s8], [sflag:$0x13], $0x80, s10, s20, $0xb8;
	[tilespmem:$0x1D000] =	vst v63  }
0x249: {  	_ =	swait.ge [sflag:s28], $0x4000  }
0x24a: {  	s26 =	simm.s32 @!p2 $0x14980;
	s17 =	rddreg [dreg:$0x5];
	[sflag:s28] =	ssyncset.done $0x0  }
0x24b: {  	s23 =	rddreg [dreg:$0x4];
	[sflag:s28] =	ssyncadd.s32 $0xFFFFC000;
	s17 =	sadd.s32 @!p2 s30, s17  }
0x24c: {  	[tilespmem:s26], [sflag:$0x4] =	stream.linear.gather @!p2 [hbm4b:s17+s9], $0x80, $0x38;
	[tilespmem:$0x1D000] =	vst v63  }
0x24d: {  	s31 =	simm.s32 @!p2 $0x14D80;
	s17 =	sadd.s32 @!p2 s30, s23;
	s23 =	simm.s32 @!p2 $0x1  }
0x24e: {  	[tilespmem:s31], [sflag:$0xC] =	stream.linear.gather @!p2 [hbm4b:s17+s9], $0x80, $0x38;
	[tilespmem:$0x1D000] =	vst v63  }
0x24f: {  	s7 =	smov.u32 s6;
	s6 =	sadd.s32 $0x80, s6;
	_ =	swait.ge @!p2 [sflag:s23], $0x80  }
0x250: {  	p1 =	sne.s32 s6, $0x500;
	s30 =	smov.u32 s7;
	[sflag:s23] =	ssyncset.done @!p2 $0x0  }
0x251: {  	s7 =	simm.s32 @!p2 $0x80;
	s9 =	simm.s32 @!p2 $0x15000;
	[sflag:s23] =	ssyncadd.s32 @!p2 $0xFFFFFF80  }
0x252: {  	[tilespmem:s9], [sflag:$0x11] =	stream.indirect.gather @!p2 [hbm4b:s1+s7], $0x80, s16, s7, $0xb8;
	[tilespmem:$0x1D000] =	vst v63  }
.Ltmp1:
0x253: {  	_ =	swait.ge [sflag:s0], $0x4000;
	(pc) =	sbr.rel @p1 .LBB2_4-.Ltmp1, $4  }
0x254: {  	[sflag:s0] =	ssyncset.done $0x0  }
0x255: {  	s7 =	simm.s32 $0x10;
	[sflag:s0] =	ssyncadd.s32 $0xFFFFC000  }
0x256: {  	s26 =	simm.s32 $0x14880;
	s31 =	simm.s32 $0x14C80;
	_ =	swait.ge [sflag:s7], $0x80  }
0x257: {  	s23 =	simm.s32 $0x14C00;
	s9 =	simm.s32 @!p0 $0x14;
	[sflag:s7] =	ssyncset.done $0x0  }
0x258: {  	[sflag:s7] =	ssyncadd.s32 $0xFFFFFF80;
	s15 =	simm.s32 $0x14F80  }
0x259: {  	[spmem:s2] =	stream.indirect.scatter.add.f32 [tilespmem:s24], [sflag:$0x14], $0x80, s15, s20, $0xb8;
	[tilespmem:$0x1D000] =	vst v63  }
0x25a: {  	_ =	swait.ge @!p0 [sflag:s9], $0x4000  }
0x25b: {  	s6 =	rddreg [dreg:$0x13]  }
0x25c: {  	[sflag:s9] =	ssyncset.done @!p0 $0x0;
	s17 =	rddreg [dreg:$0x12]  }
0x25d: {  	[sflag:s9] =	ssyncadd.s32 @!p0 $0xFFFFC000;
	s6 =	sadd.s32 s30, s6;
	s9 =	simm.s32 $0x14A00  }
0x25e: {  	[tilespmem:s9], [sflag:$0x5] =	stream.linear.gather [hbm4b:s6+s4], $0x80, $0x38;
	[tilespmem:$0x1D000] =	vst v63  }
0x25f: {  	s11 =	simm.s32 $0x14E00;
	s3 =	sadd.s32 s30, s17  }
0x260: {  	[tilespmem:s11], [sflag:$0xD] =	stream.linear.gather [hbm4b:s3+s4], $0x80, $0x38;
	[tilespmem:$0x1D000] =	vst v63  }
0x261: {  	s3 =	simm.s32 $0x2  }
0x262: {  	_ =	swait.ge [sflag:s3], $0x80  }
0x263: {  	[sflag:s3] =	ssyncset.done $0x0  }
0x264: {  	[sflag:s3] =	ssyncadd.s32 $0xFFFFFF80  }
0x265: {  	[tilespmem:s24], [sflag:$0x12] =	stream.indirect.gather [hbm4b:s1+s20], $0x80, s26, s20, $0xb8;
	[tilespmem:$0x1D000] =	vst v63  }
0x266: {  	_ =	swait.ge [sflag:s25], $0x4000  }
0x267: {  	[sflag:s25] =	ssyncset.done $0x0  }
0x268: {  	s7 =	simm.s32 $0x9;
	[sflag:s25] =	ssyncadd.s32 $0xFFFFC000  }
0x269: {  	_ =	swait.ge [sflag:s7], $0x80  }
0x26a: {  	[sflag:s7] =	ssyncset.done $0x0  }
0x26b: {  	[sflag:s7] =	ssyncadd.s32 $0xFFFFFF80  }
0x26c: {  	[spmem:s2] =	stream.indirect.scatter.add.f32 [tilespmem:s8], [sflag:$0x13], $0x80, s23, s20, $0xb8;
	[tilespmem:$0x1D000] =	vst v63  }
0x26d: {  	_ =	swait.ge [sflag:s28], $0x4000  }
0x26e: {  	s14 =	simm.s32 $0x14A80;
	s10 =	rddreg [dreg:$0x11];
	[sflag:s28] =	ssyncset.done $0x0  }
0x26f: {  	s12 =	rddreg [dreg:$0x10];
	[sflag:s28] =	ssyncadd.s32 $0xFFFFC000;
	s6 =	sadd.s32 s30, s10  }
0x270: {  	[tilespmem:s14], [sflag:$0x6] =	stream.linear.gather [hbm4b:s6+s4], $0x80, $0x38;
	[tilespmem:$0x1D000] =	vst v63  }
0x271: {  	s16 =	simm.s32 $0x3;
	s13 =	sadd.s32 s30, s12;
	s10 =	simm.s32 $0x14E80  }
0x272: {  	[tilespmem:s10], [sflag:$0xE] =	stream.linear.gather [hbm4b:s13+s4], $0x80, $0x38;
	[tilespmem:$0x1D000] =	vst v63  }
0x273: {  	_ =	swait.ge [sflag:s16], $0x80  }
0x274: {  	[sflag:s16] =	ssyncset.done $0x0  }
0x275: {  	s17 =	simm.s32 $0x14900;
	[sflag:s16] =	ssyncadd.s32 $0xFFFFFF80  }
0x276: {  	[tilespmem:s8], [sflag:$0x11] =	stream.indirect.gather [hbm4b:s1+s20], $0x80, s17, s20, $0xb8;
	[tilespmem:$0x1D000] =	vst v63  }
0x277: {  	_ =	swait.ge [sflag:s0], $0x4000  }
0x278: {  	[sflag:s0] =	ssyncset.done $0x0  }
0x279: {  	s6 =	simm.s32 $0xA;
	[sflag:s0] =	ssyncadd.s32 $0xFFFFC000  }
0x27a: {  	_ =	swait.ge [sflag:s6], $0x80  }
0x27b: {  	[sflag:s6] =	ssyncset.done $0x0  }
0x27c: {  	[sflag:s6] =	ssyncadd.s32 $0xFFFFFF80  }
0x27d: {  	[spmem:s2] =	stream.indirect.scatter.add.f32 [tilespmem:s24], [sflag:$0x14], $0x80, s31, s20, $0xb8;
	[tilespmem:$0x1D000] =	vst v63  }
0x27e: {  	_ =	swait.ge [sflag:s5], $0x4000  }
0x27f: {  	s13 =	simm.s32 $0x14B00;
	s7 =	rddreg [dreg:$0xf];
	[sflag:s5] =	ssyncset.done $0x0  }
0x280: {  	s12 =	rddreg [dreg:$0xe];
	[sflag:s5] =	ssyncadd.s32 $0xFFFFC000;
	s6 =	sadd.s32 s30, s7  }
0x281: {  	[tilespmem:s13], [sflag:$0x7] =	stream.linear.gather [hbm4b:s6+s4], $0x80, $0x38;
	[tilespmem:$0x1D000] =	vst v63  }
0x282: {  	s3 =	simm.s32 $0x14F00;
	s17 =	simm.s32 $0x4;
	s16 =	sadd.s32 s30, s12  }
0x283: {  	[tilespmem:s3], [sflag:$0xF] =	stream.linear.gather [hbm4b:s16+s4], $0x80, $0x38;
	[tilespmem:$0x1D000] =	vst v63  }
0x284: {  	_ =	swait.ge [sflag:s17], $0x80  }
0x285: {  	[sflag:s17] =	ssyncset.done $0x0  }
0x286: {  	s7 =	simm.s32 $0x14980;
	[sflag:s17] =	ssyncadd.s32 $0xFFFFFF80  }
0x287: {  	[tilespmem:s24], [sflag:$0x12] =	stream.indirect.gather [hbm4b:s1+s20], $0x80, s7, s20, $0xb8;
	[tilespmem:$0x1D000] =	vst v63  }
0x288: {  	_ =	swait.ge [sflag:s25], $0x4000  }
0x289: {  	[sflag:s25] =	ssyncset.done $0x0  }
0x28a: {  	[sflag:s25] =	ssyncadd.s32 $0xFFFFC000  }
0x28b: {  	_ =	swait.ge [sflag:s21], $0x80  }
0x28c: {  	[sflag:s21] =	ssyncset.done $0x0  }
0x28d: {  	s12 =	simm.s32 $0x14D00;
	[sflag:s21] =	ssyncadd.s32 $0xFFFFFF80  }
0x28e: {  	[spmem:s2] =	stream.indirect.scatter.add.f32 [tilespmem:s8], [sflag:$0x13], $0x80, s12, s20, $0xb8;
	[tilespmem:$0x1D000] =	vst v63  }
0x28f: {  	_ =	swait.ge [sflag:s28], $0x4000  }
0x290: {  	s12 =	simm.s32 $0x14B80;
	s16 =	rddreg [dreg:$0xd];
	[sflag:s28] =	ssyncset.done $0x0  }
0x291: {  	s17 =	rddreg [dreg:$0xc];
	[sflag:s28] =	ssyncadd.s32 $0xFFFFC000;
	s6 =	sadd.s32 s30, s16  }
0x292: {  	[tilespmem:s12], [sflag:$0x8] =	stream.linear.gather [hbm4b:s6+s4], $0x80, $0x38;
	[tilespmem:$0x1D000] =	vst v63  }
0x293: {  	s7 =	sadd.s32 s30, s17  }
0x294: {  	[tilespmem:s15], [sflag:$0x10] =	stream.linear.gather [hbm4b:s7+s4], $0x80, $0x38;
	[tilespmem:$0x1D000] =	vst v63  }
0x295: {  	_ =	swait.ge [sflag:s22], $0x80  }
0x296: {  	[sflag:s22] =	ssyncset.done $0x0  }
0x297: {  	[sflag:s22] =	ssyncadd.s32 $0xFFFFFF80  }
0x298: {  	[tilespmem:s8], [sflag:$0x11] =	stream.indirect.gather [hbm4b:s1+s20], $0x80, s9, s20, $0xb8;
	[tilespmem:$0x1D000] =	vst v63  }
0x299: {  	_ =	swait.ge [sflag:s0], $0x4000  }
0x29a: {  	[sflag:s0] =	ssyncset.done $0x0  }
0x29b: {  	[sflag:s0] =	ssyncadd.s32 $0xFFFFC000  }
0x29c: {  	_ =	swait.ge [sflag:s29], $0x80  }
0x29d: {  	[sflag:s29] =	ssyncset.done $0x0  }
0x29e: {  	s9 =	simm.s32 $0x14D80;
	[sflag:s29] =	ssyncadd.s32 $0xFFFFFF80  }
0x29f: {  	[spmem:s2] =	stream.indirect.scatter.add.f32 [tilespmem:s24], [sflag:$0x14], $0x80, s9, s20, $0xb8;
	[tilespmem:$0x1D000] =	vst v63  }
0x2a0: {  	_ =	swait.ge [sflag:s5], $0x4000  }
0x2a1: {  	p0 =	seq.s32 s30, $0x480;
	s6 =	rddreg [dreg:$0xb]  }
0x2a2: {  	s7 =	simm.s32 @!p0 $0x0;
	[sflag:s5] =	ssyncset.done $0x0;
	s9 =	rddreg [dreg:$0xa]  }
0x2a3: {  	[sflag:s5] =	ssyncadd.s32 $0xFFFFC000;
	s16 =	sadd.s32 @!p0 s30, s6;
	s6 =	simm.s32 @!p0 $0x14800  }
0x2a4: {  	[tilespmem:s6], [sflag:$0x1] =	stream.linear.gather @!p0 [hbm4b:s16+s7], $0x80, $0x38;
	[tilespmem:$0x1D000] =	vst v63  }
0x2a5: {  	s9 =	sadd.s32 @!p0 s30, s9;
	s16 =	simm.s32 @!p0 $0x14C00  }
0x2a6: {  	[tilespmem:s16], [sflag:$0x9] =	stream.linear.gather @!p0 [hbm4b:s9+s7], $0x80, $0x38;
	[tilespmem:$0x1D000] =	vst v63  }
0x2a7: {  	_ =	swait.ge [sflag:s19], $0x80  }
0x2a8: {  	[sflag:s19] =	ssyncset.done $0x0  }
0x2a9: {  	[sflag:s19] =	ssyncadd.s32 $0xFFFFFF80  }
0x2aa: {  	[tilespmem:s24], [sflag:$0x12] =	stream.indirect.gather [hbm4b:s1+s20], $0x80, s14, s20, $0xb8;
	[tilespmem:$0x1D000] =	vst v63  }
0x2ab: {  	_ =	swait.ge [sflag:s25], $0x4000  }
0x2ac: {  	[sflag:s25] =	ssyncset.done $0x0  }
0x2ad: {  	s14 =	simm.s32 $0xD;
	[sflag:s25] =	ssyncadd.s32 $0xFFFFC000  }
0x2ae: {  	_ =	swait.ge [sflag:s14], $0x80  }
0x2af: {  	[sflag:s14] =	ssyncset.done $0x0  }
0x2b0: {  	[sflag:s14] =	ssyncadd.s32 $0xFFFFFF80  }
0x2b1: {  	[spmem:s2] =	stream.indirect.scatter.add.f32 [tilespmem:s8], [sflag:$0x13], $0x80, s11, s20, $0xb8;
	[tilespmem:$0x1D000] =	vst v63  }
0x2b2: {  	_ =	swait.ge [sflag:s28], $0x4000  }
0x2b3: {  	s17 =	simm.s32 @!p0 $0x14880;
	s9 =	rddreg [dreg:$0x9];
	[sflag:s28] =	ssyncset.done $0x0  }
0x2b4: {  	s16 =	rddreg [dreg:$0x8];
	[sflag:s28] =	ssyncadd.s32 $0xFFFFC000;
	s9 =	sadd.s32 @!p0 s30, s9  }
0x2b5: {  	[tilespmem:s17], [sflag:$0x2] =	stream.linear.gather @!p0 [hbm4b:s9+s7], $0x80, $0x38;
	[tilespmem:$0x1D000] =	vst v63  }
0x2b6: {  	s16 =	sadd.s32 @!p0 s30, s16;
	s9 =	simm.s32 @!p0 $0x14C80  }
0x2b7: {  	[tilespmem:s9], [sflag:$0xA] =	stream.linear.gather @!p0 [hbm4b:s16+s7], $0x80, $0x38;
	[tilespmem:$0x1D000] =	vst v63  }
0x2b8: {  	s16 =	simm.s32 $0x7  }
0x2b9: {  	_ =	swait.ge [sflag:s16], $0x80  }
0x2ba: {  	[sflag:s16] =	ssyncset.done $0x0  }
0x2bb: {  	[sflag:s16] =	ssyncadd.s32 $0xFFFFFF80  }
0x2bc: {  	[tilespmem:s8], [sflag:$0x11] =	stream.indirect.gather [hbm4b:s1+s20], $0x80, s13, s20, $0xb8;
	[tilespmem:$0x1D000] =	vst v63  }
0x2bd: {  	_ =	swait.ge [sflag:s0], $0x4000  }
0x2be: {  	[sflag:s0] =	ssyncset.done $0x0  }
0x2bf: {  	s17 =	simm.s32 $0xE;
	[sflag:s0] =	ssyncadd.s32 $0xFFFFC000  }
0x2c0: {  	_ =	swait.ge [sflag:s17], $0x80  }
0x2c1: {  	[sflag:s17] =	ssyncset.done $0x0  }
0x2c2: {  	[sflag:s17] =	ssyncadd.s32 $0xFFFFFF80  }
0x2c3: {  	[spmem:s2] =	stream.indirect.scatter.add.f32 [tilespmem:s24], [sflag:$0x14], $0x80, s10, s20, $0xb8;
	[tilespmem:$0x1D000] =	vst v63  }
0x2c4: {  	_ =	swait.ge [sflag:s5], $0x4000  }
0x2c5: {  	s17 =	simm.s32 @!p0 $0x14900;
	s9 =	rddreg [dreg:$0x7];
	[sflag:s5] =	ssyncset.done $0x0  }
0x2c6: {  	s16 =	rddreg [dreg:$0x6];
	[sflag:s5] =	ssyncadd.s32 $0xFFFFC000;
	s9 =	sadd.s32 @!p0 s30, s9  }
0x2c7: {  	[tilespmem:s17], [sflag:$0x3] =	stream.linear.gather @!p0 [hbm4b:s9+s7], $0x80, $0x38;
	[tilespmem:$0x1D000] =	vst v63  }
0x2c8: {  	s11 =	simm.s32 $0x8;
	s16 =	sadd.s32 @!p0 s30, s16;
	s9 =	simm.s32 @!p0 $0x14D00  }
0x2c9: {  	[tilespmem:s9], [sflag:$0xB] =	stream.linear.gather @!p0 [hbm4b:s16+s7], $0x80, $0x38;
	[tilespmem:$0x1D000] =	vst v63  }
0x2ca: {  	_ =	swait.ge [sflag:s11], $0x80  }
0x2cb: {  	[sflag:s11] =	ssyncset.done $0x0  }
0x2cc: {  	[sflag:s11] =	ssyncadd.s32 $0xFFFFFF80  }
0x2cd: {  	[tilespmem:s24], [sflag:$0x12] =	stream.indirect.gather [hbm4b:s1+s20], $0x80, s12, s20, $0xb8;
	[tilespmem:$0x1D000] =	vst v63  }
0x2ce: {  	_ =	swait.ge [sflag:s25], $0x4000  }
0x2cf: {  	[sflag:s25] =	ssyncset.done $0x0  }
0x2d0: {  	s12 =	simm.s32 $0xF;
	[sflag:s25] =	ssyncadd.s32 $0xFFFFC000  }
0x2d1: {  	_ =	swait.ge [sflag:s12], $0x80  }
0x2d2: {  	[sflag:s12] =	ssyncset.done $0x0  }
0x2d3: {  	[sflag:s12] =	ssyncadd.s32 $0xFFFFFF80  }
0x2d4: {  	[spmem:s2] =	stream.indirect.scatter.add.f32 [tilespmem:s8], [sflag:$0x13], $0x80, s3, s20, $0xb8;
	[tilespmem:$0x1D000] =	vst v63  }
0x2d5: {  	_ =	swait.ge [sflag:s28], $0x4000  }
0x2d6: {  	s17 =	simm.s32 @!p0 $0x14980;
	s9 =	rddreg [dreg:$0x5];
	[sflag:s28] =	ssyncset.done $0x0  }
0x2d7: {  	s16 =	rddreg [dreg:$0x4];
	[sflag:s28] =	ssyncadd.s32 $0xFFFFC000;
	s9 =	sadd.s32 @!p0 s30, s9  }
0x2d8: {  	[tilespmem:s17], [sflag:$0x4] =	stream.linear.gather @!p0 [hbm4b:s9+s7], $0x80, $0x38;
	[tilespmem:$0x1D000] =	vst v63  }
0x2d9: {  	s9 =	sadd.s32 @!p0 s30, s16;
	s16 =	simm.s32 @!p0 $0x14D80  }
0x2da: {  	[tilespmem:s16], [sflag:$0xC] =	stream.linear.gather @!p0 [hbm4b:s9+s7], $0x80, $0x38;
	[tilespmem:$0x1D000] =	vst v63  }
0x2db: {  	s7 =	simm.s32 @!p0 $0x1  }
0x2dc: {  	_ =	swait.ge @!p0 [sflag:s7], $0x80  }
0x2dd: {  	[sflag:s7] =	ssyncset.done @!p0 $0x0  }
0x2de: {  	s9 =	simm.s32 @!p0 $0x80;
	[sflag:s7] =	ssyncadd.s32 @!p0 $0xFFFFFF80;
	s7 =	simm.s32 @!p0 $0x15000  }
0x2df: {  	[tilespmem:s7], [sflag:$0x11] =	stream.indirect.gather @!p0 [hbm4b:s1+s9], $0x80, s6, s9, $0xb8;
	[tilespmem:$0x1D000] =	vst v63  }
0x2e0: {  	_ =	swait.ge [sflag:s0], $0x4000  }
0x2e1: {  	[sflag:s0] =	ssyncset.done $0x0  }
0x2e2: {  	s18 =	simm.s32 $0x10;
	[sflag:s0] =	ssyncadd.s32 $0xFFFFC000  }
0x2e3: {  	_ =	swait.ge [sflag:s18], $0x80  }
0x2e4: {  	[sflag:s18] =	ssyncset.done $0x0  }
0x2e5: {  	[sflag:s18] =	ssyncadd.s32 $0xFFFFFF80  }
0x2e6: {  	[spmem:s2] =	stream.indirect.scatter.add.f32 [tilespmem:s24], [sflag:$0x14], $0x80, s15, s20, $0xb8;
	[tilespmem:$0x1D000] =	vst v63  }
0x2e7: {  	_ =	swait.ge [sflag:s5], $0x4000  }
0x2e8: {  	[sflag:s5] =	ssyncset.done $0x0  }
0x2e9: {  	[sflag:s5] =	ssyncadd.s32 $0xFFFFC000  }
0x2ea: {  	[bflag:$0x0] =	sbarrier.arrive $0xFFFF  }
0x2eb: {  	s16 =	sld [smem:$0x7FD]  }
0x2ec: {  	s13 =	stileid.u32  }
0x2ed: {  	s6 =	sshll.u32 s13, $0x6  }
0x2ee: {  	s6 =	sor.u32 $0x1C15, s6;
	s15 =	rddreg [dreg:$0x18];
	s14 =	sshrl.u32 s16, $0x3  }
0x2ef: {  	[hbm:s15], [sflag:s6] =	dma.local [spmem:s14], $0x800  }
0x2f0: {  	s9 =	sld [smem:$0x7D4];
	_ =	sdelay $0x1  }
0x2f1: {  	s7 =	rddreg [dreg:$0x19]  }
0x2f2: {  	[hbm:s7], [sflag:s6] =	dma.local [spmem:s9], $0x800  }
0x2f3: {  	s9 =	sld [smem:$0x7D5];
	_ =	sdelay $0x1  }
0x2f4: {  	s7 =	rddreg [dreg:$0x1a]  }
0x2f5: {  	[hbm:s7], [sflag:s6] =	dma.local [spmem:s9], $0x800  }
0x2f6: {  	s9 =	sld [smem:$0x7D6];
	_ =	sdelay $0x1  }
0x2f7: {  	s7 =	rddreg [dreg:$0x1b]  }
0x2f8: {  	[hbm:s7], [sflag:s6] =	dma.local [spmem:s9], $0x800  }
0x2f9: {  	s9 =	sld [smem:$0x7D7];
	_ =	sdelay $0x1  }
0x2fa: {  	s30 =	simm.s32 $0x15;
	s7 =	rddreg [dreg:$0x1c]  }
0x2fb: {  	[hbm:s7], [sflag:s6] =	dma.local [spmem:s9], $0x800  }
0x2fc: {  	_ =	swait.ge [sflag:s30], $0x800  }
0x2fd: {  	[sflag:s30] =	ssyncset.done $0x0  }
0x2fe: {  	[sflag:s30] =	ssyncadd.s32 $0xFFFFF800  }
0x2ff: {  	_ =	swait.ge [sflag:s30], $0x800  }
0x300: {  	[sflag:s30] =	ssyncset.done $0x0  }
0x301: {  	[sflag:s30] =	ssyncadd.s32 $0xFFFFF800  }
0x302: {  	_ =	swait.ge [sflag:s30], $0x800  }
0x303: {  	[sflag:s30] =	ssyncset.done $0x0  }
0x304: {  	[sflag:s30] =	ssyncadd.s32 $0xFFFFF800  }
0x305: {  	_ =	swait.ge [sflag:s30], $0x800  }
0x306: {  	[sflag:s30] =	ssyncset.done $0x0  }
0x307: {  	[sflag:s30] =	ssyncadd.s32 $0xFFFFF800  }
0x308: {  	_ =	swait.ge [sflag:s30], $0x800  }
0x309: {  	s17 =	sld [smem:$0x7CF]  }
0x30a: {  	s18 =	sld [smem:$0x7D1];
	_ =	sdelay $0x1  }
0x30b: {  	s3 =	sadd.s32 $0x1, s17  }
0x30c: {  	p0 =	sne.s32 s3, s18  }
.Ltmp2:
0x30d: {  	_ = 	snop;
	(pc) =	sbr.rel @p0 .LBB2_1-.Ltmp2, $3  }
0x30e: {  	_ =	sdelay $0x1  }
0x30f: {  	s13 =	simm.s32 $0x14D00;
	s7 =	simm.s32 $0x14800;
	[sflag:s30] =	ssyncset.done $0x0  }
0x310: {  	s9 =	simm.s32 $0x14980;
	[sflag:s30] =	ssyncadd.s32 $0xFFFFF800;
	s17 =	simm.s32 $0x14900  }
0x311: {  	_ =	sfence.sel $0x180000  }
0x312: {  	[bflag:$0x0] =	sbarrier.arrive $0xFFFF  }
0x313: {  	_ =	strace $0x9000004A  }
0x314: {  	s0 =	stileid.u32;
	[bflag:$0x2] =	sbarrier.arrive $0xFFFF  }
0x315: {  	p0 =	sne.s32 s0, $0x0;
	s0 =	rddreg [dreg:$0x3]  }
0x316: {  	s0 =	sadd.s32 @!p0 $0x100000, s0  }
0x317: {  	[sflag:s0] =	ssyncadd.tile.s32 @!p0 $0x1;
	_ =	shalt  }
.Lfunc_end2:
_tile_overlayer_lowered:
.L_overlay_start_2:
0x318: {  	(tag) =	ssettag $0x2  }
0x319: {  	s0 =	rddreg [dreg:$0x0];
	s2 =	stileid.u32  }
0x31a: {  	s1 =	rddreg [dreg:$0x1];
	p0 =	sne.s32 s2, $0x0  }
0x31b: {  	s3 =	rddreg [dreg:$0x2];
	[bflag:$0x3] =	sbarrier.arrive $0xFFFF;
	s2 =	simm.s32 @!p0 $0x1C16  }
0x31c: {  	[timem:s3], [sflag:s2] =	dma.local @!p0 [hbm:s0], s1  }
0x31d: {  	s0 =	simm.s32 @!p0 $0x16  }
0x31e: {  	_ =	swait.ge @!p0 [sflag:s0], s1  }
0x31f: {  	s1 =	ssub.s32 @!p0 $0x0, s1;
	[sflag:s0] =	ssyncset.done @!p0 $0x0  }
0x320: {  	[sflag:s0] =	ssyncadd.s32 @!p0 s1  }
0x321: {  	[bflag:$0x3] =	sbarrier.arrive $0xFFFF  }
0x322: {  	_ =	shalt  }

</sc_bundles>
